<compile_context>
chip_gen: v7x
topology: tpu7x:2x2x1
jax: 0.10.2.dev20260603
libtpu: 0.0.44.dev20260713+nightly
codegen_flags: <defaults>
</compile_context>

<pallas_src>
import functools

import jax
import jax.numpy as jnp
from jax import lax
from jax.experimental import pallas as pl
from jax.experimental.pallas import tpu as pltpu
from jax.experimental.pallas import tpu_sc as plsc

CH = 128
NW = 32
D = 128
BC = 64
SPLIT0 = 131


def _make_deg(n_acc, e_pad):
    t_per = e_pad // CH // NW

    mesh = plsc.VectorSubcoreMesh(core_axis_name="c", subcore_axis_name="s")

    @functools.partial(
        pl.kernel,
        mesh=mesh,
        out_type=jax.ShapeDtypeStruct((2, n_acc, D), jnp.float32),
        scratch_types=[
            pltpu.VMEM((1, CH), jnp.int32),
            pltpu.VMEM((CH, D), jnp.float32),
            pltpu.VMEM((BC, D), jnp.float32),
            pltpu.VMEM_SHARED((n_acc, D), jnp.float32),
        ],
    )
    def deg(dst_hbm, out_hbm, dstv, rows, stage, acc):
        c = lax.axis_index("c")
        s = lax.axis_index("s")
        wid = c * 16 + s
        bpt = n_acc // 16 // BC
        r0 = s * bpt * BC
        zeros16 = jnp.zeros((16,), jnp.float32)
        ones16 = jnp.ones((16,), jnp.float32)

        def zrow(r, carry):
            for j in range(D // 16):
                stage[r, pl.ds(j * 16, 16)] = zeros16
            return carry

        lax.fori_loop(0, BC, zrow, 0)
        for k in range(bpt):
            pltpu.sync_copy(stage, acc.at[pl.ds(r0 + k * BC, BC)])

        def orow(r, carry):
            for j in range(D // 16):
                rows[r, pl.ds(j * 16, 16)] = ones16
            return carry

        lax.fori_loop(0, CH, orow, 0)
        plsc.subcore_barrier()

        base = wid * t_per

        def body(t, carry):
            off = (base + t) * CH
            pltpu.sync_copy(dst_hbm.at[pl.ds(off, CH)], dstv.at[0])
            pltpu.sync_copy(rows, acc.at[dstv.at[0]], add=True)
            return carry

        lax.fori_loop(0, t_per, body, 0)
        plsc.subcore_barrier()

        for k in range(bpt):
            pltpu.sync_copy(acc.at[pl.ds(r0 + k * BC, BC)], stage)
            pltpu.sync_copy(stage, out_hbm.at[c, pl.ds(r0 + k * BC, BC)])

    return deg


def _make_agg(n_acc, e_pad):
    n_per_tilepair = e_pad // CH // 16
    t0 = SPLIT0
    t1 = n_per_tilepair - t0

    mesh = plsc.VectorSubcoreMesh(core_axis_name="c", subcore_axis_name="s")

    @functools.partial(
        pl.kernel,
        mesh=mesh,
        out_type=jax.ShapeDtypeStruct((2, n_acc, D), jnp.float32),
        scratch_types=[
            pltpu.VMEM((2, 2, CH), jnp.int32),
            pltpu.VMEM((CH, D), jnp.float32),
            pltpu.VMEM((CH, D), jnp.float32),
            pltpu.VMEM_SHARED((n_acc, D), jnp.float32),
            pltpu.SemaphoreType.DMA,
            pltpu.SemaphoreType.DMA,
        ],
    )
    def agg(x_hbm, sd_hbm, out_hbm, sdv, rows_a, rows_b, acc, sem_a, sem_b):
        c = lax.axis_index("c")
        s = lax.axis_index("s")
        cpb = n_acc // 16 // CH
        r0 = s * cpb * CH
        zeros16 = jnp.zeros((16,), jnp.float32)

        def zrow(r, carry):
            for j in range(D // 16):
                rows_a[r, pl.ds(j * 16, 16)] = zeros16
            return carry

        lax.fori_loop(0, CH, zrow, 0)
        for k in range(cpb):
            pltpu.sync_copy(rows_a, acc.at[pl.ds(r0 + k * CH, CH)])
        plsc.subcore_barrier()

        def load_start(t, sdbuf, rows, sem):
            pltpu.sync_copy(sd_hbm.at[t], sdbuf)
            return pltpu.async_copy(x_hbm.at[sdbuf.at[0]], rows, sem)

        def scat(sdbuf, rows, cp):
            cp.wait()
            pltpu.sync_copy(rows, acc.at[sdbuf.at[1]], add=True)

        def run_edges(base, nt):
            cp_a = load_start(base, sdv.at[0], rows_a, sem_a)

            def body(g, carry):
                t = base + 2 * g
                cp_b = load_start(t + 1, sdv.at[1], rows_b, sem_b)
                scat(sdv.at[0], rows_a, cp_a)
                load_start(t + 2, sdv.at[0], rows_a, sem_a)
                scat(sdv.at[1], rows_b, cp_b)
                return carry

            lax.fori_loop(0, (nt - 1) // 2, body, 0)
            scat(sdv.at[0], rows_a, cp_a)

        lax.cond(c == 0,
                 lambda: run_edges(s * t0, t0),
                 lambda: run_edges(16 * t0 + s * t1, t1))
        plsc.subcore_barrier()

        for k in range(cpb):
            pltpu.sync_copy(acc.at[pl.ds(r0 + k * CH, CH)], rows_a)
            pltpu.sync_copy(rows_a, out_hbm.at[c, pl.ds(r0 + k * CH, CH)])

    return agg


def _dense(acc, degs, xin, wl, wr, b, n, n_acc, br):

    def body(a_ref, d_ref, x_ref, wl_ref, wr_ref, b_ref, o_ref):
        m = (a_ref[0] + a_ref[1]) / jnp.maximum(d_ref[0] + d_ref[1], 1.0)
        o_ref[...] = jnp.tanh(
            jnp.dot(m, wl_ref[...], preferred_element_type=jnp.float32)
            + jnp.dot(x_ref[...], wr_ref[...], preferred_element_type=jnp.float32)
            + b_ref[...])

    grid = n_acc // br
    return pl.pallas_call(
        body,
        grid=(grid,),
        in_specs=[
            pl.BlockSpec((2, br, D), lambda i: (0, i, 0)),
            pl.BlockSpec((2, br, D), lambda i: (0, i, 0)),
            pl.BlockSpec((br, D), lambda i: (i, 0)),
            pl.BlockSpec((D, D), lambda i: (0, 0)),
            pl.BlockSpec((D, D), lambda i: (0, 0)),
            pl.BlockSpec((1, D), lambda i: (0, 0)),
        ],
        out_specs=pl.BlockSpec((br, D), lambda i: (i, 0)),
        out_shape=jax.ShapeDtypeStruct((n, D), jnp.float32),
    )(acc, degs, xin, wl, wr, b)


def kernel(x, edge_index, W1l, W1r, b1, W2l, W2r, b2):
    n = x.shape[0]
    e = edge_index.shape[1]

    n_acc = ((n + 1 + 16 * CH - 1) // (16 * CH)) * (16 * CH)
    e_pad = ((e + NW * CH - 1) // (NW * CH)) * (NW * CH)

    ei = edge_index.astype(jnp.int32)
    pad = e_pad - e
    src = jnp.concatenate([ei[0], jnp.zeros((pad,), jnp.int32)])
    dst = jnp.concatenate([ei[1], jnp.full((pad,), n, jnp.int32)])
    sd = jnp.stack([src.reshape(-1, CH), dst.reshape(-1, CH)], axis=1)

    deg_k = _make_deg(n_acc, e_pad)
    agg = _make_agg(n_acc, e_pad)
    b1r = b1.reshape(1, D)
    b2r = b2.reshape(1, D)

    degs = deg_k(dst)
    acc1 = agg(x, sd)
    h = _dense(acc1, degs, x, W1l, W1r, b1r, n, n_acc, 1024)
    acc2 = agg(h, sd)
    out = _dense(acc2, degs, h, W2l, W2r, b2r, n, n_acc, 1024)
    return out

# --- scband reference (transcript-rebuilt; emitter-appended) ---
"""Pipeline reference for scband-gnn-18081812316513 (READ-ONLY COPY).

The authoritative reference and input builder live on the scoring server;
editing this copy changes nothing except your own understanding.
"""

import jax, jax.numpy as jnp
import numpy as np

IN_CH = 128
HID = 128
OUT_CH = 128
N = 10000
E = 320000

def setup_inputs(seed: int = 0) -> dict:
    key = jax.random.key(seed)
    ks = jax.random.split(key, 9)
    x = jax.random.normal(ks[0], (N, IN_CH), dtype=jnp.float32)
    edge_index = jax.random.randint(ks[1], (2, E), 0, N, dtype=jnp.int64)
    s1 = 1.0 / np.sqrt(IN_CH)
    s2 = 1.0 / np.sqrt(HID)
    W1l = jax.random.uniform(ks[2], (IN_CH, HID), dtype=jnp.float32, minval=-s1, maxval=s1)
    W1r = jax.random.uniform(ks[3], (IN_CH, HID), dtype=jnp.float32, minval=-s1, maxval=s1)
    b1 = jax.random.uniform(ks[4], (HID,), dtype=jnp.float32, minval=-s1, maxval=s1)
    W2l = jax.random.uniform(ks[5], (HID, OUT_CH), dtype=jnp.float32, minval=-s2, maxval=s2)
    W2r = jax.random.uniform(ks[6], (HID, OUT_CH), dtype=jnp.float32, minval=-s2, maxval=s2)
    b2 = jax.random.uniform(ks[7], (OUT_CH,), dtype=jnp.float32, minval=-s2, maxval=s2)
    return {"x": x, "edge_index": edge_index, "W1l": W1l, "W1r": W1r, "b1": b1, "W2l": W2l, "W2r": W2r, "b2": b2}

def _sage_conv(x, edge_index, Wl, Wr, b):
    # PyG SAGEConv with mean aggregation: out = mean_{j in N(i)} x_j @ Wl + x_i @ Wr + b
    src = edge_index[0]
    dst = edge_index[1]
    n = x.shape[0]
    summed = jax.ops.segment_sum(x[src], dst, num_segments=n)
    deg = jax.ops.segment_sum(jnp.ones((src.shape[0],), dtype=x.dtype), dst, num_segments=n)
    mean = summed / jnp.maximum(deg, 1.0)[:, None]
    return mean @ Wl + x @ Wr + b

def reference(x, edge_index, W1l, W1r, b1, W2l, W2r, b2):
    h = jnp.tanh(_sage_conv(x, edge_index, W1l, W1r, b1))
    h = jnp.tanh(_sage_conv(h, edge_index, W2l, W2r, b2))
    return h

if __name__ == "__main__":
    import jax
    _d = setup_inputs()
    print(jax.jit(kernel)(*tuple(_d.values())))

</pallas_src>

<mosaic_0001>
#map = affine_map<(d0, d1) -> (0, 0)>
#map1 = affine_map<(d0, d1) -> (0, 0, 0)>
module attributes {stable_mosaic.version = 14 : i64} {
  func.func @agg(%arg0: i32, %arg1: i32, %arg2: memref<10000x128xf32, #tpu.memory_space<hbm>>, %arg3: memref<2528x2x128xi32, #tpu.memory_space<hbm>>, %arg4: memref<2x10240x128xf32, #tpu.memory_space<hbm>>, %arg5: memref<2x2x128xi32, #tpu.memory_space<vmem>>, %arg6: memref<128x128xf32, #tpu.memory_space<vmem>>, %arg7: memref<128x128xf32, #tpu.memory_space<vmem>>, %arg8: memref<10240x128xf32, #tpu.memory_space<vmem_shared>>, %arg9: memref<!tpu.dma_semaphore, #tpu.memory_space<semaphore_mem>>, %arg10: memref<!tpu.dma_semaphore, #tpu.memory_space<semaphore_mem>>) attributes {dimension_semantics = [#tpu.dimension_semantics<core_parallel>, #tpu.dimension_semantics<subcore_parallel>], iteration_bounds = array<i64: 2, 16>, scalar_prefetch = 0 : i64, scratch_operands = 6 : i64, tpu.core_type = #tpu.core_type<sc_vector_subcore>, window_params = [{transform_indices = #map}, {transform_indices = #map1}, {transform_indices = #map1}]} {
    %mul3A = arith.constant 5 : i32
    %mul3A_0 = arith.muli %arg1, %mul3A : i32
    %mul3A_1 = arith.constant 128 : i32
    %mul3A_2 = arith.muli %mul3A_0, %mul3A_1 : i32
    %broadcast_in_dim3A = arith.constant 0.000000e+00 : f32
    %broadcast_in_dim3A_3 = vector.broadcast %broadcast_in_dim3A : f32 to vector<16xf32>
    %scan3A = arith.constant 0 : i32
    %scan3A_4 = arith.constant 0 : i32
    %scan3A_5 = arith.constant 128 : i32
    %scan3A_6 = arith.addi %scan3A_4, %scan3A_5 : i32
    %scan3A_7 = arith.constant 1 : i32
    scf.for %scan3A_41 = %scan3A_4 to %scan3A_6 step %scan3A_7  : i32 {
      %swap3A = arith.index_cast %scan3A_41 : i32 to index
      %swap3A_42 = arith.constant 0 : index
      %swap3A_43 = tpu.vector_load %arg6[%swap3A, %swap3A_42] {strides = array<i32>} : memref<128x128xf32, #tpu.memory_space<vmem>>, vector<1x16xf32>,
      %swap3A_44 = vector.shape_cast %swap3A_43 : vector<1x16xf32> to vector<16xf32>
      %swap3A_45 = vector.shape_cast %broadcast_in_dim3A_3 : vector<16xf32> to vector<1x16xf32>
      tpu.vector_store %arg6[%swap3A, %swap3A_42], %swap3A_45 {strides = array<i32>} : memref<128x128xf32, #tpu.memory_space<vmem>>, vector<1x16xf32>,
      %swap3A_46 = arith.index_cast %scan3A_41 : i32 to index
      %swap3A_47 = arith.constant 16 : index
      %swap3A_48 = tpu.vector_load %arg6[%swap3A_46, %swap3A_47] {strides = array<i32>} : memref<128x128xf32, #tpu.memory_space<vmem>>, vector<1x16xf32>,
      %swap3A_49 = vector.shape_cast %swap3A_48 : vector<1x16xf32> to vector<16xf32>
      %swap3A_50 = vector.shape_cast %broadcast_in_dim3A_3 : vector<16xf32> to vector<1x16xf32>
      tpu.vector_store %arg6[%swap3A_46, %swap3A_47], %swap3A_50 {strides = array<i32>} : memref<128x128xf32, #tpu.memory_space<vmem>>, vector<1x16xf32>,
      %swap3A_51 = arith.index_cast %scan3A_41 : i32 to index
      %swap3A_52 = arith.constant 32 : index
      %swap3A_53 = tpu.vector_load %arg6[%swap3A_51, %swap3A_52] {strides = array<i32>} : memref<128x128xf32, #tpu.memory_space<vmem>>, vector<1x16xf32>,
      %swap3A_54 = vector.shape_cast %swap3A_53 : vector<1x16xf32> to vector<16xf32>
      %swap3A_55 = vector.shape_cast %broadcast_in_dim3A_3 : vector<16xf32> to vector<1x16xf32>
      tpu.vector_store %arg6[%swap3A_51, %swap3A_52], %swap3A_55 {strides = array<i32>} : memref<128x128xf32, #tpu.memory_space<vmem>>, vector<1x16xf32>,
      %swap3A_56 = arith.index_cast %scan3A_41 : i32 to index
      %swap3A_57 = arith.constant 48 : index
      %swap3A_58 = tpu.vector_load %arg6[%swap3A_56, %swap3A_57] {strides = array<i32>} : memref<128x128xf32, #tpu.memory_space<vmem>>, vector<1x16xf32>,
      %swap3A_59 = vector.shape_cast %swap3A_58 : vector<1x16xf32> to vector<16xf32>
      %swap3A_60 = vector.shape_cast %broadcast_in_dim3A_3 : vector<16xf32> to vector<1x16xf32>
      tpu.vector_store %arg6[%swap3A_56, %swap3A_57], %swap3A_60 {strides = array<i32>} : memref<128x128xf32, #tpu.memory_space<vmem>>, vector<1x16xf32>,
      %swap3A_61 = arith.index_cast %scan3A_41 : i32 to index
      %swap3A_62 = arith.constant 64 : index
      %swap3A_63 = tpu.vector_load %arg6[%swap3A_61, %swap3A_62] {strides = array<i32>} : memref<128x128xf32, #tpu.memory_space<vmem>>, vector<1x16xf32>,
      %swap3A_64 = vector.shape_cast %swap3A_63 : vector<1x16xf32> to vector<16xf32>
      %swap3A_65 = vector.shape_cast %broadcast_in_dim3A_3 : vector<16xf32> to vector<1x16xf32>
      tpu.vector_store %arg6[%swap3A_61, %swap3A_62], %swap3A_65 {strides = array<i32>} : memref<128x128xf32, #tpu.memory_space<vmem>>, vector<1x16xf32>,
      %swap3A_66 = arith.index_cast %scan3A_41 : i32 to index
      %swap3A_67 = arith.constant 80 : index
      %swap3A_68 = tpu.vector_load %arg6[%swap3A_66, %swap3A_67] {strides = array<i32>} : memref<128x128xf32, #tpu.memory_space<vmem>>, vector<1x16xf32>,
      %swap3A_69 = vector.shape_cast %swap3A_68 : vector<1x16xf32> to vector<16xf32>
      %swap3A_70 = vector.shape_cast %broadcast_in_dim3A_3 : vector<16xf32> to vector<1x16xf32>
      tpu.vector_store %arg6[%swap3A_66, %swap3A_67], %swap3A_70 {strides = array<i32>} : memref<128x128xf32, #tpu.memory_space<vmem>>, vector<1x16xf32>,
      %swap3A_71 = arith.index_cast %scan3A_41 : i32 to index
      %swap3A_72 = arith.constant 96 : index
      %swap3A_73 = tpu.vector_load %arg6[%swap3A_71, %swap3A_72] {strides = array<i32>} : memref<128x128xf32, #tpu.memory_space<vmem>>, vector<1x16xf32>,
      %swap3A_74 = vector.shape_cast %swap3A_73 : vector<1x16xf32> to vector<16xf32>
      %swap3A_75 = vector.shape_cast %broadcast_in_dim3A_3 : vector<16xf32> to vector<1x16xf32>
      tpu.vector_store %arg6[%swap3A_71, %swap3A_72], %swap3A_75 {strides = array<i32>} : memref<128x128xf32, #tpu.memory_space<vmem>>, vector<1x16xf32>,
      %swap3A_76 = arith.index_cast %scan3A_41 : i32 to index
      %swap3A_77 = arith.constant 112 : index
      %swap3A_78 = tpu.vector_load %arg6[%swap3A_76, %swap3A_77] {strides = array<i32>} : memref<128x128xf32, #tpu.memory_space<vmem>>, vector<1x16xf32>,
      %swap3A_79 = vector.shape_cast %swap3A_78 : vector<1x16xf32> to vector<16xf32>
      %swap3A_80 = vector.shape_cast %broadcast_in_dim3A_3 : vector<16xf32> to vector<1x16xf32>
      tpu.vector_store %arg6[%swap3A_76, %swap3A_77], %swap3A_80 {strides = array<i32>} : memref<128x128xf32, #tpu.memory_space<vmem>>, vector<1x16xf32>,
    }
    %scan3A_8 = arith.constant 128 : i32
    %add3A = arith.constant 0 : i32
    %add3A_9 = arith.addi %mul3A_2, %add3A : i32
    "tpu.region"() ({
      %run_scoped3A = tpu.sem_alloc : memref<!tpu.dma_semaphore, #tpu.memory_space<semaphore_mem>>
      %dma_start3A = arith.constant 0 : i32
      %dma_start3A_41 = tpu.memref_slice %arg8[%add3A_9, %dma_start3A] : memref<10240x128xf32, #tpu.memory_space<vmem_shared>> -> memref<128x128xf32, #tpu.memory_space<vmem_shared>>
      %dma_start3A_42 = arith.constant 0 : i32
      %dma_start3A_43 = tpu.memref_slice %arg8[%add3A_9, %dma_start3A_42] : memref<10240x128xf32, #tpu.memory_space<vmem_shared>> -> memref<128x128xf32, #tpu.memory_space<vmem_shared>>
      tpu.enqueue_dma source(%arg6 : memref<128x128xf32, #tpu.memory_space<vmem>>) target(%dma_start3A_43 : memref<128x128xf32, #tpu.memory_space<vmem_shared>>) target_semaphore(%run_scoped3A : memref<!tpu.dma_semaphore, #tpu.memory_space<semaphore_mem>>)
      %dma_wait3A = arith.constant 0 : i32
      %dma_wait3A_44 = tpu.memref_slice %arg8[%add3A_9, %dma_wait3A] : memref<10240x128xf32, #tpu.memory_space<vmem_shared>> -> memref<128x128xf32, #tpu.memory_space<vmem_shared>>
      %dma_wait3A_45 = arith.constant 0 : i32
      %dma_wait3A_46 = tpu.memref_slice %arg8[%add3A_9, %dma_wait3A_45] : memref<10240x128xf32, #tpu.memory_space<vmem_shared>> -> memref<128x128xf32, #tpu.memory_space<vmem_shared>>
      tpu.wait_dma2 semaphore(%run_scoped3A : memref<!tpu.dma_semaphore, #tpu.memory_space<semaphore_mem>>) src(%arg6 : memref<128x128xf32, #tpu.memory_space<vmem>>) dst(%dma_wait3A_46 : memref<128x128xf32, #tpu.memory_space<vmem_shared>>)
      tpu.yield
    }) : () -> ()
    %add3A_10 = arith.constant 128 : i32
    %add3A_11 = arith.addi %mul3A_2, %add3A_10 : i32
    "tpu.region"() ({
      %run_scoped3A = tpu.sem_alloc : memref<!tpu.dma_semaphore, #tpu.memory_space<semaphore_mem>>
      %dma_start3A = arith.constant 0 : i32
      %dma_start3A_41 = tpu.memref_slice %arg8[%add3A_11, %dma_start3A] : memref<10240x128xf32, #tpu.memory_space<vmem_shared>> -> memref<128x128xf32, #tpu.memory_space<vmem_shared>>
      %dma_start3A_42 = arith.constant 0 : i32
      %dma_start3A_43 = tpu.memref_slice %arg8[%add3A_11, %dma_start3A_42] : memref<10240x128xf32, #tpu.memory_space<vmem_shared>> -> memref<128x128xf32, #tpu.memory_space<vmem_shared>>
      tpu.enqueue_dma source(%arg6 : memref<128x128xf32, #tpu.memory_space<vmem>>) target(%dma_start3A_43 : memref<128x128xf32, #tpu.memory_space<vmem_shared>>) target_semaphore(%run_scoped3A : memref<!tpu.dma_semaphore, #tpu.memory_space<semaphore_mem>>)
      %dma_wait3A = arith.constant 0 : i32
      %dma_wait3A_44 = tpu.memref_slice %arg8[%add3A_11, %dma_wait3A] : memref<10240x128xf32, #tpu.memory_space<vmem_shared>> -> memref<128x128xf32, #tpu.memory_space<vmem_shared>>
      %dma_wait3A_45 = arith.constant 0 : i32
      %dma_wait3A_46 = tpu.memref_slice %arg8[%add3A_11, %dma_wait3A_45] : memref<10240x128xf32, #tpu.memory_space<vmem_shared>> -> memref<128x128xf32, #tpu.memory_space<vmem_shared>>
      tpu.wait_dma2 semaphore(%run_scoped3A : memref<!tpu.dma_semaphore, #tpu.memory_space<semaphore_mem>>) src(%arg6 : memref<128x128xf32, #tpu.memory_space<vmem>>) dst(%dma_wait3A_46 : memref<128x128xf32, #tpu.memory_space<vmem_shared>>)
      tpu.yield
    }) : () -> ()
    %add3A_12 = arith.constant 256 : i32
    %add3A_13 = arith.addi %mul3A_2, %add3A_12 : i32
    "tpu.region"() ({
      %run_scoped3A = tpu.sem_alloc : memref<!tpu.dma_semaphore, #tpu.memory_space<semaphore_mem>>
      %dma_start3A = arith.constant 0 : i32
      %dma_start3A_41 = tpu.memref_slice %arg8[%add3A_13, %dma_start3A] : memref<10240x128xf32, #tpu.memory_space<vmem_shared>> -> memref<128x128xf32, #tpu.memory_space<vmem_shared>>
      %dma_start3A_42 = arith.constant 0 : i32
      %dma_start3A_43 = tpu.memref_slice %arg8[%add3A_13, %dma_start3A_42] : memref<10240x128xf32, #tpu.memory_space<vmem_shared>> -> memref<128x128xf32, #tpu.memory_space<vmem_shared>>
      tpu.enqueue_dma source(%arg6 : memref<128x128xf32, #tpu.memory_space<vmem>>) target(%dma_start3A_43 : memref<128x128xf32, #tpu.memory_space<vmem_shared>>) target_semaphore(%run_scoped3A : memref<!tpu.dma_semaphore, #tpu.memory_space<semaphore_mem>>)
      %dma_wait3A = arith.constant 0 : i32
      %dma_wait3A_44 = tpu.memref_slice %arg8[%add3A_13, %dma_wait3A] : memref<10240x128xf32, #tpu.memory_space<vmem_shared>> -> memref<128x128xf32, #tpu.memory_space<vmem_shared>>
      %dma_wait3A_45 = arith.constant 0 : i32
      %dma_wait3A_46 = tpu.memref_slice %arg8[%add3A_13, %dma_wait3A_45] : memref<10240x128xf32, #tpu.memory_space<vmem_shared>> -> memref<128x128xf32, #tpu.memory_space<vmem_shared>>
      tpu.wait_dma2 semaphore(%run_scoped3A : memref<!tpu.dma_semaphore, #tpu.memory_space<semaphore_mem>>) src(%arg6 : memref<128x128xf32, #tpu.memory_space<vmem>>) dst(%dma_wait3A_46 : memref<128x128xf32, #tpu.memory_space<vmem_shared>>)
      tpu.yield
    }) : () -> ()
    %add3A_14 = arith.constant 384 : i32
    %add3A_15 = arith.addi %mul3A_2, %add3A_14 : i32
    "tpu.region"() ({
      %run_scoped3A = tpu.sem_alloc : memref<!tpu.dma_semaphore, #tpu.memory_space<semaphore_mem>>
      %dma_start3A = arith.constant 0 : i32
      %dma_start3A_41 = tpu.memref_slice %arg8[%add3A_15, %dma_start3A] : memref<10240x128xf32, #tpu.memory_space<vmem_shared>> -> memref<128x128xf32, #tpu.memory_space<vmem_shared>>
      %dma_start3A_42 = arith.constant 0 : i32
      %dma_start3A_43 = tpu.memref_slice %arg8[%add3A_15, %dma_start3A_42] : memref<10240x128xf32, #tpu.memory_space<vmem_shared>> -> memref<128x128xf32, #tpu.memory_space<vmem_shared>>
      tpu.enqueue_dma source(%arg6 : memref<128x128xf32, #tpu.memory_space<vmem>>) target(%dma_start3A_43 : memref<128x128xf32, #tpu.memory_space<vmem_shared>>) target_semaphore(%run_scoped3A : memref<!tpu.dma_semaphore, #tpu.memory_space<semaphore_mem>>)
      %dma_wait3A = arith.constant 0 : i32
      %dma_wait3A_44 = tpu.memref_slice %arg8[%add3A_15, %dma_wait3A] : memref<10240x128xf32, #tpu.memory_space<vmem_shared>> -> memref<128x128xf32, #tpu.memory_space<vmem_shared>>
      %dma_wait3A_45 = arith.constant 0 : i32
      %dma_wait3A_46 = tpu.memref_slice %arg8[%add3A_15, %dma_wait3A_45] : memref<10240x128xf32, #tpu.memory_space<vmem_shared>> -> memref<128x128xf32, #tpu.memory_space<vmem_shared>>
      tpu.wait_dma2 semaphore(%run_scoped3A : memref<!tpu.dma_semaphore, #tpu.memory_space<semaphore_mem>>) src(%arg6 : memref<128x128xf32, #tpu.memory_space<vmem>>) dst(%dma_wait3A_46 : memref<128x128xf32, #tpu.memory_space<vmem_shared>>)
      tpu.yield
    }) : () -> ()
    %add3A_16 = arith.constant 512 : i32
    %add3A_17 = arith.addi %mul3A_2, %add3A_16 : i32
    "tpu.region"() ({
      %run_scoped3A = tpu.sem_alloc : memref<!tpu.dma_semaphore, #tpu.memory_space<semaphore_mem>>
      %dma_start3A = arith.constant 0 : i32
      %dma_start3A_41 = tpu.memref_slice %arg8[%add3A_17, %dma_start3A] : memref<10240x128xf32, #tpu.memory_space<vmem_shared>> -> memref<128x128xf32, #tpu.memory_space<vmem_shared>>
      %dma_start3A_42 = arith.constant 0 : i32
      %dma_start3A_43 = tpu.memref_slice %arg8[%add3A_17, %dma_start3A_42] : memref<10240x128xf32, #tpu.memory_space<vmem_shared>> -> memref<128x128xf32, #tpu.memory_space<vmem_shared>>
      tpu.enqueue_dma source(%arg6 : memref<128x128xf32, #tpu.memory_space<vmem>>) target(%dma_start3A_43 : memref<128x128xf32, #tpu.memory_space<vmem_shared>>) target_semaphore(%run_scoped3A : memref<!tpu.dma_semaphore, #tpu.memory_space<semaphore_mem>>)
      %dma_wait3A = arith.constant 0 : i32
      %dma_wait3A_44 = tpu.memref_slice %arg8[%add3A_17, %dma_wait3A] : memref<10240x128xf32, #tpu.memory_space<vmem_shared>> -> memref<128x128xf32, #tpu.memory_space<vmem_shared>>
      %dma_wait3A_45 = arith.constant 0 : i32
      %dma_wait3A_46 = tpu.memref_slice %arg8[%add3A_17, %dma_wait3A_45] : memref<10240x128xf32, #tpu.memory_space<vmem_shared>> -> memref<128x128xf32, #tpu.memory_space<vmem_shared>>
      tpu.wait_dma2 semaphore(%run_scoped3A : memref<!tpu.dma_semaphore, #tpu.memory_space<semaphore_mem>>) src(%arg6 : memref<128x128xf32, #tpu.memory_space<vmem>>) dst(%dma_wait3A_46 : memref<128x128xf32, #tpu.memory_space<vmem_shared>>)
      tpu.yield
    }) : () -> ()
    %barrier3A = arith.constant 0 : index
    tpu.barrier barrier_id(%barrier3A)
    %eq3A = arith.constant 0 : i32
    %eq3A_18 = arith.cmpi eq, %arg0, %eq3A : i32
    %convert_element_type3A = arith.extui %eq3A_18 : i1 to i32
    %cond3A = arith.constant 0 : i32
    %cond3A_19 = arith.cmpi ne, %convert_element_type3A, %cond3A : i32
    scf.if %cond3A_19 {
      %mul3A_41 = arith.constant 131 : i32
      %mul3A_42 = arith.muli %arg1, %mul3A_41 : i32
      %run_scoped3A = arith.constant 0 : i32
      "tpu.region"() ({
        %run_scoped3A_75 = tpu.sem_alloc : memref<!tpu.dma_semaphore, #tpu.memory_space<semaphore_mem>>
        %dma_start3A_76 = arith.constant 0 : i32
        %dma_start3A_77 = arith.constant 0 : i32
        %dma_start3A_78 = tpu.memref_slice %arg5[%run_scoped3A, %dma_start3A_76, %dma_start3A_77] : memref<2x2x128xi32, #tpu.memory_space<vmem>> -> memref<1x2x128xi32, #tpu.memory_space<vmem>>
        %dma_start3A_79 = tpu.memref_squeeze %dma_start3A_78 : memref<1x2x128xi32, #tpu.memory_space<vmem>> -> memref<2x128xi32, #tpu.memory_space<vmem>>
        %dma_start3A_80 = arith.constant 0 : i32
        %dma_start3A_81 = arith.constant 0 : i32
        %dma_start3A_82 = tpu.memref_slice %arg3[%mul3A_42, %dma_start3A_80, %dma_start3A_81] : memref<2528x2x128xi32, #tpu.memory_space<hbm>> -> memref<1x2x128xi32, #tpu.memory_space<hbm>>
        %dma_start3A_83 = tpu.memref_squeeze %dma_start3A_82 : memref<1x2x128xi32, #tpu.memory_space<hbm>> -> memref<2x128xi32, #tpu.memory_space<hbm>>
        %dma_start3A_84 = arith.constant 0 : i32
        %dma_start3A_85 = arith.constant 0 : i32
        %dma_start3A_86 = tpu.memref_slice %arg5[%run_scoped3A, %dma_start3A_84, %dma_start3A_85] : memref<2x2x128xi32, #tpu.memory_space<vmem>> -> memref<1x2x128xi32, #tpu.memory_space<vmem>>
        %dma_start3A_87 = tpu.memref_squeeze %dma_start3A_86 : memref<1x2x128xi32, #tpu.memory_space<vmem>> -> memref<2x128xi32, #tpu.memory_space<vmem>>
        %dma_start3A_88 = arith.constant 0 : i32
        %dma_start3A_89 = arith.constant 0 : i32
        %dma_start3A_90 = tpu.memref_slice %arg3[%mul3A_42, %dma_start3A_88, %dma_start3A_89] : memref<2528x2x128xi32, #tpu.memory_space<hbm>> -> memref<1x2x128xi32, #tpu.memory_space<hbm>>
        %dma_start3A_91 = tpu.memref_squeeze %dma_start3A_90 : memref<1x2x128xi32, #tpu.memory_space<hbm>> -> memref<2x128xi32, #tpu.memory_space<hbm>>
        tpu.enqueue_dma source(%dma_start3A_91 : memref<2x128xi32, #tpu.memory_space<hbm>>) target(%dma_start3A_87 : memref<2x128xi32, #tpu.memory_space<vmem>>) target_semaphore(%run_scoped3A_75 : memref<!tpu.dma_semaphore, #tpu.memory_space<semaphore_mem>>)
        %dma_wait3A_92 = arith.constant 0 : i32
        %dma_wait3A_93 = arith.constant 0 : i32
        %dma_wait3A_94 = tpu.memref_slice %arg5[%run_scoped3A, %dma_wait3A_92, %dma_wait3A_93] : memref<2x2x128xi32, #tpu.memory_space<vmem>> -> memref<1x2x128xi32, #tpu.memory_space<vmem>>
        %dma_wait3A_95 = tpu.memref_squeeze %dma_wait3A_94 : memref<1x2x128xi32, #tpu.memory_space<vmem>> -> memref<2x128xi32, #tpu.memory_space<vmem>>
        %dma_wait3A_96 = arith.constant 0 : i32
        %dma_wait3A_97 = arith.constant 0 : i32
        %dma_wait3A_98 = tpu.memref_slice %arg3[%mul3A_42, %dma_wait3A_96, %dma_wait3A_97] : memref<2528x2x128xi32, #tpu.memory_space<hbm>> -> memref<1x2x128xi32, #tpu.memory_space<hbm>>
        %dma_wait3A_99 = tpu.memref_squeeze %dma_wait3A_98 : memref<1x2x128xi32, #tpu.memory_space<hbm>> -> memref<2x128xi32, #tpu.memory_space<hbm>>
        %dma_wait3A_100 = arith.constant 0 : i32
        %dma_wait3A_101 = arith.constant 0 : i32
        %dma_wait3A_102 = tpu.memref_slice %arg5[%run_scoped3A, %dma_wait3A_100, %dma_wait3A_101] : memref<2x2x128xi32, #tpu.memory_space<vmem>> -> memref<1x2x128xi32, #tpu.memory_space<vmem>>
        %dma_wait3A_103 = tpu.memref_squeeze %dma_wait3A_102 : memref<1x2x128xi32, #tpu.memory_space<vmem>> -> memref<2x128xi32, #tpu.memory_space<vmem>>
        %dma_wait3A_104 = arith.constant 0 : i32
        %dma_wait3A_105 = arith.constant 0 : i32
        %dma_wait3A_106 = tpu.memref_slice %arg3[%mul3A_42, %dma_wait3A_104, %dma_wait3A_105] : memref<2528x2x128xi32, #tpu.memory_space<hbm>> -> memref<1x2x128xi32, #tpu.memory_space<hbm>>
        %dma_wait3A_107 = tpu.memref_squeeze %dma_wait3A_106 : memref<1x2x128xi32, #tpu.memory_space<hbm>> -> memref<2x128xi32, #tpu.memory_space<hbm>>
        tpu.wait_dma2 semaphore(%run_scoped3A_75 : memref<!tpu.dma_semaphore, #tpu.memory_space<semaphore_mem>>) src(%dma_wait3A_107 : memref<2x128xi32, #tpu.memory_space<hbm>>) dst(%dma_wait3A_103 : memref<2x128xi32, #tpu.memory_space<vmem>>)
        tpu.yield
      }) : () -> ()
      %dma_start3A = arith.constant 0 : i32
      %dma_start3A_43 = arith.constant 0 : i32
      %dma_start3A_44 = arith.constant 0 : i32
      %dma_start3A_45 = arith.constant 0 : i32
      %dma_start3A_46 = tpu.memref_slice %arg5[%dma_start3A, %dma_start3A_44, %dma_start3A_45] : memref<2x2x128xi32, #tpu.memory_space<vmem>> -> memref<1x2x128xi32, #tpu.memory_space<vmem>>
      %dma_start3A_47 = tpu.memref_squeeze %dma_start3A_46 : memref<1x2x128xi32, #tpu.memory_space<vmem>> -> memref<2x128xi32, #tpu.memory_space<vmem>>
      %dma_start3A_48 = arith.constant 0 : i32
      %dma_start3A_49 = tpu.memref_slice %dma_start3A_47[%dma_start3A_43, %dma_start3A_48] : memref<2x128xi32, #tpu.memory_space<vmem>> -> memref<1x128xi32, #tpu.memory_space<vmem>>
      %dma_start3A_50 = tpu.memref_squeeze %dma_start3A_49 : memref<1x128xi32, #tpu.memory_space<vmem>> -> memref<128xi32, #tpu.memory_space<vmem>>
      %dma_start3A_51 = arith.constant 0 : i32
      %dma_start3A_52 = arith.constant 0 : i32
      %dma_start3A_53 = tpu.memref_slice %arg2[%dma_start3A_51, %dma_start3A_52] : memref<10000x128xf32, #tpu.memory_space<hbm>> -> memref<10000x128xf32, #tpu.memory_space<hbm>>
      tpu.enqueue_indirect_dma source(%dma_start3A_53 : memref<10000x128xf32, #tpu.memory_space<hbm>>) target(%arg6 : memref<128x128xf32, #tpu.memory_space<vmem>>) offsets(%dma_start3A_50 : memref<128xi32, #tpu.memory_space<vmem>>) semaphore(%arg9 : memref<!tpu.dma_semaphore, #tpu.memory_space<semaphore_mem>>)
      %scan3A_54 = arith.constant 0 : i32
      %scan3A_55 = arith.constant 0 : i32
      %scan3A_56 = arith.constant 0 : i32
      %scan3A_57 = arith.constant 0 : i32
      %scan3A_58 = arith.constant 65 : i32
      %scan3A_59 = arith.addi %scan3A_57, %scan3A_58 : i32
      %scan3A_60 = arith.constant 1 : i32
      scf.for %scan3A_75 = %scan3A_57 to %scan3A_59 step %scan3A_60  : i32 {
        %mul3A_76 = arith.constant 2 : i32
        %mul3A_77 = arith.muli %mul3A_76, %scan3A_75 : i32
        %add3A_78 = arith.addi %mul3A_42, %mul3A_77 : i32
        %add3A_79 = arith.constant 1 : i32
        %add3A_80 = arith.addi %add3A_78, %add3A_79 : i32
        %run_scoped3A_81 = arith.constant 1 : i32
        "tpu.region"() ({
          %run_scoped3A_135 = tpu.sem_alloc : memref<!tpu.dma_semaphore, #tpu.memory_space<semaphore_mem>>
          %dma_start3A_136 = arith.constant 0 : i32
          %dma_start3A_137 = arith.constant 0 : i32
          %dma_start3A_138 = tpu.memref_slice %arg5[%run_scoped3A_81, %dma_start3A_136, %dma_start3A_137] : memref<2x2x128xi32, #tpu.memory_space<vmem>> -> memref<1x2x128xi32, #tpu.memory_space<vmem>>
          %dma_start3A_139 = tpu.memref_squeeze %dma_start3A_138 : memref<1x2x128xi32, #tpu.memory_space<vmem>> -> memref<2x128xi32, #tpu.memory_space<vmem>>
          %dma_start3A_140 = arith.constant 0 : i32
          %dma_start3A_141 = arith.constant 0 : i32
          %dma_start3A_142 = tpu.memref_slice %arg3[%add3A_80, %dma_start3A_140, %dma_start3A_141] : memref<2528x2x128xi32, #tpu.memory_space<hbm>> -> memref<1x2x128xi32, #tpu.memory_space<hbm>>
          %dma_start3A_143 = tpu.memref_squeeze %dma_start3A_142 : memref<1x2x128xi32, #tpu.memory_space<hbm>> -> memref<2x128xi32, #tpu.memory_space<hbm>>
          %dma_start3A_144 = arith.constant 0 : i32
          %dma_start3A_145 = arith.constant 0 : i32
          %dma_start3A_146 = tpu.memref_slice %arg5[%run_scoped3A_81, %dma_start3A_144, %dma_start3A_145] : memref<2x2x128xi32, #tpu.memory_space<vmem>> -> memref<1x2x128xi32, #tpu.memory_space<vmem>>
          %dma_start3A_147 = tpu.memref_squeeze %dma_start3A_146 : memref<1x2x128xi32, #tpu.memory_space<vmem>> -> memref<2x128xi32, #tpu.memory_space<vmem>>
          %dma_start3A_148 = arith.constant 0 : i32
          %dma_start3A_149 = arith.constant 0 : i32
          %dma_start3A_150 = tpu.memref_slice %arg3[%add3A_80, %dma_start3A_148, %dma_start3A_149] : memref<2528x2x128xi32, #tpu.memory_space<hbm>> -> memref<1x2x128xi32, #tpu.memory_space<hbm>>
          %dma_start3A_151 = tpu.memref_squeeze %dma_start3A_150 : memref<1x2x128xi32, #tpu.memory_space<hbm>> -> memref<2x128xi32, #tpu.memory_space<hbm>>
          tpu.enqueue_dma source(%dma_start3A_151 : memref<2x128xi32, #tpu.memory_space<hbm>>) target(%dma_start3A_147 : memref<2x128xi32, #tpu.memory_space<vmem>>) target_semaphore(%run_scoped3A_135 : memref<!tpu.dma_semaphore, #tpu.memory_space<semaphore_mem>>)
          %dma_wait3A_152 = arith.constant 0 : i32
          %dma_wait3A_153 = arith.constant 0 : i32
          %dma_wait3A_154 = tpu.memref_slice %arg5[%run_scoped3A_81, %dma_wait3A_152, %dma_wait3A_153] : memref<2x2x128xi32, #tpu.memory_space<vmem>> -> memref<1x2x128xi32, #tpu.memory_space<vmem>>
          %dma_wait3A_155 = tpu.memref_squeeze %dma_wait3A_154 : memref<1x2x128xi32, #tpu.memory_space<vmem>> -> memref<2x128xi32, #tpu.memory_space<vmem>>
          %dma_wait3A_156 = arith.constant 0 : i32
          %dma_wait3A_157 = arith.constant 0 : i32
          %dma_wait3A_158 = tpu.memref_slice %arg3[%add3A_80, %dma_wait3A_156, %dma_wait3A_157] : memref<2528x2x128xi32, #tpu.memory_space<hbm>> -> memref<1x2x128xi32, #tpu.memory_space<hbm>>
          %dma_wait3A_159 = tpu.memref_squeeze %dma_wait3A_158 : memref<1x2x128xi32, #tpu.memory_space<hbm>> -> memref<2x128xi32, #tpu.memory_space<hbm>>
          %dma_wait3A_160 = arith.constant 0 : i32
          %dma_wait3A_161 = arith.constant 0 : i32
          %dma_wait3A_162 = tpu.memref_slice %arg5[%run_scoped3A_81, %dma_wait3A_160, %dma_wait3A_161] : memref<2x2x128xi32, #tpu.memory_space<vmem>> -> memref<1x2x128xi32, #tpu.memory_space<vmem>>
          %dma_wait3A_163 = tpu.memref_squeeze %dma_wait3A_162 : memref<1x2x128xi32, #tpu.memory_space<vmem>> -> memref<2x128xi32, #tpu.memory_space<vmem>>
          %dma_wait3A_164 = arith.constant 0 : i32
          %dma_wait3A_165 = arith.constant 0 : i32
          %dma_wait3A_166 = tpu.memref_slice %arg3[%add3A_80, %dma_wait3A_164, %dma_wait3A_165] : memref<2528x2x128xi32, #tpu.memory_space<hbm>> -> memref<1x2x128xi32, #tpu.memory_space<hbm>>
          %dma_wait3A_167 = tpu.memref_squeeze %dma_wait3A_166 : memref<1x2x128xi32, #tpu.memory_space<hbm>> -> memref<2x128xi32, #tpu.memory_space<hbm>>
          tpu.wait_dma2 semaphore(%run_scoped3A_135 : memref<!tpu.dma_semaphore, #tpu.memory_space<semaphore_mem>>) src(%dma_wait3A_167 : memref<2x128xi32, #tpu.memory_space<hbm>>) dst(%dma_wait3A_163 : memref<2x128xi32, #tpu.memory_space<vmem>>)
          tpu.yield
        }) : () -> ()
        %dma_start3A_82 = arith.constant 1 : i32
        %dma_start3A_83 = arith.constant 0 : i32
        %dma_start3A_84 = arith.constant 0 : i32
        %dma_start3A_85 = arith.constant 0 : i32
        %dma_start3A_86 = tpu.memref_slice %arg5[%dma_start3A_82, %dma_start3A_84, %dma_start3A_85] : memref<2x2x128xi32, #tpu.memory_space<vmem>> -> memref<1x2x128xi32, #tpu.memory_space<vmem>>
        %dma_start3A_87 = tpu.memref_squeeze %dma_start3A_86 : memref<1x2x128xi32, #tpu.memory_space<vmem>> -> memref<2x128xi32, #tpu.memory_space<vmem>>
        %dma_start3A_88 = arith.constant 0 : i32
        %dma_start3A_89 = tpu.memref_slice %dma_start3A_87[%dma_start3A_83, %dma_start3A_88] : memref<2x128xi32, #tpu.memory_space<vmem>> -> memref<1x128xi32, #tpu.memory_space<vmem>>
        %dma_start3A_90 = tpu.memref_squeeze %dma_start3A_89 : memref<1x128xi32, #tpu.memory_space<vmem>> -> memref<128xi32, #tpu.memory_space<vmem>>
        %dma_start3A_91 = arith.constant 0 : i32
        %dma_start3A_92 = arith.constant 0 : i32
        %dma_start3A_93 = tpu.memref_slice %arg2[%dma_start3A_91, %dma_start3A_92] : memref<10000x128xf32, #tpu.memory_space<hbm>> -> memref<10000x128xf32, #tpu.memory_space<hbm>>
        tpu.enqueue_indirect_dma source(%dma_start3A_93 : memref<10000x128xf32, #tpu.memory_space<hbm>>) target(%arg7 : memref<128x128xf32, #tpu.memory_space<vmem>>) offsets(%dma_start3A_90 : memref<128xi32, #tpu.memory_space<vmem>>) semaphore(%arg10 : memref<!tpu.dma_semaphore, #tpu.memory_space<semaphore_mem>>)
        %dma_wait3A_94 = arith.constant 0 : i32
        %dma_wait3A_95 = arith.constant 0 : i32
        %dma_wait3A_96 = tpu.memref_slice %arg5[%scan3A_55, %dma_wait3A_94, %dma_wait3A_95] : memref<2x2x128xi32, #tpu.memory_space<vmem>> -> memref<1x2x128xi32, #tpu.memory_space<vmem>>
        %dma_wait3A_97 = tpu.memref_squeeze %dma_wait3A_96 : memref<1x2x128xi32, #tpu.memory_space<vmem>> -> memref<2x128xi32, #tpu.memory_space<vmem>>
        %dma_wait3A_98 = arith.constant 0 : i32
        %dma_wait3A_99 = tpu.memref_slice %dma_wait3A_97[%scan3A_56, %dma_wait3A_98] : memref<2x128xi32, #tpu.memory_space<vmem>> -> memref<1x128xi32, #tpu.memory_space<vmem>>
        %dma_wait3A_100 = tpu.memref_squeeze %dma_wait3A_99 : memref<1x128xi32, #tpu.memory_space<vmem>> -> memref<128xi32, #tpu.memory_space<vmem>>
        %dma_wait3A_101 = arith.constant 0 : i32
        %dma_wait3A_102 = arith.constant 0 : i32
        %dma_wait3A_103 = tpu.memref_slice %arg2[%dma_wait3A_101, %dma_wait3A_102] : memref<10000x128xf32, #tpu.memory_space<hbm>> -> memref<10000x128xf32, #tpu.memory_space<hbm>>
        tpu.wait_indirect_dma semaphore(%arg9 : memref<!tpu.dma_semaphore, #tpu.memory_space<semaphore_mem>>) src(%dma_wait3A_103 : memref<10000x128xf32, #tpu.memory_space<hbm>>) dst(%arg6 : memref<128x128xf32, #tpu.memory_space<vmem>>)
        %run_scoped3A_104 = arith.constant 0 : i32
        %run_scoped3A_105 = arith.constant 1 : i32
        "tpu.region"() ({
          %run_scoped3A_135 = tpu.sem_alloc : memref<!tpu.dma_semaphore, #tpu.memory_space<semaphore_mem>>
          %dma_start3A_136 = arith.constant 0 : i32
          %dma_start3A_137 = arith.constant 0 : i32
          %dma_start3A_138 = tpu.memref_slice %arg5[%run_scoped3A_104, %dma_start3A_136, %dma_start3A_137] : memref<2x2x128xi32, #tpu.memory_space<vmem>> -> memref<1x2x128xi32, #tpu.memory_space<vmem>>
          %dma_start3A_139 = tpu.memref_squeeze %dma_start3A_138 : memref<1x2x128xi32, #tpu.memory_space<vmem>> -> memref<2x128xi32, #tpu.memory_space<vmem>>
          %dma_start3A_140 = arith.constant 0 : i32
          %dma_start3A_141 = tpu.memref_slice %dma_start3A_139[%run_scoped3A_105, %dma_start3A_140] : memref<2x128xi32, #tpu.memory_space<vmem>> -> memref<1x128xi32, #tpu.memory_space<vmem>>
          %dma_start3A_142 = tpu.memref_squeeze %dma_start3A_141 : memref<1x128xi32, #tpu.memory_space<vmem>> -> memref<128xi32, #tpu.memory_space<vmem>>
          %dma_start3A_143 = arith.constant 0 : i32
          %dma_start3A_144 = arith.constant 0 : i32
          %dma_start3A_145 = tpu.memref_slice %arg8[%dma_start3A_143, %dma_start3A_144] : memref<10240x128xf32, #tpu.memory_space<vmem_shared>> -> memref<10240x128xf32, #tpu.memory_space<vmem_shared>>
          tpu.enqueue_indirect_dma source(%arg6 : memref<128x128xf32, #tpu.memory_space<vmem>>) target(%dma_start3A_145 : memref<10240x128xf32, #tpu.memory_space<vmem_shared>>) offsets(%dma_start3A_142 : memref<128xi32, #tpu.memory_space<vmem>>) semaphore(%run_scoped3A_135 : memref<!tpu.dma_semaphore, #tpu.memory_space<semaphore_mem>>) {add = true}
          %dma_wait3A_146 = arith.constant 0 : i32
          %dma_wait3A_147 = arith.constant 0 : i32
          %dma_wait3A_148 = tpu.memref_slice %arg5[%run_scoped3A_104, %dma_wait3A_146, %dma_wait3A_147] : memref<2x2x128xi32, #tpu.memory_space<vmem>> -> memref<1x2x128xi32, #tpu.memory_space<vmem>>
          %dma_wait3A_149 = tpu.memref_squeeze %dma_wait3A_148 : memref<1x2x128xi32, #tpu.memory_space<vmem>> -> memref<2x128xi32, #tpu.memory_space<vmem>>
          %dma_wait3A_150 = arith.constant 0 : i32
          %dma_wait3A_151 = tpu.memref_slice %dma_wait3A_149[%run_scoped3A_105, %dma_wait3A_150] : memref<2x128xi32, #tpu.memory_space<vmem>> -> memref<1x128xi32, #tpu.memory_space<vmem>>
          %dma_wait3A_152 = tpu.memref_squeeze %dma_wait3A_151 : memref<1x128xi32, #tpu.memory_space<vmem>> -> memref<128xi32, #tpu.memory_space<vmem>>
          %dma_wait3A_153 = arith.constant 0 : i32
          %dma_wait3A_154 = arith.constant 0 : i32
          %dma_wait3A_155 = tpu.memref_slice %arg8[%dma_wait3A_153, %dma_wait3A_154] : memref<10240x128xf32, #tpu.memory_space<vmem_shared>> -> memref<10240x128xf32, #tpu.memory_space<vmem_shared>>
          tpu.wait_indirect_dma semaphore(%run_scoped3A_135 : memref<!tpu.dma_semaphore, #tpu.memory_space<semaphore_mem>>) src(%arg6 : memref<128x128xf32, #tpu.memory_space<vmem>>) dst(%dma_wait3A_155 : memref<10240x128xf32, #tpu.memory_space<vmem_shared>>)
          tpu.yield
        }) : () -> ()
        %add3A_106 = arith.constant 2 : i32
        %add3A_107 = arith.addi %add3A_78, %add3A_106 : i32
        %run_scoped3A_108 = arith.constant 0 : i32
        "tpu.region"() ({
          %run_scoped3A_135 = tpu.sem_alloc : memref<!tpu.dma_semaphore, #tpu.memory_space<semaphore_mem>>
          %dma_start3A_136 = arith.constant 0 : i32
          %dma_start3A_137 = arith.constant 0 : i32
          %dma_start3A_138 = tpu.memref_slice %arg5[%run_scoped3A_108, %dma_start3A_136, %dma_start3A_137] : memref<2x2x128xi32, #tpu.memory_space<vmem>> -> memref<1x2x128xi32, #tpu.memory_space<vmem>>
          %dma_start3A_139 = tpu.memref_squeeze %dma_start3A_138 : memref<1x2x128xi32, #tpu.memory_space<vmem>> -> memref<2x128xi32, #tpu.memory_space<vmem>>
          %dma_start3A_140 = arith.constant 0 : i32
          %dma_start3A_141 = arith.constant 0 : i32
          %dma_start3A_142 = tpu.memref_slice %arg3[%add3A_107, %dma_start3A_140, %dma_start3A_141] : memref<2528x2x128xi32, #tpu.memory_space<hbm>> -> memref<1x2x128xi32, #tpu.memory_space<hbm>>
          %dma_start3A_143 = tpu.memref_squeeze %dma_start3A_142 : memref<1x2x128xi32, #tpu.memory_space<hbm>> -> memref<2x128xi32, #tpu.memory_space<hbm>>
          %dma_start3A_144 = arith.constant 0 : i32
          %dma_start3A_145 = arith.constant 0 : i32
          %dma_start3A_146 = tpu.memref_slice %arg5[%run_scoped3A_108, %dma_start3A_144, %dma_start3A_145] : memref<2x2x128xi32, #tpu.memory_space<vmem>> -> memref<1x2x128xi32, #tpu.memory_space<vmem>>
          %dma_start3A_147 = tpu.memref_squeeze %dma_start3A_146 : memref<1x2x128xi32, #tpu.memory_space<vmem>> -> memref<2x128xi32, #tpu.memory_space<vmem>>
          %dma_start3A_148 = arith.constant 0 : i32
          %dma_start3A_149 = arith.constant 0 : i32
          %dma_start3A_150 = tpu.memref_slice %arg3[%add3A_107, %dma_start3A_148, %dma_start3A_149] : memref<2528x2x128xi32, #tpu.memory_space<hbm>> -> memref<1x2x128xi32, #tpu.memory_space<hbm>>
          %dma_start3A_151 = tpu.memref_squeeze %dma_start3A_150 : memref<1x2x128xi32, #tpu.memory_space<hbm>> -> memref<2x128xi32, #tpu.memory_space<hbm>>
          tpu.enqueue_dma source(%dma_start3A_151 : memref<2x128xi32, #tpu.memory_space<hbm>>) target(%dma_start3A_147 : memref<2x128xi32, #tpu.memory_space<vmem>>) target_semaphore(%run_scoped3A_135 : memref<!tpu.dma_semaphore, #tpu.memory_space<semaphore_mem>>)
          %dma_wait3A_152 = arith.constant 0 : i32
          %dma_wait3A_153 = arith.constant 0 : i32
          %dma_wait3A_154 = tpu.memref_slice %arg5[%run_scoped3A_108, %dma_wait3A_152, %dma_wait3A_153] : memref<2x2x128xi32, #tpu.memory_space<vmem>> -> memref<1x2x128xi32, #tpu.memory_space<vmem>>
          %dma_wait3A_155 = tpu.memref_squeeze %dma_wait3A_154 : memref<1x2x128xi32, #tpu.memory_space<vmem>> -> memref<2x128xi32, #tpu.memory_space<vmem>>
          %dma_wait3A_156 = arith.constant 0 : i32
          %dma_wait3A_157 = arith.constant 0 : i32
          %dma_wait3A_158 = tpu.memref_slice %arg3[%add3A_107, %dma_wait3A_156, %dma_wait3A_157] : memref<2528x2x128xi32, #tpu.memory_space<hbm>> -> memref<1x2x128xi32, #tpu.memory_space<hbm>>
          %dma_wait3A_159 = tpu.memref_squeeze %dma_wait3A_158 : memref<1x2x128xi32, #tpu.memory_space<hbm>> -> memref<2x128xi32, #tpu.memory_space<hbm>>
          %dma_wait3A_160 = arith.constant 0 : i32
          %dma_wait3A_161 = arith.constant 0 : i32
          %dma_wait3A_162 = tpu.memref_slice %arg5[%run_scoped3A_108, %dma_wait3A_160, %dma_wait3A_161] : memref<2x2x128xi32, #tpu.memory_space<vmem>> -> memref<1x2x128xi32, #tpu.memory_space<vmem>>
          %dma_wait3A_163 = tpu.memref_squeeze %dma_wait3A_162 : memref<1x2x128xi32, #tpu.memory_space<vmem>> -> memref<2x128xi32, #tpu.memory_space<vmem>>
          %dma_wait3A_164 = arith.constant 0 : i32
          %dma_wait3A_165 = arith.constant 0 : i32
          %dma_wait3A_166 = tpu.memref_slice %arg3[%add3A_107, %dma_wait3A_164, %dma_wait3A_165] : memref<2528x2x128xi32, #tpu.memory_space<hbm>> -> memref<1x2x128xi32, #tpu.memory_space<hbm>>
          %dma_wait3A_167 = tpu.memref_squeeze %dma_wait3A_166 : memref<1x2x128xi32, #tpu.memory_space<hbm>> -> memref<2x128xi32, #tpu.memory_space<hbm>>
          tpu.wait_dma2 semaphore(%run_scoped3A_135 : memref<!tpu.dma_semaphore, #tpu.memory_space<semaphore_mem>>) src(%dma_wait3A_167 : memref<2x128xi32, #tpu.memory_space<hbm>>) dst(%dma_wait3A_163 : memref<2x128xi32, #tpu.memory_space<vmem>>)
          tpu.yield
        }) : () -> ()
        %dma_start3A_109 = arith.constant 0 : i32
        %dma_start3A_110 = arith.constant 0 : i32
        %dma_start3A_111 = arith.constant 0 : i32
        %dma_start3A_112 = arith.constant 0 : i32
        %dma_start3A_113 = tpu.memref_slice %arg5[%dma_start3A_109, %dma_start3A_111, %dma_start3A_112] : memref<2x2x128xi32, #tpu.memory_space<vmem>> -> memref<1x2x128xi32, #tpu.memory_space<vmem>>
        %dma_start3A_114 = tpu.memref_squeeze %dma_start3A_113 : memref<1x2x128xi32, #tpu.memory_space<vmem>> -> memref<2x128xi32, #tpu.memory_space<vmem>>
        %dma_start3A_115 = arith.constant 0 : i32
        %dma_start3A_116 = tpu.memref_slice %dma_start3A_114[%dma_start3A_110, %dma_start3A_115] : memref<2x128xi32, #tpu.memory_space<vmem>> -> memref<1x128xi32, #tpu.memory_space<vmem>>
        %dma_start3A_117 = tpu.memref_squeeze %dma_start3A_116 : memref<1x128xi32, #tpu.memory_space<vmem>> -> memref<128xi32, #tpu.memory_space<vmem>>
        %dma_start3A_118 = arith.constant 0 : i32
        %dma_start3A_119 = arith.constant 0 : i32
        %dma_start3A_120 = tpu.memref_slice %arg2[%dma_start3A_118, %dma_start3A_119] : memref<10000x128xf32, #tpu.memory_space<hbm>> -> memref<10000x128xf32, #tpu.memory_space<hbm>>
        tpu.enqueue_indirect_dma source(%dma_start3A_120 : memref<10000x128xf32, #tpu.memory_space<hbm>>) target(%arg6 : memref<128x128xf32, #tpu.memory_space<vmem>>) offsets(%dma_start3A_117 : memref<128xi32, #tpu.memory_space<vmem>>) semaphore(%arg9 : memref<!tpu.dma_semaphore, #tpu.memory_space<semaphore_mem>>)
        %dma_wait3A_121 = arith.constant 1 : i32
        %dma_wait3A_122 = arith.constant 0 : i32
        %dma_wait3A_123 = arith.constant 0 : i32
        %dma_wait3A_124 = arith.constant 0 : i32
        %dma_wait3A_125 = tpu.memref_slice %arg5[%dma_wait3A_121, %dma_wait3A_123, %dma_wait3A_124] : memref<2x2x128xi32, #tpu.memory_space<vmem>> -> memref<1x2x128xi32, #tpu.memory_space<vmem>>
        %dma_wait3A_126 = tpu.memref_squeeze %dma_wait3A_125 : memref<1x2x128xi32, #tpu.memory_space<vmem>> -> memref<2x128xi32, #tpu.memory_space<vmem>>
        %dma_wait3A_127 = arith.constant 0 : i32
        %dma_wait3A_128 = tpu.memref_slice %dma_wait3A_126[%dma_wait3A_122, %dma_wait3A_127] : memref<2x128xi32, #tpu.memory_space<vmem>> -> memref<1x128xi32, #tpu.memory_space<vmem>>
        %dma_wait3A_129 = tpu.memref_squeeze %dma_wait3A_128 : memref<1x128xi32, #tpu.memory_space<vmem>> -> memref<128xi32, #tpu.memory_space<vmem>>
        %dma_wait3A_130 = arith.constant 0 : i32
        %dma_wait3A_131 = arith.constant 0 : i32
        %dma_wait3A_132 = tpu.memref_slice %arg2[%dma_wait3A_130, %dma_wait3A_131] : memref<10000x128xf32, #tpu.memory_space<hbm>> -> memref<10000x128xf32, #tpu.memory_space<hbm>>
        tpu.wait_indirect_dma semaphore(%arg10 : memref<!tpu.dma_semaphore, #tpu.memory_space<semaphore_mem>>) src(%dma_wait3A_132 : memref<10000x128xf32, #tpu.memory_space<hbm>>) dst(%arg7 : memref<128x128xf32, #tpu.memory_space<vmem>>)
        %run_scoped3A_133 = arith.constant 1 : i32
        %run_scoped3A_134 = arith.constant 1 : i32
        "tpu.region"() ({
          %run_scoped3A_135 = tpu.sem_alloc : memref<!tpu.dma_semaphore, #tpu.memory_space<semaphore_mem>>
          %dma_start3A_136 = arith.constant 0 : i32
          %dma_start3A_137 = arith.constant 0 : i32
          %dma_start3A_138 = tpu.memref_slice %arg5[%run_scoped3A_133, %dma_start3A_136, %dma_start3A_137] : memref<2x2x128xi32, #tpu.memory_space<vmem>> -> memref<1x2x128xi32, #tpu.memory_space<vmem>>
          %dma_start3A_139 = tpu.memref_squeeze %dma_start3A_138 : memref<1x2x128xi32, #tpu.memory_space<vmem>> -> memref<2x128xi32, #tpu.memory_space<vmem>>
          %dma_start3A_140 = arith.constant 0 : i32
          %dma_start3A_141 = tpu.memref_slice %dma_start3A_139[%run_scoped3A_134, %dma_start3A_140] : memref<2x128xi32, #tpu.memory_space<vmem>> -> memref<1x128xi32, #tpu.memory_space<vmem>>
          %dma_start3A_142 = tpu.memref_squeeze %dma_start3A_141 : memref<1x128xi32, #tpu.memory_space<vmem>> -> memref<128xi32, #tpu.memory_space<vmem>>
          %dma_start3A_143 = arith.constant 0 : i32
          %dma_start3A_144 = arith.constant 0 : i32
          %dma_start3A_145 = tpu.memref_slice %arg8[%dma_start3A_143, %dma_start3A_144] : memref<10240x128xf32, #tpu.memory_space<vmem_shared>> -> memref<10240x128xf32, #tpu.memory_space<vmem_shared>>
          tpu.enqueue_indirect_dma source(%arg7 : memref<128x128xf32, #tpu.memory_space<vmem>>) target(%dma_start3A_145 : memref<10240x128xf32, #tpu.memory_space<vmem_shared>>) offsets(%dma_start3A_142 : memref<128xi32, #tpu.memory_space<vmem>>) semaphore(%run_scoped3A_135 : memref<!tpu.dma_semaphore, #tpu.memory_space<semaphore_mem>>) {add = true}
          %dma_wait3A_146 = arith.constant 0 : i32
          %dma_wait3A_147 = arith.constant 0 : i32
          %dma_wait3A_148 = tpu.memref_slice %arg5[%run_scoped3A_133, %dma_wait3A_146, %dma_wait3A_147] : memref<2x2x128xi32, #tpu.memory_space<vmem>> -> memref<1x2x128xi32, #tpu.memory_space<vmem>>
          %dma_wait3A_149 = tpu.memref_squeeze %dma_wait3A_148 : memref<1x2x128xi32, #tpu.memory_space<vmem>> -> memref<2x128xi32, #tpu.memory_space<vmem>>
          %dma_wait3A_150 = arith.constant 0 : i32
          %dma_wait3A_151 = tpu.memref_slice %dma_wait3A_149[%run_scoped3A_134, %dma_wait3A_150] : memref<2x128xi32, #tpu.memory_space<vmem>> -> memref<1x128xi32, #tpu.memory_space<vmem>>
          %dma_wait3A_152 = tpu.memref_squeeze %dma_wait3A_151 : memref<1x128xi32, #tpu.memory_space<vmem>> -> memref<128xi32, #tpu.memory_space<vmem>>
          %dma_wait3A_153 = arith.constant 0 : i32
          %dma_wait3A_154 = arith.constant 0 : i32
          %dma_wait3A_155 = tpu.memref_slice %arg8[%dma_wait3A_153, %dma_wait3A_154] : memref<10240x128xf32, #tpu.memory_space<vmem_shared>> -> memref<10240x128xf32, #tpu.memory_space<vmem_shared>>
          tpu.wait_indirect_dma semaphore(%run_scoped3A_135 : memref<!tpu.dma_semaphore, #tpu.memory_space<semaphore_mem>>) src(%arg7 : memref<128x128xf32, #tpu.memory_space<vmem>>) dst(%dma_wait3A_155 : memref<10240x128xf32, #tpu.memory_space<vmem_shared>>)
          tpu.yield
        }) : () -> ()
      }
      %scan3A_61 = arith.constant 65 : i32
      %dma_wait3A = arith.constant 0 : i32
      %dma_wait3A_62 = arith.constant 0 : i32
      %dma_wait3A_63 = arith.constant 0 : i32
      %dma_wait3A_64 = arith.constant 0 : i32
      %dma_wait3A_65 = tpu.memref_slice %arg5[%dma_wait3A, %dma_wait3A_63, %dma_wait3A_64] : memref<2x2x128xi32, #tpu.memory_space<vmem>> -> memref<1x2x128xi32, #tpu.memory_space<vmem>>
      %dma_wait3A_66 = tpu.memref_squeeze %dma_wait3A_65 : memref<1x2x128xi32, #tpu.memory_space<vmem>> -> memref<2x128xi32, #tpu.memory_space<vmem>>
      %dma_wait3A_67 = arith.constant 0 : i32
      %dma_wait3A_68 = tpu.memref_slice %dma_wait3A_66[%dma_wait3A_62, %dma_wait3A_67] : memref<2x128xi32, #tpu.memory_space<vmem>> -> memref<1x128xi32, #tpu.memory_space<vmem>>
      %dma_wait3A_69 = tpu.memref_squeeze %dma_wait3A_68 : memref<1x128xi32, #tpu.memory_space<vmem>> -> memref<128xi32, #tpu.memory_space<vmem>>
      %dma_wait3A_70 = arith.constant 0 : i32
      %dma_wait3A_71 = arith.constant 0 : i32
      %dma_wait3A_72 = tpu.memref_slice %arg2[%dma_wait3A_70, %dma_wait3A_71] : memref<10000x128xf32, #tpu.memory_space<hbm>> -> memref<10000x128xf32, #tpu.memory_space<hbm>>
      tpu.wait_indirect_dma semaphore(%arg9 : memref<!tpu.dma_semaphore, #tpu.memory_space<semaphore_mem>>) src(%dma_wait3A_72 : memref<10000x128xf32, #tpu.memory_space<hbm>>) dst(%arg6 : memref<128x128xf32, #tpu.memory_space<vmem>>)
      %run_scoped3A_73 = arith.constant 0 : i32
      %run_scoped3A_74 = arith.constant 1 : i32
      "tpu.region"() ({
        %run_scoped3A_75 = tpu.sem_alloc : memref<!tpu.dma_semaphore, #tpu.memory_space<semaphore_mem>>
        %dma_start3A_76 = arith.constant 0 : i32
        %dma_start3A_77 = arith.constant 0 : i32
        %dma_start3A_78 = tpu.memref_slice %arg5[%run_scoped3A_73, %dma_start3A_76, %dma_start3A_77] : memref<2x2x128xi32, #tpu.memory_space<vmem>> -> memref<1x2x128xi32, #tpu.memory_space<vmem>>
        %dma_start3A_79 = tpu.memref_squeeze %dma_start3A_78 : memref<1x2x128xi32, #tpu.memory_space<vmem>> -> memref<2x128xi32, #tpu.memory_space<vmem>>
        %dma_start3A_80 = arith.constant 0 : i32
        %dma_start3A_81 = tpu.memref_slice %dma_start3A_79[%run_scoped3A_74, %dma_start3A_80] : memref<2x128xi32, #tpu.memory_space<vmem>> -> memref<1x128xi32, #tpu.memory_space<vmem>>
        %dma_start3A_82 = tpu.memref_squeeze %dma_start3A_81 : memref<1x128xi32, #tpu.memory_space<vmem>> -> memref<128xi32, #tpu.memory_space<vmem>>
        %dma_start3A_83 = arith.constant 0 : i32
        %dma_start3A_84 = arith.constant 0 : i32
        %dma_start3A_85 = tpu.memref_slice %arg8[%dma_start3A_83, %dma_start3A_84] : memref<10240x128xf32, #tpu.memory_space<vmem_shared>> -> memref<10240x128xf32, #tpu.memory_space<vmem_shared>>
        tpu.enqueue_indirect_dma source(%arg6 : memref<128x128xf32, #tpu.memory_space<vmem>>) target(%dma_start3A_85 : memref<10240x128xf32, #tpu.memory_space<vmem_shared>>) offsets(%dma_start3A_82 : memref<128xi32, #tpu.memory_space<vmem>>) semaphore(%run_scoped3A_75 : memref<!tpu.dma_semaphore, #tpu.memory_space<semaphore_mem>>) {add = true}
        %dma_wait3A_86 = arith.constant 0 : i32
        %dma_wait3A_87 = arith.constant 0 : i32
        %dma_wait3A_88 = tpu.memref_slice %arg5[%run_scoped3A_73, %dma_wait3A_86, %dma_wait3A_87] : memref<2x2x128xi32, #tpu.memory_space<vmem>> -> memref<1x2x128xi32, #tpu.memory_space<vmem>>
        %dma_wait3A_89 = tpu.memref_squeeze %dma_wait3A_88 : memref<1x2x128xi32, #tpu.memory_space<vmem>> -> memref<2x128xi32, #tpu.memory_space<vmem>>
        %dma_wait3A_90 = arith.constant 0 : i32
        %dma_wait3A_91 = tpu.memref_slice %dma_wait3A_89[%run_scoped3A_74, %dma_wait3A_90] : memref<2x128xi32, #tpu.memory_space<vmem>> -> memref<1x128xi32, #tpu.memory_space<vmem>>
        %dma_wait3A_92 = tpu.memref_squeeze %dma_wait3A_91 : memref<1x128xi32, #tpu.memory_space<vmem>> -> memref<128xi32, #tpu.memory_space<vmem>>
        %dma_wait3A_93 = arith.constant 0 : i32
        %dma_wait3A_94 = arith.constant 0 : i32
        %dma_wait3A_95 = tpu.memref_slice %arg8[%dma_wait3A_93, %dma_wait3A_94] : memref<10240x128xf32, #tpu.memory_space<vmem_shared>> -> memref<10240x128xf32, #tpu.memory_space<vmem_shared>>
        tpu.wait_indirect_dma semaphore(%run_scoped3A_75 : memref<!tpu.dma_semaphore, #tpu.memory_space<semaphore_mem>>) src(%arg6 : memref<128x128xf32, #tpu.memory_space<vmem>>) dst(%dma_wait3A_95 : memref<10240x128xf32, #tpu.memory_space<vmem_shared>>)
        tpu.yield
      }) : () -> ()
    } else {
      %mul3A_41 = arith.constant 27 : i32
      %mul3A_42 = arith.muli %arg1, %mul3A_41 : i32
      %add3A_43 = arith.constant 2096 : i32
      %add3A_44 = arith.addi %add3A_43, %mul3A_42 : i32
      %run_scoped3A = arith.constant 0 : i32
      "tpu.region"() ({
        %run_scoped3A_77 = tpu.sem_alloc : memref<!tpu.dma_semaphore, #tpu.memory_space<semaphore_mem>>
        %dma_start3A_78 = arith.constant 0 : i32
        %dma_start3A_79 = arith.constant 0 : i32
        %dma_start3A_80 = tpu.memref_slice %arg5[%run_scoped3A, %dma_start3A_78, %dma_start3A_79] : memref<2x2x128xi32, #tpu.memory_space<vmem>> -> memref<1x2x128xi32, #tpu.memory_space<vmem>>
        %dma_start3A_81 = tpu.memref_squeeze %dma_start3A_80 : memref<1x2x128xi32, #tpu.memory_space<vmem>> -> memref<2x128xi32, #tpu.memory_space<vmem>>
        %dma_start3A_82 = arith.constant 0 : i32
        %dma_start3A_83 = arith.constant 0 : i32
        %dma_start3A_84 = tpu.memref_slice %arg3[%add3A_44, %dma_start3A_82, %dma_start3A_83] : memref<2528x2x128xi32, #tpu.memory_space<hbm>> -> memref<1x2x128xi32, #tpu.memory_space<hbm>>
        %dma_start3A_85 = tpu.memref_squeeze %dma_start3A_84 : memref<1x2x128xi32, #tpu.memory_space<hbm>> -> memref<2x128xi32, #tpu.memory_space<hbm>>
        %dma_start3A_86 = arith.constant 0 : i32
        %dma_start3A_87 = arith.constant 0 : i32
        %dma_start3A_88 = tpu.memref_slice %arg5[%run_scoped3A, %dma_start3A_86, %dma_start3A_87] : memref<2x2x128xi32, #tpu.memory_space<vmem>> -> memref<1x2x128xi32, #tpu.memory_space<vmem>>
        %dma_start3A_89 = tpu.memref_squeeze %dma_start3A_88 : memref<1x2x128xi32, #tpu.memory_space<vmem>> -> memref<2x128xi32, #tpu.memory_space<vmem>>
        %dma_start3A_90 = arith.constant 0 : i32
        %dma_start3A_91 = arith.constant 0 : i32
        %dma_start3A_92 = tpu.memref_slice %arg3[%add3A_44, %dma_start3A_90, %dma_start3A_91] : memref<2528x2x128xi32, #tpu.memory_space<hbm>> -> memref<1x2x128xi32, #tpu.memory_space<hbm>>
        %dma_start3A_93 = tpu.memref_squeeze %dma_start3A_92 : memref<1x2x128xi32, #tpu.memory_space<hbm>> -> memref<2x128xi32, #tpu.memory_space<hbm>>
        tpu.enqueue_dma source(%dma_start3A_93 : memref<2x128xi32, #tpu.memory_space<hbm>>) target(%dma_start3A_89 : memref<2x128xi32, #tpu.memory_space<vmem>>) target_semaphore(%run_scoped3A_77 : memref<!tpu.dma_semaphore, #tpu.memory_space<semaphore_mem>>)
        %dma_wait3A_94 = arith.constant 0 : i32
        %dma_wait3A_95 = arith.constant 0 : i32
        %dma_wait3A_96 = tpu.memref_slice %arg5[%run_scoped3A, %dma_wait3A_94, %dma_wait3A_95] : memref<2x2x128xi32, #tpu.memory_space<vmem>> -> memref<1x2x128xi32, #tpu.memory_space<vmem>>
        %dma_wait3A_97 = tpu.memref_squeeze %dma_wait3A_96 : memref<1x2x128xi32, #tpu.memory_space<vmem>> -> memref<2x128xi32, #tpu.memory_space<vmem>>
        %dma_wait3A_98 = arith.constant 0 : i32
        %dma_wait3A_99 = arith.constant 0 : i32
        %dma_wait3A_100 = tpu.memref_slice %arg3[%add3A_44, %dma_wait3A_98, %dma_wait3A_99] : memref<2528x2x128xi32, #tpu.memory_space<hbm>> -> memref<1x2x128xi32, #tpu.memory_space<hbm>>
        %dma_wait3A_101 = tpu.memref_squeeze %dma_wait3A_100 : memref<1x2x128xi32, #tpu.memory_space<hbm>> -> memref<2x128xi32, #tpu.memory_space<hbm>>
        %dma_wait3A_102 = arith.constant 0 : i32
        %dma_wait3A_103 = arith.constant 0 : i32
        %dma_wait3A_104 = tpu.memref_slice %arg5[%run_scoped3A, %dma_wait3A_102, %dma_wait3A_103] : memref<2x2x128xi32, #tpu.memory_space<vmem>> -> memref<1x2x128xi32, #tpu.memory_space<vmem>>
        %dma_wait3A_105 = tpu.memref_squeeze %dma_wait3A_104 : memref<1x2x128xi32, #tpu.memory_space<vmem>> -> memref<2x128xi32, #tpu.memory_space<vmem>>
        %dma_wait3A_106 = arith.constant 0 : i32
        %dma_wait3A_107 = arith.constant 0 : i32
        %dma_wait3A_108 = tpu.memref_slice %arg3[%add3A_44, %dma_wait3A_106, %dma_wait3A_107] : memref<2528x2x128xi32, #tpu.memory_space<hbm>> -> memref<1x2x128xi32, #tpu.memory_space<hbm>>
        %dma_wait3A_109 = tpu.memref_squeeze %dma_wait3A_108 : memref<1x2x128xi32, #tpu.memory_space<hbm>> -> memref<2x128xi32, #tpu.memory_space<hbm>>
        tpu.wait_dma2 semaphore(%run_scoped3A_77 : memref<!tpu.dma_semaphore, #tpu.memory_space<semaphore_mem>>) src(%dma_wait3A_109 : memref<2x128xi32, #tpu.memory_space<hbm>>) dst(%dma_wait3A_105 : memref<2x128xi32, #tpu.memory_space<vmem>>)
        tpu.yield
      }) : () -> ()
      %dma_start3A = arith.constant 0 : i32
      %dma_start3A_45 = arith.constant 0 : i32
      %dma_start3A_46 = arith.constant 0 : i32
      %dma_start3A_47 = arith.constant 0 : i32
      %dma_start3A_48 = tpu.memref_slice %arg5[%dma_start3A, %dma_start3A_46, %dma_start3A_47] : memref<2x2x128xi32, #tpu.memory_space<vmem>> -> memref<1x2x128xi32, #tpu.memory_space<vmem>>
      %dma_start3A_49 = tpu.memref_squeeze %dma_start3A_48 : memref<1x2x128xi32, #tpu.memory_space<vmem>> -> memref<2x128xi32, #tpu.memory_space<vmem>>
      %dma_start3A_50 = arith.constant 0 : i32
      %dma_start3A_51 = tpu.memref_slice %dma_start3A_49[%dma_start3A_45, %dma_start3A_50] : memref<2x128xi32, #tpu.memory_space<vmem>> -> memref<1x128xi32, #tpu.memory_space<vmem>>
      %dma_start3A_52 = tpu.memref_squeeze %dma_start3A_51 : memref<1x128xi32, #tpu.memory_space<vmem>> -> memref<128xi32, #tpu.memory_space<vmem>>
      %dma_start3A_53 = arith.constant 0 : i32
      %dma_start3A_54 = arith.constant 0 : i32
      %dma_start3A_55 = tpu.memref_slice %arg2[%dma_start3A_53, %dma_start3A_54] : memref<10000x128xf32, #tpu.memory_space<hbm>> -> memref<10000x128xf32, #tpu.memory_space<hbm>>
      tpu.enqueue_indirect_dma source(%dma_start3A_55 : memref<10000x128xf32, #tpu.memory_space<hbm>>) target(%arg6 : memref<128x128xf32, #tpu.memory_space<vmem>>) offsets(%dma_start3A_52 : memref<128xi32, #tpu.memory_space<vmem>>) semaphore(%arg9 : memref<!tpu.dma_semaphore, #tpu.memory_space<semaphore_mem>>)
      %scan3A_56 = arith.constant 0 : i32
      %scan3A_57 = arith.constant 0 : i32
      %scan3A_58 = arith.constant 0 : i32
      %scan3A_59 = arith.constant 0 : i32
      %scan3A_60 = arith.constant 13 : i32
      %scan3A_61 = arith.addi %scan3A_59, %scan3A_60 : i32
      %scan3A_62 = arith.constant 1 : i32
      scf.for %scan3A_77 = %scan3A_59 to %scan3A_61 step %scan3A_62  : i32 {
        %mul3A_78 = arith.constant 2 : i32
        %mul3A_79 = arith.muli %mul3A_78, %scan3A_77 : i32
        %add3A_80 = arith.addi %add3A_44, %mul3A_79 : i32
        %add3A_81 = arith.constant 1 : i32
        %add3A_82 = arith.addi %add3A_80, %add3A_81 : i32
        %run_scoped3A_83 = arith.constant 1 : i32
        "tpu.region"() ({
          %run_scoped3A_137 = tpu.sem_alloc : memref<!tpu.dma_semaphore, #tpu.memory_space<semaphore_mem>>
          %dma_start3A_138 = arith.constant 0 : i32
          %dma_start3A_139 = arith.constant 0 : i32
          %dma_start3A_140 = tpu.memref_slice %arg5[%run_scoped3A_83, %dma_start3A_138, %dma_start3A_139] : memref<2x2x128xi32, #tpu.memory_space<vmem>> -> memref<1x2x128xi32, #tpu.memory_space<vmem>>
          %dma_start3A_141 = tpu.memref_squeeze %dma_start3A_140 : memref<1x2x128xi32, #tpu.memory_space<vmem>> -> memref<2x128xi32, #tpu.memory_space<vmem>>
          %dma_start3A_142 = arith.constant 0 : i32
          %dma_start3A_143 = arith.constant 0 : i32
          %dma_start3A_144 = tpu.memref_slice %arg3[%add3A_82, %dma_start3A_142, %dma_start3A_143] : memref<2528x2x128xi32, #tpu.memory_space<hbm>> -> memref<1x2x128xi32, #tpu.memory_space<hbm>>
          %dma_start3A_145 = tpu.memref_squeeze %dma_start3A_144 : memref<1x2x128xi32, #tpu.memory_space<hbm>> -> memref<2x128xi32, #tpu.memory_space<hbm>>
          %dma_start3A_146 = arith.constant 0 : i32
          %dma_start3A_147 = arith.constant 0 : i32
          %dma_start3A_148 = tpu.memref_slice %arg5[%run_scoped3A_83, %dma_start3A_146, %dma_start3A_147] : memref<2x2x128xi32, #tpu.memory_space<vmem>> -> memref<1x2x128xi32, #tpu.memory_space<vmem>>
          %dma_start3A_149 = tpu.memref_squeeze %dma_start3A_148 : memref<1x2x128xi32, #tpu.memory_space<vmem>> -> memref<2x128xi32, #tpu.memory_space<vmem>>
          %dma_start3A_150 = arith.constant 0 : i32
          %dma_start3A_151 = arith.constant 0 : i32
          %dma_start3A_152 = tpu.memref_slice %arg3[%add3A_82, %dma_start3A_150, %dma_start3A_151] : memref<2528x2x128xi32, #tpu.memory_space<hbm>> -> memref<1x2x128xi32, #tpu.memory_space<hbm>>
          %dma_start3A_153 = tpu.memref_squeeze %dma_start3A_152 : memref<1x2x128xi32, #tpu.memory_space<hbm>> -> memref<2x128xi32, #tpu.memory_space<hbm>>
          tpu.enqueue_dma source(%dma_start3A_153 : memref<2x128xi32, #tpu.memory_space<hbm>>) target(%dma_start3A_149 : memref<2x128xi32, #tpu.memory_space<vmem>>) target_semaphore(%run_scoped3A_137 : memref<!tpu.dma_semaphore, #tpu.memory_space<semaphore_mem>>)
          %dma_wait3A_154 = arith.constant 0 : i32
          %dma_wait3A_155 = arith.constant 0 : i32
          %dma_wait3A_156 = tpu.memref_slice %arg5[%run_scoped3A_83, %dma_wait3A_154, %dma_wait3A_155] : memref<2x2x128xi32, #tpu.memory_space<vmem>> -> memref<1x2x128xi32, #tpu.memory_space<vmem>>
          %dma_wait3A_157 = tpu.memref_squeeze %dma_wait3A_156 : memref<1x2x128xi32, #tpu.memory_space<vmem>> -> memref<2x128xi32, #tpu.memory_space<vmem>>
          %dma_wait3A_158 = arith.constant 0 : i32
          %dma_wait3A_159 = arith.constant 0 : i32
          %dma_wait3A_160 = tpu.memref_slice %arg3[%add3A_82, %dma_wait3A_158, %dma_wait3A_159] : memref<2528x2x128xi32, #tpu.memory_space<hbm>> -> memref<1x2x128xi32, #tpu.memory_space<hbm>>
          %dma_wait3A_161 = tpu.memref_squeeze %dma_wait3A_160 : memref<1x2x128xi32, #tpu.memory_space<hbm>> -> memref<2x128xi32, #tpu.memory_space<hbm>>
          %dma_wait3A_162 = arith.constant 0 : i32
          %dma_wait3A_163 = arith.constant 0 : i32
          %dma_wait3A_164 = tpu.memref_slice %arg5[%run_scoped3A_83, %dma_wait3A_162, %dma_wait3A_163] : memref<2x2x128xi32, #tpu.memory_space<vmem>> -> memref<1x2x128xi32, #tpu.memory_space<vmem>>
          %dma_wait3A_165 = tpu.memref_squeeze %dma_wait3A_164 : memref<1x2x128xi32, #tpu.memory_space<vmem>> -> memref<2x128xi32, #tpu.memory_space<vmem>>
          %dma_wait3A_166 = arith.constant 0 : i32
          %dma_wait3A_167 = arith.constant 0 : i32
          %dma_wait3A_168 = tpu.memref_slice %arg3[%add3A_82, %dma_wait3A_166, %dma_wait3A_167] : memref<2528x2x128xi32, #tpu.memory_space<hbm>> -> memref<1x2x128xi32, #tpu.memory_space<hbm>>
          %dma_wait3A_169 = tpu.memref_squeeze %dma_wait3A_168 : memref<1x2x128xi32, #tpu.memory_space<hbm>> -> memref<2x128xi32, #tpu.memory_space<hbm>>
          tpu.wait_dma2 semaphore(%run_scoped3A_137 : memref<!tpu.dma_semaphore, #tpu.memory_space<semaphore_mem>>) src(%dma_wait3A_169 : memref<2x128xi32, #tpu.memory_space<hbm>>) dst(%dma_wait3A_165 : memref<2x128xi32, #tpu.memory_space<vmem>>)
          tpu.yield
        }) : () -> ()
        %dma_start3A_84 = arith.constant 1 : i32
        %dma_start3A_85 = arith.constant 0 : i32
        %dma_start3A_86 = arith.constant 0 : i32
        %dma_start3A_87 = arith.constant 0 : i32
        %dma_start3A_88 = tpu.memref_slice %arg5[%dma_start3A_84, %dma_start3A_86, %dma_start3A_87] : memref<2x2x128xi32, #tpu.memory_space<vmem>> -> memref<1x2x128xi32, #tpu.memory_space<vmem>>
        %dma_start3A_89 = tpu.memref_squeeze %dma_start3A_88 : memref<1x2x128xi32, #tpu.memory_space<vmem>> -> memref<2x128xi32, #tpu.memory_space<vmem>>
        %dma_start3A_90 = arith.constant 0 : i32
        %dma_start3A_91 = tpu.memref_slice %dma_start3A_89[%dma_start3A_85, %dma_start3A_90] : memref<2x128xi32, #tpu.memory_space<vmem>> -> memref<1x128xi32, #tpu.memory_space<vmem>>
        %dma_start3A_92 = tpu.memref_squeeze %dma_start3A_91 : memref<1x128xi32, #tpu.memory_space<vmem>> -> memref<128xi32, #tpu.memory_space<vmem>>
        %dma_start3A_93 = arith.constant 0 : i32
        %dma_start3A_94 = arith.constant 0 : i32
        %dma_start3A_95 = tpu.memref_slice %arg2[%dma_start3A_93, %dma_start3A_94] : memref<10000x128xf32, #tpu.memory_space<hbm>> -> memref<10000x128xf32, #tpu.memory_space<hbm>>
        tpu.enqueue_indirect_dma source(%dma_start3A_95 : memref<10000x128xf32, #tpu.memory_space<hbm>>) target(%arg7 : memref<128x128xf32, #tpu.memory_space<vmem>>) offsets(%dma_start3A_92 : memref<128xi32, #tpu.memory_space<vmem>>) semaphore(%arg10 : memref<!tpu.dma_semaphore, #tpu.memory_space<semaphore_mem>>)
        %dma_wait3A_96 = arith.constant 0 : i32
        %dma_wait3A_97 = arith.constant 0 : i32
        %dma_wait3A_98 = tpu.memref_slice %arg5[%scan3A_57, %dma_wait3A_96, %dma_wait3A_97] : memref<2x2x128xi32, #tpu.memory_space<vmem>> -> memref<1x2x128xi32, #tpu.memory_space<vmem>>
        %dma_wait3A_99 = tpu.memref_squeeze %dma_wait3A_98 : memref<1x2x128xi32, #tpu.memory_space<vmem>> -> memref<2x128xi32, #tpu.memory_space<vmem>>
        %dma_wait3A_100 = arith.constant 0 : i32
        %dma_wait3A_101 = tpu.memref_slice %dma_wait3A_99[%scan3A_58, %dma_wait3A_100] : memref<2x128xi32, #tpu.memory_space<vmem>> -> memref<1x128xi32, #tpu.memory_space<vmem>>
        %dma_wait3A_102 = tpu.memref_squeeze %dma_wait3A_101 : memref<1x128xi32, #tpu.memory_space<vmem>> -> memref<128xi32, #tpu.memory_space<vmem>>
        %dma_wait3A_103 = arith.constant 0 : i32
        %dma_wait3A_104 = arith.constant 0 : i32
        %dma_wait3A_105 = tpu.memref_slice %arg2[%dma_wait3A_103, %dma_wait3A_104] : memref<10000x128xf32, #tpu.memory_space<hbm>> -> memref<10000x128xf32, #tpu.memory_space<hbm>>
        tpu.wait_indirect_dma semaphore(%arg9 : memref<!tpu.dma_semaphore, #tpu.memory_space<semaphore_mem>>) src(%dma_wait3A_105 : memref<10000x128xf32, #tpu.memory_space<hbm>>) dst(%arg6 : memref<128x128xf32, #tpu.memory_space<vmem>>)
        %run_scoped3A_106 = arith.constant 0 : i32
        %run_scoped3A_107 = arith.constant 1 : i32
        "tpu.region"() ({
          %run_scoped3A_137 = tpu.sem_alloc : memref<!tpu.dma_semaphore, #tpu.memory_space<semaphore_mem>>
          %dma_start3A_138 = arith.constant 0 : i32
          %dma_start3A_139 = arith.constant 0 : i32
          %dma_start3A_140 = tpu.memref_slice %arg5[%run_scoped3A_106, %dma_start3A_138, %dma_start3A_139] : memref<2x2x128xi32, #tpu.memory_space<vmem>> -> memref<1x2x128xi32, #tpu.memory_space<vmem>>
          %dma_start3A_141 = tpu.memref_squeeze %dma_start3A_140 : memref<1x2x128xi32, #tpu.memory_space<vmem>> -> memref<2x128xi32, #tpu.memory_space<vmem>>
          %dma_start3A_142 = arith.constant 0 : i32
          %dma_start3A_143 = tpu.memref_slice %dma_start3A_141[%run_scoped3A_107, %dma_start3A_142] : memref<2x128xi32, #tpu.memory_space<vmem>> -> memref<1x128xi32, #tpu.memory_space<vmem>>
          %dma_start3A_144 = tpu.memref_squeeze %dma_start3A_143 : memref<1x128xi32, #tpu.memory_space<vmem>> -> memref<128xi32, #tpu.memory_space<vmem>>
          %dma_start3A_145 = arith.constant 0 : i32
          %dma_start3A_146 = arith.constant 0 : i32
          %dma_start3A_147 = tpu.memref_slice %arg8[%dma_start3A_145, %dma_start3A_146] : memref<10240x128xf32, #tpu.memory_space<vmem_shared>> -> memref<10240x128xf32, #tpu.memory_space<vmem_shared>>
          tpu.enqueue_indirect_dma source(%arg6 : memref<128x128xf32, #tpu.memory_space<vmem>>) target(%dma_start3A_147 : memref<10240x128xf32, #tpu.memory_space<vmem_shared>>) offsets(%dma_start3A_144 : memref<128xi32, #tpu.memory_space<vmem>>) semaphore(%run_scoped3A_137 : memref<!tpu.dma_semaphore, #tpu.memory_space<semaphore_mem>>) {add = true}
          %dma_wait3A_148 = arith.constant 0 : i32
          %dma_wait3A_149 = arith.constant 0 : i32
          %dma_wait3A_150 = tpu.memref_slice %arg5[%run_scoped3A_106, %dma_wait3A_148, %dma_wait3A_149] : memref<2x2x128xi32, #tpu.memory_space<vmem>> -> memref<1x2x128xi32, #tpu.memory_space<vmem>>
          %dma_wait3A_151 = tpu.memref_squeeze %dma_wait3A_150 : memref<1x2x128xi32, #tpu.memory_space<vmem>> -> memref<2x128xi32, #tpu.memory_space<vmem>>
          %dma_wait3A_152 = arith.constant 0 : i32
          %dma_wait3A_153 = tpu.memref_slice %dma_wait3A_151[%run_scoped3A_107, %dma_wait3A_152] : memref<2x128xi32, #tpu.memory_space<vmem>> -> memref<1x128xi32, #tpu.memory_space<vmem>>
          %dma_wait3A_154 = tpu.memref_squeeze %dma_wait3A_153 : memref<1x128xi32, #tpu.memory_space<vmem>> -> memref<128xi32, #tpu.memory_space<vmem>>
          %dma_wait3A_155 = arith.constant 0 : i32
          %dma_wait3A_156 = arith.constant 0 : i32
          %dma_wait3A_157 = tpu.memref_slice %arg8[%dma_wait3A_155, %dma_wait3A_156] : memref<10240x128xf32, #tpu.memory_space<vmem_shared>> -> memref<10240x128xf32, #tpu.memory_space<vmem_shared>>
          tpu.wait_indirect_dma semaphore(%run_scoped3A_137 : memref<!tpu.dma_semaphore, #tpu.memory_space<semaphore_mem>>) src(%arg6 : memref<128x128xf32, #tpu.memory_space<vmem>>) dst(%dma_wait3A_157 : memref<10240x128xf32, #tpu.memory_space<vmem_shared>>)
          tpu.yield
        }) : () -> ()
        %add3A_108 = arith.constant 2 : i32
        %add3A_109 = arith.addi %add3A_80, %add3A_108 : i32
        %run_scoped3A_110 = arith.constant 0 : i32
        "tpu.region"() ({
          %run_scoped3A_137 = tpu.sem_alloc : memref<!tpu.dma_semaphore, #tpu.memory_space<semaphore_mem>>
          %dma_start3A_138 = arith.constant 0 : i32
          %dma_start3A_139 = arith.constant 0 : i32
          %dma_start3A_140 = tpu.memref_slice %arg5[%run_scoped3A_110, %dma_start3A_138, %dma_start3A_139] : memref<2x2x128xi32, #tpu.memory_space<vmem>> -> memref<1x2x128xi32, #tpu.memory_space<vmem>>
          %dma_start3A_141 = tpu.memref_squeeze %dma_start3A_140 : memref<1x2x128xi32, #tpu.memory_space<vmem>> -> memref<2x128xi32, #tpu.memory_space<vmem>>
          %dma_start3A_142 = arith.constant 0 : i32
          %dma_start3A_143 = arith.constant 0 : i32
          %dma_start3A_144 = tpu.memref_slice %arg3[%add3A_109, %dma_start3A_142, %dma_start3A_143] : memref<2528x2x128xi32, #tpu.memory_space<hbm>> -> memref<1x2x128xi32, #tpu.memory_space<hbm>>
          %dma_start3A_145 = tpu.memref_squeeze %dma_start3A_144 : memref<1x2x128xi32, #tpu.memory_space<hbm>> -> memref<2x128xi32, #tpu.memory_space<hbm>>
          %dma_start3A_146 = arith.constant 0 : i32
          %dma_start3A_147 = arith.constant 0 : i32
          %dma_start3A_148 = tpu.memref_slice %arg5[%run_scoped3A_110, %dma_start3A_146, %dma_start3A_147] : memref<2x2x128xi32, #tpu.memory_space<vmem>> -> memref<1x2x128xi32, #tpu.memory_space<vmem>>
          %dma_start3A_149 = tpu.memref_squeeze %dma_start3A_148 : memref<1x2x128xi32, #tpu.memory_space<vmem>> -> memref<2x128xi32, #tpu.memory_space<vmem>>
          %dma_start3A_150 = arith.constant 0 : i32
          %dma_start3A_151 = arith.constant 0 : i32
          %dma_start3A_152 = tpu.memref_slice %arg3[%add3A_109, %dma_start3A_150, %dma_start3A_151] : memref<2528x2x128xi32, #tpu.memory_space<hbm>> -> memref<1x2x128xi32, #tpu.memory_space<hbm>>
          %dma_start3A_153 = tpu.memref_squeeze %dma_start3A_152 : memref<1x2x128xi32, #tpu.memory_space<hbm>> -> memref<2x128xi32, #tpu.memory_space<hbm>>
          tpu.enqueue_dma source(%dma_start3A_153 : memref<2x128xi32, #tpu.memory_space<hbm>>) target(%dma_start3A_149 : memref<2x128xi32, #tpu.memory_space<vmem>>) target_semaphore(%run_scoped3A_137 : memref<!tpu.dma_semaphore, #tpu.memory_space<semaphore_mem>>)
          %dma_wait3A_154 = arith.constant 0 : i32
          %dma_wait3A_155 = arith.constant 0 : i32
          %dma_wait3A_156 = tpu.memref_slice %arg5[%run_scoped3A_110, %dma_wait3A_154, %dma_wait3A_155] : memref<2x2x128xi32, #tpu.memory_space<vmem>> -> memref<1x2x128xi32, #tpu.memory_space<vmem>>
          %dma_wait3A_157 = tpu.memref_squeeze %dma_wait3A_156 : memref<1x2x128xi32, #tpu.memory_space<vmem>> -> memref<2x128xi32, #tpu.memory_space<vmem>>
          %dma_wait3A_158 = arith.constant 0 : i32
          %dma_wait3A_159 = arith.constant 0 : i32
          %dma_wait3A_160 = tpu.memref_slice %arg3[%add3A_109, %dma_wait3A_158, %dma_wait3A_159] : memref<2528x2x128xi32, #tpu.memory_space<hbm>> -> memref<1x2x128xi32, #tpu.memory_space<hbm>>
          %dma_wait3A_161 = tpu.memref_squeeze %dma_wait3A_160 : memref<1x2x128xi32, #tpu.memory_space<hbm>> -> memref<2x128xi32, #tpu.memory_space<hbm>>
          %dma_wait3A_162 = arith.constant 0 : i32
          %dma_wait3A_163 = arith.constant 0 : i32
          %dma_wait3A_164 = tpu.memref_slice %arg5[%run_scoped3A_110, %dma_wait3A_162, %dma_wait3A_163] : memref<2x2x128xi32, #tpu.memory_space<vmem>> -> memref<1x2x128xi32, #tpu.memory_space<vmem>>
          %dma_wait3A_165 = tpu.memref_squeeze %dma_wait3A_164 : memref<1x2x128xi32, #tpu.memory_space<vmem>> -> memref<2x128xi32, #tpu.memory_space<vmem>>
          %dma_wait3A_166 = arith.constant 0 : i32
          %dma_wait3A_167 = arith.constant 0 : i32
          %dma_wait3A_168 = tpu.memref_slice %arg3[%add3A_109, %dma_wait3A_166, %dma_wait3A_167] : memref<2528x2x128xi32, #tpu.memory_space<hbm>> -> memref<1x2x128xi32, #tpu.memory_space<hbm>>
          %dma_wait3A_169 = tpu.memref_squeeze %dma_wait3A_168 : memref<1x2x128xi32, #tpu.memory_space<hbm>> -> memref<2x128xi32, #tpu.memory_space<hbm>>
          tpu.wait_dma2 semaphore(%run_scoped3A_137 : memref<!tpu.dma_semaphore, #tpu.memory_space<semaphore_mem>>) src(%dma_wait3A_169 : memref<2x128xi32, #tpu.memory_space<hbm>>) dst(%dma_wait3A_165 : memref<2x128xi32, #tpu.memory_space<vmem>>)
          tpu.yield
        }) : () -> ()
        %dma_start3A_111 = arith.constant 0 : i32
        %dma_start3A_112 = arith.constant 0 : i32
        %dma_start3A_113 = arith.constant 0 : i32
        %dma_start3A_114 = arith.constant 0 : i32
        %dma_start3A_115 = tpu.memref_slice %arg5[%dma_start3A_111, %dma_start3A_113, %dma_start3A_114] : memref<2x2x128xi32, #tpu.memory_space<vmem>> -> memref<1x2x128xi32, #tpu.memory_space<vmem>>
        %dma_start3A_116 = tpu.memref_squeeze %dma_start3A_115 : memref<1x2x128xi32, #tpu.memory_space<vmem>> -> memref<2x128xi32, #tpu.memory_space<vmem>>
        %dma_start3A_117 = arith.constant 0 : i32
        %dma_start3A_118 = tpu.memref_slice %dma_start3A_116[%dma_start3A_112, %dma_start3A_117] : memref<2x128xi32, #tpu.memory_space<vmem>> -> memref<1x128xi32, #tpu.memory_space<vmem>>
        %dma_start3A_119 = tpu.memref_squeeze %dma_start3A_118 : memref<1x128xi32, #tpu.memory_space<vmem>> -> memref<128xi32, #tpu.memory_space<vmem>>
        %dma_start3A_120 = arith.constant 0 : i32
        %dma_start3A_121 = arith.constant 0 : i32
        %dma_start3A_122 = tpu.memref_slice %arg2[%dma_start3A_120, %dma_start3A_121] : memref<10000x128xf32, #tpu.memory_space<hbm>> -> memref<10000x128xf32, #tpu.memory_space<hbm>>
        tpu.enqueue_indirect_dma source(%dma_start3A_122 : memref<10000x128xf32, #tpu.memory_space<hbm>>) target(%arg6 : memref<128x128xf32, #tpu.memory_space<vmem>>) offsets(%dma_start3A_119 : memref<128xi32, #tpu.memory_space<vmem>>) semaphore(%arg9 : memref<!tpu.dma_semaphore, #tpu.memory_space<semaphore_mem>>)
        %dma_wait3A_123 = arith.constant 1 : i32
        %dma_wait3A_124 = arith.constant 0 : i32
        %dma_wait3A_125 = arith.constant 0 : i32
        %dma_wait3A_126 = arith.constant 0 : i32
        %dma_wait3A_127 = tpu.memref_slice %arg5[%dma_wait3A_123, %dma_wait3A_125, %dma_wait3A_126] : memref<2x2x128xi32, #tpu.memory_space<vmem>> -> memref<1x2x128xi32, #tpu.memory_space<vmem>>
        %dma_wait3A_128 = tpu.memref_squeeze %dma_wait3A_127 : memref<1x2x128xi32, #tpu.memory_space<vmem>> -> memref<2x128xi32, #tpu.memory_space<vmem>>
        %dma_wait3A_129 = arith.constant 0 : i32
        %dma_wait3A_130 = tpu.memref_slice %dma_wait3A_128[%dma_wait3A_124, %dma_wait3A_129] : memref<2x128xi32, #tpu.memory_space<vmem>> -> memref<1x128xi32, #tpu.memory_space<vmem>>
        %dma_wait3A_131 = tpu.memref_squeeze %dma_wait3A_130 : memref<1x128xi32, #tpu.memory_space<vmem>> -> memref<128xi32, #tpu.memory_space<vmem>>
        %dma_wait3A_132 = arith.constant 0 : i32
        %dma_wait3A_133 = arith.constant 0 : i32
        %dma_wait3A_134 = tpu.memref_slice %arg2[%dma_wait3A_132, %dma_wait3A_133] : memref<10000x128xf32, #tpu.memory_space<hbm>> -> memref<10000x128xf32, #tpu.memory_space<hbm>>
        tpu.wait_indirect_dma semaphore(%arg10 : memref<!tpu.dma_semaphore, #tpu.memory_space<semaphore_mem>>) src(%dma_wait3A_134 : memref<10000x128xf32, #tpu.memory_space<hbm>>) dst(%arg7 : memref<128x128xf32, #tpu.memory_space<vmem>>)
        %run_scoped3A_135 = arith.constant 1 : i32
        %run_scoped3A_136 = arith.constant 1 : i32
        "tpu.region"() ({
          %run_scoped3A_137 = tpu.sem_alloc : memref<!tpu.dma_semaphore, #tpu.memory_space<semaphore_mem>>
          %dma_start3A_138 = arith.constant 0 : i32
          %dma_start3A_139 = arith.constant 0 : i32
          %dma_start3A_140 = tpu.memref_slice %arg5[%run_scoped3A_135, %dma_start3A_138, %dma_start3A_139] : memref<2x2x128xi32, #tpu.memory_space<vmem>> -> memref<1x2x128xi32, #tpu.memory_space<vmem>>
          %dma_start3A_141 = tpu.memref_squeeze %dma_start3A_140 : memref<1x2x128xi32, #tpu.memory_space<vmem>> -> memref<2x128xi32, #tpu.memory_space<vmem>>
          %dma_start3A_142 = arith.constant 0 : i32
          %dma_start3A_143 = tpu.memref_slice %dma_start3A_141[%run_scoped3A_136, %dma_start3A_142] : memref<2x128xi32, #tpu.memory_space<vmem>> -> memref<1x128xi32, #tpu.memory_space<vmem>>
          %dma_start3A_144 = tpu.memref_squeeze %dma_start3A_143 : memref<1x128xi32, #tpu.memory_space<vmem>> -> memref<128xi32, #tpu.memory_space<vmem>>
          %dma_start3A_145 = arith.constant 0 : i32
          %dma_start3A_146 = arith.constant 0 : i32
          %dma_start3A_147 = tpu.memref_slice %arg8[%dma_start3A_145, %dma_start3A_146] : memref<10240x128xf32, #tpu.memory_space<vmem_shared>> -> memref<10240x128xf32, #tpu.memory_space<vmem_shared>>
          tpu.enqueue_indirect_dma source(%arg7 : memref<128x128xf32, #tpu.memory_space<vmem>>) target(%dma_start3A_147 : memref<10240x128xf32, #tpu.memory_space<vmem_shared>>) offsets(%dma_start3A_144 : memref<128xi32, #tpu.memory_space<vmem>>) semaphore(%run_scoped3A_137 : memref<!tpu.dma_semaphore, #tpu.memory_space<semaphore_mem>>) {add = true}
          %dma_wait3A_148 = arith.constant 0 : i32
          %dma_wait3A_149 = arith.constant 0 : i32
          %dma_wait3A_150 = tpu.memref_slice %arg5[%run_scoped3A_135, %dma_wait3A_148, %dma_wait3A_149] : memref<2x2x128xi32, #tpu.memory_space<vmem>> -> memref<1x2x128xi32, #tpu.memory_space<vmem>>
          %dma_wait3A_151 = tpu.memref_squeeze %dma_wait3A_150 : memref<1x2x128xi32, #tpu.memory_space<vmem>> -> memref<2x128xi32, #tpu.memory_space<vmem>>
          %dma_wait3A_152 = arith.constant 0 : i32
          %dma_wait3A_153 = tpu.memref_slice %dma_wait3A_151[%run_scoped3A_136, %dma_wait3A_152] : memref<2x128xi32, #tpu.memory_space<vmem>> -> memref<1x128xi32, #tpu.memory_space<vmem>>
          %dma_wait3A_154 = tpu.memref_squeeze %dma_wait3A_153 : memref<1x128xi32, #tpu.memory_space<vmem>> -> memref<128xi32, #tpu.memory_space<vmem>>
          %dma_wait3A_155 = arith.constant 0 : i32
          %dma_wait3A_156 = arith.constant 0 : i32
          %dma_wait3A_157 = tpu.memref_slice %arg8[%dma_wait3A_155, %dma_wait3A_156] : memref<10240x128xf32, #tpu.memory_space<vmem_shared>> -> memref<10240x128xf32, #tpu.memory_space<vmem_shared>>
          tpu.wait_indirect_dma semaphore(%run_scoped3A_137 : memref<!tpu.dma_semaphore, #tpu.memory_space<semaphore_mem>>) src(%arg7 : memref<128x128xf32, #tpu.memory_space<vmem>>) dst(%dma_wait3A_157 : memref<10240x128xf32, #tpu.memory_space<vmem_shared>>)
          tpu.yield
        }) : () -> ()
      }
      %scan3A_63 = arith.constant 13 : i32
      %dma_wait3A = arith.constant 0 : i32
      %dma_wait3A_64 = arith.constant 0 : i32
      %dma_wait3A_65 = arith.constant 0 : i32
      %dma_wait3A_66 = arith.constant 0 : i32
      %dma_wait3A_67 = tpu.memref_slice %arg5[%dma_wait3A, %dma_wait3A_65, %dma_wait3A_66] : memref<2x2x128xi32, #tpu.memory_space<vmem>> -> memref<1x2x128xi32, #tpu.memory_space<vmem>>
      %dma_wait3A_68 = tpu.memref_squeeze %dma_wait3A_67 : memref<1x2x128xi32, #tpu.memory_space<vmem>> -> memref<2x128xi32, #tpu.memory_space<vmem>>
      %dma_wait3A_69 = arith.constant 0 : i32
      %dma_wait3A_70 = tpu.memref_slice %dma_wait3A_68[%dma_wait3A_64, %dma_wait3A_69] : memref<2x128xi32, #tpu.memory_space<vmem>> -> memref<1x128xi32, #tpu.memory_space<vmem>>
      %dma_wait3A_71 = tpu.memref_squeeze %dma_wait3A_70 : memref<1x128xi32, #tpu.memory_space<vmem>> -> memref<128xi32, #tpu.memory_space<vmem>>
      %dma_wait3A_72 = arith.constant 0 : i32
      %dma_wait3A_73 = arith.constant 0 : i32
      %dma_wait3A_74 = tpu.memref_slice %arg2[%dma_wait3A_72, %dma_wait3A_73] : memref<10000x128xf32, #tpu.memory_space<hbm>> -> memref<10000x128xf32, #tpu.memory_space<hbm>>
      tpu.wait_indirect_dma semaphore(%arg9 : memref<!tpu.dma_semaphore, #tpu.memory_space<semaphore_mem>>) src(%dma_wait3A_74 : memref<10000x128xf32, #tpu.memory_space<hbm>>) dst(%arg6 : memref<128x128xf32, #tpu.memory_space<vmem>>)
      %run_scoped3A_75 = arith.constant 0 : i32
      %run_scoped3A_76 = arith.constant 1 : i32
      "tpu.region"() ({
        %run_scoped3A_77 = tpu.sem_alloc : memref<!tpu.dma_semaphore, #tpu.memory_space<semaphore_mem>>
        %dma_start3A_78 = arith.constant 0 : i32
        %dma_start3A_79 = arith.constant 0 : i32
        %dma_start3A_80 = tpu.memref_slice %arg5[%run_scoped3A_75, %dma_start3A_78, %dma_start3A_79] : memref<2x2x128xi32, #tpu.memory_space<vmem>> -> memref<1x2x128xi32, #tpu.memory_space<vmem>>
        %dma_start3A_81 = tpu.memref_squeeze %dma_start3A_80 : memref<1x2x128xi32, #tpu.memory_space<vmem>> -> memref<2x128xi32, #tpu.memory_space<vmem>>
        %dma_start3A_82 = arith.constant 0 : i32
        %dma_start3A_83 = tpu.memref_slice %dma_start3A_81[%run_scoped3A_76, %dma_start3A_82] : memref<2x128xi32, #tpu.memory_space<vmem>> -> memref<1x128xi32, #tpu.memory_space<vmem>>
        %dma_start3A_84 = tpu.memref_squeeze %dma_start3A_83 : memref<1x128xi32, #tpu.memory_space<vmem>> -> memref<128xi32, #tpu.memory_space<vmem>>
        %dma_start3A_85 = arith.constant 0 : i32
        %dma_start3A_86 = arith.constant 0 : i32
        %dma_start3A_87 = tpu.memref_slice %arg8[%dma_start3A_85, %dma_start3A_86] : memref<10240x128xf32, #tpu.memory_space<vmem_shared>> -> memref<10240x128xf32, #tpu.memory_space<vmem_shared>>
        tpu.enqueue_indirect_dma source(%arg6 : memref<128x128xf32, #tpu.memory_space<vmem>>) target(%dma_start3A_87 : memref<10240x128xf32, #tpu.memory_space<vmem_shared>>) offsets(%dma_start3A_84 : memref<128xi32, #tpu.memory_space<vmem>>) semaphore(%run_scoped3A_77 : memref<!tpu.dma_semaphore, #tpu.memory_space<semaphore_mem>>) {add = true}
        %dma_wait3A_88 = arith.constant 0 : i32
        %dma_wait3A_89 = arith.constant 0 : i32
        %dma_wait3A_90 = tpu.memref_slice %arg5[%run_scoped3A_75, %dma_wait3A_88, %dma_wait3A_89] : memref<2x2x128xi32, #tpu.memory_space<vmem>> -> memref<1x2x128xi32, #tpu.memory_space<vmem>>
        %dma_wait3A_91 = tpu.memref_squeeze %dma_wait3A_90 : memref<1x2x128xi32, #tpu.memory_space<vmem>> -> memref<2x128xi32, #tpu.memory_space<vmem>>
        %dma_wait3A_92 = arith.constant 0 : i32
        %dma_wait3A_93 = tpu.memref_slice %dma_wait3A_91[%run_scoped3A_76, %dma_wait3A_92] : memref<2x128xi32, #tpu.memory_space<vmem>> -> memref<1x128xi32, #tpu.memory_space<vmem>>
        %dma_wait3A_94 = tpu.memref_squeeze %dma_wait3A_93 : memref<1x128xi32, #tpu.memory_space<vmem>> -> memref<128xi32, #tpu.memory_space<vmem>>
        %dma_wait3A_95 = arith.constant 0 : i32
        %dma_wait3A_96 = arith.constant 0 : i32
        %dma_wait3A_97 = tpu.memref_slice %arg8[%dma_wait3A_95, %dma_wait3A_96] : memref<10240x128xf32, #tpu.memory_space<vmem_shared>> -> memref<10240x128xf32, #tpu.memory_space<vmem_shared>>
        tpu.wait_indirect_dma semaphore(%run_scoped3A_77 : memref<!tpu.dma_semaphore, #tpu.memory_space<semaphore_mem>>) src(%arg6 : memref<128x128xf32, #tpu.memory_space<vmem>>) dst(%dma_wait3A_97 : memref<10240x128xf32, #tpu.memory_space<vmem_shared>>)
        tpu.yield
      }) : () -> ()
    }
    %barrier3A_20 = arith.constant 0 : index
    tpu.barrier barrier_id(%barrier3A_20)
    %add3A_21 = arith.constant 0 : i32
    %add3A_22 = arith.addi %mul3A_2, %add3A_21 : i32
    "tpu.region"() ({
      %run_scoped3A = tpu.sem_alloc : memref<!tpu.dma_semaphore, #tpu.memory_space<semaphore_mem>>
      %dma_start3A = arith.constant 0 : i32
      %dma_start3A_41 = tpu.memref_slice %arg8[%add3A_22, %dma_start3A] : memref<10240x128xf32, #tpu.memory_space<vmem_shared>> -> memref<128x128xf32, #tpu.memory_space<vmem_shared>>
      %dma_start3A_42 = arith.constant 0 : i32
      %dma_start3A_43 = tpu.memref_slice %arg8[%add3A_22, %dma_start3A_42] : memref<10240x128xf32, #tpu.memory_space<vmem_shared>> -> memref<128x128xf32, #tpu.memory_space<vmem_shared>>
      tpu.enqueue_dma source(%dma_start3A_43 : memref<128x128xf32, #tpu.memory_space<vmem_shared>>) target(%arg6 : memref<128x128xf32, #tpu.memory_space<vmem>>) target_semaphore(%run_scoped3A : memref<!tpu.dma_semaphore, #tpu.memory_space<semaphore_mem>>)
      %dma_wait3A = arith.constant 0 : i32
      %dma_wait3A_44 = tpu.memref_slice %arg8[%add3A_22, %dma_wait3A] : memref<10240x128xf32, #tpu.memory_space<vmem_shared>> -> memref<128x128xf32, #tpu.memory_space<vmem_shared>>
      %dma_wait3A_45 = arith.constant 0 : i32
      %dma_wait3A_46 = tpu.memref_slice %arg8[%add3A_22, %dma_wait3A_45] : memref<10240x128xf32, #tpu.memory_space<vmem_shared>> -> memref<128x128xf32, #tpu.memory_space<vmem_shared>>
      tpu.wait_dma2 semaphore(%run_scoped3A : memref<!tpu.dma_semaphore, #tpu.memory_space<semaphore_mem>>) src(%dma_wait3A_46 : memref<128x128xf32, #tpu.memory_space<vmem_shared>>) dst(%arg6 : memref<128x128xf32, #tpu.memory_space<vmem>>)
      tpu.yield
    }) : () -> ()
    %add3A_23 = arith.constant 0 : i32
    %add3A_24 = arith.addi %mul3A_2, %add3A_23 : i32
    "tpu.region"() ({
      %run_scoped3A = tpu.sem_alloc : memref<!tpu.dma_semaphore, #tpu.memory_space<semaphore_mem>>
      %dma_start3A = arith.constant 0 : i32
      %dma_start3A_41 = tpu.memref_slice %arg4[%arg0, %add3A_24, %dma_start3A] : memref<2x10240x128xf32, #tpu.memory_space<hbm>> -> memref<1x128x128xf32, #tpu.memory_space<hbm>>
      %dma_start3A_42 = tpu.memref_squeeze %dma_start3A_41 : memref<1x128x128xf32, #tpu.memory_space<hbm>> -> memref<128x128xf32, #tpu.memory_space<hbm>>
      %dma_start3A_43 = arith.constant 0 : i32
      %dma_start3A_44 = tpu.memref_slice %arg4[%arg0, %add3A_24, %dma_start3A_43] : memref<2x10240x128xf32, #tpu.memory_space<hbm>> -> memref<1x128x128xf32, #tpu.memory_space<hbm>>
      %dma_start3A_45 = tpu.memref_squeeze %dma_start3A_44 : memref<1x128x128xf32, #tpu.memory_space<hbm>> -> memref<128x128xf32, #tpu.memory_space<hbm>>
      tpu.enqueue_dma source(%arg6 : memref<128x128xf32, #tpu.memory_space<vmem>>) target(%dma_start3A_45 : memref<128x128xf32, #tpu.memory_space<hbm>>) target_semaphore(%run_scoped3A : memref<!tpu.dma_semaphore, #tpu.memory_space<semaphore_mem>>)
      %dma_wait3A = arith.constant 0 : i32
      %dma_wait3A_46 = tpu.memref_slice %arg4[%arg0, %add3A_24, %dma_wait3A] : memref<2x10240x128xf32, #tpu.memory_space<hbm>> -> memref<1x128x128xf32, #tpu.memory_space<hbm>>
      %dma_wait3A_47 = tpu.memref_squeeze %dma_wait3A_46 : memref<1x128x128xf32, #tpu.memory_space<hbm>> -> memref<128x128xf32, #tpu.memory_space<hbm>>
      %dma_wait3A_48 = arith.constant 0 : i32
      %dma_wait3A_49 = tpu.memref_slice %arg4[%arg0, %add3A_24, %dma_wait3A_48] : memref<2x10240x128xf32, #tpu.memory_space<hbm>> -> memref<1x128x128xf32, #tpu.memory_space<hbm>>
      %dma_wait3A_50 = tpu.memref_squeeze %dma_wait3A_49 : memref<1x128x128xf32, #tpu.memory_space<hbm>> -> memref<128x128xf32, #tpu.memory_space<hbm>>
      tpu.wait_dma2 semaphore(%run_scoped3A : memref<!tpu.dma_semaphore, #tpu.memory_space<semaphore_mem>>) src(%arg6 : memref<128x128xf32, #tpu.memory_space<vmem>>) dst(%dma_wait3A_50 : memref<128x128xf32, #tpu.memory_space<hbm>>)
      tpu.yield
    }) : () -> ()
    %add3A_25 = arith.constant 128 : i32
    %add3A_26 = arith.addi %mul3A_2, %add3A_25 : i32
    "tpu.region"() ({
      %run_scoped3A = tpu.sem_alloc : memref<!tpu.dma_semaphore, #tpu.memory_space<semaphore_mem>>
      %dma_start3A = arith.constant 0 : i32
      %dma_start3A_41 = tpu.memref_slice %arg8[%add3A_26, %dma_start3A] : memref<10240x128xf32, #tpu.memory_space<vmem_shared>> -> memref<128x128xf32, #tpu.memory_space<vmem_shared>>
      %dma_start3A_42 = arith.constant 0 : i32
      %dma_start3A_43 = tpu.memref_slice %arg8[%add3A_26, %dma_start3A_42] : memref<10240x128xf32, #tpu.memory_space<vmem_shared>> -> memref<128x128xf32, #tpu.memory_space<vmem_shared>>
      tpu.enqueue_dma source(%dma_start3A_43 : memref<128x128xf32, #tpu.memory_space<vmem_shared>>) target(%arg6 : memref<128x128xf32, #tpu.memory_space<vmem>>) target_semaphore(%run_scoped3A : memref<!tpu.dma_semaphore, #tpu.memory_space<semaphore_mem>>)
      %dma_wait3A = arith.constant 0 : i32
      %dma_wait3A_44 = tpu.memref_slice %arg8[%add3A_26, %dma_wait3A] : memref<10240x128xf32, #tpu.memory_space<vmem_shared>> -> memref<128x128xf32, #tpu.memory_space<vmem_shared>>
      %dma_wait3A_45 = arith.constant 0 : i32
      %dma_wait3A_46 = tpu.memref_slice %arg8[%add3A_26, %dma_wait3A_45] : memref<10240x128xf32, #tpu.memory_space<vmem_shared>> -> memref<128x128xf32, #tpu.memory_space<vmem_shared>>
      tpu.wait_dma2 semaphore(%run_scoped3A : memref<!tpu.dma_semaphore, #tpu.memory_space<semaphore_mem>>) src(%dma_wait3A_46 : memref<128x128xf32, #tpu.memory_space<vmem_shared>>) dst(%arg6 : memref<128x128xf32, #tpu.memory_space<vmem>>)
      tpu.yield
    }) : () -> ()
    %add3A_27 = arith.constant 128 : i32
    %add3A_28 = arith.addi %mul3A_2, %add3A_27 : i32
    "tpu.region"() ({
      %run_scoped3A = tpu.sem_alloc : memref<!tpu.dma_semaphore, #tpu.memory_space<semaphore_mem>>
      %dma_start3A = arith.constant 0 : i32
      %dma_start3A_41 = tpu.memref_slice %arg4[%arg0, %add3A_28, %dma_start3A] : memref<2x10240x128xf32, #tpu.memory_space<hbm>> -> memref<1x128x128xf32, #tpu.memory_space<hbm>>
      %dma_start3A_42 = tpu.memref_squeeze %dma_start3A_41 : memref<1x128x128xf32, #tpu.memory_space<hbm>> -> memref<128x128xf32, #tpu.memory_space<hbm>>
      %dma_start3A_43 = arith.constant 0 : i32
      %dma_start3A_44 = tpu.memref_slice %arg4[%arg0, %add3A_28, %dma_start3A_43] : memref<2x10240x128xf32, #tpu.memory_space<hbm>> -> memref<1x128x128xf32, #tpu.memory_space<hbm>>
      %dma_start3A_45 = tpu.memref_squeeze %dma_start3A_44 : memref<1x128x128xf32, #tpu.memory_space<hbm>> -> memref<128x128xf32, #tpu.memory_space<hbm>>
      tpu.enqueue_dma source(%arg6 : memref<128x128xf32, #tpu.memory_space<vmem>>) target(%dma_start3A_45 : memref<128x128xf32, #tpu.memory_space<hbm>>) target_semaphore(%run_scoped3A : memref<!tpu.dma_semaphore, #tpu.memory_space<semaphore_mem>>)
      %dma_wait3A = arith.constant 0 : i32
      %dma_wait3A_46 = tpu.memref_slice %arg4[%arg0, %add3A_28, %dma_wait3A] : memref<2x10240x128xf32, #tpu.memory_space<hbm>> -> memref<1x128x128xf32, #tpu.memory_space<hbm>>
      %dma_wait3A_47 = tpu.memref_squeeze %dma_wait3A_46 : memref<1x128x128xf32, #tpu.memory_space<hbm>> -> memref<128x128xf32, #tpu.memory_space<hbm>>
      %dma_wait3A_48 = arith.constant 0 : i32
      %dma_wait3A_49 = tpu.memref_slice %arg4[%arg0, %add3A_28, %dma_wait3A_48] : memref<2x10240x128xf32, #tpu.memory_space<hbm>> -> memref<1x128x128xf32, #tpu.memory_space<hbm>>
      %dma_wait3A_50 = tpu.memref_squeeze %dma_wait3A_49 : memref<1x128x128xf32, #tpu.memory_space<hbm>> -> memref<128x128xf32, #tpu.memory_space<hbm>>
      tpu.wait_dma2 semaphore(%run_scoped3A : memref<!tpu.dma_semaphore, #tpu.memory_space<semaphore_mem>>) src(%arg6 : memref<128x128xf32, #tpu.memory_space<vmem>>) dst(%dma_wait3A_50 : memref<128x128xf32, #tpu.memory_space<hbm>>)
      tpu.yield
    }) : () -> ()
    %add3A_29 = arith.constant 256 : i32
    %add3A_30 = arith.addi %mul3A_2, %add3A_29 : i32
    "tpu.region"() ({
      %run_scoped3A = tpu.sem_alloc : memref<!tpu.dma_semaphore, #tpu.memory_space<semaphore_mem>>
      %dma_start3A = arith.constant 0 : i32
      %dma_start3A_41 = tpu.memref_slice %arg8[%add3A_30, %dma_start3A] : memref<10240x128xf32, #tpu.memory_space<vmem_shared>> -> memref<128x128xf32, #tpu.memory_space<vmem_shared>>
      %dma_start3A_42 = arith.constant 0 : i32
      %dma_start3A_43 = tpu.memref_slice %arg8[%add3A_30, %dma_start3A_42] : memref<10240x128xf32, #tpu.memory_space<vmem_shared>> -> memref<128x128xf32, #tpu.memory_space<vmem_shared>>
      tpu.enqueue_dma source(%dma_start3A_43 : memref<128x128xf32, #tpu.memory_space<vmem_shared>>) target(%arg6 : memref<128x128xf32, #tpu.memory_space<vmem>>) target_semaphore(%run_scoped3A : memref<!tpu.dma_semaphore, #tpu.memory_space<semaphore_mem>>)
      %dma_wait3A = arith.constant 0 : i32
      %dma_wait3A_44 = tpu.memref_slice %arg8[%add3A_30, %dma_wait3A] : memref<10240x128xf32, #tpu.memory_space<vmem_shared>> -> memref<128x128xf32, #tpu.memory_space<vmem_shared>>
      %dma_wait3A_45 = arith.constant 0 : i32
      %dma_wait3A_46 = tpu.memref_slice %arg8[%add3A_30, %dma_wait3A_45] : memref<10240x128xf32, #tpu.memory_space<vmem_shared>> -> memref<128x128xf32, #tpu.memory_space<vmem_shared>>
      tpu.wait_dma2 semaphore(%run_scoped3A : memref<!tpu.dma_semaphore, #tpu.memory_space<semaphore_mem>>) src(%dma_wait3A_46 : memref<128x128xf32, #tpu.memory_space<vmem_shared>>) dst(%arg6 : memref<128x128xf32, #tpu.memory_space<vmem>>)
      tpu.yield
    }) : () -> ()
    %add3A_31 = arith.constant 256 : i32
    %add3A_32 = arith.addi %mul3A_2, %add3A_31 : i32
    "tpu.region"() ({
      %run_scoped3A = tpu.sem_alloc : memref<!tpu.dma_semaphore, #tpu.memory_space<semaphore_mem>>
      %dma_start3A = arith.constant 0 : i32
      %dma_start3A_41 = tpu.memref_slice %arg4[%arg0, %add3A_32, %dma_start3A] : memref<2x10240x128xf32, #tpu.memory_space<hbm>> -> memref<1x128x128xf32, #tpu.memory_space<hbm>>
      %dma_start3A_42 = tpu.memref_squeeze %dma_start3A_41 : memref<1x128x128xf32, #tpu.memory_space<hbm>> -> memref<128x128xf32, #tpu.memory_space<hbm>>
      %dma_start3A_43 = arith.constant 0 : i32
      %dma_start3A_44 = tpu.memref_slice %arg4[%arg0, %add3A_32, %dma_start3A_43] : memref<2x10240x128xf32, #tpu.memory_space<hbm>> -> memref<1x128x128xf32, #tpu.memory_space<hbm>>
      %dma_start3A_45 = tpu.memref_squeeze %dma_start3A_44 : memref<1x128x128xf32, #tpu.memory_space<hbm>> -> memref<128x128xf32, #tpu.memory_space<hbm>>
      tpu.enqueue_dma source(%arg6 : memref<128x128xf32, #tpu.memory_space<vmem>>) target(%dma_start3A_45 : memref<128x128xf32, #tpu.memory_space<hbm>>) target_semaphore(%run_scoped3A : memref<!tpu.dma_semaphore, #tpu.memory_space<semaphore_mem>>)
      %dma_wait3A = arith.constant 0 : i32
      %dma_wait3A_46 = tpu.memref_slice %arg4[%arg0, %add3A_32, %dma_wait3A] : memref<2x10240x128xf32, #tpu.memory_space<hbm>> -> memref<1x128x128xf32, #tpu.memory_space<hbm>>
      %dma_wait3A_47 = tpu.memref_squeeze %dma_wait3A_46 : memref<1x128x128xf32, #tpu.memory_space<hbm>> -> memref<128x128xf32, #tpu.memory_space<hbm>>
      %dma_wait3A_48 = arith.constant 0 : i32
      %dma_wait3A_49 = tpu.memref_slice %arg4[%arg0, %add3A_32, %dma_wait3A_48] : memref<2x10240x128xf32, #tpu.memory_space<hbm>> -> memref<1x128x128xf32, #tpu.memory_space<hbm>>
      %dma_wait3A_50 = tpu.memref_squeeze %dma_wait3A_49 : memref<1x128x128xf32, #tpu.memory_space<hbm>> -> memref<128x128xf32, #tpu.memory_space<hbm>>
      tpu.wait_dma2 semaphore(%run_scoped3A : memref<!tpu.dma_semaphore, #tpu.memory_space<semaphore_mem>>) src(%arg6 : memref<128x128xf32, #tpu.memory_space<vmem>>) dst(%dma_wait3A_50 : memref<128x128xf32, #tpu.memory_space<hbm>>)
      tpu.yield
    }) : () -> ()
    %add3A_33 = arith.constant 384 : i32
    %add3A_34 = arith.addi %mul3A_2, %add3A_33 : i32
    "tpu.region"() ({
      %run_scoped3A = tpu.sem_alloc : memref<!tpu.dma_semaphore, #tpu.memory_space<semaphore_mem>>
      %dma_start3A = arith.constant 0 : i32
      %dma_start3A_41 = tpu.memref_slice %arg8[%add3A_34, %dma_start3A] : memref<10240x128xf32, #tpu.memory_space<vmem_shared>> -> memref<128x128xf32, #tpu.memory_space<vmem_shared>>
      %dma_start3A_42 = arith.constant 0 : i32
      %dma_start3A_43 = tpu.memref_slice %arg8[%add3A_34, %dma_start3A_42] : memref<10240x128xf32, #tpu.memory_space<vmem_shared>> -> memref<128x128xf32, #tpu.memory_space<vmem_shared>>
      tpu.enqueue_dma source(%dma_start3A_43 : memref<128x128xf32, #tpu.memory_space<vmem_shared>>) target(%arg6 : memref<128x128xf32, #tpu.memory_space<vmem>>) target_semaphore(%run_scoped3A : memref<!tpu.dma_semaphore, #tpu.memory_space<semaphore_mem>>)
      %dma_wait3A = arith.constant 0 : i32
      %dma_wait3A_44 = tpu.memref_slice %arg8[%add3A_34, %dma_wait3A] : memref<10240x128xf32, #tpu.memory_space<vmem_shared>> -> memref<128x128xf32, #tpu.memory_space<vmem_shared>>
      %dma_wait3A_45 = arith.constant 0 : i32
      %dma_wait3A_46 = tpu.memref_slice %arg8[%add3A_34, %dma_wait3A_45] : memref<10240x128xf32, #tpu.memory_space<vmem_shared>> -> memref<128x128xf32, #tpu.memory_space<vmem_shared>>
      tpu.wait_dma2 semaphore(%run_scoped3A : memref<!tpu.dma_semaphore, #tpu.memory_space<semaphore_mem>>) src(%dma_wait3A_46 : memref<128x128xf32, #tpu.memory_space<vmem_shared>>) dst(%arg6 : memref<128x128xf32, #tpu.memory_space<vmem>>)
      tpu.yield
    }) : () -> ()
    %add3A_35 = arith.constant 384 : i32
    %add3A_36 = arith.addi %mul3A_2, %add3A_35 : i32
    "tpu.region"() ({
      %run_scoped3A = tpu.sem_alloc : memref<!tpu.dma_semaphore, #tpu.memory_space<semaphore_mem>>
      %dma_start3A = arith.constant 0 : i32
      %dma_start3A_41 = tpu.memref_slice %arg4[%arg0, %add3A_36, %dma_start3A] : memref<2x10240x128xf32, #tpu.memory_space<hbm>> -> memref<1x128x128xf32, #tpu.memory_space<hbm>>
      %dma_start3A_42 = tpu.memref_squeeze %dma_start3A_41 : memref<1x128x128xf32, #tpu.memory_space<hbm>> -> memref<128x128xf32, #tpu.memory_space<hbm>>
      %dma_start3A_43 = arith.constant 0 : i32
      %dma_start3A_44 = tpu.memref_slice %arg4[%arg0, %add3A_36, %dma_start3A_43] : memref<2x10240x128xf32, #tpu.memory_space<hbm>> -> memref<1x128x128xf32, #tpu.memory_space<hbm>>
      %dma_start3A_45 = tpu.memref_squeeze %dma_start3A_44 : memref<1x128x128xf32, #tpu.memory_space<hbm>> -> memref<128x128xf32, #tpu.memory_space<hbm>>
      tpu.enqueue_dma source(%arg6 : memref<128x128xf32, #tpu.memory_space<vmem>>) target(%dma_start3A_45 : memref<128x128xf32, #tpu.memory_space<hbm>>) target_semaphore(%run_scoped3A : memref<!tpu.dma_semaphore, #tpu.memory_space<semaphore_mem>>)
      %dma_wait3A = arith.constant 0 : i32
      %dma_wait3A_46 = tpu.memref_slice %arg4[%arg0, %add3A_36, %dma_wait3A] : memref<2x10240x128xf32, #tpu.memory_space<hbm>> -> memref<1x128x128xf32, #tpu.memory_space<hbm>>
      %dma_wait3A_47 = tpu.memref_squeeze %dma_wait3A_46 : memref<1x128x128xf32, #tpu.memory_space<hbm>> -> memref<128x128xf32, #tpu.memory_space<hbm>>
      %dma_wait3A_48 = arith.constant 0 : i32
      %dma_wait3A_49 = tpu.memref_slice %arg4[%arg0, %add3A_36, %dma_wait3A_48] : memref<2x10240x128xf32, #tpu.memory_space<hbm>> -> memref<1x128x128xf32, #tpu.memory_space<hbm>>
      %dma_wait3A_50 = tpu.memref_squeeze %dma_wait3A_49 : memref<1x128x128xf32, #tpu.memory_space<hbm>> -> memref<128x128xf32, #tpu.memory_space<hbm>>
      tpu.wait_dma2 semaphore(%run_scoped3A : memref<!tpu.dma_semaphore, #tpu.memory_space<semaphore_mem>>) src(%arg6 : memref<128x128xf32, #tpu.memory_space<vmem>>) dst(%dma_wait3A_50 : memref<128x128xf32, #tpu.memory_space<hbm>>)
      tpu.yield
    }) : () -> ()
    %add3A_37 = arith.constant 512 : i32
    %add3A_38 = arith.addi %mul3A_2, %add3A_37 : i32
    "tpu.region"() ({
      %run_scoped3A = tpu.sem_alloc : memref<!tpu.dma_semaphore, #tpu.memory_space<semaphore_mem>>
      %dma_start3A = arith.constant 0 : i32
      %dma_start3A_41 = tpu.memref_slice %arg8[%add3A_38, %dma_start3A] : memref<10240x128xf32, #tpu.memory_space<vmem_shared>> -> memref<128x128xf32, #tpu.memory_space<vmem_shared>>
      %dma_start3A_42 = arith.constant 0 : i32
      %dma_start3A_43 = tpu.memref_slice %arg8[%add3A_38, %dma_start3A_42] : memref<10240x128xf32, #tpu.memory_space<vmem_shared>> -> memref<128x128xf32, #tpu.memory_space<vmem_shared>>
      tpu.enqueue_dma source(%dma_start3A_43 : memref<128x128xf32, #tpu.memory_space<vmem_shared>>) target(%arg6 : memref<128x128xf32, #tpu.memory_space<vmem>>) target_semaphore(%run_scoped3A : memref<!tpu.dma_semaphore, #tpu.memory_space<semaphore_mem>>)
      %dma_wait3A = arith.constant 0 : i32
      %dma_wait3A_44 = tpu.memref_slice %arg8[%add3A_38, %dma_wait3A] : memref<10240x128xf32, #tpu.memory_space<vmem_shared>> -> memref<128x128xf32, #tpu.memory_space<vmem_shared>>
      %dma_wait3A_45 = arith.constant 0 : i32
      %dma_wait3A_46 = tpu.memref_slice %arg8[%add3A_38, %dma_wait3A_45] : memref<10240x128xf32, #tpu.memory_space<vmem_shared>> -> memref<128x128xf32, #tpu.memory_space<vmem_shared>>
      tpu.wait_dma2 semaphore(%run_scoped3A : memref<!tpu.dma_semaphore, #tpu.memory_space<semaphore_mem>>) src(%dma_wait3A_46 : memref<128x128xf32, #tpu.memory_space<vmem_shared>>) dst(%arg6 : memref<128x128xf32, #tpu.memory_space<vmem>>)
      tpu.yield
    }) : () -> ()
    %add3A_39 = arith.constant 512 : i32
    %add3A_40 = arith.addi %mul3A_2, %add3A_39 : i32
    "tpu.region"() ({
      %run_scoped3A = tpu.sem_alloc : memref<!tpu.dma_semaphore, #tpu.memory_space<semaphore_mem>>
      %dma_start3A = arith.constant 0 : i32
      %dma_start3A_41 = tpu.memref_slice %arg4[%arg0, %add3A_40, %dma_start3A] : memref<2x10240x128xf32, #tpu.memory_space<hbm>> -> memref<1x128x128xf32, #tpu.memory_space<hbm>>
      %dma_start3A_42 = tpu.memref_squeeze %dma_start3A_41 : memref<1x128x128xf32, #tpu.memory_space<hbm>> -> memref<128x128xf32, #tpu.memory_space<hbm>>
      %dma_start3A_43 = arith.constant 0 : i32
      %dma_start3A_44 = tpu.memref_slice %arg4[%arg0, %add3A_40, %dma_start3A_43] : memref<2x10240x128xf32, #tpu.memory_space<hbm>> -> memref<1x128x128xf32, #tpu.memory_space<hbm>>
      %dma_start3A_45 = tpu.memref_squeeze %dma_start3A_44 : memref<1x128x128xf32, #tpu.memory_space<hbm>> -> memref<128x128xf32, #tpu.memory_space<hbm>>
      tpu.enqueue_dma source(%arg6 : memref<128x128xf32, #tpu.memory_space<vmem>>) target(%dma_start3A_45 : memref<128x128xf32, #tpu.memory_space<hbm>>) target_semaphore(%run_scoped3A : memref<!tpu.dma_semaphore, #tpu.memory_space<semaphore_mem>>)
      %dma_wait3A = arith.constant 0 : i32
      %dma_wait3A_46 = tpu.memref_slice %arg4[%arg0, %add3A_40, %dma_wait3A] : memref<2x10240x128xf32, #tpu.memory_space<hbm>> -> memref<1x128x128xf32, #tpu.memory_space<hbm>>
      %dma_wait3A_47 = tpu.memref_squeeze %dma_wait3A_46 : memref<1x128x128xf32, #tpu.memory_space<hbm>> -> memref<128x128xf32, #tpu.memory_space<hbm>>
      %dma_wait3A_48 = arith.constant 0 : i32
      %dma_wait3A_49 = tpu.memref_slice %arg4[%arg0, %add3A_40, %dma_wait3A_48] : memref<2x10240x128xf32, #tpu.memory_space<hbm>> -> memref<1x128x128xf32, #tpu.memory_space<hbm>>
      %dma_wait3A_50 = tpu.memref_squeeze %dma_wait3A_49 : memref<1x128x128xf32, #tpu.memory_space<hbm>> -> memref<128x128xf32, #tpu.memory_space<hbm>>
      tpu.wait_dma2 semaphore(%run_scoped3A : memref<!tpu.dma_semaphore, #tpu.memory_space<semaphore_mem>>) src(%arg6 : memref<128x128xf32, #tpu.memory_space<vmem>>) dst(%dma_wait3A_50 : memref<128x128xf32, #tpu.memory_space<hbm>>)
      tpu.yield
    }) : () -> ()
    return
  }
}

#map = affine_map<(d0, d1) -> (0)>
#map1 = affine_map<(d0, d1) -> (0, 0, 0)>
module attributes {stable_mosaic.version = 14 : i64} {
  func.func @deg(%arg0: i32, %arg1: i32, %arg2: memref<323584xi32, #tpu.memory_space<hbm>>, %arg3: memref<2x10240x128xf32, #tpu.memory_space<hbm>>, %arg4: memref<1x128xi32, #tpu.memory_space<vmem>>, %arg5: memref<128x128xf32, #tpu.memory_space<vmem>>, %arg6: memref<64x128xf32, #tpu.memory_space<vmem>>, %arg7: memref<10240x128xf32, #tpu.memory_space<vmem_shared>>) attributes {dimension_semantics = [#tpu.dimension_semantics<core_parallel>, #tpu.dimension_semantics<subcore_parallel>], iteration_bounds = array<i64: 2, 16>, scalar_prefetch = 0 : i64, scratch_operands = 4 : i64, tpu.core_type = #tpu.core_type<sc_vector_subcore>, window_params = [{transform_indices = #map}, {transform_indices = #map1}]} {
    %mul3A = arith.constant 16 : i32
    %mul3A_0 = arith.muli %arg0, %mul3A : i32
    %add3A = arith.addi %mul3A_0, %arg1 : i32
    %mul3A_1 = arith.constant 10 : i32
    %mul3A_2 = arith.muli %arg1, %mul3A_1 : i32
    %mul3A_3 = arith.constant 64 : i32
    %mul3A_4 = arith.muli %mul3A_2, %mul3A_3 : i32
    %broadcast_in_dim3A = arith.constant 0.000000e+00 : f32
    %broadcast_in_dim3A_5 = vector.broadcast %broadcast_in_dim3A : f32 to vector<16xf32>
    %broadcast_in_dim3A_6 = arith.constant 1.000000e+00 : f32
    %broadcast_in_dim3A_7 = vector.broadcast %broadcast_in_dim3A_6 : f32 to vector<16xf32>
    %scan3A = arith.constant 0 : i32
    %scan3A_8 = arith.constant 0 : i32
    %scan3A_9 = arith.constant 64 : i32
    %scan3A_10 = arith.addi %scan3A_8, %scan3A_9 : i32
    %scan3A_11 = arith.constant 1 : i32
    scf.for %scan3A_88 = %scan3A_8 to %scan3A_10 step %scan3A_11  : i32 {
      %swap3A = arith.index_cast %scan3A_88 : i32 to index
      %swap3A_89 = arith.constant 0 : index
      %swap3A_90 = tpu.vector_load %arg6[%swap3A, %swap3A_89] {strides = array<i32>} : memref<64x128xf32, #tpu.memory_space<vmem>>, vector<1x16xf32>,
      %swap3A_91 = vector.shape_cast %swap3A_90 : vector<1x16xf32> to vector<16xf32>
      %swap3A_92 = vector.shape_cast %broadcast_in_dim3A_5 : vector<16xf32> to vector<1x16xf32>
      tpu.vector_store %arg6[%swap3A, %swap3A_89], %swap3A_92 {strides = array<i32>} : memref<64x128xf32, #tpu.memory_space<vmem>>, vector<1x16xf32>,
      %swap3A_93 = arith.index_cast %scan3A_88 : i32 to index
      %swap3A_94 = arith.constant 16 : index
      %swap3A_95 = tpu.vector_load %arg6[%swap3A_93, %swap3A_94] {strides = array<i32>} : memref<64x128xf32, #tpu.memory_space<vmem>>, vector<1x16xf32>,
      %swap3A_96 = vector.shape_cast %swap3A_95 : vector<1x16xf32> to vector<16xf32>
      %swap3A_97 = vector.shape_cast %broadcast_in_dim3A_5 : vector<16xf32> to vector<1x16xf32>
      tpu.vector_store %arg6[%swap3A_93, %swap3A_94], %swap3A_97 {strides = array<i32>} : memref<64x128xf32, #tpu.memory_space<vmem>>, vector<1x16xf32>,
      %swap3A_98 = arith.index_cast %scan3A_88 : i32 to index
      %swap3A_99 = arith.constant 32 : index
      %swap3A_100 = tpu.vector_load %arg6[%swap3A_98, %swap3A_99] {strides = array<i32>} : memref<64x128xf32, #tpu.memory_space<vmem>>, vector<1x16xf32>,
      %swap3A_101 = vector.shape_cast %swap3A_100 : vector<1x16xf32> to vector<16xf32>
      %swap3A_102 = vector.shape_cast %broadcast_in_dim3A_5 : vector<16xf32> to vector<1x16xf32>
      tpu.vector_store %arg6[%swap3A_98, %swap3A_99], %swap3A_102 {strides = array<i32>} : memref<64x128xf32, #tpu.memory_space<vmem>>, vector<1x16xf32>,
      %swap3A_103 = arith.index_cast %scan3A_88 : i32 to index
      %swap3A_104 = arith.constant 48 : index
      %swap3A_105 = tpu.vector_load %arg6[%swap3A_103, %swap3A_104] {strides = array<i32>} : memref<64x128xf32, #tpu.memory_space<vmem>>, vector<1x16xf32>,
      %swap3A_106 = vector.shape_cast %swap3A_105 : vector<1x16xf32> to vector<16xf32>
      %swap3A_107 = vector.shape_cast %broadcast_in_dim3A_5 : vector<16xf32> to vector<1x16xf32>
      tpu.vector_store %arg6[%swap3A_103, %swap3A_104], %swap3A_107 {strides = array<i32>} : memref<64x128xf32, #tpu.memory_space<vmem>>, vector<1x16xf32>,
      %swap3A_108 = arith.index_cast %scan3A_88 : i32 to index
      %swap3A_109 = arith.constant 64 : index
      %swap3A_110 = tpu.vector_load %arg6[%swap3A_108, %swap3A_109] {strides = array<i32>} : memref<64x128xf32, #tpu.memory_space<vmem>>, vector<1x16xf32>,
      %swap3A_111 = vector.shape_cast %swap3A_110 : vector<1x16xf32> to vector<16xf32>
      %swap3A_112 = vector.shape_cast %broadcast_in_dim3A_5 : vector<16xf32> to vector<1x16xf32>
      tpu.vector_store %arg6[%swap3A_108, %swap3A_109], %swap3A_112 {strides = array<i32>} : memref<64x128xf32, #tpu.memory_space<vmem>>, vector<1x16xf32>,
      %swap3A_113 = arith.index_cast %scan3A_88 : i32 to index
      %swap3A_114 = arith.constant 80 : index
      %swap3A_115 = tpu.vector_load %arg6[%swap3A_113, %swap3A_114] {strides = array<i32>} : memref<64x128xf32, #tpu.memory_space<vmem>>, vector<1x16xf32>,
      %swap3A_116 = vector.shape_cast %swap3A_115 : vector<1x16xf32> to vector<16xf32>
      %swap3A_117 = vector.shape_cast %broadcast_in_dim3A_5 : vector<16xf32> to vector<1x16xf32>
      tpu.vector_store %arg6[%swap3A_113, %swap3A_114], %swap3A_117 {strides = array<i32>} : memref<64x128xf32, #tpu.memory_space<vmem>>, vector<1x16xf32>,
      %swap3A_118 = arith.index_cast %scan3A_88 : i32 to index
      %swap3A_119 = arith.constant 96 : index
      %swap3A_120 = tpu.vector_load %arg6[%swap3A_118, %swap3A_119] {strides = array<i32>} : memref<64x128xf32, #tpu.memory_space<vmem>>, vector<1x16xf32>,
      %swap3A_121 = vector.shape_cast %swap3A_120 : vector<1x16xf32> to vector<16xf32>
      %swap3A_122 = vector.shape_cast %broadcast_in_dim3A_5 : vector<16xf32> to vector<1x16xf32>
      tpu.vector_store %arg6[%swap3A_118, %swap3A_119], %swap3A_122 {strides = array<i32>} : memref<64x128xf32, #tpu.memory_space<vmem>>, vector<1x16xf32>,
      %swap3A_123 = arith.index_cast %scan3A_88 : i32 to index
      %swap3A_124 = arith.constant 112 : index
      %swap3A_125 = tpu.vector_load %arg6[%swap3A_123, %swap3A_124] {strides = array<i32>} : memref<64x128xf32, #tpu.memory_space<vmem>>, vector<1x16xf32>,
      %swap3A_126 = vector.shape_cast %swap3A_125 : vector<1x16xf32> to vector<16xf32>
      %swap3A_127 = vector.shape_cast %broadcast_in_dim3A_5 : vector<16xf32> to vector<1x16xf32>
      tpu.vector_store %arg6[%swap3A_123, %swap3A_124], %swap3A_127 {strides = array<i32>} : memref<64x128xf32, #tpu.memory_space<vmem>>, vector<1x16xf32>,
    }
    %scan3A_12 = arith.constant 64 : i32
    %add3A_13 = arith.constant 0 : i32
    %add3A_14 = arith.addi %mul3A_4, %add3A_13 : i32
    "tpu.region"() ({
      %run_scoped3A = tpu.sem_alloc : memref<!tpu.dma_semaphore, #tpu.memory_space<semaphore_mem>>
      %dma_start3A = arith.constant 0 : i32
      %dma_start3A_88 = tpu.memref_slice %arg7[%add3A_14, %dma_start3A] : memref<10240x128xf32, #tpu.memory_space<vmem_shared>> -> memref<64x128xf32, #tpu.memory_space<vmem_shared>>
      %dma_start3A_89 = arith.constant 0 : i32
      %dma_start3A_90 = tpu.memref_slice %arg7[%add3A_14, %dma_start3A_89] : memref<10240x128xf32, #tpu.memory_space<vmem_shared>> -> memref<64x128xf32, #tpu.memory_space<vmem_shared>>
      tpu.enqueue_dma source(%arg6 : memref<64x128xf32, #tpu.memory_space<vmem>>) target(%dma_start3A_90 : memref<64x128xf32, #tpu.memory_space<vmem_shared>>) target_semaphore(%run_scoped3A : memref<!tpu.dma_semaphore, #tpu.memory_space<semaphore_mem>>)
      %dma_wait3A = arith.constant 0 : i32
      %dma_wait3A_91 = tpu.memref_slice %arg7[%add3A_14, %dma_wait3A] : memref<10240x128xf32, #tpu.memory_space<vmem_shared>> -> memref<64x128xf32, #tpu.memory_space<vmem_shared>>
      %dma_wait3A_92 = arith.constant 0 : i32
      %dma_wait3A_93 = tpu.memref_slice %arg7[%add3A_14, %dma_wait3A_92] : memref<10240x128xf32, #tpu.memory_space<vmem_shared>> -> memref<64x128xf32, #tpu.memory_space<vmem_shared>>
      tpu.wait_dma2 semaphore(%run_scoped3A : memref<!tpu.dma_semaphore, #tpu.memory_space<semaphore_mem>>) src(%arg6 : memref<64x128xf32, #tpu.memory_space<vmem>>) dst(%dma_wait3A_93 : memref<64x128xf32, #tpu.memory_space<vmem_shared>>)
      tpu.yield
    }) : () -> ()
    %add3A_15 = arith.constant 64 : i32
    %add3A_16 = arith.addi %mul3A_4, %add3A_15 : i32
    "tpu.region"() ({
      %run_scoped3A = tpu.sem_alloc : memref<!tpu.dma_semaphore, #tpu.memory_space<semaphore_mem>>
      %dma_start3A = arith.constant 0 : i32
      %dma_start3A_88 = tpu.memref_slice %arg7[%add3A_16, %dma_start3A] : memref<10240x128xf32, #tpu.memory_space<vmem_shared>> -> memref<64x128xf32, #tpu.memory_space<vmem_shared>>
      %dma_start3A_89 = arith.constant 0 : i32
      %dma_start3A_90 = tpu.memref_slice %arg7[%add3A_16, %dma_start3A_89] : memref<10240x128xf32, #tpu.memory_space<vmem_shared>> -> memref<64x128xf32, #tpu.memory_space<vmem_shared>>
      tpu.enqueue_dma source(%arg6 : memref<64x128xf32, #tpu.memory_space<vmem>>) target(%dma_start3A_90 : memref<64x128xf32, #tpu.memory_space<vmem_shared>>) target_semaphore(%run_scoped3A : memref<!tpu.dma_semaphore, #tpu.memory_space<semaphore_mem>>)
      %dma_wait3A = arith.constant 0 : i32
      %dma_wait3A_91 = tpu.memref_slice %arg7[%add3A_16, %dma_wait3A] : memref<10240x128xf32, #tpu.memory_space<vmem_shared>> -> memref<64x128xf32, #tpu.memory_space<vmem_shared>>
      %dma_wait3A_92 = arith.constant 0 : i32
      %dma_wait3A_93 = tpu.memref_slice %arg7[%add3A_16, %dma_wait3A_92] : memref<10240x128xf32, #tpu.memory_space<vmem_shared>> -> memref<64x128xf32, #tpu.memory_space<vmem_shared>>
      tpu.wait_dma2 semaphore(%run_scoped3A : memref<!tpu.dma_semaphore, #tpu.memory_space<semaphore_mem>>) src(%arg6 : memref<64x128xf32, #tpu.memory_space<vmem>>) dst(%dma_wait3A_93 : memref<64x128xf32, #tpu.memory_space<vmem_shared>>)
      tpu.yield
    }) : () -> ()
    %add3A_17 = arith.constant 128 : i32
    %add3A_18 = arith.addi %mul3A_4, %add3A_17 : i32
    "tpu.region"() ({
      %run_scoped3A = tpu.sem_alloc : memref<!tpu.dma_semaphore, #tpu.memory_space<semaphore_mem>>
      %dma_start3A = arith.constant 0 : i32
      %dma_start3A_88 = tpu.memref_slice %arg7[%add3A_18, %dma_start3A] : memref<10240x128xf32, #tpu.memory_space<vmem_shared>> -> memref<64x128xf32, #tpu.memory_space<vmem_shared>>
      %dma_start3A_89 = arith.constant 0 : i32
      %dma_start3A_90 = tpu.memref_slice %arg7[%add3A_18, %dma_start3A_89] : memref<10240x128xf32, #tpu.memory_space<vmem_shared>> -> memref<64x128xf32, #tpu.memory_space<vmem_shared>>
      tpu.enqueue_dma source(%arg6 : memref<64x128xf32, #tpu.memory_space<vmem>>) target(%dma_start3A_90 : memref<64x128xf32, #tpu.memory_space<vmem_shared>>) target_semaphore(%run_scoped3A : memref<!tpu.dma_semaphore, #tpu.memory_space<semaphore_mem>>)
      %dma_wait3A = arith.constant 0 : i32
      %dma_wait3A_91 = tpu.memref_slice %arg7[%add3A_18, %dma_wait3A] : memref<10240x128xf32, #tpu.memory_space<vmem_shared>> -> memref<64x128xf32, #tpu.memory_space<vmem_shared>>
      %dma_wait3A_92 = arith.constant 0 : i32
      %dma_wait3A_93 = tpu.memref_slice %arg7[%add3A_18, %dma_wait3A_92] : memref<10240x128xf32, #tpu.memory_space<vmem_shared>> -> memref<64x128xf32, #tpu.memory_space<vmem_shared>>
      tpu.wait_dma2 semaphore(%run_scoped3A : memref<!tpu.dma_semaphore, #tpu.memory_space<semaphore_mem>>) src(%arg6 : memref<64x128xf32, #tpu.memory_space<vmem>>) dst(%dma_wait3A_93 : memref<64x128xf32, #tpu.memory_space<vmem_shared>>)
      tpu.yield
    }) : () -> ()
    %add3A_19 = arith.constant 192 : i32
    %add3A_20 = arith.addi %mul3A_4, %add3A_19 : i32
    "tpu.region"() ({
      %run_scoped3A = tpu.sem_alloc : memref<!tpu.dma_semaphore, #tpu.memory_space<semaphore_mem>>
      %dma_start3A = arith.constant 0 : i32
      %dma_start3A_88 = tpu.memref_slice %arg7[%add3A_20, %dma_start3A] : memref<10240x128xf32, #tpu.memory_space<vmem_shared>> -> memref<64x128xf32, #tpu.memory_space<vmem_shared>>
      %dma_start3A_89 = arith.constant 0 : i32
      %dma_start3A_90 = tpu.memref_slice %arg7[%add3A_20, %dma_start3A_89] : memref<10240x128xf32, #tpu.memory_space<vmem_shared>> -> memref<64x128xf32, #tpu.memory_space<vmem_shared>>
      tpu.enqueue_dma source(%arg6 : memref<64x128xf32, #tpu.memory_space<vmem>>) target(%dma_start3A_90 : memref<64x128xf32, #tpu.memory_space<vmem_shared>>) target_semaphore(%run_scoped3A : memref<!tpu.dma_semaphore, #tpu.memory_space<semaphore_mem>>)
      %dma_wait3A = arith.constant 0 : i32
      %dma_wait3A_91 = tpu.memref_slice %arg7[%add3A_20, %dma_wait3A] : memref<10240x128xf32, #tpu.memory_space<vmem_shared>> -> memref<64x128xf32, #tpu.memory_space<vmem_shared>>
      %dma_wait3A_92 = arith.constant 0 : i32
      %dma_wait3A_93 = tpu.memref_slice %arg7[%add3A_20, %dma_wait3A_92] : memref<10240x128xf32, #tpu.memory_space<vmem_shared>> -> memref<64x128xf32, #tpu.memory_space<vmem_shared>>
      tpu.wait_dma2 semaphore(%run_scoped3A : memref<!tpu.dma_semaphore, #tpu.memory_space<semaphore_mem>>) src(%arg6 : memref<64x128xf32, #tpu.memory_space<vmem>>) dst(%dma_wait3A_93 : memref<64x128xf32, #tpu.memory_space<vmem_shared>>)
      tpu.yield
    }) : () -> ()
    %add3A_21 = arith.constant 256 : i32
    %add3A_22 = arith.addi %mul3A_4, %add3A_21 : i32
    "tpu.region"() ({
      %run_scoped3A = tpu.sem_alloc : memref<!tpu.dma_semaphore, #tpu.memory_space<semaphore_mem>>
      %dma_start3A = arith.constant 0 : i32
      %dma_start3A_88 = tpu.memref_slice %arg7[%add3A_22, %dma_start3A] : memref<10240x128xf32, #tpu.memory_space<vmem_shared>> -> memref<64x128xf32, #tpu.memory_space<vmem_shared>>
      %dma_start3A_89 = arith.constant 0 : i32
      %dma_start3A_90 = tpu.memref_slice %arg7[%add3A_22, %dma_start3A_89] : memref<10240x128xf32, #tpu.memory_space<vmem_shared>> -> memref<64x128xf32, #tpu.memory_space<vmem_shared>>
      tpu.enqueue_dma source(%arg6 : memref<64x128xf32, #tpu.memory_space<vmem>>) target(%dma_start3A_90 : memref<64x128xf32, #tpu.memory_space<vmem_shared>>) target_semaphore(%run_scoped3A : memref<!tpu.dma_semaphore, #tpu.memory_space<semaphore_mem>>)
      %dma_wait3A = arith.constant 0 : i32
      %dma_wait3A_91 = tpu.memref_slice %arg7[%add3A_22, %dma_wait3A] : memref<10240x128xf32, #tpu.memory_space<vmem_shared>> -> memref<64x128xf32, #tpu.memory_space<vmem_shared>>
      %dma_wait3A_92 = arith.constant 0 : i32
      %dma_wait3A_93 = tpu.memref_slice %arg7[%add3A_22, %dma_wait3A_92] : memref<10240x128xf32, #tpu.memory_space<vmem_shared>> -> memref<64x128xf32, #tpu.memory_space<vmem_shared>>
      tpu.wait_dma2 semaphore(%run_scoped3A : memref<!tpu.dma_semaphore, #tpu.memory_space<semaphore_mem>>) src(%arg6 : memref<64x128xf32, #tpu.memory_space<vmem>>) dst(%dma_wait3A_93 : memref<64x128xf32, #tpu.memory_space<vmem_shared>>)
      tpu.yield
    }) : () -> ()
    %add3A_23 = arith.constant 320 : i32
    %add3A_24 = arith.addi %mul3A_4, %add3A_23 : i32
    "tpu.region"() ({
      %run_scoped3A = tpu.sem_alloc : memref<!tpu.dma_semaphore, #tpu.memory_space<semaphore_mem>>
      %dma_start3A = arith.constant 0 : i32
      %dma_start3A_88 = tpu.memref_slice %arg7[%add3A_24, %dma_start3A] : memref<10240x128xf32, #tpu.memory_space<vmem_shared>> -> memref<64x128xf32, #tpu.memory_space<vmem_shared>>
      %dma_start3A_89 = arith.constant 0 : i32
      %dma_start3A_90 = tpu.memref_slice %arg7[%add3A_24, %dma_start3A_89] : memref<10240x128xf32, #tpu.memory_space<vmem_shared>> -> memref<64x128xf32, #tpu.memory_space<vmem_shared>>
      tpu.enqueue_dma source(%arg6 : memref<64x128xf32, #tpu.memory_space<vmem>>) target(%dma_start3A_90 : memref<64x128xf32, #tpu.memory_space<vmem_shared>>) target_semaphore(%run_scoped3A : memref<!tpu.dma_semaphore, #tpu.memory_space<semaphore_mem>>)
      %dma_wait3A = arith.constant 0 : i32
      %dma_wait3A_91 = tpu.memref_slice %arg7[%add3A_24, %dma_wait3A] : memref<10240x128xf32, #tpu.memory_space<vmem_shared>> -> memref<64x128xf32, #tpu.memory_space<vmem_shared>>
      %dma_wait3A_92 = arith.constant 0 : i32
      %dma_wait3A_93 = tpu.memref_slice %arg7[%add3A_24, %dma_wait3A_92] : memref<10240x128xf32, #tpu.memory_space<vmem_shared>> -> memref<64x128xf32, #tpu.memory_space<vmem_shared>>
      tpu.wait_dma2 semaphore(%run_scoped3A : memref<!tpu.dma_semaphore, #tpu.memory_space<semaphore_mem>>) src(%arg6 : memref<64x128xf32, #tpu.memory_space<vmem>>) dst(%dma_wait3A_93 : memref<64x128xf32, #tpu.memory_space<vmem_shared>>)
      tpu.yield
    }) : () -> ()
    %add3A_25 = arith.constant 384 : i32
    %add3A_26 = arith.addi %mul3A_4, %add3A_25 : i32
    "tpu.region"() ({
      %run_scoped3A = tpu.sem_alloc : memref<!tpu.dma_semaphore, #tpu.memory_space<semaphore_mem>>
      %dma_start3A = arith.constant 0 : i32
      %dma_start3A_88 = tpu.memref_slice %arg7[%add3A_26, %dma_start3A] : memref<10240x128xf32, #tpu.memory_space<vmem_shared>> -> memref<64x128xf32, #tpu.memory_space<vmem_shared>>
      %dma_start3A_89 = arith.constant 0 : i32
      %dma_start3A_90 = tpu.memref_slice %arg7[%add3A_26, %dma_start3A_89] : memref<10240x128xf32, #tpu.memory_space<vmem_shared>> -> memref<64x128xf32, #tpu.memory_space<vmem_shared>>
      tpu.enqueue_dma source(%arg6 : memref<64x128xf32, #tpu.memory_space<vmem>>) target(%dma_start3A_90 : memref<64x128xf32, #tpu.memory_space<vmem_shared>>) target_semaphore(%run_scoped3A : memref<!tpu.dma_semaphore, #tpu.memory_space<semaphore_mem>>)
      %dma_wait3A = arith.constant 0 : i32
      %dma_wait3A_91 = tpu.memref_slice %arg7[%add3A_26, %dma_wait3A] : memref<10240x128xf32, #tpu.memory_space<vmem_shared>> -> memref<64x128xf32, #tpu.memory_space<vmem_shared>>
      %dma_wait3A_92 = arith.constant 0 : i32
      %dma_wait3A_93 = tpu.memref_slice %arg7[%add3A_26, %dma_wait3A_92] : memref<10240x128xf32, #tpu.memory_space<vmem_shared>> -> memref<64x128xf32, #tpu.memory_space<vmem_shared>>
      tpu.wait_dma2 semaphore(%run_scoped3A : memref<!tpu.dma_semaphore, #tpu.memory_space<semaphore_mem>>) src(%arg6 : memref<64x128xf32, #tpu.memory_space<vmem>>) dst(%dma_wait3A_93 : memref<64x128xf32, #tpu.memory_space<vmem_shared>>)
      tpu.yield
    }) : () -> ()
    %add3A_27 = arith.constant 448 : i32
    %add3A_28 = arith.addi %mul3A_4, %add3A_27 : i32
    "tpu.region"() ({
      %run_scoped3A = tpu.sem_alloc : memref<!tpu.dma_semaphore, #tpu.memory_space<semaphore_mem>>
      %dma_start3A = arith.constant 0 : i32
      %dma_start3A_88 = tpu.memref_slice %arg7[%add3A_28, %dma_start3A] : memref<10240x128xf32, #tpu.memory_space<vmem_shared>> -> memref<64x128xf32, #tpu.memory_space<vmem_shared>>
      %dma_start3A_89 = arith.constant 0 : i32
      %dma_start3A_90 = tpu.memref_slice %arg7[%add3A_28, %dma_start3A_89] : memref<10240x128xf32, #tpu.memory_space<vmem_shared>> -> memref<64x128xf32, #tpu.memory_space<vmem_shared>>
      tpu.enqueue_dma source(%arg6 : memref<64x128xf32, #tpu.memory_space<vmem>>) target(%dma_start3A_90 : memref<64x128xf32, #tpu.memory_space<vmem_shared>>) target_semaphore(%run_scoped3A : memref<!tpu.dma_semaphore, #tpu.memory_space<semaphore_mem>>)
      %dma_wait3A = arith.constant 0 : i32
      %dma_wait3A_91 = tpu.memref_slice %arg7[%add3A_28, %dma_wait3A] : memref<10240x128xf32, #tpu.memory_space<vmem_shared>> -> memref<64x128xf32, #tpu.memory_space<vmem_shared>>
      %dma_wait3A_92 = arith.constant 0 : i32
      %dma_wait3A_93 = tpu.memref_slice %arg7[%add3A_28, %dma_wait3A_92] : memref<10240x128xf32, #tpu.memory_space<vmem_shared>> -> memref<64x128xf32, #tpu.memory_space<vmem_shared>>
      tpu.wait_dma2 semaphore(%run_scoped3A : memref<!tpu.dma_semaphore, #tpu.memory_space<semaphore_mem>>) src(%arg6 : memref<64x128xf32, #tpu.memory_space<vmem>>) dst(%dma_wait3A_93 : memref<64x128xf32, #tpu.memory_space<vmem_shared>>)
      tpu.yield
    }) : () -> ()
    %add3A_29 = arith.constant 512 : i32
    %add3A_30 = arith.addi %mul3A_4, %add3A_29 : i32
    "tpu.region"() ({
      %run_scoped3A = tpu.sem_alloc : memref<!tpu.dma_semaphore, #tpu.memory_space<semaphore_mem>>
      %dma_start3A = arith.constant 0 : i32
      %dma_start3A_88 = tpu.memref_slice %arg7[%add3A_30, %dma_start3A] : memref<10240x128xf32, #tpu.memory_space<vmem_shared>> -> memref<64x128xf32, #tpu.memory_space<vmem_shared>>
      %dma_start3A_89 = arith.constant 0 : i32
      %dma_start3A_90 = tpu.memref_slice %arg7[%add3A_30, %dma_start3A_89] : memref<10240x128xf32, #tpu.memory_space<vmem_shared>> -> memref<64x128xf32, #tpu.memory_space<vmem_shared>>
      tpu.enqueue_dma source(%arg6 : memref<64x128xf32, #tpu.memory_space<vmem>>) target(%dma_start3A_90 : memref<64x128xf32, #tpu.memory_space<vmem_shared>>) target_semaphore(%run_scoped3A : memref<!tpu.dma_semaphore, #tpu.memory_space<semaphore_mem>>)
      %dma_wait3A = arith.constant 0 : i32
      %dma_wait3A_91 = tpu.memref_slice %arg7[%add3A_30, %dma_wait3A] : memref<10240x128xf32, #tpu.memory_space<vmem_shared>> -> memref<64x128xf32, #tpu.memory_space<vmem_shared>>
      %dma_wait3A_92 = arith.constant 0 : i32
      %dma_wait3A_93 = tpu.memref_slice %arg7[%add3A_30, %dma_wait3A_92] : memref<10240x128xf32, #tpu.memory_space<vmem_shared>> -> memref<64x128xf32, #tpu.memory_space<vmem_shared>>
      tpu.wait_dma2 semaphore(%run_scoped3A : memref<!tpu.dma_semaphore, #tpu.memory_space<semaphore_mem>>) src(%arg6 : memref<64x128xf32, #tpu.memory_space<vmem>>) dst(%dma_wait3A_93 : memref<64x128xf32, #tpu.memory_space<vmem_shared>>)
      tpu.yield
    }) : () -> ()
    %add3A_31 = arith.constant 576 : i32
    %add3A_32 = arith.addi %mul3A_4, %add3A_31 : i32
    "tpu.region"() ({
      %run_scoped3A = tpu.sem_alloc : memref<!tpu.dma_semaphore, #tpu.memory_space<semaphore_mem>>
      %dma_start3A = arith.constant 0 : i32
      %dma_start3A_88 = tpu.memref_slice %arg7[%add3A_32, %dma_start3A] : memref<10240x128xf32, #tpu.memory_space<vmem_shared>> -> memref<64x128xf32, #tpu.memory_space<vmem_shared>>
      %dma_start3A_89 = arith.constant 0 : i32
      %dma_start3A_90 = tpu.memref_slice %arg7[%add3A_32, %dma_start3A_89] : memref<10240x128xf32, #tpu.memory_space<vmem_shared>> -> memref<64x128xf32, #tpu.memory_space<vmem_shared>>
      tpu.enqueue_dma source(%arg6 : memref<64x128xf32, #tpu.memory_space<vmem>>) target(%dma_start3A_90 : memref<64x128xf32, #tpu.memory_space<vmem_shared>>) target_semaphore(%run_scoped3A : memref<!tpu.dma_semaphore, #tpu.memory_space<semaphore_mem>>)
      %dma_wait3A = arith.constant 0 : i32
      %dma_wait3A_91 = tpu.memref_slice %arg7[%add3A_32, %dma_wait3A] : memref<10240x128xf32, #tpu.memory_space<vmem_shared>> -> memref<64x128xf32, #tpu.memory_space<vmem_shared>>
      %dma_wait3A_92 = arith.constant 0 : i32
      %dma_wait3A_93 = tpu.memref_slice %arg7[%add3A_32, %dma_wait3A_92] : memref<10240x128xf32, #tpu.memory_space<vmem_shared>> -> memref<64x128xf32, #tpu.memory_space<vmem_shared>>
      tpu.wait_dma2 semaphore(%run_scoped3A : memref<!tpu.dma_semaphore, #tpu.memory_space<semaphore_mem>>) src(%arg6 : memref<64x128xf32, #tpu.memory_space<vmem>>) dst(%dma_wait3A_93 : memref<64x128xf32, #tpu.memory_space<vmem_shared>>)
      tpu.yield
    }) : () -> ()
    %scan3A_33 = arith.constant 0 : i32
    %scan3A_34 = arith.constant 0 : i32
    %scan3A_35 = arith.constant 128 : i32
    %scan3A_36 = arith.addi %scan3A_34, %scan3A_35 : i32
    %scan3A_37 = arith.constant 1 : i32
    scf.for %scan3A_88 = %scan3A_34 to %scan3A_36 step %scan3A_37  : i32 {
      %swap3A = arith.index_cast %scan3A_88 : i32 to index
      %swap3A_89 = arith.constant 0 : index
      %swap3A_90 = tpu.vector_load %arg5[%swap3A, %swap3A_89] {strides = array<i32>} : memref<128x128xf32, #tpu.memory_space<vmem>>, vector<1x16xf32>,
      %swap3A_91 = vector.shape_cast %swap3A_90 : vector<1x16xf32> to vector<16xf32>
      %swap3A_92 = vector.shape_cast %broadcast_in_dim3A_7 : vector<16xf32> to vector<1x16xf32>
      tpu.vector_store %arg5[%swap3A, %swap3A_89], %swap3A_92 {strides = array<i32>} : memref<128x128xf32, #tpu.memory_space<vmem>>, vector<1x16xf32>,
      %swap3A_93 = arith.index_cast %scan3A_88 : i32 to index
      %swap3A_94 = arith.constant 16 : index
      %swap3A_95 = tpu.vector_load %arg5[%swap3A_93, %swap3A_94] {strides = array<i32>} : memref<128x128xf32, #tpu.memory_space<vmem>>, vector<1x16xf32>,
      %swap3A_96 = vector.shape_cast %swap3A_95 : vector<1x16xf32> to vector<16xf32>
      %swap3A_97 = vector.shape_cast %broadcast_in_dim3A_7 : vector<16xf32> to vector<1x16xf32>
      tpu.vector_store %arg5[%swap3A_93, %swap3A_94], %swap3A_97 {strides = array<i32>} : memref<128x128xf32, #tpu.memory_space<vmem>>, vector<1x16xf32>,
      %swap3A_98 = arith.index_cast %scan3A_88 : i32 to index
      %swap3A_99 = arith.constant 32 : index
      %swap3A_100 = tpu.vector_load %arg5[%swap3A_98, %swap3A_99] {strides = array<i32>} : memref<128x128xf32, #tpu.memory_space<vmem>>, vector<1x16xf32>,
      %swap3A_101 = vector.shape_cast %swap3A_100 : vector<1x16xf32> to vector<16xf32>
      %swap3A_102 = vector.shape_cast %broadcast_in_dim3A_7 : vector<16xf32> to vector<1x16xf32>
      tpu.vector_store %arg5[%swap3A_98, %swap3A_99], %swap3A_102 {strides = array<i32>} : memref<128x128xf32, #tpu.memory_space<vmem>>, vector<1x16xf32>,
      %swap3A_103 = arith.index_cast %scan3A_88 : i32 to index
      %swap3A_104 = arith.constant 48 : index
      %swap3A_105 = tpu.vector_load %arg5[%swap3A_103, %swap3A_104] {strides = array<i32>} : memref<128x128xf32, #tpu.memory_space<vmem>>, vector<1x16xf32>,
      %swap3A_106 = vector.shape_cast %swap3A_105 : vector<1x16xf32> to vector<16xf32>
      %swap3A_107 = vector.shape_cast %broadcast_in_dim3A_7 : vector<16xf32> to vector<1x16xf32>
      tpu.vector_store %arg5[%swap3A_103, %swap3A_104], %swap3A_107 {strides = array<i32>} : memref<128x128xf32, #tpu.memory_space<vmem>>, vector<1x16xf32>,
      %swap3A_108 = arith.index_cast %scan3A_88 : i32 to index
      %swap3A_109 = arith.constant 64 : index
      %swap3A_110 = tpu.vector_load %arg5[%swap3A_108, %swap3A_109] {strides = array<i32>} : memref<128x128xf32, #tpu.memory_space<vmem>>, vector<1x16xf32>,
      %swap3A_111 = vector.shape_cast %swap3A_110 : vector<1x16xf32> to vector<16xf32>
      %swap3A_112 = vector.shape_cast %broadcast_in_dim3A_7 : vector<16xf32> to vector<1x16xf32>
      tpu.vector_store %arg5[%swap3A_108, %swap3A_109], %swap3A_112 {strides = array<i32>} : memref<128x128xf32, #tpu.memory_space<vmem>>, vector<1x16xf32>,
      %swap3A_113 = arith.index_cast %scan3A_88 : i32 to index
      %swap3A_114 = arith.constant 80 : index
      %swap3A_115 = tpu.vector_load %arg5[%swap3A_113, %swap3A_114] {strides = array<i32>} : memref<128x128xf32, #tpu.memory_space<vmem>>, vector<1x16xf32>,
      %swap3A_116 = vector.shape_cast %swap3A_115 : vector<1x16xf32> to vector<16xf32>
      %swap3A_117 = vector.shape_cast %broadcast_in_dim3A_7 : vector<16xf32> to vector<1x16xf32>
      tpu.vector_store %arg5[%swap3A_113, %swap3A_114], %swap3A_117 {strides = array<i32>} : memref<128x128xf32, #tpu.memory_space<vmem>>, vector<1x16xf32>,
      %swap3A_118 = arith.index_cast %scan3A_88 : i32 to index
      %swap3A_119 = arith.constant 96 : index
      %swap3A_120 = tpu.vector_load %arg5[%swap3A_118, %swap3A_119] {strides = array<i32>} : memref<128x128xf32, #tpu.memory_space<vmem>>, vector<1x16xf32>,
      %swap3A_121 = vector.shape_cast %swap3A_120 : vector<1x16xf32> to vector<16xf32>
      %swap3A_122 = vector.shape_cast %broadcast_in_dim3A_7 : vector<16xf32> to vector<1x16xf32>
      tpu.vector_store %arg5[%swap3A_118, %swap3A_119], %swap3A_122 {strides = array<i32>} : memref<128x128xf32, #tpu.memory_space<vmem>>, vector<1x16xf32>,
      %swap3A_123 = arith.index_cast %scan3A_88 : i32 to index
      %swap3A_124 = arith.constant 112 : index
      %swap3A_125 = tpu.vector_load %arg5[%swap3A_123, %swap3A_124] {strides = array<i32>} : memref<128x128xf32, #tpu.memory_space<vmem>>, vector<1x16xf32>,
      %swap3A_126 = vector.shape_cast %swap3A_125 : vector<1x16xf32> to vector<16xf32>
      %swap3A_127 = vector.shape_cast %broadcast_in_dim3A_7 : vector<16xf32> to vector<1x16xf32>
      tpu.vector_store %arg5[%swap3A_123, %swap3A_124], %swap3A_127 {strides = array<i32>} : memref<128x128xf32, #tpu.memory_space<vmem>>, vector<1x16xf32>,
    }
    %scan3A_38 = arith.constant 128 : i32
    %barrier3A = arith.constant 0 : index
    tpu.barrier barrier_id(%barrier3A)
    %mul3A_39 = arith.constant 79 : i32
    %mul3A_40 = arith.muli %add3A, %mul3A_39 : i32
    %scan3A_41 = arith.constant 0 : i32
    %scan3A_42 = arith.constant 0 : i32
    %scan3A_43 = arith.constant 79 : i32
    %scan3A_44 = arith.addi %scan3A_42, %scan3A_43 : i32
    %scan3A_45 = arith.constant 1 : i32
    scf.for %scan3A_88 = %scan3A_42 to %scan3A_44 step %scan3A_45  : i32 {
      %add3A_89 = arith.addi %mul3A_40, %scan3A_88 : i32
      %mul3A_90 = arith.constant 128 : i32
      %mul3A_91 = arith.muli %add3A_89, %mul3A_90 : i32
      %run_scoped3A = arith.constant 0 : i32
      "tpu.region"() ({
        %run_scoped3A_93 = tpu.sem_alloc : memref<!tpu.dma_semaphore, #tpu.memory_space<semaphore_mem>>
        %dma_start3A = arith.constant 0 : i32
        %dma_start3A_94 = tpu.memref_slice %arg4[%run_scoped3A, %dma_start3A] : memref<1x128xi32, #tpu.memory_space<vmem>> -> memref<1x128xi32, #tpu.memory_space<vmem>>
        %dma_start3A_95 = tpu.memref_squeeze %dma_start3A_94 : memref<1x128xi32, #tpu.memory_space<vmem>> -> memref<128xi32, #tpu.memory_space<vmem>>
        %dma_start3A_96 = tpu.memref_slice %arg2[%mul3A_91] : memref<323584xi32, #tpu.memory_space<hbm>> -> memref<128xi32, #tpu.memory_space<hbm>>
        %dma_start3A_97 = arith.constant 0 : i32
        %dma_start3A_98 = tpu.memref_slice %arg4[%run_scoped3A, %dma_start3A_97] : memref<1x128xi32, #tpu.memory_space<vmem>> -> memref<1x128xi32, #tpu.memory_space<vmem>>
        %dma_start3A_99 = tpu.memref_squeeze %dma_start3A_98 : memref<1x128xi32, #tpu.memory_space<vmem>> -> memref<128xi32, #tpu.memory_space<vmem>>
        %dma_start3A_100 = tpu.memref_slice %arg2[%mul3A_91] : memref<323584xi32, #tpu.memory_space<hbm>> -> memref<128xi32, #tpu.memory_space<hbm>>
        tpu.enqueue_dma source(%dma_start3A_100 : memref<128xi32, #tpu.memory_space<hbm>>) target(%dma_start3A_99 : memref<128xi32, #tpu.memory_space<vmem>>) target_semaphore(%run_scoped3A_93 : memref<!tpu.dma_semaphore, #tpu.memory_space<semaphore_mem>>)
        %dma_wait3A = arith.constant 0 : i32
        %dma_wait3A_101 = tpu.memref_slice %arg4[%run_scoped3A, %dma_wait3A] : memref<1x128xi32, #tpu.memory_space<vmem>> -> memref<1x128xi32, #tpu.memory_space<vmem>>
        %dma_wait3A_102 = tpu.memref_squeeze %dma_wait3A_101 : memref<1x128xi32, #tpu.memory_space<vmem>> -> memref<128xi32, #tpu.memory_space<vmem>>
        %dma_wait3A_103 = tpu.memref_slice %arg2[%mul3A_91] : memref<323584xi32, #tpu.memory_space<hbm>> -> memref<128xi32, #tpu.memory_space<hbm>>
        %dma_wait3A_104 = arith.constant 0 : i32
        %dma_wait3A_105 = tpu.memref_slice %arg4[%run_scoped3A, %dma_wait3A_104] : memref<1x128xi32, #tpu.memory_space<vmem>> -> memref<1x128xi32, #tpu.memory_space<vmem>>
        %dma_wait3A_106 = tpu.memref_squeeze %dma_wait3A_105 : memref<1x128xi32, #tpu.memory_space<vmem>> -> memref<128xi32, #tpu.memory_space<vmem>>
        %dma_wait3A_107 = tpu.memref_slice %arg2[%mul3A_91] : memref<323584xi32, #tpu.memory_space<hbm>> -> memref<128xi32, #tpu.memory_space<hbm>>
        tpu.wait_dma2 semaphore(%run_scoped3A_93 : memref<!tpu.dma_semaphore, #tpu.memory_space<semaphore_mem>>) src(%dma_wait3A_107 : memref<128xi32, #tpu.memory_space<hbm>>) dst(%dma_wait3A_106 : memref<128xi32, #tpu.memory_space<vmem>>)
        tpu.yield
      }) : () -> ()
      %run_scoped3A_92 = arith.constant 0 : i32
      "tpu.region"() ({
        %run_scoped3A_93 = tpu.sem_alloc : memref<!tpu.dma_semaphore, #tpu.memory_space<semaphore_mem>>
        %dma_start3A = arith.constant 0 : i32
        %dma_start3A_94 = tpu.memref_slice %arg4[%run_scoped3A_92, %dma_start3A] : memref<1x128xi32, #tpu.memory_space<vmem>> -> memref<1x128xi32, #tpu.memory_space<vmem>>
        %dma_start3A_95 = tpu.memref_squeeze %dma_start3A_94 : memref<1x128xi32, #tpu.memory_space<vmem>> -> memref<128xi32, #tpu.memory_space<vmem>>
        %dma_start3A_96 = arith.constant 0 : i32
        %dma_start3A_97 = arith.constant 0 : i32
        %dma_start3A_98 = tpu.memref_slice %arg7[%dma_start3A_96, %dma_start3A_97] : memref<10240x128xf32, #tpu.memory_space<vmem_shared>> -> memref<10240x128xf32, #tpu.memory_space<vmem_shared>>
        tpu.enqueue_indirect_dma source(%arg5 : memref<128x128xf32, #tpu.memory_space<vmem>>) target(%dma_start3A_98 : memref<10240x128xf32, #tpu.memory_space<vmem_shared>>) offsets(%dma_start3A_95 : memref<128xi32, #tpu.memory_space<vmem>>) semaphore(%run_scoped3A_93 : memref<!tpu.dma_semaphore, #tpu.memory_space<semaphore_mem>>) {add = true}
        %dma_wait3A = arith.constant 0 : i32
        %dma_wait3A_99 = tpu.memref_slice %arg4[%run_scoped3A_92, %dma_wait3A] : memref<1x128xi32, #tpu.memory_space<vmem>> -> memref<1x128xi32, #tpu.memory_space<vmem>>
        %dma_wait3A_100 = tpu.memref_squeeze %dma_wait3A_99 : memref<1x128xi32, #tpu.memory_space<vmem>> -> memref<128xi32, #tpu.memory_space<vmem>>
        %dma_wait3A_101 = arith.constant 0 : i32
        %dma_wait3A_102 = arith.constant 0 : i32
        %dma_wait3A_103 = tpu.memref_slice %arg7[%dma_wait3A_101, %dma_wait3A_102] : memref<10240x128xf32, #tpu.memory_space<vmem_shared>> -> memref<10240x128xf32, #tpu.memory_space<vmem_shared>>
        tpu.wait_indirect_dma semaphore(%run_scoped3A_93 : memref<!tpu.dma_semaphore, #tpu.memory_space<semaphore_mem>>) src(%arg5 : memref<128x128xf32, #tpu.memory_space<vmem>>) dst(%dma_wait3A_103 : memref<10240x128xf32, #tpu.memory_space<vmem_shared>>)
        tpu.yield
      }) : () -> ()
    }
    %scan3A_46 = arith.constant 79 : i32
    %barrier3A_47 = arith.constant 0 : index
    tpu.barrier barrier_id(%barrier3A_47)
    %add3A_48 = arith.constant 0 : i32
    %add3A_49 = arith.addi %mul3A_4, %add3A_48 : i32
    "tpu.region"() ({
      %run_scoped3A = tpu.sem_alloc : memref<!tpu.dma_semaphore, #tpu.memory_space<semaphore_mem>>
      %dma_start3A = arith.constant 0 : i32
      %dma_start3A_88 = tpu.memref_slice %arg7[%add3A_49, %dma_start3A] : memref<10240x128xf32, #tpu.memory_space<vmem_shared>> -> memref<64x128xf32, #tpu.memory_space<vmem_shared>>
      %dma_start3A_89 = arith.constant 0 : i32
      %dma_start3A_90 = tpu.memref_slice %arg7[%add3A_49, %dma_start3A_89] : memref<10240x128xf32, #tpu.memory_space<vmem_shared>> -> memref<64x128xf32, #tpu.memory_space<vmem_shared>>
      tpu.enqueue_dma source(%dma_start3A_90 : memref<64x128xf32, #tpu.memory_space<vmem_shared>>) target(%arg6 : memref<64x128xf32, #tpu.memory_space<vmem>>) target_semaphore(%run_scoped3A : memref<!tpu.dma_semaphore, #tpu.memory_space<semaphore_mem>>)
      %dma_wait3A = arith.constant 0 : i32
      %dma_wait3A_91 = tpu.memref_slice %arg7[%add3A_49, %dma_wait3A] : memref<10240x128xf32, #tpu.memory_space<vmem_shared>> -> memref<64x128xf32, #tpu.memory_space<vmem_shared>>
      %dma_wait3A_92 = arith.constant 0 : i32
      %dma_wait3A_93 = tpu.memref_slice %arg7[%add3A_49, %dma_wait3A_92] : memref<10240x128xf32, #tpu.memory_space<vmem_shared>> -> memref<64x128xf32, #tpu.memory_space<vmem_shared>>
      tpu.wait_dma2 semaphore(%run_scoped3A : memref<!tpu.dma_semaphore, #tpu.memory_space<semaphore_mem>>) src(%dma_wait3A_93 : memref<64x128xf32, #tpu.memory_space<vmem_shared>>) dst(%arg6 : memref<64x128xf32, #tpu.memory_space<vmem>>)
      tpu.yield
    }) : () -> ()
    %add3A_50 = arith.constant 0 : i32
    %add3A_51 = arith.addi %mul3A_4, %add3A_50 : i32
    "tpu.region"() ({
      %run_scoped3A = tpu.sem_alloc : memref<!tpu.dma_semaphore, #tpu.memory_space<semaphore_mem>>
      %dma_start3A = arith.constant 0 : i32
      %dma_start3A_88 = tpu.memref_slice %arg3[%arg0, %add3A_51, %dma_start3A] : memref<2x10240x128xf32, #tpu.memory_space<hbm>> -> memref<1x64x128xf32, #tpu.memory_space<hbm>>
      %dma_start3A_89 = tpu.memref_squeeze %dma_start3A_88 : memref<1x64x128xf32, #tpu.memory_space<hbm>> -> memref<64x128xf32, #tpu.memory_space<hbm>>
      %dma_start3A_90 = arith.constant 0 : i32
      %dma_start3A_91 = tpu.memref_slice %arg3[%arg0, %add3A_51, %dma_start3A_90] : memref<2x10240x128xf32, #tpu.memory_space<hbm>> -> memref<1x64x128xf32, #tpu.memory_space<hbm>>
      %dma_start3A_92 = tpu.memref_squeeze %dma_start3A_91 : memref<1x64x128xf32, #tpu.memory_space<hbm>> -> memref<64x128xf32, #tpu.memory_space<hbm>>
      tpu.enqueue_dma source(%arg6 : memref<64x128xf32, #tpu.memory_space<vmem>>) target(%dma_start3A_92 : memref<64x128xf32, #tpu.memory_space<hbm>>) target_semaphore(%run_scoped3A : memref<!tpu.dma_semaphore, #tpu.memory_space<semaphore_mem>>)
      %dma_wait3A = arith.constant 0 : i32
      %dma_wait3A_93 = tpu.memref_slice %arg3[%arg0, %add3A_51, %dma_wait3A] : memref<2x10240x128xf32, #tpu.memory_space<hbm>> -> memref<1x64x128xf32, #tpu.memory_space<hbm>>
      %dma_wait3A_94 = tpu.memref_squeeze %dma_wait3A_93 : memref<1x64x128xf32, #tpu.memory_space<hbm>> -> memref<64x128xf32, #tpu.memory_space<hbm>>
      %dma_wait3A_95 = arith.constant 0 : i32
      %dma_wait3A_96 = tpu.memref_slice %arg3[%arg0, %add3A_51, %dma_wait3A_95] : memref<2x10240x128xf32, #tpu.memory_space<hbm>> -> memref<1x64x128xf32, #tpu.memory_space<hbm>>
      %dma_wait3A_97 = tpu.memref_squeeze %dma_wait3A_96 : memref<1x64x128xf32, #tpu.memory_space<hbm>> -> memref<64x128xf32, #tpu.memory_space<hbm>>
      tpu.wait_dma2 semaphore(%run_scoped3A : memref<!tpu.dma_semaphore, #tpu.memory_space<semaphore_mem>>) src(%arg6 : memref<64x128xf32, #tpu.memory_space<vmem>>) dst(%dma_wait3A_97 : memref<64x128xf32, #tpu.memory_space<hbm>>)
      tpu.yield
    }) : () -> ()
    %add3A_52 = arith.constant 64 : i32
    %add3A_53 = arith.addi %mul3A_4, %add3A_52 : i32
    "tpu.region"() ({
      %run_scoped3A = tpu.sem_alloc : memref<!tpu.dma_semaphore, #tpu.memory_space<semaphore_mem>>
      %dma_start3A = arith.constant 0 : i32
      %dma_start3A_88 = tpu.memref_slice %arg7[%add3A_53, %dma_start3A] : memref<10240x128xf32, #tpu.memory_space<vmem_shared>> -> memref<64x128xf32, #tpu.memory_space<vmem_shared>>
      %dma_start3A_89 = arith.constant 0 : i32
      %dma_start3A_90 = tpu.memref_slice %arg7[%add3A_53, %dma_start3A_89] : memref<10240x128xf32, #tpu.memory_space<vmem_shared>> -> memref<64x128xf32, #tpu.memory_space<vmem_shared>>
      tpu.enqueue_dma source(%dma_start3A_90 : memref<64x128xf32, #tpu.memory_space<vmem_shared>>) target(%arg6 : memref<64x128xf32, #tpu.memory_space<vmem>>) target_semaphore(%run_scoped3A : memref<!tpu.dma_semaphore, #tpu.memory_space<semaphore_mem>>)
      %dma_wait3A = arith.constant 0 : i32
      %dma_wait3A_91 = tpu.memref_slice %arg7[%add3A_53, %dma_wait3A] : memref<10240x128xf32, #tpu.memory_space<vmem_shared>> -> memref<64x128xf32, #tpu.memory_space<vmem_shared>>
      %dma_wait3A_92 = arith.constant 0 : i32
      %dma_wait3A_93 = tpu.memref_slice %arg7[%add3A_53, %dma_wait3A_92] : memref<10240x128xf32, #tpu.memory_space<vmem_shared>> -> memref<64x128xf32, #tpu.memory_space<vmem_shared>>
      tpu.wait_dma2 semaphore(%run_scoped3A : memref<!tpu.dma_semaphore, #tpu.memory_space<semaphore_mem>>) src(%dma_wait3A_93 : memref<64x128xf32, #tpu.memory_space<vmem_shared>>) dst(%arg6 : memref<64x128xf32, #tpu.memory_space<vmem>>)
      tpu.yield
    }) : () -> ()
    %add3A_54 = arith.constant 64 : i32
    %add3A_55 = arith.addi %mul3A_4, %add3A_54 : i32
    "tpu.region"() ({
      %run_scoped3A = tpu.sem_alloc : memref<!tpu.dma_semaphore, #tpu.memory_space<semaphore_mem>>
      %dma_start3A = arith.constant 0 : i32
      %dma_start3A_88 = tpu.memref_slice %arg3[%arg0, %add3A_55, %dma_start3A] : memref<2x10240x128xf32, #tpu.memory_space<hbm>> -> memref<1x64x128xf32, #tpu.memory_space<hbm>>
      %dma_start3A_89 = tpu.memref_squeeze %dma_start3A_88 : memref<1x64x128xf32, #tpu.memory_space<hbm>> -> memref<64x128xf32, #tpu.memory_space<hbm>>
      %dma_start3A_90 = arith.constant 0 : i32
      %dma_start3A_91 = tpu.memref_slice %arg3[%arg0, %add3A_55, %dma_start3A_90] : memref<2x10240x128xf32, #tpu.memory_space<hbm>> -> memref<1x64x128xf32, #tpu.memory_space<hbm>>
      %dma_start3A_92 = tpu.memref_squeeze %dma_start3A_91 : memref<1x64x128xf32, #tpu.memory_space<hbm>> -> memref<64x128xf32, #tpu.memory_space<hbm>>
      tpu.enqueue_dma source(%arg6 : memref<64x128xf32, #tpu.memory_space<vmem>>) target(%dma_start3A_92 : memref<64x128xf32, #tpu.memory_space<hbm>>) target_semaphore(%run_scoped3A : memref<!tpu.dma_semaphore, #tpu.memory_space<semaphore_mem>>)
      %dma_wait3A = arith.constant 0 : i32
      %dma_wait3A_93 = tpu.memref_slice %arg3[%arg0, %add3A_55, %dma_wait3A] : memref<2x10240x128xf32, #tpu.memory_space<hbm>> -> memref<1x64x128xf32, #tpu.memory_space<hbm>>
      %dma_wait3A_94 = tpu.memref_squeeze %dma_wait3A_93 : memref<1x64x128xf32, #tpu.memory_space<hbm>> -> memref<64x128xf32, #tpu.memory_space<hbm>>
      %dma_wait3A_95 = arith.constant 0 : i32
      %dma_wait3A_96 = tpu.memref_slice %arg3[%arg0, %add3A_55, %dma_wait3A_95] : memref<2x10240x128xf32, #tpu.memory_space<hbm>> -> memref<1x64x128xf32, #tpu.memory_space<hbm>>
      %dma_wait3A_97 = tpu.memref_squeeze %dma_wait3A_96 : memref<1x64x128xf32, #tpu.memory_space<hbm>> -> memref<64x128xf32, #tpu.memory_space<hbm>>
      tpu.wait_dma2 semaphore(%run_scoped3A : memref<!tpu.dma_semaphore, #tpu.memory_space<semaphore_mem>>) src(%arg6 : memref<64x128xf32, #tpu.memory_space<vmem>>) dst(%dma_wait3A_97 : memref<64x128xf32, #tpu.memory_space<hbm>>)
      tpu.yield
    }) : () -> ()
    %add3A_56 = arith.constant 128 : i32
    %add3A_57 = arith.addi %mul3A_4, %add3A_56 : i32
    "tpu.region"() ({
      %run_scoped3A = tpu.sem_alloc : memref<!tpu.dma_semaphore, #tpu.memory_space<semaphore_mem>>
      %dma_start3A = arith.constant 0 : i32
      %dma_start3A_88 = tpu.memref_slice %arg7[%add3A_57, %dma_start3A] : memref<10240x128xf32, #tpu.memory_space<vmem_shared>> -> memref<64x128xf32, #tpu.memory_space<vmem_shared>>
      %dma_start3A_89 = arith.constant 0 : i32
      %dma_start3A_90 = tpu.memref_slice %arg7[%add3A_57, %dma_start3A_89] : memref<10240x128xf32, #tpu.memory_space<vmem_shared>> -> memref<64x128xf32, #tpu.memory_space<vmem_shared>>
      tpu.enqueue_dma source(%dma_start3A_90 : memref<64x128xf32, #tpu.memory_space<vmem_shared>>) target(%arg6 : memref<64x128xf32, #tpu.memory_space<vmem>>) target_semaphore(%run_scoped3A : memref<!tpu.dma_semaphore, #tpu.memory_space<semaphore_mem>>)
      %dma_wait3A = arith.constant 0 : i32
      %dma_wait3A_91 = tpu.memref_slice %arg7[%add3A_57, %dma_wait3A] : memref<10240x128xf32, #tpu.memory_space<vmem_shared>> -> memref<64x128xf32, #tpu.memory_space<vmem_shared>>
      %dma_wait3A_92 = arith.constant 0 : i32
      %dma_wait3A_93 = tpu.memref_slice %arg7[%add3A_57, %dma_wait3A_92] : memref<10240x128xf32, #tpu.memory_space<vmem_shared>> -> memref<64x128xf32, #tpu.memory_space<vmem_shared>>
      tpu.wait_dma2 semaphore(%run_scoped3A : memref<!tpu.dma_semaphore, #tpu.memory_space<semaphore_mem>>) src(%dma_wait3A_93 : memref<64x128xf32, #tpu.memory_space<vmem_shared>>) dst(%arg6 : memref<64x128xf32, #tpu.memory_space<vmem>>)
      tpu.yield
    }) : () -> ()
    %add3A_58 = arith.constant 128 : i32
    %add3A_59 = arith.addi %mul3A_4, %add3A_58 : i32
    "tpu.region"() ({
      %run_scoped3A = tpu.sem_alloc : memref<!tpu.dma_semaphore, #tpu.memory_space<semaphore_mem>>
      %dma_start3A = arith.constant 0 : i32
      %dma_start3A_88 = tpu.memref_slice %arg3[%arg0, %add3A_59, %dma_start3A] : memref<2x10240x128xf32, #tpu.memory_space<hbm>> -> memref<1x64x128xf32, #tpu.memory_space<hbm>>
      %dma_start3A_89 = tpu.memref_squeeze %dma_start3A_88 : memref<1x64x128xf32, #tpu.memory_space<hbm>> -> memref<64x128xf32, #tpu.memory_space<hbm>>
      %dma_start3A_90 = arith.constant 0 : i32
      %dma_start3A_91 = tpu.memref_slice %arg3[%arg0, %add3A_59, %dma_start3A_90] : memref<2x10240x128xf32, #tpu.memory_space<hbm>> -> memref<1x64x128xf32, #tpu.memory_space<hbm>>
      %dma_start3A_92 = tpu.memref_squeeze %dma_start3A_91 : memref<1x64x128xf32, #tpu.memory_space<hbm>> -> memref<64x128xf32, #tpu.memory_space<hbm>>
      tpu.enqueue_dma source(%arg6 : memref<64x128xf32, #tpu.memory_space<vmem>>) target(%dma_start3A_92 : memref<64x128xf32, #tpu.memory_space<hbm>>) target_semaphore(%run_scoped3A : memref<!tpu.dma_semaphore, #tpu.memory_space<semaphore_mem>>)
      %dma_wait3A = arith.constant 0 : i32
      %dma_wait3A_93 = tpu.memref_slice %arg3[%arg0, %add3A_59, %dma_wait3A] : memref<2x10240x128xf32, #tpu.memory_space<hbm>> -> memref<1x64x128xf32, #tpu.memory_space<hbm>>
      %dma_wait3A_94 = tpu.memref_squeeze %dma_wait3A_93 : memref<1x64x128xf32, #tpu.memory_space<hbm>> -> memref<64x128xf32, #tpu.memory_space<hbm>>
      %dma_wait3A_95 = arith.constant 0 : i32
      %dma_wait3A_96 = tpu.memref_slice %arg3[%arg0, %add3A_59, %dma_wait3A_95] : memref<2x10240x128xf32, #tpu.memory_space<hbm>> -> memref<1x64x128xf32, #tpu.memory_space<hbm>>
      %dma_wait3A_97 = tpu.memref_squeeze %dma_wait3A_96 : memref<1x64x128xf32, #tpu.memory_space<hbm>> -> memref<64x128xf32, #tpu.memory_space<hbm>>
      tpu.wait_dma2 semaphore(%run_scoped3A : memref<!tpu.dma_semaphore, #tpu.memory_space<semaphore_mem>>) src(%arg6 : memref<64x128xf32, #tpu.memory_space<vmem>>) dst(%dma_wait3A_97 : memref<64x128xf32, #tpu.memory_space<hbm>>)
      tpu.yield
    }) : () -> ()
    %add3A_60 = arith.constant 192 : i32
    %add3A_61 = arith.addi %mul3A_4, %add3A_60 : i32
    "tpu.region"() ({
      %run_scoped3A = tpu.sem_alloc : memref<!tpu.dma_semaphore, #tpu.memory_space<semaphore_mem>>
      %dma_start3A = arith.constant 0 : i32
      %dma_start3A_88 = tpu.memref_slice %arg7[%add3A_61, %dma_start3A] : memref<10240x128xf32, #tpu.memory_space<vmem_shared>> -> memref<64x128xf32, #tpu.memory_space<vmem_shared>>
      %dma_start3A_89 = arith.constant 0 : i32
      %dma_start3A_90 = tpu.memref_slice %arg7[%add3A_61, %dma_start3A_89] : memref<10240x128xf32, #tpu.memory_space<vmem_shared>> -> memref<64x128xf32, #tpu.memory_space<vmem_shared>>
      tpu.enqueue_dma source(%dma_start3A_90 : memref<64x128xf32, #tpu.memory_space<vmem_shared>>) target(%arg6 : memref<64x128xf32, #tpu.memory_space<vmem>>) target_semaphore(%run_scoped3A : memref<!tpu.dma_semaphore, #tpu.memory_space<semaphore_mem>>)
      %dma_wait3A = arith.constant 0 : i32
      %dma_wait3A_91 = tpu.memref_slice %arg7[%add3A_61, %dma_wait3A] : memref<10240x128xf32, #tpu.memory_space<vmem_shared>> -> memref<64x128xf32, #tpu.memory_space<vmem_shared>>
      %dma_wait3A_92 = arith.constant 0 : i32
      %dma_wait3A_93 = tpu.memref_slice %arg7[%add3A_61, %dma_wait3A_92] : memref<10240x128xf32, #tpu.memory_space<vmem_shared>> -> memref<64x128xf32, #tpu.memory_space<vmem_shared>>
      tpu.wait_dma2 semaphore(%run_scoped3A : memref<!tpu.dma_semaphore, #tpu.memory_space<semaphore_mem>>) src(%dma_wait3A_93 : memref<64x128xf32, #tpu.memory_space<vmem_shared>>) dst(%arg6 : memref<64x128xf32, #tpu.memory_space<vmem>>)
      tpu.yield
    }) : () -> ()
    %add3A_62 = arith.constant 192 : i32
    %add3A_63 = arith.addi %mul3A_4, %add3A_62 : i32
    "tpu.region"() ({
      %run_scoped3A = tpu.sem_alloc : memref<!tpu.dma_semaphore, #tpu.memory_space<semaphore_mem>>
      %dma_start3A = arith.constant 0 : i32
      %dma_start3A_88 = tpu.memref_slice %arg3[%arg0, %add3A_63, %dma_start3A] : memref<2x10240x128xf32, #tpu.memory_space<hbm>> -> memref<1x64x128xf32, #tpu.memory_space<hbm>>
      %dma_start3A_89 = tpu.memref_squeeze %dma_start3A_88 : memref<1x64x128xf32, #tpu.memory_space<hbm>> -> memref<64x128xf32, #tpu.memory_space<hbm>>
      %dma_start3A_90 = arith.constant 0 : i32
      %dma_start3A_91 = tpu.memref_slice %arg3[%arg0, %add3A_63, %dma_start3A_90] : memref<2x10240x128xf32, #tpu.memory_space<hbm>> -> memref<1x64x128xf32, #tpu.memory_space<hbm>>
      %dma_start3A_92 = tpu.memref_squeeze %dma_start3A_91 : memref<1x64x128xf32, #tpu.memory_space<hbm>> -> memref<64x128xf32, #tpu.memory_space<hbm>>
      tpu.enqueue_dma source(%arg6 : memref<64x128xf32, #tpu.memory_space<vmem>>) target(%dma_start3A_92 : memref<64x128xf32, #tpu.memory_space<hbm>>) target_semaphore(%run_scoped3A : memref<!tpu.dma_semaphore, #tpu.memory_space<semaphore_mem>>)
      %dma_wait3A = arith.constant 0 : i32
      %dma_wait3A_93 = tpu.memref_slice %arg3[%arg0, %add3A_63, %dma_wait3A] : memref<2x10240x128xf32, #tpu.memory_space<hbm>> -> memref<1x64x128xf32, #tpu.memory_space<hbm>>
      %dma_wait3A_94 = tpu.memref_squeeze %dma_wait3A_93 : memref<1x64x128xf32, #tpu.memory_space<hbm>> -> memref<64x128xf32, #tpu.memory_space<hbm>>
      %dma_wait3A_95 = arith.constant 0 : i32
      %dma_wait3A_96 = tpu.memref_slice %arg3[%arg0, %add3A_63, %dma_wait3A_95] : memref<2x10240x128xf32, #tpu.memory_space<hbm>> -> memref<1x64x128xf32, #tpu.memory_space<hbm>>
      %dma_wait3A_97 = tpu.memref_squeeze %dma_wait3A_96 : memref<1x64x128xf32, #tpu.memory_space<hbm>> -> memref<64x128xf32, #tpu.memory_space<hbm>>
      tpu.wait_dma2 semaphore(%run_scoped3A : memref<!tpu.dma_semaphore, #tpu.memory_space<semaphore_mem>>) src(%arg6 : memref<64x128xf32, #tpu.memory_space<vmem>>) dst(%dma_wait3A_97 : memref<64x128xf32, #tpu.memory_space<hbm>>)
      tpu.yield
    }) : () -> ()
    %add3A_64 = arith.constant 256 : i32
    %add3A_65 = arith.addi %mul3A_4, %add3A_64 : i32
    "tpu.region"() ({
      %run_scoped3A = tpu.sem_alloc : memref<!tpu.dma_semaphore, #tpu.memory_space<semaphore_mem>>
      %dma_start3A = arith.constant 0 : i32
      %dma_start3A_88 = tpu.memref_slice %arg7[%add3A_65, %dma_start3A] : memref<10240x128xf32, #tpu.memory_space<vmem_shared>> -> memref<64x128xf32, #tpu.memory_space<vmem_shared>>
      %dma_start3A_89 = arith.constant 0 : i32
      %dma_start3A_90 = tpu.memref_slice %arg7[%add3A_65, %dma_start3A_89] : memref<10240x128xf32, #tpu.memory_space<vmem_shared>> -> memref<64x128xf32, #tpu.memory_space<vmem_shared>>
      tpu.enqueue_dma source(%dma_start3A_90 : memref<64x128xf32, #tpu.memory_space<vmem_shared>>) target(%arg6 : memref<64x128xf32, #tpu.memory_space<vmem>>) target_semaphore(%run_scoped3A : memref<!tpu.dma_semaphore, #tpu.memory_space<semaphore_mem>>)
      %dma_wait3A = arith.constant 0 : i32
      %dma_wait3A_91 = tpu.memref_slice %arg7[%add3A_65, %dma_wait3A] : memref<10240x128xf32, #tpu.memory_space<vmem_shared>> -> memref<64x128xf32, #tpu.memory_space<vmem_shared>>
      %dma_wait3A_92 = arith.constant 0 : i32
      %dma_wait3A_93 = tpu.memref_slice %arg7[%add3A_65, %dma_wait3A_92] : memref<10240x128xf32, #tpu.memory_space<vmem_shared>> -> memref<64x128xf32, #tpu.memory_space<vmem_shared>>
      tpu.wait_dma2 semaphore(%run_scoped3A : memref<!tpu.dma_semaphore, #tpu.memory_space<semaphore_mem>>) src(%dma_wait3A_93 : memref<64x128xf32, #tpu.memory_space<vmem_shared>>) dst(%arg6 : memref<64x128xf32, #tpu.memory_space<vmem>>)
      tpu.yield
    }) : () -> ()
    %add3A_66 = arith.constant 256 : i32
    %add3A_67 = arith.addi %mul3A_4, %add3A_66 : i32
    "tpu.region"() ({
      %run_scoped3A = tpu.sem_alloc : memref<!tpu.dma_semaphore, #tpu.memory_space<semaphore_mem>>
      %dma_start3A = arith.constant 0 : i32
      %dma_start3A_88 = tpu.memref_slice %arg3[%arg0, %add3A_67, %dma_start3A] : memref<2x10240x128xf32, #tpu.memory_space<hbm>> -> memref<1x64x128xf32, #tpu.memory_space<hbm>>
      %dma_start3A_89 = tpu.memref_squeeze %dma_start3A_88 : memref<1x64x128xf32, #tpu.memory_space<hbm>> -> memref<64x128xf32, #tpu.memory_space<hbm>>
      %dma_start3A_90 = arith.constant 0 : i32
      %dma_start3A_91 = tpu.memref_slice %arg3[%arg0, %add3A_67, %dma_start3A_90] : memref<2x10240x128xf32, #tpu.memory_space<hbm>> -> memref<1x64x128xf32, #tpu.memory_space<hbm>>
      %dma_start3A_92 = tpu.memref_squeeze %dma_start3A_91 : memref<1x64x128xf32, #tpu.memory_space<hbm>> -> memref<64x128xf32, #tpu.memory_space<hbm>>
      tpu.enqueue_dma source(%arg6 : memref<64x128xf32, #tpu.memory_space<vmem>>) target(%dma_start3A_92 : memref<64x128xf32, #tpu.memory_space<hbm>>) target_semaphore(%run_scoped3A : memref<!tpu.dma_semaphore, #tpu.memory_space<semaphore_mem>>)
      %dma_wait3A = arith.constant 0 : i32
      %dma_wait3A_93 = tpu.memref_slice %arg3[%arg0, %add3A_67, %dma_wait3A] : memref<2x10240x128xf32, #tpu.memory_space<hbm>> -> memref<1x64x128xf32, #tpu.memory_space<hbm>>
      %dma_wait3A_94 = tpu.memref_squeeze %dma_wait3A_93 : memref<1x64x128xf32, #tpu.memory_space<hbm>> -> memref<64x128xf32, #tpu.memory_space<hbm>>
      %dma_wait3A_95 = arith.constant 0 : i32
      %dma_wait3A_96 = tpu.memref_slice %arg3[%arg0, %add3A_67, %dma_wait3A_95] : memref<2x10240x128xf32, #tpu.memory_space<hbm>> -> memref<1x64x128xf32, #tpu.memory_space<hbm>>
      %dma_wait3A_97 = tpu.memref_squeeze %dma_wait3A_96 : memref<1x64x128xf32, #tpu.memory_space<hbm>> -> memref<64x128xf32, #tpu.memory_space<hbm>>
      tpu.wait_dma2 semaphore(%run_scoped3A : memref<!tpu.dma_semaphore, #tpu.memory_space<semaphore_mem>>) src(%arg6 : memref<64x128xf32, #tpu.memory_space<vmem>>) dst(%dma_wait3A_97 : memref<64x128xf32, #tpu.memory_space<hbm>>)
      tpu.yield
    }) : () -> ()
    %add3A_68 = arith.constant 320 : i32
    %add3A_69 = arith.addi %mul3A_4, %add3A_68 : i32
    "tpu.region"() ({
      %run_scoped3A = tpu.sem_alloc : memref<!tpu.dma_semaphore, #tpu.memory_space<semaphore_mem>>
      %dma_start3A = arith.constant 0 : i32
      %dma_start3A_88 = tpu.memref_slice %arg7[%add3A_69, %dma_start3A] : memref<10240x128xf32, #tpu.memory_space<vmem_shared>> -> memref<64x128xf32, #tpu.memory_space<vmem_shared>>
      %dma_start3A_89 = arith.constant 0 : i32
      %dma_start3A_90 = tpu.memref_slice %arg7[%add3A_69, %dma_start3A_89] : memref<10240x128xf32, #tpu.memory_space<vmem_shared>> -> memref<64x128xf32, #tpu.memory_space<vmem_shared>>
      tpu.enqueue_dma source(%dma_start3A_90 : memref<64x128xf32, #tpu.memory_space<vmem_shared>>) target(%arg6 : memref<64x128xf32, #tpu.memory_space<vmem>>) target_semaphore(%run_scoped3A : memref<!tpu.dma_semaphore, #tpu.memory_space<semaphore_mem>>)
      %dma_wait3A = arith.constant 0 : i32
      %dma_wait3A_91 = tpu.memref_slice %arg7[%add3A_69, %dma_wait3A] : memref<10240x128xf32, #tpu.memory_space<vmem_shared>> -> memref<64x128xf32, #tpu.memory_space<vmem_shared>>
      %dma_wait3A_92 = arith.constant 0 : i32
      %dma_wait3A_93 = tpu.memref_slice %arg7[%add3A_69, %dma_wait3A_92] : memref<10240x128xf32, #tpu.memory_space<vmem_shared>> -> memref<64x128xf32, #tpu.memory_space<vmem_shared>>
      tpu.wait_dma2 semaphore(%run_scoped3A : memref<!tpu.dma_semaphore, #tpu.memory_space<semaphore_mem>>) src(%dma_wait3A_93 : memref<64x128xf32, #tpu.memory_space<vmem_shared>>) dst(%arg6 : memref<64x128xf32, #tpu.memory_space<vmem>>)
      tpu.yield
    }) : () -> ()
    %add3A_70 = arith.constant 320 : i32
    %add3A_71 = arith.addi %mul3A_4, %add3A_70 : i32
    "tpu.region"() ({
      %run_scoped3A = tpu.sem_alloc : memref<!tpu.dma_semaphore, #tpu.memory_space<semaphore_mem>>
      %dma_start3A = arith.constant 0 : i32
      %dma_start3A_88 = tpu.memref_slice %arg3[%arg0, %add3A_71, %dma_start3A] : memref<2x10240x128xf32, #tpu.memory_space<hbm>> -> memref<1x64x128xf32, #tpu.memory_space<hbm>>
      %dma_start3A_89 = tpu.memref_squeeze %dma_start3A_88 : memref<1x64x128xf32, #tpu.memory_space<hbm>> -> memref<64x128xf32, #tpu.memory_space<hbm>>
      %dma_start3A_90 = arith.constant 0 : i32
      %dma_start3A_91 = tpu.memref_slice %arg3[%arg0, %add3A_71, %dma_start3A_90] : memref<2x10240x128xf32, #tpu.memory_space<hbm>> -> memref<1x64x128xf32, #tpu.memory_space<hbm>>
      %dma_start3A_92 = tpu.memref_squeeze %dma_start3A_91 : memref<1x64x128xf32, #tpu.memory_space<hbm>> -> memref<64x128xf32, #tpu.memory_space<hbm>>
      tpu.enqueue_dma source(%arg6 : memref<64x128xf32, #tpu.memory_space<vmem>>) target(%dma_start3A_92 : memref<64x128xf32, #tpu.memory_space<hbm>>) target_semaphore(%run_scoped3A : memref<!tpu.dma_semaphore, #tpu.memory_space<semaphore_mem>>)
      %dma_wait3A = arith.constant 0 : i32
      %dma_wait3A_93 = tpu.memref_slice %arg3[%arg0, %add3A_71, %dma_wait3A] : memref<2x10240x128xf32, #tpu.memory_space<hbm>> -> memref<1x64x128xf32, #tpu.memory_space<hbm>>
      %dma_wait3A_94 = tpu.memref_squeeze %dma_wait3A_93 : memref<1x64x128xf32, #tpu.memory_space<hbm>> -> memref<64x128xf32, #tpu.memory_space<hbm>>
      %dma_wait3A_95 = arith.constant 0 : i32
      %dma_wait3A_96 = tpu.memref_slice %arg3[%arg0, %add3A_71, %dma_wait3A_95] : memref<2x10240x128xf32, #tpu.memory_space<hbm>> -> memref<1x64x128xf32, #tpu.memory_space<hbm>>
      %dma_wait3A_97 = tpu.memref_squeeze %dma_wait3A_96 : memref<1x64x128xf32, #tpu.memory_space<hbm>> -> memref<64x128xf32, #tpu.memory_space<hbm>>
      tpu.wait_dma2 semaphore(%run_scoped3A : memref<!tpu.dma_semaphore, #tpu.memory_space<semaphore_mem>>) src(%arg6 : memref<64x128xf32, #tpu.memory_space<vmem>>) dst(%dma_wait3A_97 : memref<64x128xf32, #tpu.memory_space<hbm>>)
      tpu.yield
    }) : () -> ()
    %add3A_72 = arith.constant 384 : i32
    %add3A_73 = arith.addi %mul3A_4, %add3A_72 : i32
    "tpu.region"() ({
      %run_scoped3A = tpu.sem_alloc : memref<!tpu.dma_semaphore, #tpu.memory_space<semaphore_mem>>
      %dma_start3A = arith.constant 0 : i32
      %dma_start3A_88 = tpu.memref_slice %arg7[%add3A_73, %dma_start3A] : memref<10240x128xf32, #tpu.memory_space<vmem_shared>> -> memref<64x128xf32, #tpu.memory_space<vmem_shared>>
      %dma_start3A_89 = arith.constant 0 : i32
      %dma_start3A_90 = tpu.memref_slice %arg7[%add3A_73, %dma_start3A_89] : memref<10240x128xf32, #tpu.memory_space<vmem_shared>> -> memref<64x128xf32, #tpu.memory_space<vmem_shared>>
      tpu.enqueue_dma source(%dma_start3A_90 : memref<64x128xf32, #tpu.memory_space<vmem_shared>>) target(%arg6 : memref<64x128xf32, #tpu.memory_space<vmem>>) target_semaphore(%run_scoped3A : memref<!tpu.dma_semaphore, #tpu.memory_space<semaphore_mem>>)
      %dma_wait3A = arith.constant 0 : i32
      %dma_wait3A_91 = tpu.memref_slice %arg7[%add3A_73, %dma_wait3A] : memref<10240x128xf32, #tpu.memory_space<vmem_shared>> -> memref<64x128xf32, #tpu.memory_space<vmem_shared>>
      %dma_wait3A_92 = arith.constant 0 : i32
      %dma_wait3A_93 = tpu.memref_slice %arg7[%add3A_73, %dma_wait3A_92] : memref<10240x128xf32, #tpu.memory_space<vmem_shared>> -> memref<64x128xf32, #tpu.memory_space<vmem_shared>>
      tpu.wait_dma2 semaphore(%run_scoped3A : memref<!tpu.dma_semaphore, #tpu.memory_space<semaphore_mem>>) src(%dma_wait3A_93 : memref<64x128xf32, #tpu.memory_space<vmem_shared>>) dst(%arg6 : memref<64x128xf32, #tpu.memory_space<vmem>>)
      tpu.yield
    }) : () -> ()
    %add3A_74 = arith.constant 384 : i32
    %add3A_75 = arith.addi %mul3A_4, %add3A_74 : i32
    "tpu.region"() ({
      %run_scoped3A = tpu.sem_alloc : memref<!tpu.dma_semaphore, #tpu.memory_space<semaphore_mem>>
      %dma_start3A = arith.constant 0 : i32
      %dma_start3A_88 = tpu.memref_slice %arg3[%arg0, %add3A_75, %dma_start3A] : memref<2x10240x128xf32, #tpu.memory_space<hbm>> -> memref<1x64x128xf32, #tpu.memory_space<hbm>>
      %dma_start3A_89 = tpu.memref_squeeze %dma_start3A_88 : memref<1x64x128xf32, #tpu.memory_space<hbm>> -> memref<64x128xf32, #tpu.memory_space<hbm>>
      %dma_start3A_90 = arith.constant 0 : i32
      %dma_start3A_91 = tpu.memref_slice %arg3[%arg0, %add3A_75, %dma_start3A_90] : memref<2x10240x128xf32, #tpu.memory_space<hbm>> -> memref<1x64x128xf32, #tpu.memory_space<hbm>>
      %dma_start3A_92 = tpu.memref_squeeze %dma_start3A_91 : memref<1x64x128xf32, #tpu.memory_space<hbm>> -> memref<64x128xf32, #tpu.memory_space<hbm>>
      tpu.enqueue_dma source(%arg6 : memref<64x128xf32, #tpu.memory_space<vmem>>) target(%dma_start3A_92 : memref<64x128xf32, #tpu.memory_space<hbm>>) target_semaphore(%run_scoped3A : memref<!tpu.dma_semaphore, #tpu.memory_space<semaphore_mem>>)
      %dma_wait3A = arith.constant 0 : i32
      %dma_wait3A_93 = tpu.memref_slice %arg3[%arg0, %add3A_75, %dma_wait3A] : memref<2x10240x128xf32, #tpu.memory_space<hbm>> -> memref<1x64x128xf32, #tpu.memory_space<hbm>>
      %dma_wait3A_94 = tpu.memref_squeeze %dma_wait3A_93 : memref<1x64x128xf32, #tpu.memory_space<hbm>> -> memref<64x128xf32, #tpu.memory_space<hbm>>
      %dma_wait3A_95 = arith.constant 0 : i32
      %dma_wait3A_96 = tpu.memref_slice %arg3[%arg0, %add3A_75, %dma_wait3A_95] : memref<2x10240x128xf32, #tpu.memory_space<hbm>> -> memref<1x64x128xf32, #tpu.memory_space<hbm>>
      %dma_wait3A_97 = tpu.memref_squeeze %dma_wait3A_96 : memref<1x64x128xf32, #tpu.memory_space<hbm>> -> memref<64x128xf32, #tpu.memory_space<hbm>>
      tpu.wait_dma2 semaphore(%run_scoped3A : memref<!tpu.dma_semaphore, #tpu.memory_space<semaphore_mem>>) src(%arg6 : memref<64x128xf32, #tpu.memory_space<vmem>>) dst(%dma_wait3A_97 : memref<64x128xf32, #tpu.memory_space<hbm>>)
      tpu.yield
    }) : () -> ()
    %add3A_76 = arith.constant 448 : i32
    %add3A_77 = arith.addi %mul3A_4, %add3A_76 : i32
    "tpu.region"() ({
      %run_scoped3A = tpu.sem_alloc : memref<!tpu.dma_semaphore, #tpu.memory_space<semaphore_mem>>
      %dma_start3A = arith.constant 0 : i32
      %dma_start3A_88 = tpu.memref_slice %arg7[%add3A_77, %dma_start3A] : memref<10240x128xf32, #tpu.memory_space<vmem_shared>> -> memref<64x128xf32, #tpu.memory_space<vmem_shared>>
      %dma_start3A_89 = arith.constant 0 : i32
      %dma_start3A_90 = tpu.memref_slice %arg7[%add3A_77, %dma_start3A_89] : memref<10240x128xf32, #tpu.memory_space<vmem_shared>> -> memref<64x128xf32, #tpu.memory_space<vmem_shared>>
      tpu.enqueue_dma source(%dma_start3A_90 : memref<64x128xf32, #tpu.memory_space<vmem_shared>>) target(%arg6 : memref<64x128xf32, #tpu.memory_space<vmem>>) target_semaphore(%run_scoped3A : memref<!tpu.dma_semaphore, #tpu.memory_space<semaphore_mem>>)
      %dma_wait3A = arith.constant 0 : i32
      %dma_wait3A_91 = tpu.memref_slice %arg7[%add3A_77, %dma_wait3A] : memref<10240x128xf32, #tpu.memory_space<vmem_shared>> -> memref<64x128xf32, #tpu.memory_space<vmem_shared>>
      %dma_wait3A_92 = arith.constant 0 : i32
      %dma_wait3A_93 = tpu.memref_slice %arg7[%add3A_77, %dma_wait3A_92] : memref<10240x128xf32, #tpu.memory_space<vmem_shared>> -> memref<64x128xf32, #tpu.memory_space<vmem_shared>>
      tpu.wait_dma2 semaphore(%run_scoped3A : memref<!tpu.dma_semaphore, #tpu.memory_space<semaphore_mem>>) src(%dma_wait3A_93 : memref<64x128xf32, #tpu.memory_space<vmem_shared>>) dst(%arg6 : memref<64x128xf32, #tpu.memory_space<vmem>>)
      tpu.yield
    }) : () -> ()
    %add3A_78 = arith.constant 448 : i32
    %add3A_79 = arith.addi %mul3A_4, %add3A_78 : i32
    "tpu.region"() ({
      %run_scoped3A = tpu.sem_alloc : memref<!tpu.dma_semaphore, #tpu.memory_space<semaphore_mem>>
      %dma_start3A = arith.constant 0 : i32
      %dma_start3A_88 = tpu.memref_slice %arg3[%arg0, %add3A_79, %dma_start3A] : memref<2x10240x128xf32, #tpu.memory_space<hbm>> -> memref<1x64x128xf32, #tpu.memory_space<hbm>>
      %dma_start3A_89 = tpu.memref_squeeze %dma_start3A_88 : memref<1x64x128xf32, #tpu.memory_space<hbm>> -> memref<64x128xf32, #tpu.memory_space<hbm>>
      %dma_start3A_90 = arith.constant 0 : i32
      %dma_start3A_91 = tpu.memref_slice %arg3[%arg0, %add3A_79, %dma_start3A_90] : memref<2x10240x128xf32, #tpu.memory_space<hbm>> -> memref<1x64x128xf32, #tpu.memory_space<hbm>>
      %dma_start3A_92 = tpu.memref_squeeze %dma_start3A_91 : memref<1x64x128xf32, #tpu.memory_space<hbm>> -> memref<64x128xf32, #tpu.memory_space<hbm>>
      tpu.enqueue_dma source(%arg6 : memref<64x128xf32, #tpu.memory_space<vmem>>) target(%dma_start3A_92 : memref<64x128xf32, #tpu.memory_space<hbm>>) target_semaphore(%run_scoped3A : memref<!tpu.dma_semaphore, #tpu.memory_space<semaphore_mem>>)
      %dma_wait3A = arith.constant 0 : i32
      %dma_wait3A_93 = tpu.memref_slice %arg3[%arg0, %add3A_79, %dma_wait3A] : memref<2x10240x128xf32, #tpu.memory_space<hbm>> -> memref<1x64x128xf32, #tpu.memory_space<hbm>>
      %dma_wait3A_94 = tpu.memref_squeeze %dma_wait3A_93 : memref<1x64x128xf32, #tpu.memory_space<hbm>> -> memref<64x128xf32, #tpu.memory_space<hbm>>
      %dma_wait3A_95 = arith.constant 0 : i32
      %dma_wait3A_96 = tpu.memref_slice %arg3[%arg0, %add3A_79, %dma_wait3A_95] : memref<2x10240x128xf32, #tpu.memory_space<hbm>> -> memref<1x64x128xf32, #tpu.memory_space<hbm>>
      %dma_wait3A_97 = tpu.memref_squeeze %dma_wait3A_96 : memref<1x64x128xf32, #tpu.memory_space<hbm>> -> memref<64x128xf32, #tpu.memory_space<hbm>>
      tpu.wait_dma2 semaphore(%run_scoped3A : memref<!tpu.dma_semaphore, #tpu.memory_space<semaphore_mem>>) src(%arg6 : memref<64x128xf32, #tpu.memory_space<vmem>>) dst(%dma_wait3A_97 : memref<64x128xf32, #tpu.memory_space<hbm>>)
      tpu.yield
    }) : () -> ()
    %add3A_80 = arith.constant 512 : i32
    %add3A_81 = arith.addi %mul3A_4, %add3A_80 : i32
    "tpu.region"() ({
      %run_scoped3A = tpu.sem_alloc : memref<!tpu.dma_semaphore, #tpu.memory_space<semaphore_mem>>
      %dma_start3A = arith.constant 0 : i32
      %dma_start3A_88 = tpu.memref_slice %arg7[%add3A_81, %dma_start3A] : memref<10240x128xf32, #tpu.memory_space<vmem_shared>> -> memref<64x128xf32, #tpu.memory_space<vmem_shared>>
      %dma_start3A_89 = arith.constant 0 : i32
      %dma_start3A_90 = tpu.memref_slice %arg7[%add3A_81, %dma_start3A_89] : memref<10240x128xf32, #tpu.memory_space<vmem_shared>> -> memref<64x128xf32, #tpu.memory_space<vmem_shared>>
      tpu.enqueue_dma source(%dma_start3A_90 : memref<64x128xf32, #tpu.memory_space<vmem_shared>>) target(%arg6 : memref<64x128xf32, #tpu.memory_space<vmem>>) target_semaphore(%run_scoped3A : memref<!tpu.dma_semaphore, #tpu.memory_space<semaphore_mem>>)
      %dma_wait3A = arith.constant 0 : i32
      %dma_wait3A_91 = tpu.memref_slice %arg7[%add3A_81, %dma_wait3A] : memref<10240x128xf32, #tpu.memory_space<vmem_shared>> -> memref<64x128xf32, #tpu.memory_space<vmem_shared>>
      %dma_wait3A_92 = arith.constant 0 : i32
      %dma_wait3A_93 = tpu.memref_slice %arg7[%add3A_81, %dma_wait3A_92] : memref<10240x128xf32, #tpu.memory_space<vmem_shared>> -> memref<64x128xf32, #tpu.memory_space<vmem_shared>>
      tpu.wait_dma2 semaphore(%run_scoped3A : memref<!tpu.dma_semaphore, #tpu.memory_space<semaphore_mem>>) src(%dma_wait3A_93 : memref<64x128xf32, #tpu.memory_space<vmem_shared>>) dst(%arg6 : memref<64x128xf32, #tpu.memory_space<vmem>>)
      tpu.yield
    }) : () -> ()
    %add3A_82 = arith.constant 512 : i32
    %add3A_83 = arith.addi %mul3A_4, %add3A_82 : i32
    "tpu.region"() ({
      %run_scoped3A = tpu.sem_alloc : memref<!tpu.dma_semaphore, #tpu.memory_space<semaphore_mem>>
      %dma_start3A = arith.constant 0 : i32
      %dma_start3A_88 = tpu.memref_slice %arg3[%arg0, %add3A_83, %dma_start3A] : memref<2x10240x128xf32, #tpu.memory_space<hbm>> -> memref<1x64x128xf32, #tpu.memory_space<hbm>>
      %dma_start3A_89 = tpu.memref_squeeze %dma_start3A_88 : memref<1x64x128xf32, #tpu.memory_space<hbm>> -> memref<64x128xf32, #tpu.memory_space<hbm>>
      %dma_start3A_90 = arith.constant 0 : i32
      %dma_start3A_91 = tpu.memref_slice %arg3[%arg0, %add3A_83, %dma_start3A_90] : memref<2x10240x128xf32, #tpu.memory_space<hbm>> -> memref<1x64x128xf32, #tpu.memory_space<hbm>>
      %dma_start3A_92 = tpu.memref_squeeze %dma_start3A_91 : memref<1x64x128xf32, #tpu.memory_space<hbm>> -> memref<64x128xf32, #tpu.memory_space<hbm>>
      tpu.enqueue_dma source(%arg6 : memref<64x128xf32, #tpu.memory_space<vmem>>) target(%dma_start3A_92 : memref<64x128xf32, #tpu.memory_space<hbm>>) target_semaphore(%run_scoped3A : memref<!tpu.dma_semaphore, #tpu.memory_space<semaphore_mem>>)
      %dma_wait3A = arith.constant 0 : i32
      %dma_wait3A_93 = tpu.memref_slice %arg3[%arg0, %add3A_83, %dma_wait3A] : memref<2x10240x128xf32, #tpu.memory_space<hbm>> -> memref<1x64x128xf32, #tpu.memory_space<hbm>>
      %dma_wait3A_94 = tpu.memref_squeeze %dma_wait3A_93 : memref<1x64x128xf32, #tpu.memory_space<hbm>> -> memref<64x128xf32, #tpu.memory_space<hbm>>
      %dma_wait3A_95 = arith.constant 0 : i32
      %dma_wait3A_96 = tpu.memref_slice %arg3[%arg0, %add3A_83, %dma_wait3A_95] : memref<2x10240x128xf32, #tpu.memory_space<hbm>> -> memref<1x64x128xf32, #tpu.memory_space<hbm>>
      %dma_wait3A_97 = tpu.memref_squeeze %dma_wait3A_96 : memref<1x64x128xf32, #tpu.memory_space<hbm>> -> memref<64x128xf32, #tpu.memory_space<hbm>>
      tpu.wait_dma2 semaphore(%run_scoped3A : memref<!tpu.dma_semaphore, #tpu.memory_space<semaphore_mem>>) src(%arg6 : memref<64x128xf32, #tpu.memory_space<vmem>>) dst(%dma_wait3A_97 : memref<64x128xf32, #tpu.memory_space<hbm>>)
      tpu.yield
    }) : () -> ()
    %add3A_84 = arith.constant 576 : i32
    %add3A_85 = arith.addi %mul3A_4, %add3A_84 : i32
    "tpu.region"() ({
      %run_scoped3A = tpu.sem_alloc : memref<!tpu.dma_semaphore, #tpu.memory_space<semaphore_mem>>
      %dma_start3A = arith.constant 0 : i32
      %dma_start3A_88 = tpu.memref_slice %arg7[%add3A_85, %dma_start3A] : memref<10240x128xf32, #tpu.memory_space<vmem_shared>> -> memref<64x128xf32, #tpu.memory_space<vmem_shared>>
      %dma_start3A_89 = arith.constant 0 : i32
      %dma_start3A_90 = tpu.memref_slice %arg7[%add3A_85, %dma_start3A_89] : memref<10240x128xf32, #tpu.memory_space<vmem_shared>> -> memref<64x128xf32, #tpu.memory_space<vmem_shared>>
      tpu.enqueue_dma source(%dma_start3A_90 : memref<64x128xf32, #tpu.memory_space<vmem_shared>>) target(%arg6 : memref<64x128xf32, #tpu.memory_space<vmem>>) target_semaphore(%run_scoped3A : memref<!tpu.dma_semaphore, #tpu.memory_space<semaphore_mem>>)
      %dma_wait3A = arith.constant 0 : i32
      %dma_wait3A_91 = tpu.memref_slice %arg7[%add3A_85, %dma_wait3A] : memref<10240x128xf32, #tpu.memory_space<vmem_shared>> -> memref<64x128xf32, #tpu.memory_space<vmem_shared>>
      %dma_wait3A_92 = arith.constant 0 : i32
      %dma_wait3A_93 = tpu.memref_slice %arg7[%add3A_85, %dma_wait3A_92] : memref<10240x128xf32, #tpu.memory_space<vmem_shared>> -> memref<64x128xf32, #tpu.memory_space<vmem_shared>>
      tpu.wait_dma2 semaphore(%run_scoped3A : memref<!tpu.dma_semaphore, #tpu.memory_space<semaphore_mem>>) src(%dma_wait3A_93 : memref<64x128xf32, #tpu.memory_space<vmem_shared>>) dst(%arg6 : memref<64x128xf32, #tpu.memory_space<vmem>>)
      tpu.yield
    }) : () -> ()
    %add3A_86 = arith.constant 576 : i32
    %add3A_87 = arith.addi %mul3A_4, %add3A_86 : i32
    "tpu.region"() ({
      %run_scoped3A = tpu.sem_alloc : memref<!tpu.dma_semaphore, #tpu.memory_space<semaphore_mem>>
      %dma_start3A = arith.constant 0 : i32
      %dma_start3A_88 = tpu.memref_slice %arg3[%arg0, %add3A_87, %dma_start3A] : memref<2x10240x128xf32, #tpu.memory_space<hbm>> -> memref<1x64x128xf32, #tpu.memory_space<hbm>>
      %dma_start3A_89 = tpu.memref_squeeze %dma_start3A_88 : memref<1x64x128xf32, #tpu.memory_space<hbm>> -> memref<64x128xf32, #tpu.memory_space<hbm>>
      %dma_start3A_90 = arith.constant 0 : i32
      %dma_start3A_91 = tpu.memref_slice %arg3[%arg0, %add3A_87, %dma_start3A_90] : memref<2x10240x128xf32, #tpu.memory_space<hbm>> -> memref<1x64x128xf32, #tpu.memory_space<hbm>>
      %dma_start3A_92 = tpu.memref_squeeze %dma_start3A_91 : memref<1x64x128xf32, #tpu.memory_space<hbm>> -> memref<64x128xf32, #tpu.memory_space<hbm>>
      tpu.enqueue_dma source(%arg6 : memref<64x128xf32, #tpu.memory_space<vmem>>) target(%dma_start3A_92 : memref<64x128xf32, #tpu.memory_space<hbm>>) target_semaphore(%run_scoped3A : memref<!tpu.dma_semaphore, #tpu.memory_space<semaphore_mem>>)
      %dma_wait3A = arith.constant 0 : i32
      %dma_wait3A_93 = tpu.memref_slice %arg3[%arg0, %add3A_87, %dma_wait3A] : memref<2x10240x128xf32, #tpu.memory_space<hbm>> -> memref<1x64x128xf32, #tpu.memory_space<hbm>>
      %dma_wait3A_94 = tpu.memref_squeeze %dma_wait3A_93 : memref<1x64x128xf32, #tpu.memory_space<hbm>> -> memref<64x128xf32, #tpu.memory_space<hbm>>
      %dma_wait3A_95 = arith.constant 0 : i32
      %dma_wait3A_96 = tpu.memref_slice %arg3[%arg0, %add3A_87, %dma_wait3A_95] : memref<2x10240x128xf32, #tpu.memory_space<hbm>> -> memref<1x64x128xf32, #tpu.memory_space<hbm>>
      %dma_wait3A_97 = tpu.memref_squeeze %dma_wait3A_96 : memref<1x64x128xf32, #tpu.memory_space<hbm>> -> memref<64x128xf32, #tpu.memory_space<hbm>>
      tpu.wait_dma2 semaphore(%run_scoped3A : memref<!tpu.dma_semaphore, #tpu.memory_space<semaphore_mem>>) src(%arg6 : memref<64x128xf32, #tpu.memory_space<vmem>>) dst(%dma_wait3A_97 : memref<64x128xf32, #tpu.memory_space<hbm>>)
      tpu.yield
    }) : () -> ()
    return
  }
}

#map = affine_map<(d0, d1) -> (0, 0)>
#map1 = affine_map<(d0, d1) -> (0, 0, 0)>
module attributes {stable_mosaic.version = 14 : i64} {
  func.func @agg(%arg0: i32, %arg1: i32, %arg2: memref<10000x128xf32, #tpu.memory_space<hbm>>, %arg3: memref<2528x2x128xi32, #tpu.memory_space<hbm>>, %arg4: memref<2x10240x128xf32, #tpu.memory_space<hbm>>, %arg5: memref<2x2x128xi32, #tpu.memory_space<vmem>>, %arg6: memref<128x128xf32, #tpu.memory_space<vmem>>, %arg7: memref<128x128xf32, #tpu.memory_space<vmem>>, %arg8: memref<10240x128xf32, #tpu.memory_space<vmem_shared>>, %arg9: memref<!tpu.dma_semaphore, #tpu.memory_space<semaphore_mem>>, %arg10: memref<!tpu.dma_semaphore, #tpu.memory_space<semaphore_mem>>) attributes {dimension_semantics = [#tpu.dimension_semantics<core_parallel>, #tpu.dimension_semantics<subcore_parallel>], iteration_bounds = array<i64: 2, 16>, scalar_prefetch = 0 : i64, scratch_operands = 6 : i64, tpu.core_type = #tpu.core_type<sc_vector_subcore>, window_params = [{transform_indices = #map}, {transform_indices = #map1}, {transform_indices = #map1}]} {
    %mul3A = arith.constant 5 : i32
    %mul3A_0 = arith.muli %arg1, %mul3A : i32
    %mul3A_1 = arith.constant 128 : i32
    %mul3A_2 = arith.muli %mul3A_0, %mul3A_1 : i32
    %broadcast_in_dim3A = arith.constant 0.000000e+00 : f32
    %broadcast_in_dim3A_3 = vector.broadcast %broadcast_in_dim3A : f32 to vector<16xf32>
    %scan3A = arith.constant 0 : i32
    %scan3A_4 = arith.constant 0 : i32
    %scan3A_5 = arith.constant 128 : i32
    %scan3A_6 = arith.addi %scan3A_4, %scan3A_5 : i32
    %scan3A_7 = arith.constant 1 : i32
    scf.for %scan3A_41 = %scan3A_4 to %scan3A_6 step %scan3A_7  : i32 {
      %swap3A = arith.index_cast %scan3A_41 : i32 to index
      %swap3A_42 = arith.constant 0 : index
      %swap3A_43 = tpu.vector_load %arg6[%swap3A, %swap3A_42] {strides = array<i32>} : memref<128x128xf32, #tpu.memory_space<vmem>>, vector<1x16xf32>,
      %swap3A_44 = vector.shape_cast %swap3A_43 : vector<1x16xf32> to vector<16xf32>
      %swap3A_45 = vector.shape_cast %broadcast_in_dim3A_3 : vector<16xf32> to vector<1x16xf32>
      tpu.vector_store %arg6[%swap3A, %swap3A_42], %swap3A_45 {strides = array<i32>} : memref<128x128xf32, #tpu.memory_space<vmem>>, vector<1x16xf32>,
      %swap3A_46 = arith.index_cast %scan3A_41 : i32 to index
      %swap3A_47 = arith.constant 16 : index
      %swap3A_48 = tpu.vector_load %arg6[%swap3A_46, %swap3A_47] {strides = array<i32>} : memref<128x128xf32, #tpu.memory_space<vmem>>, vector<1x16xf32>,
      %swap3A_49 = vector.shape_cast %swap3A_48 : vector<1x16xf32> to vector<16xf32>
      %swap3A_50 = vector.shape_cast %broadcast_in_dim3A_3 : vector<16xf32> to vector<1x16xf32>
      tpu.vector_store %arg6[%swap3A_46, %swap3A_47], %swap3A_50 {strides = array<i32>} : memref<128x128xf32, #tpu.memory_space<vmem>>, vector<1x16xf32>,
      %swap3A_51 = arith.index_cast %scan3A_41 : i32 to index
      %swap3A_52 = arith.constant 32 : index
      %swap3A_53 = tpu.vector_load %arg6[%swap3A_51, %swap3A_52] {strides = array<i32>} : memref<128x128xf32, #tpu.memory_space<vmem>>, vector<1x16xf32>,
      %swap3A_54 = vector.shape_cast %swap3A_53 : vector<1x16xf32> to vector<16xf32>
      %swap3A_55 = vector.shape_cast %broadcast_in_dim3A_3 : vector<16xf32> to vector<1x16xf32>
      tpu.vector_store %arg6[%swap3A_51, %swap3A_52], %swap3A_55 {strides = array<i32>} : memref<128x128xf32, #tpu.memory_space<vmem>>, vector<1x16xf32>,
      %swap3A_56 = arith.index_cast %scan3A_41 : i32 to index
      %swap3A_57 = arith.constant 48 : index
      %swap3A_58 = tpu.vector_load %arg6[%swap3A_56, %swap3A_57] {strides = array<i32>} : memref<128x128xf32, #tpu.memory_space<vmem>>, vector<1x16xf32>,
      %swap3A_59 = vector.shape_cast %swap3A_58 : vector<1x16xf32> to vector<16xf32>
      %swap3A_60 = vector.shape_cast %broadcast_in_dim3A_3 : vector<16xf32> to vector<1x16xf32>
      tpu.vector_store %arg6[%swap3A_56, %swap3A_57], %swap3A_60 {strides = array<i32>} : memref<128x128xf32, #tpu.memory_space<vmem>>, vector<1x16xf32>,
      %swap3A_61 = arith.index_cast %scan3A_41 : i32 to index
      %swap3A_62 = arith.constant 64 : index
      %swap3A_63 = tpu.vector_load %arg6[%swap3A_61, %swap3A_62] {strides = array<i32>} : memref<128x128xf32, #tpu.memory_space<vmem>>, vector<1x16xf32>,
      %swap3A_64 = vector.shape_cast %swap3A_63 : vector<1x16xf32> to vector<16xf32>
      %swap3A_65 = vector.shape_cast %broadcast_in_dim3A_3 : vector<16xf32> to vector<1x16xf32>
      tpu.vector_store %arg6[%swap3A_61, %swap3A_62], %swap3A_65 {strides = array<i32>} : memref<128x128xf32, #tpu.memory_space<vmem>>, vector<1x16xf32>,
      %swap3A_66 = arith.index_cast %scan3A_41 : i32 to index
      %swap3A_67 = arith.constant 80 : index
      %swap3A_68 = tpu.vector_load %arg6[%swap3A_66, %swap3A_67] {strides = array<i32>} : memref<128x128xf32, #tpu.memory_space<vmem>>, vector<1x16xf32>,
      %swap3A_69 = vector.shape_cast %swap3A_68 : vector<1x16xf32> to vector<16xf32>
      %swap3A_70 = vector.shape_cast %broadcast_in_dim3A_3 : vector<16xf32> to vector<1x16xf32>
      tpu.vector_store %arg6[%swap3A_66, %swap3A_67], %swap3A_70 {strides = array<i32>} : memref<128x128xf32, #tpu.memory_space<vmem>>, vector<1x16xf32>,
      %swap3A_71 = arith.index_cast %scan3A_41 : i32 to index
      %swap3A_72 = arith.constant 96 : index
      %swap3A_73 = tpu.vector_load %arg6[%swap3A_71, %swap3A_72] {strides = array<i32>} : memref<128x128xf32, #tpu.memory_space<vmem>>, vector<1x16xf32>,
      %swap3A_74 = vector.shape_cast %swap3A_73 : vector<1x16xf32> to vector<16xf32>
      %swap3A_75 = vector.shape_cast %broadcast_in_dim3A_3 : vector<16xf32> to vector<1x16xf32>
      tpu.vector_store %arg6[%swap3A_71, %swap3A_72], %swap3A_75 {strides = array<i32>} : memref<128x128xf32, #tpu.memory_space<vmem>>, vector<1x16xf32>,
      %swap3A_76 = arith.index_cast %scan3A_41 : i32 to index
      %swap3A_77 = arith.constant 112 : index
      %swap3A_78 = tpu.vector_load %arg6[%swap3A_76, %swap3A_77] {strides = array<i32>} : memref<128x128xf32, #tpu.memory_space<vmem>>, vector<1x16xf32>,
      %swap3A_79 = vector.shape_cast %swap3A_78 : vector<1x16xf32> to vector<16xf32>
      %swap3A_80 = vector.shape_cast %broadcast_in_dim3A_3 : vector<16xf32> to vector<1x16xf32>
      tpu.vector_store %arg6[%swap3A_76, %swap3A_77], %swap3A_80 {strides = array<i32>} : memref<128x128xf32, #tpu.memory_space<vmem>>, vector<1x16xf32>,
    }
    %scan3A_8 = arith.constant 128 : i32
    %add3A = arith.constant 0 : i32
    %add3A_9 = arith.addi %mul3A_2, %add3A : i32
    "tpu.region"() ({
      %run_scoped3A = tpu.sem_alloc : memref<!tpu.dma_semaphore, #tpu.memory_space<semaphore_mem>>
      %dma_start3A = arith.constant 0 : i32
      %dma_start3A_41 = tpu.memref_slice %arg8[%add3A_9, %dma_start3A] : memref<10240x128xf32, #tpu.memory_space<vmem_shared>> -> memref<128x128xf32, #tpu.memory_space<vmem_shared>>
      %dma_start3A_42 = arith.constant 0 : i32
      %dma_start3A_43 = tpu.memref_slice %arg8[%add3A_9, %dma_start3A_42] : memref<10240x128xf32, #tpu.memory_space<vmem_shared>> -> memref<128x128xf32, #tpu.memory_space<vmem_shared>>
      tpu.enqueue_dma source(%arg6 : memref<128x128xf32, #tpu.memory_space<vmem>>) target(%dma_start3A_43 : memref<128x128xf32, #tpu.memory_space<vmem_shared>>) target_semaphore(%run_scoped3A : memref<!tpu.dma_semaphore, #tpu.memory_space<semaphore_mem>>)
      %dma_wait3A = arith.constant 0 : i32
      %dma_wait3A_44 = tpu.memref_slice %arg8[%add3A_9, %dma_wait3A] : memref<10240x128xf32, #tpu.memory_space<vmem_shared>> -> memref<128x128xf32, #tpu.memory_space<vmem_shared>>
      %dma_wait3A_45 = arith.constant 0 : i32
      %dma_wait3A_46 = tpu.memref_slice %arg8[%add3A_9, %dma_wait3A_45] : memref<10240x128xf32, #tpu.memory_space<vmem_shared>> -> memref<128x128xf32, #tpu.memory_space<vmem_shared>>
      tpu.wait_dma2 semaphore(%run_scoped3A : memref<!tpu.dma_semaphore, #tpu.memory_space<semaphore_mem>>) src(%arg6 : memref<128x128xf32, #tpu.memory_space<vmem>>) dst(%dma_wait3A_46 : memref<128x128xf32, #tpu.memory_space<vmem_shared>>)
      tpu.yield
    }) : () -> ()
    %add3A_10 = arith.constant 128 : i32
    %add3A_11 = arith.addi %mul3A_2, %add3A_10 : i32
    "tpu.region"() ({
      %run_scoped3A = tpu.sem_alloc : memref<!tpu.dma_semaphore, #tpu.memory_space<semaphore_mem>>
      %dma_start3A = arith.constant 0 : i32
      %dma_start3A_41 = tpu.memref_slice %arg8[%add3A_11, %dma_start3A] : memref<10240x128xf32, #tpu.memory_space<vmem_shared>> -> memref<128x128xf32, #tpu.memory_space<vmem_shared>>
      %dma_start3A_42 = arith.constant 0 : i32
      %dma_start3A_43 = tpu.memref_slice %arg8[%add3A_11, %dma_start3A_42] : memref<10240x128xf32, #tpu.memory_space<vmem_shared>> -> memref<128x128xf32, #tpu.memory_space<vmem_shared>>
      tpu.enqueue_dma source(%arg6 : memref<128x128xf32, #tpu.memory_space<vmem>>) target(%dma_start3A_43 : memref<128x128xf32, #tpu.memory_space<vmem_shared>>) target_semaphore(%run_scoped3A : memref<!tpu.dma_semaphore, #tpu.memory_space<semaphore_mem>>)
      %dma_wait3A = arith.constant 0 : i32
      %dma_wait3A_44 = tpu.memref_slice %arg8[%add3A_11, %dma_wait3A] : memref<10240x128xf32, #tpu.memory_space<vmem_shared>> -> memref<128x128xf32, #tpu.memory_space<vmem_shared>>
      %dma_wait3A_45 = arith.constant 0 : i32
      %dma_wait3A_46 = tpu.memref_slice %arg8[%add3A_11, %dma_wait3A_45] : memref<10240x128xf32, #tpu.memory_space<vmem_shared>> -> memref<128x128xf32, #tpu.memory_space<vmem_shared>>
      tpu.wait_dma2 semaphore(%run_scoped3A : memref<!tpu.dma_semaphore, #tpu.memory_space<semaphore_mem>>) src(%arg6 : memref<128x128xf32, #tpu.memory_space<vmem>>) dst(%dma_wait3A_46 : memref<128x128xf32, #tpu.memory_space<vmem_shared>>)
      tpu.yield
    }) : () -> ()
    %add3A_12 = arith.constant 256 : i32
    %add3A_13 = arith.addi %mul3A_2, %add3A_12 : i32
    "tpu.region"() ({
      %run_scoped3A = tpu.sem_alloc : memref<!tpu.dma_semaphore, #tpu.memory_space<semaphore_mem>>
      %dma_start3A = arith.constant 0 : i32
      %dma_start3A_41 = tpu.memref_slice %arg8[%add3A_13, %dma_start3A] : memref<10240x128xf32, #tpu.memory_space<vmem_shared>> -> memref<128x128xf32, #tpu.memory_space<vmem_shared>>
      %dma_start3A_42 = arith.constant 0 : i32
      %dma_start3A_43 = tpu.memref_slice %arg8[%add3A_13, %dma_start3A_42] : memref<10240x128xf32, #tpu.memory_space<vmem_shared>> -> memref<128x128xf32, #tpu.memory_space<vmem_shared>>
      tpu.enqueue_dma source(%arg6 : memref<128x128xf32, #tpu.memory_space<vmem>>) target(%dma_start3A_43 : memref<128x128xf32, #tpu.memory_space<vmem_shared>>) target_semaphore(%run_scoped3A : memref<!tpu.dma_semaphore, #tpu.memory_space<semaphore_mem>>)
      %dma_wait3A = arith.constant 0 : i32
      %dma_wait3A_44 = tpu.memref_slice %arg8[%add3A_13, %dma_wait3A] : memref<10240x128xf32, #tpu.memory_space<vmem_shared>> -> memref<128x128xf32, #tpu.memory_space<vmem_shared>>
      %dma_wait3A_45 = arith.constant 0 : i32
      %dma_wait3A_46 = tpu.memref_slice %arg8[%add3A_13, %dma_wait3A_45] : memref<10240x128xf32, #tpu.memory_space<vmem_shared>> -> memref<128x128xf32, #tpu.memory_space<vmem_shared>>
      tpu.wait_dma2 semaphore(%run_scoped3A : memref<!tpu.dma_semaphore, #tpu.memory_space<semaphore_mem>>) src(%arg6 : memref<128x128xf32, #tpu.memory_space<vmem>>) dst(%dma_wait3A_46 : memref<128x128xf32, #tpu.memory_space<vmem_shared>>)
      tpu.yield
    }) : () -> ()
    %add3A_14 = arith.constant 384 : i32
    %add3A_15 = arith.addi %mul3A_2, %add3A_14 : i32
    "tpu.region"() ({
      %run_scoped3A = tpu.sem_alloc : memref<!tpu.dma_semaphore, #tpu.memory_space<semaphore_mem>>
      %dma_start3A = arith.constant 0 : i32
      %dma_start3A_41 = tpu.memref_slice %arg8[%add3A_15, %dma_start3A] : memref<10240x128xf32, #tpu.memory_space<vmem_shared>> -> memref<128x128xf32, #tpu.memory_space<vmem_shared>>
      %dma_start3A_42 = arith.constant 0 : i32
      %dma_start3A_43 = tpu.memref_slice %arg8[%add3A_15, %dma_start3A_42] : memref<10240x128xf32, #tpu.memory_space<vmem_shared>> -> memref<128x128xf32, #tpu.memory_space<vmem_shared>>
      tpu.enqueue_dma source(%arg6 : memref<128x128xf32, #tpu.memory_space<vmem>>) target(%dma_start3A_43 : memref<128x128xf32, #tpu.memory_space<vmem_shared>>) target_semaphore(%run_scoped3A : memref<!tpu.dma_semaphore, #tpu.memory_space<semaphore_mem>>)
      %dma_wait3A = arith.constant 0 : i32
      %dma_wait3A_44 = tpu.memref_slice %arg8[%add3A_15, %dma_wait3A] : memref<10240x128xf32, #tpu.memory_space<vmem_shared>> -> memref<128x128xf32, #tpu.memory_space<vmem_shared>>
      %dma_wait3A_45 = arith.constant 0 : i32
      %dma_wait3A_46 = tpu.memref_slice %arg8[%add3A_15, %dma_wait3A_45] : memref<10240x128xf32, #tpu.memory_space<vmem_shared>> -> memref<128x128xf32, #tpu.memory_space<vmem_shared>>
      tpu.wait_dma2 semaphore(%run_scoped3A : memref<!tpu.dma_semaphore, #tpu.memory_space<semaphore_mem>>) src(%arg6 : memref<128x128xf32, #tpu.memory_space<vmem>>) dst(%dma_wait3A_46 : memref<128x128xf32, #tpu.memory_space<vmem_shared>>)
      tpu.yield
    }) : () -> ()
    %add3A_16 = arith.constant 512 : i32
    %add3A_17 = arith.addi %mul3A_2, %add3A_16 : i32
    "tpu.region"() ({
      %run_scoped3A = tpu.sem_alloc : memref<!tpu.dma_semaphore, #tpu.memory_space<semaphore_mem>>
      %dma_start3A = arith.constant 0 : i32
      %dma_start3A_41 = tpu.memref_slice %arg8[%add3A_17, %dma_start3A] : memref<10240x128xf32, #tpu.memory_space<vmem_shared>> -> memref<128x128xf32, #tpu.memory_space<vmem_shared>>
      %dma_start3A_42 = arith.constant 0 : i32
      %dma_start3A_43 = tpu.memref_slice %arg8[%add3A_17, %dma_start3A_42] : memref<10240x128xf32, #tpu.memory_space<vmem_shared>> -> memref<128x128xf32, #tpu.memory_space<vmem_shared>>
      tpu.enqueue_dma source(%arg6 : memref<128x128xf32, #tpu.memory_space<vmem>>) target(%dma_start3A_43 : memref<128x128xf32, #tpu.memory_space<vmem_shared>>) target_semaphore(%run_scoped3A : memref<!tpu.dma_semaphore, #tpu.memory_space<semaphore_mem>>)
      %dma_wait3A = arith.constant 0 : i32
      %dma_wait3A_44 = tpu.memref_slice %arg8[%add3A_17, %dma_wait3A] : memref<10240x128xf32, #tpu.memory_space<vmem_shared>> -> memref<128x128xf32, #tpu.memory_space<vmem_shared>>
      %dma_wait3A_45 = arith.constant 0 : i32
      %dma_wait3A_46 = tpu.memref_slice %arg8[%add3A_17, %dma_wait3A_45] : memref<10240x128xf32, #tpu.memory_space<vmem_shared>> -> memref<128x128xf32, #tpu.memory_space<vmem_shared>>
      tpu.wait_dma2 semaphore(%run_scoped3A : memref<!tpu.dma_semaphore, #tpu.memory_space<semaphore_mem>>) src(%arg6 : memref<128x128xf32, #tpu.memory_space<vmem>>) dst(%dma_wait3A_46 : memref<128x128xf32, #tpu.memory_space<vmem_shared>>)
      tpu.yield
    }) : () -> ()
    %barrier3A = arith.constant 0 : index
    tpu.barrier barrier_id(%barrier3A)
    %eq3A = arith.constant 0 : i32
    %eq3A_18 = arith.cmpi eq, %arg0, %eq3A : i32
    %convert_element_type3A = arith.extui %eq3A_18 : i1 to i32
    %cond3A = arith.constant 0 : i32
    %cond3A_19 = arith.cmpi ne, %convert_element_type3A, %cond3A : i32
    scf.if %cond3A_19 {
      %mul3A_41 = arith.constant 131 : i32
      %mul3A_42 = arith.muli %arg1, %mul3A_41 : i32
      %run_scoped3A = arith.constant 0 : i32
      "tpu.region"() ({
        %run_scoped3A_75 = tpu.sem_alloc : memref<!tpu.dma_semaphore, #tpu.memory_space<semaphore_mem>>
        %dma_start3A_76 = arith.constant 0 : i32
        %dma_start3A_77 = arith.constant 0 : i32
        %dma_start3A_78 = tpu.memref_slice %arg5[%run_scoped3A, %dma_start3A_76, %dma_start3A_77] : memref<2x2x128xi32, #tpu.memory_space<vmem>> -> memref<1x2x128xi32, #tpu.memory_space<vmem>>
        %dma_start3A_79 = tpu.memref_squeeze %dma_start3A_78 : memref<1x2x128xi32, #tpu.memory_space<vmem>> -> memref<2x128xi32, #tpu.memory_space<vmem>>
        %dma_start3A_80 = arith.constant 0 : i32
        %dma_start3A_81 = arith.constant 0 : i32
        %dma_start3A_82 = tpu.memref_slice %arg3[%mul3A_42, %dma_start3A_80, %dma_start3A_81] : memref<2528x2x128xi32, #tpu.memory_space<hbm>> -> memref<1x2x128xi32, #tpu.memory_space<hbm>>
        %dma_start3A_83 = tpu.memref_squeeze %dma_start3A_82 : memref<1x2x128xi32, #tpu.memory_space<hbm>> -> memref<2x128xi32, #tpu.memory_space<hbm>>
        %dma_start3A_84 = arith.constant 0 : i32
        %dma_start3A_85 = arith.constant 0 : i32
        %dma_start3A_86 = tpu.memref_slice %arg5[%run_scoped3A, %dma_start3A_84, %dma_start3A_85] : memref<2x2x128xi32, #tpu.memory_space<vmem>> -> memref<1x2x128xi32, #tpu.memory_space<vmem>>
        %dma_start3A_87 = tpu.memref_squeeze %dma_start3A_86 : memref<1x2x128xi32, #tpu.memory_space<vmem>> -> memref<2x128xi32, #tpu.memory_space<vmem>>
        %dma_start3A_88 = arith.constant 0 : i32
        %dma_start3A_89 = arith.constant 0 : i32
        %dma_start3A_90 = tpu.memref_slice %arg3[%mul3A_42, %dma_start3A_88, %dma_start3A_89] : memref<2528x2x128xi32, #tpu.memory_space<hbm>> -> memref<1x2x128xi32, #tpu.memory_space<hbm>>
        %dma_start3A_91 = tpu.memref_squeeze %dma_start3A_90 : memref<1x2x128xi32, #tpu.memory_space<hbm>> -> memref<2x128xi32, #tpu.memory_space<hbm>>
        tpu.enqueue_dma source(%dma_start3A_91 : memref<2x128xi32, #tpu.memory_space<hbm>>) target(%dma_start3A_87 : memref<2x128xi32, #tpu.memory_space<vmem>>) target_semaphore(%run_scoped3A_75 : memref<!tpu.dma_semaphore, #tpu.memory_space<semaphore_mem>>)
        %dma_wait3A_92 = arith.constant 0 : i32
        %dma_wait3A_93 = arith.constant 0 : i32
        %dma_wait3A_94 = tpu.memref_slice %arg5[%run_scoped3A, %dma_wait3A_92, %dma_wait3A_93] : memref<2x2x128xi32, #tpu.memory_space<vmem>> -> memref<1x2x128xi32, #tpu.memory_space<vmem>>
        %dma_wait3A_95 = tpu.memref_squeeze %dma_wait3A_94 : memref<1x2x128xi32, #tpu.memory_space<vmem>> -> memref<2x128xi32, #tpu.memory_space<vmem>>
        %dma_wait3A_96 = arith.constant 0 : i32
        %dma_wait3A_97 = arith.constant 0 : i32
        %dma_wait3A_98 = tpu.memref_slice %arg3[%mul3A_42, %dma_wait3A_96, %dma_wait3A_97] : memref<2528x2x128xi32, #tpu.memory_space<hbm>> -> memref<1x2x128xi32, #tpu.memory_space<hbm>>
        %dma_wait3A_99 = tpu.memref_squeeze %dma_wait3A_98 : memref<1x2x128xi32, #tpu.memory_space<hbm>> -> memref<2x128xi32, #tpu.memory_space<hbm>>
        %dma_wait3A_100 = arith.constant 0 : i32
        %dma_wait3A_101 = arith.constant 0 : i32
        %dma_wait3A_102 = tpu.memref_slice %arg5[%run_scoped3A, %dma_wait3A_100, %dma_wait3A_101] : memref<2x2x128xi32, #tpu.memory_space<vmem>> -> memref<1x2x128xi32, #tpu.memory_space<vmem>>
        %dma_wait3A_103 = tpu.memref_squeeze %dma_wait3A_102 : memref<1x2x128xi32, #tpu.memory_space<vmem>> -> memref<2x128xi32, #tpu.memory_space<vmem>>
        %dma_wait3A_104 = arith.constant 0 : i32
        %dma_wait3A_105 = arith.constant 0 : i32
        %dma_wait3A_106 = tpu.memref_slice %arg3[%mul3A_42, %dma_wait3A_104, %dma_wait3A_105] : memref<2528x2x128xi32, #tpu.memory_space<hbm>> -> memref<1x2x128xi32, #tpu.memory_space<hbm>>
        %dma_wait3A_107 = tpu.memref_squeeze %dma_wait3A_106 : memref<1x2x128xi32, #tpu.memory_space<hbm>> -> memref<2x128xi32, #tpu.memory_space<hbm>>
        tpu.wait_dma2 semaphore(%run_scoped3A_75 : memref<!tpu.dma_semaphore, #tpu.memory_space<semaphore_mem>>) src(%dma_wait3A_107 : memref<2x128xi32, #tpu.memory_space<hbm>>) dst(%dma_wait3A_103 : memref<2x128xi32, #tpu.memory_space<vmem>>)
        tpu.yield
      }) : () -> ()
      %dma_start3A = arith.constant 0 : i32
      %dma_start3A_43 = arith.constant 0 : i32
      %dma_start3A_44 = arith.constant 0 : i32
      %dma_start3A_45 = arith.constant 0 : i32
      %dma_start3A_46 = tpu.memref_slice %arg5[%dma_start3A, %dma_start3A_44, %dma_start3A_45] : memref<2x2x128xi32, #tpu.memory_space<vmem>> -> memref<1x2x128xi32, #tpu.memory_space<vmem>>
      %dma_start3A_47 = tpu.memref_squeeze %dma_start3A_46 : memref<1x2x128xi32, #tpu.memory_space<vmem>> -> memref<2x128xi32, #tpu.memory_space<vmem>>
      %dma_start3A_48 = arith.constant 0 : i32
      %dma_start3A_49 = tpu.memref_slice %dma_start3A_47[%dma_start3A_43, %dma_start3A_48] : memref<2x128xi32, #tpu.memory_space<vmem>> -> memref<1x128xi32, #tpu.memory_space<vmem>>
      %dma_start3A_50 = tpu.memref_squeeze %dma_start3A_49 : memref<1x128xi32, #tpu.memory_space<vmem>> -> memref<128xi32, #tpu.memory_space<vmem>>
      %dma_start3A_51 = arith.constant 0 : i32
      %dma_start3A_52 = arith.constant 0 : i32
      %dma_start3A_53 = tpu.memref_slice %arg2[%dma_start3A_51, %dma_start3A_52] : memref<10000x128xf32, #tpu.memory_space<hbm>> -> memref<10000x128xf32, #tpu.memory_space<hbm>>
      tpu.enqueue_indirect_dma source(%dma_start3A_53 : memref<10000x128xf32, #tpu.memory_space<hbm>>) target(%arg6 : memref<128x128xf32, #tpu.memory_space<vmem>>) offsets(%dma_start3A_50 : memref<128xi32, #tpu.memory_space<vmem>>) semaphore(%arg9 : memref<!tpu.dma_semaphore, #tpu.memory_space<semaphore_mem>>)
      %scan3A_54 = arith.constant 0 : i32
      %scan3A_55 = arith.constant 0 : i32
      %scan3A_56 = arith.constant 0 : i32
      %scan3A_57 = arith.constant 0 : i32
      %scan3A_58 = arith.constant 65 : i32
      %scan3A_59 = arith.addi %scan3A_57, %scan3A_58 : i32
      %scan3A_60 = arith.constant 1 : i32
      scf.for %scan3A_75 = %scan3A_57 to %scan3A_59 step %scan3A_60  : i32 {
        %mul3A_76 = arith.constant 2 : i32
        %mul3A_77 = arith.muli %mul3A_76, %scan3A_75 : i32
        %add3A_78 = arith.addi %mul3A_42, %mul3A_77 : i32
        %add3A_79 = arith.constant 1 : i32
        %add3A_80 = arith.addi %add3A_78, %add3A_79 : i32
        %run_scoped3A_81 = arith.constant 1 : i32
        "tpu.region"() ({
          %run_scoped3A_135 = tpu.sem_alloc : memref<!tpu.dma_semaphore, #tpu.memory_space<semaphore_mem>>
          %dma_start3A_136 = arith.constant 0 : i32
          %dma_start3A_137 = arith.constant 0 : i32
          %dma_start3A_138 = tpu.memref_slice %arg5[%run_scoped3A_81, %dma_start3A_136, %dma_start3A_137] : memref<2x2x128xi32, #tpu.memory_space<vmem>> -> memref<1x2x128xi32, #tpu.memory_space<vmem>>
          %dma_start3A_139 = tpu.memref_squeeze %dma_start3A_138 : memref<1x2x128xi32, #tpu.memory_space<vmem>> -> memref<2x128xi32, #tpu.memory_space<vmem>>
          %dma_start3A_140 = arith.constant 0 : i32
          %dma_start3A_141 = arith.constant 0 : i32
          %dma_start3A_142 = tpu.memref_slice %arg3[%add3A_80, %dma_start3A_140, %dma_start3A_141] : memref<2528x2x128xi32, #tpu.memory_space<hbm>> -> memref<1x2x128xi32, #tpu.memory_space<hbm>>
          %dma_start3A_143 = tpu.memref_squeeze %dma_start3A_142 : memref<1x2x128xi32, #tpu.memory_space<hbm>> -> memref<2x128xi32, #tpu.memory_space<hbm>>
          %dma_start3A_144 = arith.constant 0 : i32
          %dma_start3A_145 = arith.constant 0 : i32
          %dma_start3A_146 = tpu.memref_slice %arg5[%run_scoped3A_81, %dma_start3A_144, %dma_start3A_145] : memref<2x2x128xi32, #tpu.memory_space<vmem>> -> memref<1x2x128xi32, #tpu.memory_space<vmem>>
          %dma_start3A_147 = tpu.memref_squeeze %dma_start3A_146 : memref<1x2x128xi32, #tpu.memory_space<vmem>> -> memref<2x128xi32, #tpu.memory_space<vmem>>
          %dma_start3A_148 = arith.constant 0 : i32
          %dma_start3A_149 = arith.constant 0 : i32
          %dma_start3A_150 = tpu.memref_slice %arg3[%add3A_80, %dma_start3A_148, %dma_start3A_149] : memref<2528x2x128xi32, #tpu.memory_space<hbm>> -> memref<1x2x128xi32, #tpu.memory_space<hbm>>
          %dma_start3A_151 = tpu.memref_squeeze %dma_start3A_150 : memref<1x2x128xi32, #tpu.memory_space<hbm>> -> memref<2x128xi32, #tpu.memory_space<hbm>>
          tpu.enqueue_dma source(%dma_start3A_151 : memref<2x128xi32, #tpu.memory_space<hbm>>) target(%dma_start3A_147 : memref<2x128xi32, #tpu.memory_space<vmem>>) target_semaphore(%run_scoped3A_135 : memref<!tpu.dma_semaphore, #tpu.memory_space<semaphore_mem>>)
          %dma_wait3A_152 = arith.constant 0 : i32
          %dma_wait3A_153 = arith.constant 0 : i32
          %dma_wait3A_154 = tpu.memref_slice %arg5[%run_scoped3A_81, %dma_wait3A_152, %dma_wait3A_153] : memref<2x2x128xi32, #tpu.memory_space<vmem>> -> memref<1x2x128xi32, #tpu.memory_space<vmem>>
          %dma_wait3A_155 = tpu.memref_squeeze %dma_wait3A_154 : memref<1x2x128xi32, #tpu.memory_space<vmem>> -> memref<2x128xi32, #tpu.memory_space<vmem>>
          %dma_wait3A_156 = arith.constant 0 : i32
          %dma_wait3A_157 = arith.constant 0 : i32
          %dma_wait3A_158 = tpu.memref_slice %arg3[%add3A_80, %dma_wait3A_156, %dma_wait3A_157] : memref<2528x2x128xi32, #tpu.memory_space<hbm>> -> memref<1x2x128xi32, #tpu.memory_space<hbm>>
          %dma_wait3A_159 = tpu.memref_squeeze %dma_wait3A_158 : memref<1x2x128xi32, #tpu.memory_space<hbm>> -> memref<2x128xi32, #tpu.memory_space<hbm>>
          %dma_wait3A_160 = arith.constant 0 : i32
          %dma_wait3A_161 = arith.constant 0 : i32
          %dma_wait3A_162 = tpu.memref_slice %arg5[%run_scoped3A_81, %dma_wait3A_160, %dma_wait3A_161] : memref<2x2x128xi32, #tpu.memory_space<vmem>> -> memref<1x2x128xi32, #tpu.memory_space<vmem>>
          %dma_wait3A_163 = tpu.memref_squeeze %dma_wait3A_162 : memref<1x2x128xi32, #tpu.memory_space<vmem>> -> memref<2x128xi32, #tpu.memory_space<vmem>>
          %dma_wait3A_164 = arith.constant 0 : i32
          %dma_wait3A_165 = arith.constant 0 : i32
          %dma_wait3A_166 = tpu.memref_slice %arg3[%add3A_80, %dma_wait3A_164, %dma_wait3A_165] : memref<2528x2x128xi32, #tpu.memory_space<hbm>> -> memref<1x2x128xi32, #tpu.memory_space<hbm>>
          %dma_wait3A_167 = tpu.memref_squeeze %dma_wait3A_166 : memref<1x2x128xi32, #tpu.memory_space<hbm>> -> memref<2x128xi32, #tpu.memory_space<hbm>>
          tpu.wait_dma2 semaphore(%run_scoped3A_135 : memref<!tpu.dma_semaphore, #tpu.memory_space<semaphore_mem>>) src(%dma_wait3A_167 : memref<2x128xi32, #tpu.memory_space<hbm>>) dst(%dma_wait3A_163 : memref<2x128xi32, #tpu.memory_space<vmem>>)
          tpu.yield
        }) : () -> ()
        %dma_start3A_82 = arith.constant 1 : i32
        %dma_start3A_83 = arith.constant 0 : i32
        %dma_start3A_84 = arith.constant 0 : i32
        %dma_start3A_85 = arith.constant 0 : i32
        %dma_start3A_86 = tpu.memref_slice %arg5[%dma_start3A_82, %dma_start3A_84, %dma_start3A_85] : memref<2x2x128xi32, #tpu.memory_space<vmem>> -> memref<1x2x128xi32, #tpu.memory_space<vmem>>
        %dma_start3A_87 = tpu.memref_squeeze %dma_start3A_86 : memref<1x2x128xi32, #tpu.memory_space<vmem>> -> memref<2x128xi32, #tpu.memory_space<vmem>>
        %dma_start3A_88 = arith.constant 0 : i32
        %dma_start3A_89 = tpu.memref_slice %dma_start3A_87[%dma_start3A_83, %dma_start3A_88] : memref<2x128xi32, #tpu.memory_space<vmem>> -> memref<1x128xi32, #tpu.memory_space<vmem>>
        %dma_start3A_90 = tpu.memref_squeeze %dma_start3A_89 : memref<1x128xi32, #tpu.memory_space<vmem>> -> memref<128xi32, #tpu.memory_space<vmem>>
        %dma_start3A_91 = arith.constant 0 : i32
        %dma_start3A_92 = arith.constant 0 : i32
        %dma_start3A_93 = tpu.memref_slice %arg2[%dma_start3A_91, %dma_start3A_92] : memref<10000x128xf32, #tpu.memory_space<hbm>> -> memref<10000x128xf32, #tpu.memory_space<hbm>>
        tpu.enqueue_indirect_dma source(%dma_start3A_93 : memref<10000x128xf32, #tpu.memory_space<hbm>>) target(%arg7 : memref<128x128xf32, #tpu.memory_space<vmem>>) offsets(%dma_start3A_90 : memref<128xi32, #tpu.memory_space<vmem>>) semaphore(%arg10 : memref<!tpu.dma_semaphore, #tpu.memory_space<semaphore_mem>>)
        %dma_wait3A_94 = arith.constant 0 : i32
        %dma_wait3A_95 = arith.constant 0 : i32
        %dma_wait3A_96 = tpu.memref_slice %arg5[%scan3A_55, %dma_wait3A_94, %dma_wait3A_95] : memref<2x2x128xi32, #tpu.memory_space<vmem>> -> memref<1x2x128xi32, #tpu.memory_space<vmem>>
        %dma_wait3A_97 = tpu.memref_squeeze %dma_wait3A_96 : memref<1x2x128xi32, #tpu.memory_space<vmem>> -> memref<2x128xi32, #tpu.memory_space<vmem>>
        %dma_wait3A_98 = arith.constant 0 : i32
        %dma_wait3A_99 = tpu.memref_slice %dma_wait3A_97[%scan3A_56, %dma_wait3A_98] : memref<2x128xi32, #tpu.memory_space<vmem>> -> memref<1x128xi32, #tpu.memory_space<vmem>>
        %dma_wait3A_100 = tpu.memref_squeeze %dma_wait3A_99 : memref<1x128xi32, #tpu.memory_space<vmem>> -> memref<128xi32, #tpu.memory_space<vmem>>
        %dma_wait3A_101 = arith.constant 0 : i32
        %dma_wait3A_102 = arith.constant 0 : i32
        %dma_wait3A_103 = tpu.memref_slice %arg2[%dma_wait3A_101, %dma_wait3A_102] : memref<10000x128xf32, #tpu.memory_space<hbm>> -> memref<10000x128xf32, #tpu.memory_space<hbm>>
        tpu.wait_indirect_dma semaphore(%arg9 : memref<!tpu.dma_semaphore, #tpu.memory_space<semaphore_mem>>) src(%dma_wait3A_103 : memref<10000x128xf32, #tpu.memory_space<hbm>>) dst(%arg6 : memref<128x128xf32, #tpu.memory_space<vmem>>)
        %run_scoped3A_104 = arith.constant 0 : i32
        %run_scoped3A_105 = arith.constant 1 : i32
        "tpu.region"() ({
          %run_scoped3A_135 = tpu.sem_alloc : memref<!tpu.dma_semaphore, #tpu.memory_space<semaphore_mem>>
          %dma_start3A_136 = arith.constant 0 : i32
          %dma_start3A_137 = arith.constant 0 : i32
          %dma_start3A_138 = tpu.memref_slice %arg5[%run_scoped3A_104, %dma_start3A_136, %dma_start3A_137] : memref<2x2x128xi32, #tpu.memory_space<vmem>> -> memref<1x2x128xi32, #tpu.memory_space<vmem>>
          %dma_start3A_139 = tpu.memref_squeeze %dma_start3A_138 : memref<1x2x128xi32, #tpu.memory_space<vmem>> -> memref<2x128xi32, #tpu.memory_space<vmem>>
          %dma_start3A_140 = arith.constant 0 : i32
          %dma_start3A_141 = tpu.memref_slice %dma_start3A_139[%run_scoped3A_105, %dma_start3A_140] : memref<2x128xi32, #tpu.memory_space<vmem>> -> memref<1x128xi32, #tpu.memory_space<vmem>>
          %dma_start3A_142 = tpu.memref_squeeze %dma_start3A_141 : memref<1x128xi32, #tpu.memory_space<vmem>> -> memref<128xi32, #tpu.memory_space<vmem>>
          %dma_start3A_143 = arith.constant 0 : i32
          %dma_start3A_144 = arith.constant 0 : i32
          %dma_start3A_145 = tpu.memref_slice %arg8[%dma_start3A_143, %dma_start3A_144] : memref<10240x128xf32, #tpu.memory_space<vmem_shared>> -> memref<10240x128xf32, #tpu.memory_space<vmem_shared>>
          tpu.enqueue_indirect_dma source(%arg6 : memref<128x128xf32, #tpu.memory_space<vmem>>) target(%dma_start3A_145 : memref<10240x128xf32, #tpu.memory_space<vmem_shared>>) offsets(%dma_start3A_142 : memref<128xi32, #tpu.memory_space<vmem>>) semaphore(%run_scoped3A_135 : memref<!tpu.dma_semaphore, #tpu.memory_space<semaphore_mem>>) {add = true}
          %dma_wait3A_146 = arith.constant 0 : i32
          %dma_wait3A_147 = arith.constant 0 : i32
          %dma_wait3A_148 = tpu.memref_slice %arg5[%run_scoped3A_104, %dma_wait3A_146, %dma_wait3A_147] : memref<2x2x128xi32, #tpu.memory_space<vmem>> -> memref<1x2x128xi32, #tpu.memory_space<vmem>>
          %dma_wait3A_149 = tpu.memref_squeeze %dma_wait3A_148 : memref<1x2x128xi32, #tpu.memory_space<vmem>> -> memref<2x128xi32, #tpu.memory_space<vmem>>
          %dma_wait3A_150 = arith.constant 0 : i32
          %dma_wait3A_151 = tpu.memref_slice %dma_wait3A_149[%run_scoped3A_105, %dma_wait3A_150] : memref<2x128xi32, #tpu.memory_space<vmem>> -> memref<1x128xi32, #tpu.memory_space<vmem>>
          %dma_wait3A_152 = tpu.memref_squeeze %dma_wait3A_151 : memref<1x128xi32, #tpu.memory_space<vmem>> -> memref<128xi32, #tpu.memory_space<vmem>>
          %dma_wait3A_153 = arith.constant 0 : i32
          %dma_wait3A_154 = arith.constant 0 : i32
          %dma_wait3A_155 = tpu.memref_slice %arg8[%dma_wait3A_153, %dma_wait3A_154] : memref<10240x128xf32, #tpu.memory_space<vmem_shared>> -> memref<10240x128xf32, #tpu.memory_space<vmem_shared>>
          tpu.wait_indirect_dma semaphore(%run_scoped3A_135 : memref<!tpu.dma_semaphore, #tpu.memory_space<semaphore_mem>>) src(%arg6 : memref<128x128xf32, #tpu.memory_space<vmem>>) dst(%dma_wait3A_155 : memref<10240x128xf32, #tpu.memory_space<vmem_shared>>)
          tpu.yield
        }) : () -> ()
        %add3A_106 = arith.constant 2 : i32
        %add3A_107 = arith.addi %add3A_78, %add3A_106 : i32
        %run_scoped3A_108 = arith.constant 0 : i32
        "tpu.region"() ({
          %run_scoped3A_135 = tpu.sem_alloc : memref<!tpu.dma_semaphore, #tpu.memory_space<semaphore_mem>>
          %dma_start3A_136 = arith.constant 0 : i32
          %dma_start3A_137 = arith.constant 0 : i32
          %dma_start3A_138 = tpu.memref_slice %arg5[%run_scoped3A_108, %dma_start3A_136, %dma_start3A_137] : memref<2x2x128xi32, #tpu.memory_space<vmem>> -> memref<1x2x128xi32, #tpu.memory_space<vmem>>
          %dma_start3A_139 = tpu.memref_squeeze %dma_start3A_138 : memref<1x2x128xi32, #tpu.memory_space<vmem>> -> memref<2x128xi32, #tpu.memory_space<vmem>>
          %dma_start3A_140 = arith.constant 0 : i32
          %dma_start3A_141 = arith.constant 0 : i32
          %dma_start3A_142 = tpu.memref_slice %arg3[%add3A_107, %dma_start3A_140, %dma_start3A_141] : memref<2528x2x128xi32, #tpu.memory_space<hbm>> -> memref<1x2x128xi32, #tpu.memory_space<hbm>>
          %dma_start3A_143 = tpu.memref_squeeze %dma_start3A_142 : memref<1x2x128xi32, #tpu.memory_space<hbm>> -> memref<2x128xi32, #tpu.memory_space<hbm>>
          %dma_start3A_144 = arith.constant 0 : i32
          %dma_start3A_145 = arith.constant 0 : i32
          %dma_start3A_146 = tpu.memref_slice %arg5[%run_scoped3A_108, %dma_start3A_144, %dma_start3A_145] : memref<2x2x128xi32, #tpu.memory_space<vmem>> -> memref<1x2x128xi32, #tpu.memory_space<vmem>>
          %dma_start3A_147 = tpu.memref_squeeze %dma_start3A_146 : memref<1x2x128xi32, #tpu.memory_space<vmem>> -> memref<2x128xi32, #tpu.memory_space<vmem>>
          %dma_start3A_148 = arith.constant 0 : i32
          %dma_start3A_149 = arith.constant 0 : i32
          %dma_start3A_150 = tpu.memref_slice %arg3[%add3A_107, %dma_start3A_148, %dma_start3A_149] : memref<2528x2x128xi32, #tpu.memory_space<hbm>> -> memref<1x2x128xi32, #tpu.memory_space<hbm>>
          %dma_start3A_151 = tpu.memref_squeeze %dma_start3A_150 : memref<1x2x128xi32, #tpu.memory_space<hbm>> -> memref<2x128xi32, #tpu.memory_space<hbm>>
          tpu.enqueue_dma source(%dma_start3A_151 : memref<2x128xi32, #tpu.memory_space<hbm>>) target(%dma_start3A_147 : memref<2x128xi32, #tpu.memory_space<vmem>>) target_semaphore(%run_scoped3A_135 : memref<!tpu.dma_semaphore, #tpu.memory_space<semaphore_mem>>)
          %dma_wait3A_152 = arith.constant 0 : i32
          %dma_wait3A_153 = arith.constant 0 : i32
          %dma_wait3A_154 = tpu.memref_slice %arg5[%run_scoped3A_108, %dma_wait3A_152, %dma_wait3A_153] : memref<2x2x128xi32, #tpu.memory_space<vmem>> -> memref<1x2x128xi32, #tpu.memory_space<vmem>>
          %dma_wait3A_155 = tpu.memref_squeeze %dma_wait3A_154 : memref<1x2x128xi32, #tpu.memory_space<vmem>> -> memref<2x128xi32, #tpu.memory_space<vmem>>
          %dma_wait3A_156 = arith.constant 0 : i32
          %dma_wait3A_157 = arith.constant 0 : i32
          %dma_wait3A_158 = tpu.memref_slice %arg3[%add3A_107, %dma_wait3A_156, %dma_wait3A_157] : memref<2528x2x128xi32, #tpu.memory_space<hbm>> -> memref<1x2x128xi32, #tpu.memory_space<hbm>>
          %dma_wait3A_159 = tpu.memref_squeeze %dma_wait3A_158 : memref<1x2x128xi32, #tpu.memory_space<hbm>> -> memref<2x128xi32, #tpu.memory_space<hbm>>
          %dma_wait3A_160 = arith.constant 0 : i32
          %dma_wait3A_161 = arith.constant 0 : i32
          %dma_wait3A_162 = tpu.memref_slice %arg5[%run_scoped3A_108, %dma_wait3A_160, %dma_wait3A_161] : memref<2x2x128xi32, #tpu.memory_space<vmem>> -> memref<1x2x128xi32, #tpu.memory_space<vmem>>
          %dma_wait3A_163 = tpu.memref_squeeze %dma_wait3A_162 : memref<1x2x128xi32, #tpu.memory_space<vmem>> -> memref<2x128xi32, #tpu.memory_space<vmem>>
          %dma_wait3A_164 = arith.constant 0 : i32
          %dma_wait3A_165 = arith.constant 0 : i32
          %dma_wait3A_166 = tpu.memref_slice %arg3[%add3A_107, %dma_wait3A_164, %dma_wait3A_165] : memref<2528x2x128xi32, #tpu.memory_space<hbm>> -> memref<1x2x128xi32, #tpu.memory_space<hbm>>
          %dma_wait3A_167 = tpu.memref_squeeze %dma_wait3A_166 : memref<1x2x128xi32, #tpu.memory_space<hbm>> -> memref<2x128xi32, #tpu.memory_space<hbm>>
          tpu.wait_dma2 semaphore(%run_scoped3A_135 : memref<!tpu.dma_semaphore, #tpu.memory_space<semaphore_mem>>) src(%dma_wait3A_167 : memref<2x128xi32, #tpu.memory_space<hbm>>) dst(%dma_wait3A_163 : memref<2x128xi32, #tpu.memory_space<vmem>>)
          tpu.yield
        }) : () -> ()
        %dma_start3A_109 = arith.constant 0 : i32
        %dma_start3A_110 = arith.constant 0 : i32
        %dma_start3A_111 = arith.constant 0 : i32
        %dma_start3A_112 = arith.constant 0 : i32
        %dma_start3A_113 = tpu.memref_slice %arg5[%dma_start3A_109, %dma_start3A_111, %dma_start3A_112] : memref<2x2x128xi32, #tpu.memory_space<vmem>> -> memref<1x2x128xi32, #tpu.memory_space<vmem>>
        %dma_start3A_114 = tpu.memref_squeeze %dma_start3A_113 : memref<1x2x128xi32, #tpu.memory_space<vmem>> -> memref<2x128xi32, #tpu.memory_space<vmem>>
        %dma_start3A_115 = arith.constant 0 : i32
        %dma_start3A_116 = tpu.memref_slice %dma_start3A_114[%dma_start3A_110, %dma_start3A_115] : memref<2x128xi32, #tpu.memory_space<vmem>> -> memref<1x128xi32, #tpu.memory_space<vmem>>
        %dma_start3A_117 = tpu.memref_squeeze %dma_start3A_116 : memref<1x128xi32, #tpu.memory_space<vmem>> -> memref<128xi32, #tpu.memory_space<vmem>>
        %dma_start3A_118 = arith.constant 0 : i32
        %dma_start3A_119 = arith.constant 0 : i32
        %dma_start3A_120 = tpu.memref_slice %arg2[%dma_start3A_118, %dma_start3A_119] : memref<10000x128xf32, #tpu.memory_space<hbm>> -> memref<10000x128xf32, #tpu.memory_space<hbm>>
        tpu.enqueue_indirect_dma source(%dma_start3A_120 : memref<10000x128xf32, #tpu.memory_space<hbm>>) target(%arg6 : memref<128x128xf32, #tpu.memory_space<vmem>>) offsets(%dma_start3A_117 : memref<128xi32, #tpu.memory_space<vmem>>) semaphore(%arg9 : memref<!tpu.dma_semaphore, #tpu.memory_space<semaphore_mem>>)
        %dma_wait3A_121 = arith.constant 1 : i32
        %dma_wait3A_122 = arith.constant 0 : i32
        %dma_wait3A_123 = arith.constant 0 : i32
        %dma_wait3A_124 = arith.constant 0 : i32
        %dma_wait3A_125 = tpu.memref_slice %arg5[%dma_wait3A_121, %dma_wait3A_123, %dma_wait3A_124] : memref<2x2x128xi32, #tpu.memory_space<vmem>> -> memref<1x2x128xi32, #tpu.memory_space<vmem>>
        %dma_wait3A_126 = tpu.memref_squeeze %dma_wait3A_125 : memref<1x2x128xi32, #tpu.memory_space<vmem>> -> memref<2x128xi32, #tpu.memory_space<vmem>>
        %dma_wait3A_127 = arith.constant 0 : i32
        %dma_wait3A_128 = tpu.memref_slice %dma_wait3A_126[%dma_wait3A_122, %dma_wait3A_127] : memref<2x128xi32, #tpu.memory_space<vmem>> -> memref<1x128xi32, #tpu.memory_space<vmem>>
        %dma_wait3A_129 = tpu.memref_squeeze %dma_wait3A_128 : memref<1x128xi32, #tpu.memory_space<vmem>> -> memref<128xi32, #tpu.memory_space<vmem>>
        %dma_wait3A_130 = arith.constant 0 : i32
        %dma_wait3A_131 = arith.constant 0 : i32
        %dma_wait3A_132 = tpu.memref_slice %arg2[%dma_wait3A_130, %dma_wait3A_131] : memref<10000x128xf32, #tpu.memory_space<hbm>> -> memref<10000x128xf32, #tpu.memory_space<hbm>>
        tpu.wait_indirect_dma semaphore(%arg10 : memref<!tpu.dma_semaphore, #tpu.memory_space<semaphore_mem>>) src(%dma_wait3A_132 : memref<10000x128xf32, #tpu.memory_space<hbm>>) dst(%arg7 : memref<128x128xf32, #tpu.memory_space<vmem>>)
        %run_scoped3A_133 = arith.constant 1 : i32
        %run_scoped3A_134 = arith.constant 1 : i32
        "tpu.region"() ({
          %run_scoped3A_135 = tpu.sem_alloc : memref<!tpu.dma_semaphore, #tpu.memory_space<semaphore_mem>>
          %dma_start3A_136 = arith.constant 0 : i32
          %dma_start3A_137 = arith.constant 0 : i32
          %dma_start3A_138 = tpu.memref_slice %arg5[%run_scoped3A_133, %dma_start3A_136, %dma_start3A_137] : memref<2x2x128xi32, #tpu.memory_space<vmem>> -> memref<1x2x128xi32, #tpu.memory_space<vmem>>
          %dma_start3A_139 = tpu.memref_squeeze %dma_start3A_138 : memref<1x2x128xi32, #tpu.memory_space<vmem>> -> memref<2x128xi32, #tpu.memory_space<vmem>>
          %dma_start3A_140 = arith.constant 0 : i32
          %dma_start3A_141 = tpu.memref_slice %dma_start3A_139[%run_scoped3A_134, %dma_start3A_140] : memref<2x128xi32, #tpu.memory_space<vmem>> -> memref<1x128xi32, #tpu.memory_space<vmem>>
          %dma_start3A_142 = tpu.memref_squeeze %dma_start3A_141 : memref<1x128xi32, #tpu.memory_space<vmem>> -> memref<128xi32, #tpu.memory_space<vmem>>
          %dma_start3A_143 = arith.constant 0 : i32
          %dma_start3A_144 = arith.constant 0 : i32
          %dma_start3A_145 = tpu.memref_slice %arg8[%dma_start3A_143, %dma_start3A_144] : memref<10240x128xf32, #tpu.memory_space<vmem_shared>> -> memref<10240x128xf32, #tpu.memory_space<vmem_shared>>
          tpu.enqueue_indirect_dma source(%arg7 : memref<128x128xf32, #tpu.memory_space<vmem>>) target(%dma_start3A_145 : memref<10240x128xf32, #tpu.memory_space<vmem_shared>>) offsets(%dma_start3A_142 : memref<128xi32, #tpu.memory_space<vmem>>) semaphore(%run_scoped3A_135 : memref<!tpu.dma_semaphore, #tpu.memory_space<semaphore_mem>>) {add = true}
          %dma_wait3A_146 = arith.constant 0 : i32
          %dma_wait3A_147 = arith.constant 0 : i32
          %dma_wait3A_148 = tpu.memref_slice %arg5[%run_scoped3A_133, %dma_wait3A_146, %dma_wait3A_147] : memref<2x2x128xi32, #tpu.memory_space<vmem>> -> memref<1x2x128xi32, #tpu.memory_space<vmem>>
          %dma_wait3A_149 = tpu.memref_squeeze %dma_wait3A_148 : memref<1x2x128xi32, #tpu.memory_space<vmem>> -> memref<2x128xi32, #tpu.memory_space<vmem>>
          %dma_wait3A_150 = arith.constant 0 : i32
          %dma_wait3A_151 = tpu.memref_slice %dma_wait3A_149[%run_scoped3A_134, %dma_wait3A_150] : memref<2x128xi32, #tpu.memory_space<vmem>> -> memref<1x128xi32, #tpu.memory_space<vmem>>
          %dma_wait3A_152 = tpu.memref_squeeze %dma_wait3A_151 : memref<1x128xi32, #tpu.memory_space<vmem>> -> memref<128xi32, #tpu.memory_space<vmem>>
          %dma_wait3A_153 = arith.constant 0 : i32
          %dma_wait3A_154 = arith.constant 0 : i32
          %dma_wait3A_155 = tpu.memref_slice %arg8[%dma_wait3A_153, %dma_wait3A_154] : memref<10240x128xf32, #tpu.memory_space<vmem_shared>> -> memref<10240x128xf32, #tpu.memory_space<vmem_shared>>
          tpu.wait_indirect_dma semaphore(%run_scoped3A_135 : memref<!tpu.dma_semaphore, #tpu.memory_space<semaphore_mem>>) src(%arg7 : memref<128x128xf32, #tpu.memory_space<vmem>>) dst(%dma_wait3A_155 : memref<10240x128xf32, #tpu.memory_space<vmem_shared>>)
          tpu.yield
        }) : () -> ()
      }
      %scan3A_61 = arith.constant 65 : i32
      %dma_wait3A = arith.constant 0 : i32
      %dma_wait3A_62 = arith.constant 0 : i32
      %dma_wait3A_63 = arith.constant 0 : i32
      %dma_wait3A_64 = arith.constant 0 : i32
      %dma_wait3A_65 = tpu.memref_slice %arg5[%dma_wait3A, %dma_wait3A_63, %dma_wait3A_64] : memref<2x2x128xi32, #tpu.memory_space<vmem>> -> memref<1x2x128xi32, #tpu.memory_space<vmem>>
      %dma_wait3A_66 = tpu.memref_squeeze %dma_wait3A_65 : memref<1x2x128xi32, #tpu.memory_space<vmem>> -> memref<2x128xi32, #tpu.memory_space<vmem>>
      %dma_wait3A_67 = arith.constant 0 : i32
      %dma_wait3A_68 = tpu.memref_slice %dma_wait3A_66[%dma_wait3A_62, %dma_wait3A_67] : memref<2x128xi32, #tpu.memory_space<vmem>> -> memref<1x128xi32, #tpu.memory_space<vmem>>
      %dma_wait3A_69 = tpu.memref_squeeze %dma_wait3A_68 : memref<1x128xi32, #tpu.memory_space<vmem>> -> memref<128xi32, #tpu.memory_space<vmem>>
      %dma_wait3A_70 = arith.constant 0 : i32
      %dma_wait3A_71 = arith.constant 0 : i32
      %dma_wait3A_72 = tpu.memref_slice %arg2[%dma_wait3A_70, %dma_wait3A_71] : memref<10000x128xf32, #tpu.memory_space<hbm>> -> memref<10000x128xf32, #tpu.memory_space<hbm>>
      tpu.wait_indirect_dma semaphore(%arg9 : memref<!tpu.dma_semaphore, #tpu.memory_space<semaphore_mem>>) src(%dma_wait3A_72 : memref<10000x128xf32, #tpu.memory_space<hbm>>) dst(%arg6 : memref<128x128xf32, #tpu.memory_space<vmem>>)
      %run_scoped3A_73 = arith.constant 0 : i32
      %run_scoped3A_74 = arith.constant 1 : i32
      "tpu.region"() ({
        %run_scoped3A_75 = tpu.sem_alloc : memref<!tpu.dma_semaphore, #tpu.memory_space<semaphore_mem>>
        %dma_start3A_76 = arith.constant 0 : i32
        %dma_start3A_77 = arith.constant 0 : i32
        %dma_start3A_78 = tpu.memref_slice %arg5[%run_scoped3A_73, %dma_start3A_76, %dma_start3A_77] : memref<2x2x128xi32, #tpu.memory_space<vmem>> -> memref<1x2x128xi32, #tpu.memory_space<vmem>>
        %dma_start3A_79 = tpu.memref_squeeze %dma_start3A_78 : memref<1x2x128xi32, #tpu.memory_space<vmem>> -> memref<2x128xi32, #tpu.memory_space<vmem>>
        %dma_start3A_80 = arith.constant 0 : i32
        %dma_start3A_81 = tpu.memref_slice %dma_start3A_79[%run_scoped3A_74, %dma_start3A_80] : memref<2x128xi32, #tpu.memory_space<vmem>> -> memref<1x128xi32, #tpu.memory_space<vmem>>
        %dma_start3A_82 = tpu.memref_squeeze %dma_start3A_81 : memref<1x128xi32, #tpu.memory_space<vmem>> -> memref<128xi32, #tpu.memory_space<vmem>>
        %dma_start3A_83 = arith.constant 0 : i32
        %dma_start3A_84 = arith.constant 0 : i32
        %dma_start3A_85 = tpu.memref_slice %arg8[%dma_start3A_83, %dma_start3A_84] : memref<10240x128xf32, #tpu.memory_space<vmem_shared>> -> memref<10240x128xf32, #tpu.memory_space<vmem_shared>>
        tpu.enqueue_indirect_dma source(%arg6 : memref<128x128xf32, #tpu.memory_space<vmem>>) target(%dma_start3A_85 : memref<10240x128xf32, #tpu.memory_space<vmem_shared>>) offsets(%dma_start3A_82 : memref<128xi32, #tpu.memory_space<vmem>>) semaphore(%run_scoped3A_75 : memref<!tpu.dma_semaphore, #tpu.memory_space<semaphore_mem>>) {add = true}
        %dma_wait3A_86 = arith.constant 0 : i32
        %dma_wait3A_87 = arith.constant 0 : i32
        %dma_wait3A_88 = tpu.memref_slice %arg5[%run_scoped3A_73, %dma_wait3A_86, %dma_wait3A_87] : memref<2x2x128xi32, #tpu.memory_space<vmem>> -> memref<1x2x128xi32, #tpu.memory_space<vmem>>
        %dma_wait3A_89 = tpu.memref_squeeze %dma_wait3A_88 : memref<1x2x128xi32, #tpu.memory_space<vmem>> -> memref<2x128xi32, #tpu.memory_space<vmem>>
        %dma_wait3A_90 = arith.constant 0 : i32
        %dma_wait3A_91 = tpu.memref_slice %dma_wait3A_89[%run_scoped3A_74, %dma_wait3A_90] : memref<2x128xi32, #tpu.memory_space<vmem>> -> memref<1x128xi32, #tpu.memory_space<vmem>>
        %dma_wait3A_92 = tpu.memref_squeeze %dma_wait3A_91 : memref<1x128xi32, #tpu.memory_space<vmem>> -> memref<128xi32, #tpu.memory_space<vmem>>
        %dma_wait3A_93 = arith.constant 0 : i32
        %dma_wait3A_94 = arith.constant 0 : i32
        %dma_wait3A_95 = tpu.memref_slice %arg8[%dma_wait3A_93, %dma_wait3A_94] : memref<10240x128xf32, #tpu.memory_space<vmem_shared>> -> memref<10240x128xf32, #tpu.memory_space<vmem_shared>>
        tpu.wait_indirect_dma semaphore(%run_scoped3A_75 : memref<!tpu.dma_semaphore, #tpu.memory_space<semaphore_mem>>) src(%arg6 : memref<128x128xf32, #tpu.memory_space<vmem>>) dst(%dma_wait3A_95 : memref<10240x128xf32, #tpu.memory_space<vmem_shared>>)
        tpu.yield
      }) : () -> ()
    } else {
      %mul3A_41 = arith.constant 27 : i32
      %mul3A_42 = arith.muli %arg1, %mul3A_41 : i32
      %add3A_43 = arith.constant 2096 : i32
      %add3A_44 = arith.addi %add3A_43, %mul3A_42 : i32
      %run_scoped3A = arith.constant 0 : i32
      "tpu.region"() ({
        %run_scoped3A_77 = tpu.sem_alloc : memref<!tpu.dma_semaphore, #tpu.memory_space<semaphore_mem>>
        %dma_start3A_78 = arith.constant 0 : i32
        %dma_start3A_79 = arith.constant 0 : i32
        %dma_start3A_80 = tpu.memref_slice %arg5[%run_scoped3A, %dma_start3A_78, %dma_start3A_79] : memref<2x2x128xi32, #tpu.memory_space<vmem>> -> memref<1x2x128xi32, #tpu.memory_space<vmem>>
        %dma_start3A_81 = tpu.memref_squeeze %dma_start3A_80 : memref<1x2x128xi32, #tpu.memory_space<vmem>> -> memref<2x128xi32, #tpu.memory_space<vmem>>
        %dma_start3A_82 = arith.constant 0 : i32
        %dma_start3A_83 = arith.constant 0 : i32
        %dma_start3A_84 = tpu.memref_slice %arg3[%add3A_44, %dma_start3A_82, %dma_start3A_83] : memref<2528x2x128xi32, #tpu.memory_space<hbm>> -> memref<1x2x128xi32, #tpu.memory_space<hbm>>
        %dma_start3A_85 = tpu.memref_squeeze %dma_start3A_84 : memref<1x2x128xi32, #tpu.memory_space<hbm>> -> memref<2x128xi32, #tpu.memory_space<hbm>>
        %dma_start3A_86 = arith.constant 0 : i32
        %dma_start3A_87 = arith.constant 0 : i32
        %dma_start3A_88 = tpu.memref_slice %arg5[%run_scoped3A, %dma_start3A_86, %dma_start3A_87] : memref<2x2x128xi32, #tpu.memory_space<vmem>> -> memref<1x2x128xi32, #tpu.memory_space<vmem>>
        %dma_start3A_89 = tpu.memref_squeeze %dma_start3A_88 : memref<1x2x128xi32, #tpu.memory_space<vmem>> -> memref<2x128xi32, #tpu.memory_space<vmem>>
        %dma_start3A_90 = arith.constant 0 : i32
        %dma_start3A_91 = arith.constant 0 : i32
        %dma_start3A_92 = tpu.memref_slice %arg3[%add3A_44, %dma_start3A_90, %dma_start3A_91] : memref<2528x2x128xi32, #tpu.memory_space<hbm>> -> memref<1x2x128xi32, #tpu.memory_space<hbm>>
        %dma_start3A_93 = tpu.memref_squeeze %dma_start3A_92 : memref<1x2x128xi32, #tpu.memory_space<hbm>> -> memref<2x128xi32, #tpu.memory_space<hbm>>
        tpu.enqueue_dma source(%dma_start3A_93 : memref<2x128xi32, #tpu.memory_space<hbm>>) target(%dma_start3A_89 : memref<2x128xi32, #tpu.memory_space<vmem>>) target_semaphore(%run_scoped3A_77 : memref<!tpu.dma_semaphore, #tpu.memory_space<semaphore_mem>>)
        %dma_wait3A_94 = arith.constant 0 : i32
        %dma_wait3A_95 = arith.constant 0 : i32
        %dma_wait3A_96 = tpu.memref_slice %arg5[%run_scoped3A, %dma_wait3A_94, %dma_wait3A_95] : memref<2x2x128xi32, #tpu.memory_space<vmem>> -> memref<1x2x128xi32, #tpu.memory_space<vmem>>
        %dma_wait3A_97 = tpu.memref_squeeze %dma_wait3A_96 : memref<1x2x128xi32, #tpu.memory_space<vmem>> -> memref<2x128xi32, #tpu.memory_space<vmem>>
        %dma_wait3A_98 = arith.constant 0 : i32
        %dma_wait3A_99 = arith.constant 0 : i32
        %dma_wait3A_100 = tpu.memref_slice %arg3[%add3A_44, %dma_wait3A_98, %dma_wait3A_99] : memref<2528x2x128xi32, #tpu.memory_space<hbm>> -> memref<1x2x128xi32, #tpu.memory_space<hbm>>
        %dma_wait3A_101 = tpu.memref_squeeze %dma_wait3A_100 : memref<1x2x128xi32, #tpu.memory_space<hbm>> -> memref<2x128xi32, #tpu.memory_space<hbm>>
        %dma_wait3A_102 = arith.constant 0 : i32
        %dma_wait3A_103 = arith.constant 0 : i32
        %dma_wait3A_104 = tpu.memref_slice %arg5[%run_scoped3A, %dma_wait3A_102, %dma_wait3A_103] : memref<2x2x128xi32, #tpu.memory_space<vmem>> -> memref<1x2x128xi32, #tpu.memory_space<vmem>>
        %dma_wait3A_105 = tpu.memref_squeeze %dma_wait3A_104 : memref<1x2x128xi32, #tpu.memory_space<vmem>> -> memref<2x128xi32, #tpu.memory_space<vmem>>
        %dma_wait3A_106 = arith.constant 0 : i32
        %dma_wait3A_107 = arith.constant 0 : i32
        %dma_wait3A_108 = tpu.memref_slice %arg3[%add3A_44, %dma_wait3A_106, %dma_wait3A_107] : memref<2528x2x128xi32, #tpu.memory_space<hbm>> -> memref<1x2x128xi32, #tpu.memory_space<hbm>>
        %dma_wait3A_109 = tpu.memref_squeeze %dma_wait3A_108 : memref<1x2x128xi32, #tpu.memory_space<hbm>> -> memref<2x128xi32, #tpu.memory_space<hbm>>
        tpu.wait_dma2 semaphore(%run_scoped3A_77 : memref<!tpu.dma_semaphore, #tpu.memory_space<semaphore_mem>>) src(%dma_wait3A_109 : memref<2x128xi32, #tpu.memory_space<hbm>>) dst(%dma_wait3A_105 : memref<2x128xi32, #tpu.memory_space<vmem>>)
        tpu.yield
      }) : () -> ()
      %dma_start3A = arith.constant 0 : i32
      %dma_start3A_45 = arith.constant 0 : i32
      %dma_start3A_46 = arith.constant 0 : i32
      %dma_start3A_47 = arith.constant 0 : i32
      %dma_start3A_48 = tpu.memref_slice %arg5[%dma_start3A, %dma_start3A_46, %dma_start3A_47] : memref<2x2x128xi32, #tpu.memory_space<vmem>> -> memref<1x2x128xi32, #tpu.memory_space<vmem>>
      %dma_start3A_49 = tpu.memref_squeeze %dma_start3A_48 : memref<1x2x128xi32, #tpu.memory_space<vmem>> -> memref<2x128xi32, #tpu.memory_space<vmem>>
      %dma_start3A_50 = arith.constant 0 : i32
      %dma_start3A_51 = tpu.memref_slice %dma_start3A_49[%dma_start3A_45, %dma_start3A_50] : memref<2x128xi32, #tpu.memory_space<vmem>> -> memref<1x128xi32, #tpu.memory_space<vmem>>
      %dma_start3A_52 = tpu.memref_squeeze %dma_start3A_51 : memref<1x128xi32, #tpu.memory_space<vmem>> -> memref<128xi32, #tpu.memory_space<vmem>>
      %dma_start3A_53 = arith.constant 0 : i32
      %dma_start3A_54 = arith.constant 0 : i32
      %dma_start3A_55 = tpu.memref_slice %arg2[%dma_start3A_53, %dma_start3A_54] : memref<10000x128xf32, #tpu.memory_space<hbm>> -> memref<10000x128xf32, #tpu.memory_space<hbm>>
      tpu.enqueue_indirect_dma source(%dma_start3A_55 : memref<10000x128xf32, #tpu.memory_space<hbm>>) target(%arg6 : memref<128x128xf32, #tpu.memory_space<vmem>>) offsets(%dma_start3A_52 : memref<128xi32, #tpu.memory_space<vmem>>) semaphore(%arg9 : memref<!tpu.dma_semaphore, #tpu.memory_space<semaphore_mem>>)
      %scan3A_56 = arith.constant 0 : i32
      %scan3A_57 = arith.constant 0 : i32
      %scan3A_58 = arith.constant 0 : i32
      %scan3A_59 = arith.constant 0 : i32
      %scan3A_60 = arith.constant 13 : i32
      %scan3A_61 = arith.addi %scan3A_59, %scan3A_60 : i32
      %scan3A_62 = arith.constant 1 : i32
      scf.for %scan3A_77 = %scan3A_59 to %scan3A_61 step %scan3A_62  : i32 {
        %mul3A_78 = arith.constant 2 : i32
        %mul3A_79 = arith.muli %mul3A_78, %scan3A_77 : i32
        %add3A_80 = arith.addi %add3A_44, %mul3A_79 : i32
        %add3A_81 = arith.constant 1 : i32
        %add3A_82 = arith.addi %add3A_80, %add3A_81 : i32
        %run_scoped3A_83 = arith.constant 1 : i32
        "tpu.region"() ({
          %run_scoped3A_137 = tpu.sem_alloc : memref<!tpu.dma_semaphore, #tpu.memory_space<semaphore_mem>>
          %dma_start3A_138 = arith.constant 0 : i32
          %dma_start3A_139 = arith.constant 0 : i32
          %dma_start3A_140 = tpu.memref_slice %arg5[%run_scoped3A_83, %dma_start3A_138, %dma_start3A_139] : memref<2x2x128xi32, #tpu.memory_space<vmem>> -> memref<1x2x128xi32, #tpu.memory_space<vmem>>
          %dma_start3A_141 = tpu.memref_squeeze %dma_start3A_140 : memref<1x2x128xi32, #tpu.memory_space<vmem>> -> memref<2x128xi32, #tpu.memory_space<vmem>>
          %dma_start3A_142 = arith.constant 0 : i32
          %dma_start3A_143 = arith.constant 0 : i32
          %dma_start3A_144 = tpu.memref_slice %arg3[%add3A_82, %dma_start3A_142, %dma_start3A_143] : memref<2528x2x128xi32, #tpu.memory_space<hbm>> -> memref<1x2x128xi32, #tpu.memory_space<hbm>>
          %dma_start3A_145 = tpu.memref_squeeze %dma_start3A_144 : memref<1x2x128xi32, #tpu.memory_space<hbm>> -> memref<2x128xi32, #tpu.memory_space<hbm>>
          %dma_start3A_146 = arith.constant 0 : i32
          %dma_start3A_147 = arith.constant 0 : i32
          %dma_start3A_148 = tpu.memref_slice %arg5[%run_scoped3A_83, %dma_start3A_146, %dma_start3A_147] : memref<2x2x128xi32, #tpu.memory_space<vmem>> -> memref<1x2x128xi32, #tpu.memory_space<vmem>>
          %dma_start3A_149 = tpu.memref_squeeze %dma_start3A_148 : memref<1x2x128xi32, #tpu.memory_space<vmem>> -> memref<2x128xi32, #tpu.memory_space<vmem>>
          %dma_start3A_150 = arith.constant 0 : i32
          %dma_start3A_151 = arith.constant 0 : i32
          %dma_start3A_152 = tpu.memref_slice %arg3[%add3A_82, %dma_start3A_150, %dma_start3A_151] : memref<2528x2x128xi32, #tpu.memory_space<hbm>> -> memref<1x2x128xi32, #tpu.memory_space<hbm>>
          %dma_start3A_153 = tpu.memref_squeeze %dma_start3A_152 : memref<1x2x128xi32, #tpu.memory_space<hbm>> -> memref<2x128xi32, #tpu.memory_space<hbm>>
          tpu.enqueue_dma source(%dma_start3A_153 : memref<2x128xi32, #tpu.memory_space<hbm>>) target(%dma_start3A_149 : memref<2x128xi32, #tpu.memory_space<vmem>>) target_semaphore(%run_scoped3A_137 : memref<!tpu.dma_semaphore, #tpu.memory_space<semaphore_mem>>)
          %dma_wait3A_154 = arith.constant 0 : i32
          %dma_wait3A_155 = arith.constant 0 : i32
          %dma_wait3A_156 = tpu.memref_slice %arg5[%run_scoped3A_83, %dma_wait3A_154, %dma_wait3A_155] : memref<2x2x128xi32, #tpu.memory_space<vmem>> -> memref<1x2x128xi32, #tpu.memory_space<vmem>>
          %dma_wait3A_157 = tpu.memref_squeeze %dma_wait3A_156 : memref<1x2x128xi32, #tpu.memory_space<vmem>> -> memref<2x128xi32, #tpu.memory_space<vmem>>
          %dma_wait3A_158 = arith.constant 0 : i32
          %dma_wait3A_159 = arith.constant 0 : i32
          %dma_wait3A_160 = tpu.memref_slice %arg3[%add3A_82, %dma_wait3A_158, %dma_wait3A_159] : memref<2528x2x128xi32, #tpu.memory_space<hbm>> -> memref<1x2x128xi32, #tpu.memory_space<hbm>>
          %dma_wait3A_161 = tpu.memref_squeeze %dma_wait3A_160 : memref<1x2x128xi32, #tpu.memory_space<hbm>> -> memref<2x128xi32, #tpu.memory_space<hbm>>
          %dma_wait3A_162 = arith.constant 0 : i32
          %dma_wait3A_163 = arith.constant 0 : i32
          %dma_wait3A_164 = tpu.memref_slice %arg5[%run_scoped3A_83, %dma_wait3A_162, %dma_wait3A_163] : memref<2x2x128xi32, #tpu.memory_space<vmem>> -> memref<1x2x128xi32, #tpu.memory_space<vmem>>
          %dma_wait3A_165 = tpu.memref_squeeze %dma_wait3A_164 : memref<1x2x128xi32, #tpu.memory_space<vmem>> -> memref<2x128xi32, #tpu.memory_space<vmem>>
          %dma_wait3A_166 = arith.constant 0 : i32
          %dma_wait3A_167 = arith.constant 0 : i32
          %dma_wait3A_168 = tpu.memref_slice %arg3[%add3A_82, %dma_wait3A_166, %dma_wait3A_167] : memref<2528x2x128xi32, #tpu.memory_space<hbm>> -> memref<1x2x128xi32, #tpu.memory_space<hbm>>
          %dma_wait3A_169 = tpu.memref_squeeze %dma_wait3A_168 : memref<1x2x128xi32, #tpu.memory_space<hbm>> -> memref<2x128xi32, #tpu.memory_space<hbm>>
          tpu.wait_dma2 semaphore(%run_scoped3A_137 : memref<!tpu.dma_semaphore, #tpu.memory_space<semaphore_mem>>) src(%dma_wait3A_169 : memref<2x128xi32, #tpu.memory_space<hbm>>) dst(%dma_wait3A_165 : memref<2x128xi32, #tpu.memory_space<vmem>>)
          tpu.yield
        }) : () -> ()
        %dma_start3A_84 = arith.constant 1 : i32
        %dma_start3A_85 = arith.constant 0 : i32
        %dma_start3A_86 = arith.constant 0 : i32
        %dma_start3A_87 = arith.constant 0 : i32
        %dma_start3A_88 = tpu.memref_slice %arg5[%dma_start3A_84, %dma_start3A_86, %dma_start3A_87] : memref<2x2x128xi32, #tpu.memory_space<vmem>> -> memref<1x2x128xi32, #tpu.memory_space<vmem>>
        %dma_start3A_89 = tpu.memref_squeeze %dma_start3A_88 : memref<1x2x128xi32, #tpu.memory_space<vmem>> -> memref<2x128xi32, #tpu.memory_space<vmem>>
        %dma_start3A_90 = arith.constant 0 : i32
        %dma_start3A_91 = tpu.memref_slice %dma_start3A_89[%dma_start3A_85, %dma_start3A_90] : memref<2x128xi32, #tpu.memory_space<vmem>> -> memref<1x128xi32, #tpu.memory_space<vmem>>
        %dma_start3A_92 = tpu.memref_squeeze %dma_start3A_91 : memref<1x128xi32, #tpu.memory_space<vmem>> -> memref<128xi32, #tpu.memory_space<vmem>>
        %dma_start3A_93 = arith.constant 0 : i32
        %dma_start3A_94 = arith.constant 0 : i32
        %dma_start3A_95 = tpu.memref_slice %arg2[%dma_start3A_93, %dma_start3A_94] : memref<10000x128xf32, #tpu.memory_space<hbm>> -> memref<10000x128xf32, #tpu.memory_space<hbm>>
        tpu.enqueue_indirect_dma source(%dma_start3A_95 : memref<10000x128xf32, #tpu.memory_space<hbm>>) target(%arg7 : memref<128x128xf32, #tpu.memory_space<vmem>>) offsets(%dma_start3A_92 : memref<128xi32, #tpu.memory_space<vmem>>) semaphore(%arg10 : memref<!tpu.dma_semaphore, #tpu.memory_space<semaphore_mem>>)
        %dma_wait3A_96 = arith.constant 0 : i32
        %dma_wait3A_97 = arith.constant 0 : i32
        %dma_wait3A_98 = tpu.memref_slice %arg5[%scan3A_57, %dma_wait3A_96, %dma_wait3A_97] : memref<2x2x128xi32, #tpu.memory_space<vmem>> -> memref<1x2x128xi32, #tpu.memory_space<vmem>>
        %dma_wait3A_99 = tpu.memref_squeeze %dma_wait3A_98 : memref<1x2x128xi32, #tpu.memory_space<vmem>> -> memref<2x128xi32, #tpu.memory_space<vmem>>
        %dma_wait3A_100 = arith.constant 0 : i32
        %dma_wait3A_101 = tpu.memref_slice %dma_wait3A_99[%scan3A_58, %dma_wait3A_100] : memref<2x128xi32, #tpu.memory_space<vmem>> -> memref<1x128xi32, #tpu.memory_space<vmem>>
        %dma_wait3A_102 = tpu.memref_squeeze %dma_wait3A_101 : memref<1x128xi32, #tpu.memory_space<vmem>> -> memref<128xi32, #tpu.memory_space<vmem>>
        %dma_wait3A_103 = arith.constant 0 : i32
        %dma_wait3A_104 = arith.constant 0 : i32
        %dma_wait3A_105 = tpu.memref_slice %arg2[%dma_wait3A_103, %dma_wait3A_104] : memref<10000x128xf32, #tpu.memory_space<hbm>> -> memref<10000x128xf32, #tpu.memory_space<hbm>>
        tpu.wait_indirect_dma semaphore(%arg9 : memref<!tpu.dma_semaphore, #tpu.memory_space<semaphore_mem>>) src(%dma_wait3A_105 : memref<10000x128xf32, #tpu.memory_space<hbm>>) dst(%arg6 : memref<128x128xf32, #tpu.memory_space<vmem>>)
        %run_scoped3A_106 = arith.constant 0 : i32
        %run_scoped3A_107 = arith.constant 1 : i32
        "tpu.region"() ({
          %run_scoped3A_137 = tpu.sem_alloc : memref<!tpu.dma_semaphore, #tpu.memory_space<semaphore_mem>>
          %dma_start3A_138 = arith.constant 0 : i32
          %dma_start3A_139 = arith.constant 0 : i32
          %dma_start3A_140 = tpu.memref_slice %arg5[%run_scoped3A_106, %dma_start3A_138, %dma_start3A_139] : memref<2x2x128xi32, #tpu.memory_space<vmem>> -> memref<1x2x128xi32, #tpu.memory_space<vmem>>
          %dma_start3A_141 = tpu.memref_squeeze %dma_start3A_140 : memref<1x2x128xi32, #tpu.memory_space<vmem>> -> memref<2x128xi32, #tpu.memory_space<vmem>>
          %dma_start3A_142 = arith.constant 0 : i32
          %dma_start3A_143 = tpu.memref_slice %dma_start3A_141[%run_scoped3A_107, %dma_start3A_142] : memref<2x128xi32, #tpu.memory_space<vmem>> -> memref<1x128xi32, #tpu.memory_space<vmem>>
          %dma_start3A_144 = tpu.memref_squeeze %dma_start3A_143 : memref<1x128xi32, #tpu.memory_space<vmem>> -> memref<128xi32, #tpu.memory_space<vmem>>
          %dma_start3A_145 = arith.constant 0 : i32
          %dma_start3A_146 = arith.constant 0 : i32
          %dma_start3A_147 = tpu.memref_slice %arg8[%dma_start3A_145, %dma_start3A_146] : memref<10240x128xf32, #tpu.memory_space<vmem_shared>> -> memref<10240x128xf32, #tpu.memory_space<vmem_shared>>
          tpu.enqueue_indirect_dma source(%arg6 : memref<128x128xf32, #tpu.memory_space<vmem>>) target(%dma_start3A_147 : memref<10240x128xf32, #tpu.memory_space<vmem_shared>>) offsets(%dma_start3A_144 : memref<128xi32, #tpu.memory_space<vmem>>) semaphore(%run_scoped3A_137 : memref<!tpu.dma_semaphore, #tpu.memory_space<semaphore_mem>>) {add = true}
          %dma_wait3A_148 = arith.constant 0 : i32
          %dma_wait3A_149 = arith.constant 0 : i32
          %dma_wait3A_150 = tpu.memref_slice %arg5[%run_scoped3A_106, %dma_wait3A_148, %dma_wait3A_149] : memref<2x2x128xi32, #tpu.memory_space<vmem>> -> memref<1x2x128xi32, #tpu.memory_space<vmem>>
          %dma_wait3A_151 = tpu.memref_squeeze %dma_wait3A_150 : memref<1x2x128xi32, #tpu.memory_space<vmem>> -> memref<2x128xi32, #tpu.memory_space<vmem>>
          %dma_wait3A_152 = arith.constant 0 : i32
          %dma_wait3A_153 = tpu.memref_slice %dma_wait3A_151[%run_scoped3A_107, %dma_wait3A_152] : memref<2x128xi32, #tpu.memory_space<vmem>> -> memref<1x128xi32, #tpu.memory_space<vmem>>
          %dma_wait3A_154 = tpu.memref_squeeze %dma_wait3A_153 : memref<1x128xi32, #tpu.memory_space<vmem>> -> memref<128xi32, #tpu.memory_space<vmem>>
          %dma_wait3A_155 = arith.constant 0 : i32
          %dma_wait3A_156 = arith.constant 0 : i32
          %dma_wait3A_157 = tpu.memref_slice %arg8[%dma_wait3A_155, %dma_wait3A_156] : memref<10240x128xf32, #tpu.memory_space<vmem_shared>> -> memref<10240x128xf32, #tpu.memory_space<vmem_shared>>
          tpu.wait_indirect_dma semaphore(%run_scoped3A_137 : memref<!tpu.dma_semaphore, #tpu.memory_space<semaphore_mem>>) src(%arg6 : memref<128x128xf32, #tpu.memory_space<vmem>>) dst(%dma_wait3A_157 : memref<10240x128xf32, #tpu.memory_space<vmem_shared>>)
          tpu.yield
        }) : () -> ()
        %add3A_108 = arith.constant 2 : i32
        %add3A_109 = arith.addi %add3A_80, %add3A_108 : i32
        %run_scoped3A_110 = arith.constant 0 : i32
        "tpu.region"() ({
          %run_scoped3A_137 = tpu.sem_alloc : memref<!tpu.dma_semaphore, #tpu.memory_space<semaphore_mem>>
          %dma_start3A_138 = arith.constant 0 : i32
          %dma_start3A_139 = arith.constant 0 : i32
          %dma_start3A_140 = tpu.memref_slice %arg5[%run_scoped3A_110, %dma_start3A_138, %dma_start3A_139] : memref<2x2x128xi32, #tpu.memory_space<vmem>> -> memref<1x2x128xi32, #tpu.memory_space<vmem>>
          %dma_start3A_141 = tpu.memref_squeeze %dma_start3A_140 : memref<1x2x128xi32, #tpu.memory_space<vmem>> -> memref<2x128xi32, #tpu.memory_space<vmem>>
          %dma_start3A_142 = arith.constant 0 : i32
          %dma_start3A_143 = arith.constant 0 : i32
          %dma_start3A_144 = tpu.memref_slice %arg3[%add3A_109, %dma_start3A_142, %dma_start3A_143] : memref<2528x2x128xi32, #tpu.memory_space<hbm>> -> memref<1x2x128xi32, #tpu.memory_space<hbm>>
          %dma_start3A_145 = tpu.memref_squeeze %dma_start3A_144 : memref<1x2x128xi32, #tpu.memory_space<hbm>> -> memref<2x128xi32, #tpu.memory_space<hbm>>
          %dma_start3A_146 = arith.constant 0 : i32
          %dma_start3A_147 = arith.constant 0 : i32
          %dma_start3A_148 = tpu.memref_slice %arg5[%run_scoped3A_110, %dma_start3A_146, %dma_start3A_147] : memref<2x2x128xi32, #tpu.memory_space<vmem>> -> memref<1x2x128xi32, #tpu.memory_space<vmem>>
          %dma_start3A_149 = tpu.memref_squeeze %dma_start3A_148 : memref<1x2x128xi32, #tpu.memory_space<vmem>> -> memref<2x128xi32, #tpu.memory_space<vmem>>
          %dma_start3A_150 = arith.constant 0 : i32
          %dma_start3A_151 = arith.constant 0 : i32
          %dma_start3A_152 = tpu.memref_slice %arg3[%add3A_109, %dma_start3A_150, %dma_start3A_151] : memref<2528x2x128xi32, #tpu.memory_space<hbm>> -> memref<1x2x128xi32, #tpu.memory_space<hbm>>
          %dma_start3A_153 = tpu.memref_squeeze %dma_start3A_152 : memref<1x2x128xi32, #tpu.memory_space<hbm>> -> memref<2x128xi32, #tpu.memory_space<hbm>>
          tpu.enqueue_dma source(%dma_start3A_153 : memref<2x128xi32, #tpu.memory_space<hbm>>) target(%dma_start3A_149 : memref<2x128xi32, #tpu.memory_space<vmem>>) target_semaphore(%run_scoped3A_137 : memref<!tpu.dma_semaphore, #tpu.memory_space<semaphore_mem>>)
          %dma_wait3A_154 = arith.constant 0 : i32
          %dma_wait3A_155 = arith.constant 0 : i32
          %dma_wait3A_156 = tpu.memref_slice %arg5[%run_scoped3A_110, %dma_wait3A_154, %dma_wait3A_155] : memref<2x2x128xi32, #tpu.memory_space<vmem>> -> memref<1x2x128xi32, #tpu.memory_space<vmem>>
          %dma_wait3A_157 = tpu.memref_squeeze %dma_wait3A_156 : memref<1x2x128xi32, #tpu.memory_space<vmem>> -> memref<2x128xi32, #tpu.memory_space<vmem>>
          %dma_wait3A_158 = arith.constant 0 : i32
          %dma_wait3A_159 = arith.constant 0 : i32
          %dma_wait3A_160 = tpu.memref_slice %arg3[%add3A_109, %dma_wait3A_158, %dma_wait3A_159] : memref<2528x2x128xi32, #tpu.memory_space<hbm>> -> memref<1x2x128xi32, #tpu.memory_space<hbm>>
          %dma_wait3A_161 = tpu.memref_squeeze %dma_wait3A_160 : memref<1x2x128xi32, #tpu.memory_space<hbm>> -> memref<2x128xi32, #tpu.memory_space<hbm>>
          %dma_wait3A_162 = arith.constant 0 : i32
          %dma_wait3A_163 = arith.constant 0 : i32
          %dma_wait3A_164 = tpu.memref_slice %arg5[%run_scoped3A_110, %dma_wait3A_162, %dma_wait3A_163] : memref<2x2x128xi32, #tpu.memory_space<vmem>> -> memref<1x2x128xi32, #tpu.memory_space<vmem>>
          %dma_wait3A_165 = tpu.memref_squeeze %dma_wait3A_164 : memref<1x2x128xi32, #tpu.memory_space<vmem>> -> memref<2x128xi32, #tpu.memory_space<vmem>>
          %dma_wait3A_166 = arith.constant 0 : i32
          %dma_wait3A_167 = arith.constant 0 : i32
          %dma_wait3A_168 = tpu.memref_slice %arg3[%add3A_109, %dma_wait3A_166, %dma_wait3A_167] : memref<2528x2x128xi32, #tpu.memory_space<hbm>> -> memref<1x2x128xi32, #tpu.memory_space<hbm>>
          %dma_wait3A_169 = tpu.memref_squeeze %dma_wait3A_168 : memref<1x2x128xi32, #tpu.memory_space<hbm>> -> memref<2x128xi32, #tpu.memory_space<hbm>>
          tpu.wait_dma2 semaphore(%run_scoped3A_137 : memref<!tpu.dma_semaphore, #tpu.memory_space<semaphore_mem>>) src(%dma_wait3A_169 : memref<2x128xi32, #tpu.memory_space<hbm>>) dst(%dma_wait3A_165 : memref<2x128xi32, #tpu.memory_space<vmem>>)
          tpu.yield
        }) : () -> ()
        %dma_start3A_111 = arith.constant 0 : i32
        %dma_start3A_112 = arith.constant 0 : i32
        %dma_start3A_113 = arith.constant 0 : i32
        %dma_start3A_114 = arith.constant 0 : i32
        %dma_start3A_115 = tpu.memref_slice %arg5[%dma_start3A_111, %dma_start3A_113, %dma_start3A_114] : memref<2x2x128xi32, #tpu.memory_space<vmem>> -> memref<1x2x128xi32, #tpu.memory_space<vmem>>
        %dma_start3A_116 = tpu.memref_squeeze %dma_start3A_115 : memref<1x2x128xi32, #tpu.memory_space<vmem>> -> memref<2x128xi32, #tpu.memory_space<vmem>>
        %dma_start3A_117 = arith.constant 0 : i32
        %dma_start3A_118 = tpu.memref_slice %dma_start3A_116[%dma_start3A_112, %dma_start3A_117] : memref<2x128xi32, #tpu.memory_space<vmem>> -> memref<1x128xi32, #tpu.memory_space<vmem>>
        %dma_start3A_119 = tpu.memref_squeeze %dma_start3A_118 : memref<1x128xi32, #tpu.memory_space<vmem>> -> memref<128xi32, #tpu.memory_space<vmem>>
        %dma_start3A_120 = arith.constant 0 : i32
        %dma_start3A_121 = arith.constant 0 : i32
        %dma_start3A_122 = tpu.memref_slice %arg2[%dma_start3A_120, %dma_start3A_121] : memref<10000x128xf32, #tpu.memory_space<hbm>> -> memref<10000x128xf32, #tpu.memory_space<hbm>>
        tpu.enqueue_indirect_dma source(%dma_start3A_122 : memref<10000x128xf32, #tpu.memory_space<hbm>>) target(%arg6 : memref<128x128xf32, #tpu.memory_space<vmem>>) offsets(%dma_start3A_119 : memref<128xi32, #tpu.memory_space<vmem>>) semaphore(%arg9 : memref<!tpu.dma_semaphore, #tpu.memory_space<semaphore_mem>>)
        %dma_wait3A_123 = arith.constant 1 : i32
        %dma_wait3A_124 = arith.constant 0 : i32
        %dma_wait3A_125 = arith.constant 0 : i32
        %dma_wait3A_126 = arith.constant 0 : i32
        %dma_wait3A_127 = tpu.memref_slice %arg5[%dma_wait3A_123, %dma_wait3A_125, %dma_wait3A_126] : memref<2x2x128xi32, #tpu.memory_space<vmem>> -> memref<1x2x128xi32, #tpu.memory_space<vmem>>
        %dma_wait3A_128 = tpu.memref_squeeze %dma_wait3A_127 : memref<1x2x128xi32, #tpu.memory_space<vmem>> -> memref<2x128xi32, #tpu.memory_space<vmem>>
        %dma_wait3A_129 = arith.constant 0 : i32
        %dma_wait3A_130 = tpu.memref_slice %dma_wait3A_128[%dma_wait3A_124, %dma_wait3A_129] : memref<2x128xi32, #tpu.memory_space<vmem>> -> memref<1x128xi32, #tpu.memory_space<vmem>>
        %dma_wait3A_131 = tpu.memref_squeeze %dma_wait3A_130 : memref<1x128xi32, #tpu.memory_space<vmem>> -> memref<128xi32, #tpu.memory_space<vmem>>
        %dma_wait3A_132 = arith.constant 0 : i32
        %dma_wait3A_133 = arith.constant 0 : i32
        %dma_wait3A_134 = tpu.memref_slice %arg2[%dma_wait3A_132, %dma_wait3A_133] : memref<10000x128xf32, #tpu.memory_space<hbm>> -> memref<10000x128xf32, #tpu.memory_space<hbm>>
        tpu.wait_indirect_dma semaphore(%arg10 : memref<!tpu.dma_semaphore, #tpu.memory_space<semaphore_mem>>) src(%dma_wait3A_134 : memref<10000x128xf32, #tpu.memory_space<hbm>>) dst(%arg7 : memref<128x128xf32, #tpu.memory_space<vmem>>)
        %run_scoped3A_135 = arith.constant 1 : i32
        %run_scoped3A_136 = arith.constant 1 : i32
        "tpu.region"() ({
          %run_scoped3A_137 = tpu.sem_alloc : memref<!tpu.dma_semaphore, #tpu.memory_space<semaphore_mem>>
          %dma_start3A_138 = arith.constant 0 : i32
          %dma_start3A_139 = arith.constant 0 : i32
          %dma_start3A_140 = tpu.memref_slice %arg5[%run_scoped3A_135, %dma_start3A_138, %dma_start3A_139] : memref<2x2x128xi32, #tpu.memory_space<vmem>> -> memref<1x2x128xi32, #tpu.memory_space<vmem>>
          %dma_start3A_141 = tpu.memref_squeeze %dma_start3A_140 : memref<1x2x128xi32, #tpu.memory_space<vmem>> -> memref<2x128xi32, #tpu.memory_space<vmem>>
          %dma_start3A_142 = arith.constant 0 : i32
          %dma_start3A_143 = tpu.memref_slice %dma_start3A_141[%run_scoped3A_136, %dma_start3A_142] : memref<2x128xi32, #tpu.memory_space<vmem>> -> memref<1x128xi32, #tpu.memory_space<vmem>>
          %dma_start3A_144 = tpu.memref_squeeze %dma_start3A_143 : memref<1x128xi32, #tpu.memory_space<vmem>> -> memref<128xi32, #tpu.memory_space<vmem>>
          %dma_start3A_145 = arith.constant 0 : i32
          %dma_start3A_146 = arith.constant 0 : i32
          %dma_start3A_147 = tpu.memref_slice %arg8[%dma_start3A_145, %dma_start3A_146] : memref<10240x128xf32, #tpu.memory_space<vmem_shared>> -> memref<10240x128xf32, #tpu.memory_space<vmem_shared>>
          tpu.enqueue_indirect_dma source(%arg7 : memref<128x128xf32, #tpu.memory_space<vmem>>) target(%dma_start3A_147 : memref<10240x128xf32, #tpu.memory_space<vmem_shared>>) offsets(%dma_start3A_144 : memref<128xi32, #tpu.memory_space<vmem>>) semaphore(%run_scoped3A_137 : memref<!tpu.dma_semaphore, #tpu.memory_space<semaphore_mem>>) {add = true}
          %dma_wait3A_148 = arith.constant 0 : i32
          %dma_wait3A_149 = arith.constant 0 : i32
          %dma_wait3A_150 = tpu.memref_slice %arg5[%run_scoped3A_135, %dma_wait3A_148, %dma_wait3A_149] : memref<2x2x128xi32, #tpu.memory_space<vmem>> -> memref<1x2x128xi32, #tpu.memory_space<vmem>>
          %dma_wait3A_151 = tpu.memref_squeeze %dma_wait3A_150 : memref<1x2x128xi32, #tpu.memory_space<vmem>> -> memref<2x128xi32, #tpu.memory_space<vmem>>
          %dma_wait3A_152 = arith.constant 0 : i32
          %dma_wait3A_153 = tpu.memref_slice %dma_wait3A_151[%run_scoped3A_136, %dma_wait3A_152] : memref<2x128xi32, #tpu.memory_space<vmem>> -> memref<1x128xi32, #tpu.memory_space<vmem>>
          %dma_wait3A_154 = tpu.memref_squeeze %dma_wait3A_153 : memref<1x128xi32, #tpu.memory_space<vmem>> -> memref<128xi32, #tpu.memory_space<vmem>>
          %dma_wait3A_155 = arith.constant 0 : i32
          %dma_wait3A_156 = arith.constant 0 : i32
          %dma_wait3A_157 = tpu.memref_slice %arg8[%dma_wait3A_155, %dma_wait3A_156] : memref<10240x128xf32, #tpu.memory_space<vmem_shared>> -> memref<10240x128xf32, #tpu.memory_space<vmem_shared>>
          tpu.wait_indirect_dma semaphore(%run_scoped3A_137 : memref<!tpu.dma_semaphore, #tpu.memory_space<semaphore_mem>>) src(%arg7 : memref<128x128xf32, #tpu.memory_space<vmem>>) dst(%dma_wait3A_157 : memref<10240x128xf32, #tpu.memory_space<vmem_shared>>)
          tpu.yield
        }) : () -> ()
      }
      %scan3A_63 = arith.constant 13 : i32
      %dma_wait3A = arith.constant 0 : i32
      %dma_wait3A_64 = arith.constant 0 : i32
      %dma_wait3A_65 = arith.constant 0 : i32
      %dma_wait3A_66 = arith.constant 0 : i32
      %dma_wait3A_67 = tpu.memref_slice %arg5[%dma_wait3A, %dma_wait3A_65, %dma_wait3A_66] : memref<2x2x128xi32, #tpu.memory_space<vmem>> -> memref<1x2x128xi32, #tpu.memory_space<vmem>>
      %dma_wait3A_68 = tpu.memref_squeeze %dma_wait3A_67 : memref<1x2x128xi32, #tpu.memory_space<vmem>> -> memref<2x128xi32, #tpu.memory_space<vmem>>
      %dma_wait3A_69 = arith.constant 0 : i32
      %dma_wait3A_70 = tpu.memref_slice %dma_wait3A_68[%dma_wait3A_64, %dma_wait3A_69] : memref<2x128xi32, #tpu.memory_space<vmem>> -> memref<1x128xi32, #tpu.memory_space<vmem>>
      %dma_wait3A_71 = tpu.memref_squeeze %dma_wait3A_70 : memref<1x128xi32, #tpu.memory_space<vmem>> -> memref<128xi32, #tpu.memory_space<vmem>>
      %dma_wait3A_72 = arith.constant 0 : i32
      %dma_wait3A_73 = arith.constant 0 : i32
      %dma_wait3A_74 = tpu.memref_slice %arg2[%dma_wait3A_72, %dma_wait3A_73] : memref<10000x128xf32, #tpu.memory_space<hbm>> -> memref<10000x128xf32, #tpu.memory_space<hbm>>
      tpu.wait_indirect_dma semaphore(%arg9 : memref<!tpu.dma_semaphore, #tpu.memory_space<semaphore_mem>>) src(%dma_wait3A_74 : memref<10000x128xf32, #tpu.memory_space<hbm>>) dst(%arg6 : memref<128x128xf32, #tpu.memory_space<vmem>>)
      %run_scoped3A_75 = arith.constant 0 : i32
      %run_scoped3A_76 = arith.constant 1 : i32
      "tpu.region"() ({
        %run_scoped3A_77 = tpu.sem_alloc : memref<!tpu.dma_semaphore, #tpu.memory_space<semaphore_mem>>
        %dma_start3A_78 = arith.constant 0 : i32
        %dma_start3A_79 = arith.constant 0 : i32
        %dma_start3A_80 = tpu.memref_slice %arg5[%run_scoped3A_75, %dma_start3A_78, %dma_start3A_79] : memref<2x2x128xi32, #tpu.memory_space<vmem>> -> memref<1x2x128xi32, #tpu.memory_space<vmem>>
        %dma_start3A_81 = tpu.memref_squeeze %dma_start3A_80 : memref<1x2x128xi32, #tpu.memory_space<vmem>> -> memref<2x128xi32, #tpu.memory_space<vmem>>
        %dma_start3A_82 = arith.constant 0 : i32
        %dma_start3A_83 = tpu.memref_slice %dma_start3A_81[%run_scoped3A_76, %dma_start3A_82] : memref<2x128xi32, #tpu.memory_space<vmem>> -> memref<1x128xi32, #tpu.memory_space<vmem>>
        %dma_start3A_84 = tpu.memref_squeeze %dma_start3A_83 : memref<1x128xi32, #tpu.memory_space<vmem>> -> memref<128xi32, #tpu.memory_space<vmem>>
        %dma_start3A_85 = arith.constant 0 : i32
        %dma_start3A_86 = arith.constant 0 : i32
        %dma_start3A_87 = tpu.memref_slice %arg8[%dma_start3A_85, %dma_start3A_86] : memref<10240x128xf32, #tpu.memory_space<vmem_shared>> -> memref<10240x128xf32, #tpu.memory_space<vmem_shared>>
        tpu.enqueue_indirect_dma source(%arg6 : memref<128x128xf32, #tpu.memory_space<vmem>>) target(%dma_start3A_87 : memref<10240x128xf32, #tpu.memory_space<vmem_shared>>) offsets(%dma_start3A_84 : memref<128xi32, #tpu.memory_space<vmem>>) semaphore(%run_scoped3A_77 : memref<!tpu.dma_semaphore, #tpu.memory_space<semaphore_mem>>) {add = true}
        %dma_wait3A_88 = arith.constant 0 : i32
        %dma_wait3A_89 = arith.constant 0 : i32
        %dma_wait3A_90 = tpu.memref_slice %arg5[%run_scoped3A_75, %dma_wait3A_88, %dma_wait3A_89] : memref<2x2x128xi32, #tpu.memory_space<vmem>> -> memref<1x2x128xi32, #tpu.memory_space<vmem>>
        %dma_wait3A_91 = tpu.memref_squeeze %dma_wait3A_90 : memref<1x2x128xi32, #tpu.memory_space<vmem>> -> memref<2x128xi32, #tpu.memory_space<vmem>>
        %dma_wait3A_92 = arith.constant 0 : i32
        %dma_wait3A_93 = tpu.memref_slice %dma_wait3A_91[%run_scoped3A_76, %dma_wait3A_92] : memref<2x128xi32, #tpu.memory_space<vmem>> -> memref<1x128xi32, #tpu.memory_space<vmem>>
        %dma_wait3A_94 = tpu.memref_squeeze %dma_wait3A_93 : memref<1x128xi32, #tpu.memory_space<vmem>> -> memref<128xi32, #tpu.memory_space<vmem>>
        %dma_wait3A_95 = arith.constant 0 : i32
        %dma_wait3A_96 = arith.constant 0 : i32
        %dma_wait3A_97 = tpu.memref_slice %arg8[%dma_wait3A_95, %dma_wait3A_96] : memref<10240x128xf32, #tpu.memory_space<vmem_shared>> -> memref<10240x128xf32, #tpu.memory_space<vmem_shared>>
        tpu.wait_indirect_dma semaphore(%run_scoped3A_77 : memref<!tpu.dma_semaphore, #tpu.memory_space<semaphore_mem>>) src(%arg6 : memref<128x128xf32, #tpu.memory_space<vmem>>) dst(%dma_wait3A_97 : memref<10240x128xf32, #tpu.memory_space<vmem_shared>>)
        tpu.yield
      }) : () -> ()
    }
    %barrier3A_20 = arith.constant 0 : index
    tpu.barrier barrier_id(%barrier3A_20)
    %add3A_21 = arith.constant 0 : i32
    %add3A_22 = arith.addi %mul3A_2, %add3A_21 : i32
    "tpu.region"() ({
      %run_scoped3A = tpu.sem_alloc : memref<!tpu.dma_semaphore, #tpu.memory_space<semaphore_mem>>
      %dma_start3A = arith.constant 0 : i32
      %dma_start3A_41 = tpu.memref_slice %arg8[%add3A_22, %dma_start3A] : memref<10240x128xf32, #tpu.memory_space<vmem_shared>> -> memref<128x128xf32, #tpu.memory_space<vmem_shared>>
      %dma_start3A_42 = arith.constant 0 : i32
      %dma_start3A_43 = tpu.memref_slice %arg8[%add3A_22, %dma_start3A_42] : memref<10240x128xf32, #tpu.memory_space<vmem_shared>> -> memref<128x128xf32, #tpu.memory_space<vmem_shared>>
      tpu.enqueue_dma source(%dma_start3A_43 : memref<128x128xf32, #tpu.memory_space<vmem_shared>>) target(%arg6 : memref<128x128xf32, #tpu.memory_space<vmem>>) target_semaphore(%run_scoped3A : memref<!tpu.dma_semaphore, #tpu.memory_space<semaphore_mem>>)
      %dma_wait3A = arith.constant 0 : i32
      %dma_wait3A_44 = tpu.memref_slice %arg8[%add3A_22, %dma_wait3A] : memref<10240x128xf32, #tpu.memory_space<vmem_shared>> -> memref<128x128xf32, #tpu.memory_space<vmem_shared>>
      %dma_wait3A_45 = arith.constant 0 : i32
      %dma_wait3A_46 = tpu.memref_slice %arg8[%add3A_22, %dma_wait3A_45] : memref<10240x128xf32, #tpu.memory_space<vmem_shared>> -> memref<128x128xf32, #tpu.memory_space<vmem_shared>>
      tpu.wait_dma2 semaphore(%run_scoped3A : memref<!tpu.dma_semaphore, #tpu.memory_space<semaphore_mem>>) src(%dma_wait3A_46 : memref<128x128xf32, #tpu.memory_space<vmem_shared>>) dst(%arg6 : memref<128x128xf32, #tpu.memory_space<vmem>>)
      tpu.yield
    }) : () -> ()
    %add3A_23 = arith.constant 0 : i32
    %add3A_24 = arith.addi %mul3A_2, %add3A_23 : i32
    "tpu.region"() ({
      %run_scoped3A = tpu.sem_alloc : memref<!tpu.dma_semaphore, #tpu.memory_space<semaphore_mem>>
      %dma_start3A = arith.constant 0 : i32
      %dma_start3A_41 = tpu.memref_slice %arg4[%arg0, %add3A_24, %dma_start3A] : memref<2x10240x128xf32, #tpu.memory_space<hbm>> -> memref<1x128x128xf32, #tpu.memory_space<hbm>>
      %dma_start3A_42 = tpu.memref_squeeze %dma_start3A_41 : memref<1x128x128xf32, #tpu.memory_space<hbm>> -> memref<128x128xf32, #tpu.memory_space<hbm>>
      %dma_start3A_43 = arith.constant 0 : i32
      %dma_start3A_44 = tpu.memref_slice %arg4[%arg0, %add3A_24, %dma_start3A_43] : memref<2x10240x128xf32, #tpu.memory_space<hbm>> -> memref<1x128x128xf32, #tpu.memory_space<hbm>>
      %dma_start3A_45 = tpu.memref_squeeze %dma_start3A_44 : memref<1x128x128xf32, #tpu.memory_space<hbm>> -> memref<128x128xf32, #tpu.memory_space<hbm>>
      tpu.enqueue_dma source(%arg6 : memref<128x128xf32, #tpu.memory_space<vmem>>) target(%dma_start3A_45 : memref<128x128xf32, #tpu.memory_space<hbm>>) target_semaphore(%run_scoped3A : memref<!tpu.dma_semaphore, #tpu.memory_space<semaphore_mem>>)
      %dma_wait3A = arith.constant 0 : i32
      %dma_wait3A_46 = tpu.memref_slice %arg4[%arg0, %add3A_24, %dma_wait3A] : memref<2x10240x128xf32, #tpu.memory_space<hbm>> -> memref<1x128x128xf32, #tpu.memory_space<hbm>>
      %dma_wait3A_47 = tpu.memref_squeeze %dma_wait3A_46 : memref<1x128x128xf32, #tpu.memory_space<hbm>> -> memref<128x128xf32, #tpu.memory_space<hbm>>
      %dma_wait3A_48 = arith.constant 0 : i32
      %dma_wait3A_49 = tpu.memref_slice %arg4[%arg0, %add3A_24, %dma_wait3A_48] : memref<2x10240x128xf32, #tpu.memory_space<hbm>> -> memref<1x128x128xf32, #tpu.memory_space<hbm>>
      %dma_wait3A_50 = tpu.memref_squeeze %dma_wait3A_49 : memref<1x128x128xf32, #tpu.memory_space<hbm>> -> memref<128x128xf32, #tpu.memory_space<hbm>>
      tpu.wait_dma2 semaphore(%run_scoped3A : memref<!tpu.dma_semaphore, #tpu.memory_space<semaphore_mem>>) src(%arg6 : memref<128x128xf32, #tpu.memory_space<vmem>>) dst(%dma_wait3A_50 : memref<128x128xf32, #tpu.memory_space<hbm>>)
      tpu.yield
    }) : () -> ()
    %add3A_25 = arith.constant 128 : i32
    %add3A_26 = arith.addi %mul3A_2, %add3A_25 : i32
    "tpu.region"() ({
      %run_scoped3A = tpu.sem_alloc : memref<!tpu.dma_semaphore, #tpu.memory_space<semaphore_mem>>
      %dma_start3A = arith.constant 0 : i32
      %dma_start3A_41 = tpu.memref_slice %arg8[%add3A_26, %dma_start3A] : memref<10240x128xf32, #tpu.memory_space<vmem_shared>> -> memref<128x128xf32, #tpu.memory_space<vmem_shared>>
      %dma_start3A_42 = arith.constant 0 : i32
      %dma_start3A_43 = tpu.memref_slice %arg8[%add3A_26, %dma_start3A_42] : memref<10240x128xf32, #tpu.memory_space<vmem_shared>> -> memref<128x128xf32, #tpu.memory_space<vmem_shared>>
      tpu.enqueue_dma source(%dma_start3A_43 : memref<128x128xf32, #tpu.memory_space<vmem_shared>>) target(%arg6 : memref<128x128xf32, #tpu.memory_space<vmem>>) target_semaphore(%run_scoped3A : memref<!tpu.dma_semaphore, #tpu.memory_space<semaphore_mem>>)
      %dma_wait3A = arith.constant 0 : i32
      %dma_wait3A_44 = tpu.memref_slice %arg8[%add3A_26, %dma_wait3A] : memref<10240x128xf32, #tpu.memory_space<vmem_shared>> -> memref<128x128xf32, #tpu.memory_space<vmem_shared>>
      %dma_wait3A_45 = arith.constant 0 : i32
      %dma_wait3A_46 = tpu.memref_slice %arg8[%add3A_26, %dma_wait3A_45] : memref<10240x128xf32, #tpu.memory_space<vmem_shared>> -> memref<128x128xf32, #tpu.memory_space<vmem_shared>>
      tpu.wait_dma2 semaphore(%run_scoped3A : memref<!tpu.dma_semaphore, #tpu.memory_space<semaphore_mem>>) src(%dma_wait3A_46 : memref<128x128xf32, #tpu.memory_space<vmem_shared>>) dst(%arg6 : memref<128x128xf32, #tpu.memory_space<vmem>>)
      tpu.yield
    }) : () -> ()
    %add3A_27 = arith.constant 128 : i32
    %add3A_28 = arith.addi %mul3A_2, %add3A_27 : i32
    "tpu.region"() ({
      %run_scoped3A = tpu.sem_alloc : memref<!tpu.dma_semaphore, #tpu.memory_space<semaphore_mem>>
      %dma_start3A = arith.constant 0 : i32
      %dma_start3A_41 = tpu.memref_slice %arg4[%arg0, %add3A_28, %dma_start3A] : memref<2x10240x128xf32, #tpu.memory_space<hbm>> -> memref<1x128x128xf32, #tpu.memory_space<hbm>>
      %dma_start3A_42 = tpu.memref_squeeze %dma_start3A_41 : memref<1x128x128xf32, #tpu.memory_space<hbm>> -> memref<128x128xf32, #tpu.memory_space<hbm>>
      %dma_start3A_43 = arith.constant 0 : i32
      %dma_start3A_44 = tpu.memref_slice %arg4[%arg0, %add3A_28, %dma_start3A_43] : memref<2x10240x128xf32, #tpu.memory_space<hbm>> -> memref<1x128x128xf32, #tpu.memory_space<hbm>>
      %dma_start3A_45 = tpu.memref_squeeze %dma_start3A_44 : memref<1x128x128xf32, #tpu.memory_space<hbm>> -> memref<128x128xf32, #tpu.memory_space<hbm>>
      tpu.enqueue_dma source(%arg6 : memref<128x128xf32, #tpu.memory_space<vmem>>) target(%dma_start3A_45 : memref<128x128xf32, #tpu.memory_space<hbm>>) target_semaphore(%run_scoped3A : memref<!tpu.dma_semaphore, #tpu.memory_space<semaphore_mem>>)
      %dma_wait3A = arith.constant 0 : i32
      %dma_wait3A_46 = tpu.memref_slice %arg4[%arg0, %add3A_28, %dma_wait3A] : memref<2x10240x128xf32, #tpu.memory_space<hbm>> -> memref<1x128x128xf32, #tpu.memory_space<hbm>>
      %dma_wait3A_47 = tpu.memref_squeeze %dma_wait3A_46 : memref<1x128x128xf32, #tpu.memory_space<hbm>> -> memref<128x128xf32, #tpu.memory_space<hbm>>
      %dma_wait3A_48 = arith.constant 0 : i32
      %dma_wait3A_49 = tpu.memref_slice %arg4[%arg0, %add3A_28, %dma_wait3A_48] : memref<2x10240x128xf32, #tpu.memory_space<hbm>> -> memref<1x128x128xf32, #tpu.memory_space<hbm>>
      %dma_wait3A_50 = tpu.memref_squeeze %dma_wait3A_49 : memref<1x128x128xf32, #tpu.memory_space<hbm>> -> memref<128x128xf32, #tpu.memory_space<hbm>>
      tpu.wait_dma2 semaphore(%run_scoped3A : memref<!tpu.dma_semaphore, #tpu.memory_space<semaphore_mem>>) src(%arg6 : memref<128x128xf32, #tpu.memory_space<vmem>>) dst(%dma_wait3A_50 : memref<128x128xf32, #tpu.memory_space<hbm>>)
      tpu.yield
    }) : () -> ()
    %add3A_29 = arith.constant 256 : i32
    %add3A_30 = arith.addi %mul3A_2, %add3A_29 : i32
    "tpu.region"() ({
      %run_scoped3A = tpu.sem_alloc : memref<!tpu.dma_semaphore, #tpu.memory_space<semaphore_mem>>
      %dma_start3A = arith.constant 0 : i32
      %dma_start3A_41 = tpu.memref_slice %arg8[%add3A_30, %dma_start3A] : memref<10240x128xf32, #tpu.memory_space<vmem_shared>> -> memref<128x128xf32, #tpu.memory_space<vmem_shared>>
      %dma_start3A_42 = arith.constant 0 : i32
      %dma_start3A_43 = tpu.memref_slice %arg8[%add3A_30, %dma_start3A_42] : memref<10240x128xf32, #tpu.memory_space<vmem_shared>> -> memref<128x128xf32, #tpu.memory_space<vmem_shared>>
      tpu.enqueue_dma source(%dma_start3A_43 : memref<128x128xf32, #tpu.memory_space<vmem_shared>>) target(%arg6 : memref<128x128xf32, #tpu.memory_space<vmem>>) target_semaphore(%run_scoped3A : memref<!tpu.dma_semaphore, #tpu.memory_space<semaphore_mem>>)
      %dma_wait3A = arith.constant 0 : i32
      %dma_wait3A_44 = tpu.memref_slice %arg8[%add3A_30, %dma_wait3A] : memref<10240x128xf32, #tpu.memory_space<vmem_shared>> -> memref<128x128xf32, #tpu.memory_space<vmem_shared>>
      %dma_wait3A_45 = arith.constant 0 : i32
      %dma_wait3A_46 = tpu.memref_slice %arg8[%add3A_30, %dma_wait3A_45] : memref<10240x128xf32, #tpu.memory_space<vmem_shared>> -> memref<128x128xf32, #tpu.memory_space<vmem_shared>>
      tpu.wait_dma2 semaphore(%run_scoped3A : memref<!tpu.dma_semaphore, #tpu.memory_space<semaphore_mem>>) src(%dma_wait3A_46 : memref<128x128xf32, #tpu.memory_space<vmem_shared>>) dst(%arg6 : memref<128x128xf32, #tpu.memory_space<vmem>>)
      tpu.yield
    }) : () -> ()
    %add3A_31 = arith.constant 256 : i32
    %add3A_32 = arith.addi %mul3A_2, %add3A_31 : i32
    "tpu.region"() ({
      %run_scoped3A = tpu.sem_alloc : memref<!tpu.dma_semaphore, #tpu.memory_space<semaphore_mem>>
      %dma_start3A = arith.constant 0 : i32
      %dma_start3A_41 = tpu.memref_slice %arg4[%arg0, %add3A_32, %dma_start3A] : memref<2x10240x128xf32, #tpu.memory_space<hbm>> -> memref<1x128x128xf32, #tpu.memory_space<hbm>>
      %dma_start3A_42 = tpu.memref_squeeze %dma_start3A_41 : memref<1x128x128xf32, #tpu.memory_space<hbm>> -> memref<128x128xf32, #tpu.memory_space<hbm>>
      %dma_start3A_43 = arith.constant 0 : i32
      %dma_start3A_44 = tpu.memref_slice %arg4[%arg0, %add3A_32, %dma_start3A_43] : memref<2x10240x128xf32, #tpu.memory_space<hbm>> -> memref<1x128x128xf32, #tpu.memory_space<hbm>>
      %dma_start3A_45 = tpu.memref_squeeze %dma_start3A_44 : memref<1x128x128xf32, #tpu.memory_space<hbm>> -> memref<128x128xf32, #tpu.memory_space<hbm>>
      tpu.enqueue_dma source(%arg6 : memref<128x128xf32, #tpu.memory_space<vmem>>) target(%dma_start3A_45 : memref<128x128xf32, #tpu.memory_space<hbm>>) target_semaphore(%run_scoped3A : memref<!tpu.dma_semaphore, #tpu.memory_space<semaphore_mem>>)
      %dma_wait3A = arith.constant 0 : i32
      %dma_wait3A_46 = tpu.memref_slice %arg4[%arg0, %add3A_32, %dma_wait3A] : memref<2x10240x128xf32, #tpu.memory_space<hbm>> -> memref<1x128x128xf32, #tpu.memory_space<hbm>>
      %dma_wait3A_47 = tpu.memref_squeeze %dma_wait3A_46 : memref<1x128x128xf32, #tpu.memory_space<hbm>> -> memref<128x128xf32, #tpu.memory_space<hbm>>
      %dma_wait3A_48 = arith.constant 0 : i32
      %dma_wait3A_49 = tpu.memref_slice %arg4[%arg0, %add3A_32, %dma_wait3A_48] : memref<2x10240x128xf32, #tpu.memory_space<hbm>> -> memref<1x128x128xf32, #tpu.memory_space<hbm>>
      %dma_wait3A_50 = tpu.memref_squeeze %dma_wait3A_49 : memref<1x128x128xf32, #tpu.memory_space<hbm>> -> memref<128x128xf32, #tpu.memory_space<hbm>>
      tpu.wait_dma2 semaphore(%run_scoped3A : memref<!tpu.dma_semaphore, #tpu.memory_space<semaphore_mem>>) src(%arg6 : memref<128x128xf32, #tpu.memory_space<vmem>>) dst(%dma_wait3A_50 : memref<128x128xf32, #tpu.memory_space<hbm>>)
      tpu.yield
    }) : () -> ()
    %add3A_33 = arith.constant 384 : i32
    %add3A_34 = arith.addi %mul3A_2, %add3A_33 : i32
    "tpu.region"() ({
      %run_scoped3A = tpu.sem_alloc : memref<!tpu.dma_semaphore, #tpu.memory_space<semaphore_mem>>
      %dma_start3A = arith.constant 0 : i32
      %dma_start3A_41 = tpu.memref_slice %arg8[%add3A_34, %dma_start3A] : memref<10240x128xf32, #tpu.memory_space<vmem_shared>> -> memref<128x128xf32, #tpu.memory_space<vmem_shared>>
      %dma_start3A_42 = arith.constant 0 : i32
      %dma_start3A_43 = tpu.memref_slice %arg8[%add3A_34, %dma_start3A_42] : memref<10240x128xf32, #tpu.memory_space<vmem_shared>> -> memref<128x128xf32, #tpu.memory_space<vmem_shared>>
      tpu.enqueue_dma source(%dma_start3A_43 : memref<128x128xf32, #tpu.memory_space<vmem_shared>>) target(%arg6 : memref<128x128xf32, #tpu.memory_space<vmem>>) target_semaphore(%run_scoped3A : memref<!tpu.dma_semaphore, #tpu.memory_space<semaphore_mem>>)
      %dma_wait3A = arith.constant 0 : i32
      %dma_wait3A_44 = tpu.memref_slice %arg8[%add3A_34, %dma_wait3A] : memref<10240x128xf32, #tpu.memory_space<vmem_shared>> -> memref<128x128xf32, #tpu.memory_space<vmem_shared>>
      %dma_wait3A_45 = arith.constant 0 : i32
      %dma_wait3A_46 = tpu.memref_slice %arg8[%add3A_34, %dma_wait3A_45] : memref<10240x128xf32, #tpu.memory_space<vmem_shared>> -> memref<128x128xf32, #tpu.memory_space<vmem_shared>>
      tpu.wait_dma2 semaphore(%run_scoped3A : memref<!tpu.dma_semaphore, #tpu.memory_space<semaphore_mem>>) src(%dma_wait3A_46 : memref<128x128xf32, #tpu.memory_space<vmem_shared>>) dst(%arg6 : memref<128x128xf32, #tpu.memory_space<vmem>>)
      tpu.yield
    }) : () -> ()
    %add3A_35 = arith.constant 384 : i32
    %add3A_36 = arith.addi %mul3A_2, %add3A_35 : i32
    "tpu.region"() ({
      %run_scoped3A = tpu.sem_alloc : memref<!tpu.dma_semaphore, #tpu.memory_space<semaphore_mem>>
      %dma_start3A = arith.constant 0 : i32
      %dma_start3A_41 = tpu.memref_slice %arg4[%arg0, %add3A_36, %dma_start3A] : memref<2x10240x128xf32, #tpu.memory_space<hbm>> -> memref<1x128x128xf32, #tpu.memory_space<hbm>>
      %dma_start3A_42 = tpu.memref_squeeze %dma_start3A_41 : memref<1x128x128xf32, #tpu.memory_space<hbm>> -> memref<128x128xf32, #tpu.memory_space<hbm>>
      %dma_start3A_43 = arith.constant 0 : i32
      %dma_start3A_44 = tpu.memref_slice %arg4[%arg0, %add3A_36, %dma_start3A_43] : memref<2x10240x128xf32, #tpu.memory_space<hbm>> -> memref<1x128x128xf32, #tpu.memory_space<hbm>>
      %dma_start3A_45 = tpu.memref_squeeze %dma_start3A_44 : memref<1x128x128xf32, #tpu.memory_space<hbm>> -> memref<128x128xf32, #tpu.memory_space<hbm>>
      tpu.enqueue_dma source(%arg6 : memref<128x128xf32, #tpu.memory_space<vmem>>) target(%dma_start3A_45 : memref<128x128xf32, #tpu.memory_space<hbm>>) target_semaphore(%run_scoped3A : memref<!tpu.dma_semaphore, #tpu.memory_space<semaphore_mem>>)
      %dma_wait3A = arith.constant 0 : i32
      %dma_wait3A_46 = tpu.memref_slice %arg4[%arg0, %add3A_36, %dma_wait3A] : memref<2x10240x128xf32, #tpu.memory_space<hbm>> -> memref<1x128x128xf32, #tpu.memory_space<hbm>>
      %dma_wait3A_47 = tpu.memref_squeeze %dma_wait3A_46 : memref<1x128x128xf32, #tpu.memory_space<hbm>> -> memref<128x128xf32, #tpu.memory_space<hbm>>
      %dma_wait3A_48 = arith.constant 0 : i32
      %dma_wait3A_49 = tpu.memref_slice %arg4[%arg0, %add3A_36, %dma_wait3A_48] : memref<2x10240x128xf32, #tpu.memory_space<hbm>> -> memref<1x128x128xf32, #tpu.memory_space<hbm>>
      %dma_wait3A_50 = tpu.memref_squeeze %dma_wait3A_49 : memref<1x128x128xf32, #tpu.memory_space<hbm>> -> memref<128x128xf32, #tpu.memory_space<hbm>>
      tpu.wait_dma2 semaphore(%run_scoped3A : memref<!tpu.dma_semaphore, #tpu.memory_space<semaphore_mem>>) src(%arg6 : memref<128x128xf32, #tpu.memory_space<vmem>>) dst(%dma_wait3A_50 : memref<128x128xf32, #tpu.memory_space<hbm>>)
      tpu.yield
    }) : () -> ()
    %add3A_37 = arith.constant 512 : i32
    %add3A_38 = arith.addi %mul3A_2, %add3A_37 : i32
    "tpu.region"() ({
      %run_scoped3A = tpu.sem_alloc : memref<!tpu.dma_semaphore, #tpu.memory_space<semaphore_mem>>
      %dma_start3A = arith.constant 0 : i32
      %dma_start3A_41 = tpu.memref_slice %arg8[%add3A_38, %dma_start3A] : memref<10240x128xf32, #tpu.memory_space<vmem_shared>> -> memref<128x128xf32, #tpu.memory_space<vmem_shared>>
      %dma_start3A_42 = arith.constant 0 : i32
      %dma_start3A_43 = tpu.memref_slice %arg8[%add3A_38, %dma_start3A_42] : memref<10240x128xf32, #tpu.memory_space<vmem_shared>> -> memref<128x128xf32, #tpu.memory_space<vmem_shared>>
      tpu.enqueue_dma source(%dma_start3A_43 : memref<128x128xf32, #tpu.memory_space<vmem_shared>>) target(%arg6 : memref<128x128xf32, #tpu.memory_space<vmem>>) target_semaphore(%run_scoped3A : memref<!tpu.dma_semaphore, #tpu.memory_space<semaphore_mem>>)
      %dma_wait3A = arith.constant 0 : i32
      %dma_wait3A_44 = tpu.memref_slice %arg8[%add3A_38, %dma_wait3A] : memref<10240x128xf32, #tpu.memory_space<vmem_shared>> -> memref<128x128xf32, #tpu.memory_space<vmem_shared>>
      %dma_wait3A_45 = arith.constant 0 : i32
      %dma_wait3A_46 = tpu.memref_slice %arg8[%add3A_38, %dma_wait3A_45] : memref<10240x128xf32, #tpu.memory_space<vmem_shared>> -> memref<128x128xf32, #tpu.memory_space<vmem_shared>>
      tpu.wait_dma2 semaphore(%run_scoped3A : memref<!tpu.dma_semaphore, #tpu.memory_space<semaphore_mem>>) src(%dma_wait3A_46 : memref<128x128xf32, #tpu.memory_space<vmem_shared>>) dst(%arg6 : memref<128x128xf32, #tpu.memory_space<vmem>>)
      tpu.yield
    }) : () -> ()
    %add3A_39 = arith.constant 512 : i32
    %add3A_40 = arith.addi %mul3A_2, %add3A_39 : i32
    "tpu.region"() ({
      %run_scoped3A = tpu.sem_alloc : memref<!tpu.dma_semaphore, #tpu.memory_space<semaphore_mem>>
      %dma_start3A = arith.constant 0 : i32
      %dma_start3A_41 = tpu.memref_slice %arg4[%arg0, %add3A_40, %dma_start3A] : memref<2x10240x128xf32, #tpu.memory_space<hbm>> -> memref<1x128x128xf32, #tpu.memory_space<hbm>>
      %dma_start3A_42 = tpu.memref_squeeze %dma_start3A_41 : memref<1x128x128xf32, #tpu.memory_space<hbm>> -> memref<128x128xf32, #tpu.memory_space<hbm>>
      %dma_start3A_43 = arith.constant 0 : i32
      %dma_start3A_44 = tpu.memref_slice %arg4[%arg0, %add3A_40, %dma_start3A_43] : memref<2x10240x128xf32, #tpu.memory_space<hbm>> -> memref<1x128x128xf32, #tpu.memory_space<hbm>>
      %dma_start3A_45 = tpu.memref_squeeze %dma_start3A_44 : memref<1x128x128xf32, #tpu.memory_space<hbm>> -> memref<128x128xf32, #tpu.memory_space<hbm>>
      tpu.enqueue_dma source(%arg6 : memref<128x128xf32, #tpu.memory_space<vmem>>) target(%dma_start3A_45 : memref<128x128xf32, #tpu.memory_space<hbm>>) target_semaphore(%run_scoped3A : memref<!tpu.dma_semaphore, #tpu.memory_space<semaphore_mem>>)
      %dma_wait3A = arith.constant 0 : i32
      %dma_wait3A_46 = tpu.memref_slice %arg4[%arg0, %add3A_40, %dma_wait3A] : memref<2x10240x128xf32, #tpu.memory_space<hbm>> -> memref<1x128x128xf32, #tpu.memory_space<hbm>>
      %dma_wait3A_47 = tpu.memref_squeeze %dma_wait3A_46 : memref<1x128x128xf32, #tpu.memory_space<hbm>> -> memref<128x128xf32, #tpu.memory_space<hbm>>
      %dma_wait3A_48 = arith.constant 0 : i32
      %dma_wait3A_49 = tpu.memref_slice %arg4[%arg0, %add3A_40, %dma_wait3A_48] : memref<2x10240x128xf32, #tpu.memory_space<hbm>> -> memref<1x128x128xf32, #tpu.memory_space<hbm>>
      %dma_wait3A_50 = tpu.memref_squeeze %dma_wait3A_49 : memref<1x128x128xf32, #tpu.memory_space<hbm>> -> memref<128x128xf32, #tpu.memory_space<hbm>>
      tpu.wait_dma2 semaphore(%run_scoped3A : memref<!tpu.dma_semaphore, #tpu.memory_space<semaphore_mem>>) src(%arg6 : memref<128x128xf32, #tpu.memory_space<vmem>>) dst(%dma_wait3A_50 : memref<128x128xf32, #tpu.memory_space<hbm>>)
      tpu.yield
    }) : () -> ()
    return
  }
}

module attributes {stable_mosaic.version = 14 : i64} {
  func.func @body(%arg0: i32, %arg1: memref<2x1024x128xf32, #tpu.memory_space<vmem>>, %arg2: memref<2x1024x128xf32, #tpu.memory_space<vmem>>, %arg3: memref<1024x128xf32, #tpu.memory_space<vmem>>, %arg4: memref<128x128xf32, #tpu.memory_space<vmem>>, %arg5: memref<128x128xf32, #tpu.memory_space<vmem>>, %arg6: memref<1x128xf32, #tpu.memory_space<vmem>>, %arg7: memref<1024x128xf32, #tpu.memory_space<vmem>>) attributes {dimension_semantics = [#tpu.dimension_semantics<arbitrary>], iteration_bounds = array<i64: 10>, scalar_prefetch = 0 : i64, scratch_operands = 0 : i64, tpu.core_type = #tpu.core_type<tc>, window_params = [{transform_indices = @transform_0, window_bounds = array<i64: 2, 1024, 128>}, {transform_indices = @transform_1, window_bounds = array<i64: 2, 1024, 128>}, {transform_indices = @transform_2, window_bounds = array<i64: 1024, 128>}, {pipeline_mode = #tpu.pipeline_mode<synchronous>, transform_indices = @transform_3, window_bounds = array<i64: 128, 128>}, {pipeline_mode = #tpu.pipeline_mode<synchronous>, transform_indices = @transform_4, window_bounds = array<i64: 128, 128>}, {pipeline_mode = #tpu.pipeline_mode<synchronous>, transform_indices = @transform_5, window_bounds = array<i64: 1, 128>}, {transform_indices = @transform_6, window_bounds = array<i64: 1024, 128>}]} {
    %get3A = arith.constant 0 : index
    %get3A_0 = arith.constant 0 : index
    %get3A_1 = arith.constant 0 : index
    %get3A_2 = vector.load %arg1[%get3A, %get3A_0, %get3A_1] : memref<2x1024x128xf32, #tpu.memory_space<vmem>>, vector<1x1024x128xf32>
    %get3A_3 = vector.shape_cast %get3A_2 : vector<1x1024x128xf32> to vector<1024x128xf32>
    %get3A_4 = arith.constant 1 : index
    %get3A_5 = arith.constant 0 : index
    %get3A_6 = arith.constant 0 : index
    %get3A_7 = vector.load %arg1[%get3A_4, %get3A_5, %get3A_6] : memref<2x1024x128xf32, #tpu.memory_space<vmem>>, vector<1x1024x128xf32>
    %get3A_8 = vector.shape_cast %get3A_7 : vector<1x1024x128xf32> to vector<1024x128xf32>
    %add3A = arith.addf %get3A_3, %get3A_8 : vector<1024x128xf32>
    %get3A_9 = arith.constant 0 : index
    %get3A_10 = arith.constant 0 : index
    %get3A_11 = arith.constant 0 : index
    %get3A_12 = vector.load %arg2[%get3A_9, %get3A_10, %get3A_11] : memref<2x1024x128xf32, #tpu.memory_space<vmem>>, vector<1x1024x128xf32>
    %get3A_13 = vector.shape_cast %get3A_12 : vector<1x1024x128xf32> to vector<1024x128xf32>
    %get3A_14 = arith.constant 1 : index
    %get3A_15 = arith.constant 0 : index
    %get3A_16 = arith.constant 0 : index
    %get3A_17 = vector.load %arg2[%get3A_14, %get3A_15, %get3A_16] : memref<2x1024x128xf32, #tpu.memory_space<vmem>>, vector<1x1024x128xf32>
    %get3A_18 = vector.shape_cast %get3A_17 : vector<1x1024x128xf32> to vector<1024x128xf32>
    %add3A_19 = arith.addf %get3A_13, %get3A_18 : vector<1024x128xf32>
    %max3A = arith.constant 1.000000e+00 : f32
    %max3A_20 = vector.broadcast %max3A : f32 to vector<1024x128xf32>
    %max3A_21 = arith.maximumf %add3A_19, %max3A_20 : vector<1024x128xf32>
    %div3A = arith.divf %add3A, %max3A_21 : vector<1024x128xf32>
    %get3A_22 = arith.constant 0 : index
    %get3A_23 = arith.constant 0 : index
    %get3A_24 = vector.load %arg4[%get3A_22, %get3A_23] : memref<128x128xf32, #tpu.memory_space<vmem>>, vector<128x128xf32>
    %dot_general3A = arith.constant dense<0.000000e+00> : vector<1024x128xf32>
    %dot_general3A_25 = tpu.matmul %div3A, %get3A_24, %dot_general3A {dimension_numbers = #tpu.dot_dimension_numbers<[1], [0], [0], [1], [0, 0, 1, 1], [], []>, transpose_lhs_hint = false} : vector<1024x128xf32>, vector<128x128xf32>, vector<1024x128xf32> -> vector<1024x128xf32>
    %get3A_26 = arith.constant 0 : index
    %get3A_27 = arith.constant 0 : index
    %get3A_28 = vector.load %arg3[%get3A_26, %get3A_27] : memref<1024x128xf32, #tpu.memory_space<vmem>>, vector<1024x128xf32>
    %get3A_29 = arith.constant 0 : index
    %get3A_30 = arith.constant 0 : index
    %get3A_31 = vector.load %arg5[%get3A_29, %get3A_30] : memref<128x128xf32, #tpu.memory_space<vmem>>, vector<128x128xf32>
    %dot_general3A_32 = arith.constant dense<0.000000e+00> : vector<1024x128xf32>
    %dot_general3A_33 = tpu.matmul %get3A_28, %get3A_31, %dot_general3A_32 {dimension_numbers = #tpu.dot_dimension_numbers<[1], [0], [0], [1], [0, 0, 1, 1], [], []>, transpose_lhs_hint = false} : vector<1024x128xf32>, vector<128x128xf32>, vector<1024x128xf32> -> vector<1024x128xf32>
    %add3A_34 = arith.addf %dot_general3A_25, %dot_general3A_33 : vector<1024x128xf32>
    %get3A_35 = arith.constant 0 : index
    %get3A_36 = arith.constant 0 : index
    %get3A_37 = vector.load %arg6[%get3A_35, %get3A_36] : memref<1x128xf32, #tpu.memory_space<vmem>>, vector<1x128xf32>
    %add3A_38 = vector.broadcast %get3A_37 : vector<1x128xf32> to vector<1024x128xf32>
    %add3A_39 = arith.addf %add3A_34, %add3A_38 : vector<1024x128xf32>
    %tanh3A = math.tanh %add3A_39 : vector<1024x128xf32>
    %swap3A = arith.constant 0 : index
    %swap3A_40 = arith.constant 0 : index
    %swap3A_41 = vector.load %arg7[%swap3A, %swap3A_40] : memref<1024x128xf32, #tpu.memory_space<vmem>>, vector<1024x128xf32>
    tpu.vector_store %arg7[%swap3A, %swap3A_40], %tanh3A {strides = array<i32>} : memref<1024x128xf32, #tpu.memory_space<vmem>>, vector<1024x128xf32>,
    return
  }
  func.func @transform_0(%arg0: i32) -> (i32, i32, i32) {
    %c0_i32 = arith.constant 0 : i32
    %c0_i32_0 = arith.constant 0 : i32
    %c0_i32_1 = arith.constant 0 : i32
    return %c0_i32, %arg0, %c0_i32_0 : i32, i32, i32
  }
  func.func @transform_1(%arg0: i32) -> (i32, i32, i32) {
    %c0_i32 = arith.constant 0 : i32
    %c0_i32_0 = arith.constant 0 : i32
    %c0_i32_1 = arith.constant 0 : i32
    return %c0_i32, %arg0, %c0_i32_0 : i32, i32, i32
  }
  func.func @transform_2(%arg0: i32) -> (i32, i32) {
    %c0_i32 = arith.constant 0 : i32
    %c0_i32_0 = arith.constant 0 : i32
    return %arg0, %c0_i32 : i32, i32
  }
  func.func @transform_3(%arg0: i32) -> (i32, i32) {
    %c0_i32 = arith.constant 0 : i32
    %c0_i32_0 = arith.constant 0 : i32
    %c0_i32_1 = arith.constant 0 : i32
    return %c0_i32, %c0_i32_0 : i32, i32
  }
  func.func @transform_4(%arg0: i32) -> (i32, i32) {
    %c0_i32 = arith.constant 0 : i32
    %c0_i32_0 = arith.constant 0 : i32
    %c0_i32_1 = arith.constant 0 : i32
    return %c0_i32, %c0_i32_0 : i32, i32
  }
  func.func @transform_5(%arg0: i32) -> (i32, i32) {
    %c0_i32 = arith.constant 0 : i32
    %c0_i32_0 = arith.constant 0 : i32
    %c0_i32_1 = arith.constant 0 : i32
    return %c0_i32, %c0_i32_0 : i32, i32
  }
  func.func @transform_6(%arg0: i32) -> (i32, i32) {
    %c0_i32 = arith.constant 0 : i32
    %c0_i32_0 = arith.constant 0 : i32
    return %arg0, %c0_i32 : i32, i32
  }
}

module attributes {stable_mosaic.version = 14 : i64} {
  func.func @body(%arg0: i32, %arg1: memref<2x1024x128xf32, #tpu.memory_space<vmem>>, %arg2: memref<2x1024x128xf32, #tpu.memory_space<vmem>>, %arg3: memref<1024x128xf32, #tpu.memory_space<vmem>>, %arg4: memref<128x128xf32, #tpu.memory_space<vmem>>, %arg5: memref<128x128xf32, #tpu.memory_space<vmem>>, %arg6: memref<1x128xf32, #tpu.memory_space<vmem>>, %arg7: memref<1024x128xf32, #tpu.memory_space<vmem>>) attributes {dimension_semantics = [#tpu.dimension_semantics<arbitrary>], iteration_bounds = array<i64: 10>, scalar_prefetch = 0 : i64, scratch_operands = 0 : i64, tpu.core_type = #tpu.core_type<tc>, window_params = [{transform_indices = @transform_0, window_bounds = array<i64: 2, 1024, 128>}, {transform_indices = @transform_1, window_bounds = array<i64: 2, 1024, 128>}, {transform_indices = @transform_2, window_bounds = array<i64: 1024, 128>}, {pipeline_mode = #tpu.pipeline_mode<synchronous>, transform_indices = @transform_3, window_bounds = array<i64: 128, 128>}, {pipeline_mode = #tpu.pipeline_mode<synchronous>, transform_indices = @transform_4, window_bounds = array<i64: 128, 128>}, {pipeline_mode = #tpu.pipeline_mode<synchronous>, transform_indices = @transform_5, window_bounds = array<i64: 1, 128>}, {transform_indices = @transform_6, window_bounds = array<i64: 1024, 128>}]} {
    %get3A = arith.constant 0 : index
    %get3A_0 = arith.constant 0 : index
    %get3A_1 = arith.constant 0 : index
    %get3A_2 = vector.load %arg1[%get3A, %get3A_0, %get3A_1] : memref<2x1024x128xf32, #tpu.memory_space<vmem>>, vector<1x1024x128xf32>
    %get3A_3 = vector.shape_cast %get3A_2 : vector<1x1024x128xf32> to vector<1024x128xf32>
    %get3A_4 = arith.constant 1 : index
    %get3A_5 = arith.constant 0 : index
    %get3A_6 = arith.constant 0 : index
    %get3A_7 = vector.load %arg1[%get3A_4, %get3A_5, %get3A_6] : memref<2x1024x128xf32, #tpu.memory_space<vmem>>, vector<1x1024x128xf32>
    %get3A_8 = vector.shape_cast %get3A_7 : vector<1x1024x128xf32> to vector<1024x128xf32>
    %add3A = arith.addf %get3A_3, %get3A_8 : vector<1024x128xf32>
    %get3A_9 = arith.constant 0 : index
    %get3A_10 = arith.constant 0 : index
    %get3A_11 = arith.constant 0 : index
    %get3A_12 = vector.load %arg2[%get3A_9, %get3A_10, %get3A_11] : memref<2x1024x128xf32, #tpu.memory_space<vmem>>, vector<1x1024x128xf32>
    %get3A_13 = vector.shape_cast %get3A_12 : vector<1x1024x128xf32> to vector<1024x128xf32>
    %get3A_14 = arith.constant 1 : index
    %get3A_15 = arith.constant 0 : index
    %get3A_16 = arith.constant 0 : index
    %get3A_17 = vector.load %arg2[%get3A_14, %get3A_15, %get3A_16] : memref<2x1024x128xf32, #tpu.memory_space<vmem>>, vector<1x1024x128xf32>
    %get3A_18 = vector.shape_cast %get3A_17 : vector<1x1024x128xf32> to vector<1024x128xf32>
    %add3A_19 = arith.addf %get3A_13, %get3A_18 : vector<1024x128xf32>
    %max3A = arith.constant 1.000000e+00 : f32
    %max3A_20 = vector.broadcast %max3A : f32 to vector<1024x128xf32>
    %max3A_21 = arith.maximumf %add3A_19, %max3A_20 : vector<1024x128xf32>
    %div3A = arith.divf %add3A, %max3A_21 : vector<1024x128xf32>
    %get3A_22 = arith.constant 0 : index
    %get3A_23 = arith.constant 0 : index
    %get3A_24 = vector.load %arg4[%get3A_22, %get3A_23] : memref<128x128xf32, #tpu.memory_space<vmem>>, vector<128x128xf32>
    %dot_general3A = arith.constant dense<0.000000e+00> : vector<1024x128xf32>
    %dot_general3A_25 = tpu.matmul %div3A, %get3A_24, %dot_general3A {dimension_numbers = #tpu.dot_dimension_numbers<[1], [0], [0], [1], [0, 0, 1, 1], [], []>, transpose_lhs_hint = false} : vector<1024x128xf32>, vector<128x128xf32>, vector<1024x128xf32> -> vector<1024x128xf32>
    %get3A_26 = arith.constant 0 : index
    %get3A_27 = arith.constant 0 : index
    %get3A_28 = vector.load %arg3[%get3A_26, %get3A_27] : memref<1024x128xf32, #tpu.memory_space<vmem>>, vector<1024x128xf32>
    %get3A_29 = arith.constant 0 : index
    %get3A_30 = arith.constant 0 : index
    %get3A_31 = vector.load %arg5[%get3A_29, %get3A_30] : memref<128x128xf32, #tpu.memory_space<vmem>>, vector<128x128xf32>
    %dot_general3A_32 = arith.constant dense<0.000000e+00> : vector<1024x128xf32>
    %dot_general3A_33 = tpu.matmul %get3A_28, %get3A_31, %dot_general3A_32 {dimension_numbers = #tpu.dot_dimension_numbers<[1], [0], [0], [1], [0, 0, 1, 1], [], []>, transpose_lhs_hint = false} : vector<1024x128xf32>, vector<128x128xf32>, vector<1024x128xf32> -> vector<1024x128xf32>
    %add3A_34 = arith.addf %dot_general3A_25, %dot_general3A_33 : vector<1024x128xf32>
    %get3A_35 = arith.constant 0 : index
    %get3A_36 = arith.constant 0 : index
    %get3A_37 = vector.load %arg6[%get3A_35, %get3A_36] : memref<1x128xf32, #tpu.memory_space<vmem>>, vector<1x128xf32>
    %add3A_38 = vector.broadcast %get3A_37 : vector<1x128xf32> to vector<1024x128xf32>
    %add3A_39 = arith.addf %add3A_34, %add3A_38 : vector<1024x128xf32>
    %tanh3A = math.tanh %add3A_39 : vector<1024x128xf32>
    %swap3A = arith.constant 0 : index
    %swap3A_40 = arith.constant 0 : index
    %swap3A_41 = vector.load %arg7[%swap3A, %swap3A_40] : memref<1024x128xf32, #tpu.memory_space<vmem>>, vector<1024x128xf32>
    tpu.vector_store %arg7[%swap3A, %swap3A_40], %tanh3A {strides = array<i32>} : memref<1024x128xf32, #tpu.memory_space<vmem>>, vector<1024x128xf32>,
    return
  }
  func.func @transform_0(%arg0: i32) -> (i32, i32, i32) {
    %c0_i32 = arith.constant 0 : i32
    %c0_i32_0 = arith.constant 0 : i32
    %c0_i32_1 = arith.constant 0 : i32
    return %c0_i32, %arg0, %c0_i32_0 : i32, i32, i32
  }
  func.func @transform_1(%arg0: i32) -> (i32, i32, i32) {
    %c0_i32 = arith.constant 0 : i32
    %c0_i32_0 = arith.constant 0 : i32
    %c0_i32_1 = arith.constant 0 : i32
    return %c0_i32, %arg0, %c0_i32_0 : i32, i32, i32
  }
  func.func @transform_2(%arg0: i32) -> (i32, i32) {
    %c0_i32 = arith.constant 0 : i32
    %c0_i32_0 = arith.constant 0 : i32
    return %arg0, %c0_i32 : i32, i32
  }
  func.func @transform_3(%arg0: i32) -> (i32, i32) {
    %c0_i32 = arith.constant 0 : i32
    %c0_i32_0 = arith.constant 0 : i32
    %c0_i32_1 = arith.constant 0 : i32
    return %c0_i32, %c0_i32_0 : i32, i32
  }
  func.func @transform_4(%arg0: i32) -> (i32, i32) {
    %c0_i32 = arith.constant 0 : i32
    %c0_i32_0 = arith.constant 0 : i32
    %c0_i32_1 = arith.constant 0 : i32
    return %c0_i32, %c0_i32_0 : i32, i32
  }
  func.func @transform_5(%arg0: i32) -> (i32, i32) {
    %c0_i32 = arith.constant 0 : i32
    %c0_i32_0 = arith.constant 0 : i32
    %c0_i32_1 = arith.constant 0 : i32
    return %c0_i32, %c0_i32_0 : i32, i32
  }
  func.func @transform_6(%arg0: i32) -> (i32, i32) {
    %c0_i32 = arith.constant 0 : i32
    %c0_i32_0 = arith.constant 0 : i32
    return %arg0, %c0_i32 : i32, i32
  }
}

</mosaic_0001>

<sc_bundles>
// kernel: kernel.10.cloned.1.call-start
scs
__scs_entry_jumppad:
0x0: {  	(pc) =	sbr.rel $0x88, $3  }
0x1: {  	(tag) =	ssettag $0x0;
	lr =	simm.s32 $0x1  }
0x2: {  	[smem:$0x3F99] =	sst lr;
	_ =	strace $0xD0000000  }
0x3: {  	_ = 	snop  }
0x4: {  	_ = 	snop  }
0x5: {  	_ = 	snop  }
0x6: {  	_ = 	snop  }
0x7: {  	_ = 	snop  }
__scs_overlays_trampoline_lowered:
0x8: {  	[smem:$0x3FA8] =	sst s0  }
0x9: {  	[smem:$0x3FA9] =	sst s1  }
0xa: {  	[smem:$0x3FAA] =	sst s2  }
0xb: {  	[smem:$0x3FAB] =	sst s3  }
0xc: {  	[smem:$0x3FAC] =	sst s4  }
0xd: {  	[smem:$0x3FAD] =	sst s5  }
0xe: {  	[smem:$0x3FAE] =	sst s6  }
0xf: {  	[smem:$0x3FAF] =	sst s7  }
0x10: {  	[smem:$0x3FB0] =	sst s8  }
0x11: {  	[smem:$0x3FB1] =	sst s9;
	s0 =	simm.s32 @!p0 $0x0  }
0x12: {  	s1 =	sld [smem:$0x3F97];
	s0 =	simm.s32 @p0 $0x1  }
0x13: {  	[smem:$0x3FB2] =	sst s0;
	s0 =	simm.s32 @!p1 $0x0  }
0x14: {  	s2 =	sld [smem:$0x3F96];
	s0 =	simm.s32 @p1 $0x1  }
0x15: {  	[smem:$0x3FB3] =	sst s0;
	s0 =	simm.s32 @!p2 $0x0  }
0x16: {  	s3 =	sld [smem:$0x3FDB];
	s0 =	simm.s32 @p2 $0x1  }
0x17: {  	s4 =	simm.s32 $0x1BF5;
	[smem:$0x3FB5] =	sst s0  }
0x18: {  	s0 =	sld [smem:$0x3F98];
	_ =	swait.ge [sflag:s4], $0x0  }
0x19: {  	s7 =	sld [smem:$0x3F99]  }
0x1a: {  	s8 =	sadd.s32 $0xFFFFE003, lr  }
0x1b: {  	s9 =	sadd.s32 $0xFFFFFEF7, lr;
	s5 =	simm.s32 $0xFFFFFFFF;
	p2 =	slt.u32 s8, $0xFFFFF086  }
0x1c: {  	p1 =	slt.u32 s9, $0xF7A;
	s5 =	simm.s32 @!p2 $0x0  }
0x1d: {  	s5 =	simm.s32 @p1 $0x1;
	p0 =	seq.s32 s7, s2  }
0x1e: {  	s7 =	smul.u32 @!p0 $0xF7A, s2;
	p2 =	seq.s32 @!p0 s5, $0x0  }
0x1f: {  	s9 =	smul.u32 $0xF7A, s1;
	s8 =	simm.s32 @!p0 $0x1BF5;
	p2 =	por !p2, p0  }
0x20: {  	[sflag:s8] =	ssyncset.s32 @!p0 $0xFFFFF086;
	s6 =	sadd.s32 @!p0 s3, s7;
	s7 =	simm.s32 @!p0 $0x108  }
0x21: {  	s3 =	sadd.s32 s3, s9;
	s6 =	sadd.s32 @!p0 $0x88, s6;
	s7 =	simm.s32 @p2 $0x1082  }
0x22: {  	[simem:s7], [sflag:s8] =	dma.local @!p0 [hbm:s6], $0xF7A  }
0x23: {  	s9 =	sor.u32 $0xD0000000, s2;
	s6 =	simm.s32 $0x108;
	_ =	swait.ge @!p0 [sflag:s8], $0x0  }
0x24: {  	s3 =	sadd.s32 $0x88, s3;
	s6 =	simm.s32 @!p1 $0x1082;
	[sflag:s4] =	ssyncset.s32 $0xFFFFF086  }
0x25: {  	[simem:s6], [sflag:s4] =	dma.local [hbm:s3], $0xF7A  }
0x26: {  	[smem:$0x3F99] =	sst s1;
	(tag) =	ssettag s2;
	_ =	strace s9  }
0x27: {  	s1 =	sld [smem:$0x3FA9]  }
0x28: {  	s2 =	sld [smem:$0x3FAA]  }
0x29: {  	s4 =	sld [smem:$0x3FAC]  }
0x2a: {  	p0 =	seq.s32 s5, $0x0;
	s5 =	sld [smem:$0x3FAD]  }
0x2b: {  	s6 =	sld [smem:$0x3FAE]  }
0x2c: {  	s7 =	sld [smem:$0x3FAF]  }
0x2d: {  	s3 =	simm.s32 $0x108;
	s8 =	sld [smem:$0x3FB0]  }
0x2e: {  	s3 =	simm.s32 @!p0 $0x1082;
	s9 =	sld [smem:$0x3FB1]  }
0x2f: {  	lr =	sadd.s32 s0, s3;
	s0 =	sld [smem:$0x3FA8]  }
0x30: {  	s3 =	sld [smem:$0x3FAB]  }
0x31: {  	[smem:$0x3FB4] =	sst s10  }
0x32: {  	s10 =	sld [smem:$0x3FB2];
	_ =	sdelay $0x3  }
0x33: {  	p0 =	seq.s32 s10, $0x1;
	s10 =	sld [smem:$0x3FB4];
	_ =	sdelay $0x3  }
0x34: {  	[smem:$0x3FB4] =	sst s10  }
0x35: {  	s10 =	sld [smem:$0x3FB3];
	_ =	sdelay $0x3  }
0x36: {  	p1 =	seq.s32 s10, $0x1;
	s10 =	sld [smem:$0x3FB4];
	_ =	sdelay $0x3  }
0x37: {  	[smem:$0x3FB4] =	sst s10  }
0x38: {  	s10 =	sld [smem:$0x3FB5]  }
0x39: {  	_ = 	snop;
	(pc) =	sbr.ind lr, $3  }
0x3a: {  	_ = 	snop  }
0x3b: {  	_ = 	snop  }
0x3c: {  	p2 =	seq.s32 s10, $0x1;
	s10 =	sld [smem:$0x3FB4]  }
0x3d: {  	_ =	shalt  }
0x3e: {  	_ =	shalt  }
0x3f: {  	_ =	shalt  }
0x40: {  	_ =	shalt  }
0x41: {  	_ =	shalt  }
0x42: {  	_ =	shalt  }
0x43: {  	_ =	shalt  }
0x44: {  	_ =	shalt  }
0x45: {  	_ =	shalt  }
0x46: {  	_ =	shalt  }
0x47: {  	_ =	shalt  }
0x48: {  	_ =	shalt  }
0x49: {  	_ =	shalt  }
0x4a: {  	_ =	shalt  }
0x4b: {  	_ =	shalt  }
0x4c: {  	_ =	shalt  }
0x4d: {  	_ =	shalt  }
0x4e: {  	_ =	shalt  }
0x4f: {  	_ =	shalt  }
0x50: {  	_ =	shalt  }
0x51: {  	_ =	shalt  }
0x52: {  	_ =	shalt  }
0x53: {  	_ =	shalt  }
0x54: {  	_ =	shalt  }
0x55: {  	_ =	shalt  }
0x56: {  	_ =	shalt  }
0x57: {  	_ =	shalt  }
0x58: {  	_ =	shalt  }
0x59: {  	_ =	shalt  }
0x5a: {  	_ =	shalt  }
0x5b: {  	_ =	shalt  }
0x5c: {  	_ =	shalt  }
0x5d: {  	_ =	shalt  }
0x5e: {  	_ =	shalt  }
0x5f: {  	_ =	shalt  }
0x60: {  	_ =	shalt  }
0x61: {  	_ =	shalt  }
0x62: {  	_ =	shalt  }
0x63: {  	_ =	shalt  }
0x64: {  	_ =	shalt  }
0x65: {  	_ =	shalt  }
0x66: {  	_ =	shalt  }
0x67: {  	_ =	shalt  }
0x68: {  	_ =	shalt  }
0x69: {  	_ =	shalt  }
0x6a: {  	_ =	shalt  }
0x6b: {  	_ =	shalt  }
0x6c: {  	_ =	shalt  }
0x6d: {  	_ =	shalt  }
0x6e: {  	_ =	shalt  }
0x6f: {  	_ =	shalt  }
0x70: {  	_ =	shalt  }
0x71: {  	_ =	shalt  }
0x72: {  	_ =	shalt  }
0x73: {  	_ =	shalt  }
0x74: {  	_ =	shalt  }
0x75: {  	_ =	shalt  }
0x76: {  	_ =	shalt  }
0x77: {  	_ =	shalt  }
0x78: {  	_ =	shalt  }
0x79: {  	_ =	shalt  }
0x7a: {  	_ =	shalt  }
0x7b: {  	_ =	shalt  }
0x7c: {  	_ =	shalt  }
0x7d: {  	_ =	shalt  }
0x7e: {  	_ =	shalt  }
0x7f: {  	_ =	shalt  }
0x80: {  	_ =	shalt  }
0x81: {  	_ =	shalt  }
0x82: {  	_ =	shalt  }
0x83: {  	_ =	shalt  }
0x84: {  	_ =	shalt  }
0x85: {  	_ =	shalt  }
0x86: {  	_ =	shalt  }
0x87: {  	_ =	shalt  }
.Lfunc_end0:
.L_simem_size_0:
called_computation.1_lowered:
.L_overlay_start_0:
0x88: {  	s2 =	sld [smem:$0x3FD9]  }
0x89: {  	s3 =	sld [smem:$0x3FFE];
	_ =	sdelay $0x1  }
0x8a: {  	s1 =	srdreg.scid  }
0x8b: {  	s0 =	sand.u32 $0x1, s1  }
0x8c: {  	s17 =	sshll.u32 s0, $0xA;
	s2 =	sadd.s32 s3, s2  }
0x8d: {  	s2 =	sadd.s32 s2, s17  }
0x8e: {  	[smem:$0x3FC0] =	sst s2  }
0x8f: {  	_ = 	snop  }
0x90: {  	s2 =	sld [smem:$0x3FC9];
	(tm) =	ssettm $0x1  }
0x91: {  	s18 =	sld [smem:$0x3FFB];
	_ =	sdelay $0x3  }
0x92: {  	_ =	strace s18  }
0x93: {  	s3 =	sld [smem:$0x3FFC];
	_ =	sdelay $0x3  }
0x94: {  	_ =	strace s3  }
0x95: {  	s3 =	sld [smem:$0x3FFD];
	_ =	sdelay $0x3  }
0x96: {  	_ =	strace s3  }
0x97: {  	_ =	strace $0x8FFFFFFF  }
0x98: {  	s19 =	sld [smem:$0x3FDB];
	_ =	sdelay $0x1  }
0x99: {  	s4 =	simm.s32 $_scs_section_size  }
0x9a: {  	s5 =	simm.s32 $_size__tile_overlayer_lowered;
	s6 =	simm.s32 $_tile_overlayer_lowered  }
0x9b: {  	s22 =	simm.s32 $0x1BFF;
	s21 =	sshll.u32 s6, $0x1;
	s3 =	sadd.s32 s4, s19  }
0x9c: {  	s7 =	simm.s32 $0x0;
	s20 =	sshll.u32 s5, $0x1;
	s5 =	sadd.s32 s21, s3  }
0x9d: {  	[timem:s7], [sflag:s22] =	dma.local [hbm:s5], s20  }
0x9e: {  	_ =	swait.ge [sflag:s22], s20  }
0x9f: {  	s4 =	ssub.s32 $0x0, s20;
	[sflag:s22] =	ssyncset.done $0x0  }
0xa0: {  	[sflag:s22] =	ssyncadd.s32 s4;
	_ =	sdelay $0x1  }
0xa1: {  	s23 =	simm.s32 $0x1B8B  }
0xa2: {  	_ =	swait.ge [sflag:s23], $0x1  }
0xa3: {  	[sflag:s23] =	ssyncset.done $0x0  }
0xa4: {  	s25 =	simm.s32 $0x1B8E;
	s24 =	sld [smem:$0x3FFE];
	[sflag:s23] =	ssyncadd.s32 $0xFFFFFFFF  }
0xa5: {  	s26 =	simm.s32 $execute0_lowered;
	[smem:$0x3FD2] =	sst s25  }
0xa6: {  	s5 =	sshll.u32 s26, $0x1;
	_ =	strace $0x80000046;
	[dreg:$0x1] =	wrdreg $0xFFFFFFFF  }
0xa7: {  	s28 =	simm.s32 $_size_execute0_lowered;
	s3 =	sadd.s32 s3, s5;
	[dreg:$0x0] =	wrdreg $0x0  }
0xa8: {  	s5 =	sshll.u32 s28, $0x1;
	[dreg:$0x2] =	wrdreg s3  }
0xa9: {  	[dreg:$0x3] =	wrdreg s5  }
0xaa: {  	[dreg:$0x4] =	wrdreg $0xC0  }
0xab: {  	_ =	task [dreg:s7], $0x5FFFF  }
0xac: {  	[dreg:$0x1] =	wrdreg $0xFFFFFFFF  }
0xad: {  	[dreg:$0x0] =	wrdreg $0x60  }
0xae: {  	[dreg:$0x2] =	wrdreg s2  }
0xaf: {  	[dreg:$0x3] =	wrdreg s24  }
0xb0: {  	[dreg:$0x4] =	wrdreg $0x82000  }
0xb1: {  	[dreg:$0x5] =	wrdreg $0xA  }
0xb2: {  	_ =	task.clear_ibuf [dreg:s7], $0x6FFFF;
	_ =	strace $0x90000046  }
0xb3: {  	s29 =	simm.s32 $0xA;
	_ =	strace $0x80000048  }
0xb4: {  	_ =	swait.ge [sflag:s29], $0x1  }
0xb5: {  	[sflag:s29] =	ssyncadd.s32 $0xFFFFFFFF  }
0xb6: {  	_ =	strace $0x90000048  }
0xb7: {  	_ =	sfence  }
0xb8: {  	s30 =	sld [smem:$0x0];
	_ =	sdelay $0x2  }
0xb9: {  	s31 =	sshll.u32 s1, $0xD;
	s1 =	sshrl.u32 s1, $0x2  }
0xba: {  	s3 =	sand.u32 $0x4000, s31;
	s1 =	sadd.s32 s1, s30  }
0xbb: {  	s0 =	sor.u32 s3, s0;
	s1 =	sshll.u32 s1, $0x11  }
0xbc: {  	s0 =	sor.u32 s1, s0  }
0xbd: {  	s0 =	sadd.s32 $0x8F2B, s0  }
0xbe: {  	[sflag:s0] =	ssyncadd.remote.s32 $0x1  }
0xbf: {  	_ =	sfence.sel $0xFFFF  }
0xc0: {  	[dreg:$0x0] =	wrdreg $0xFFFFFFFF;
	(pc) =	sbr.abs _section_cstart, $3  }
0xc1: {  	[dreg:$0x1] =	wrdreg $0xFFFFFFFF  }
0xc2: {  	_ =	task.clear_ibuf [dreg:s7], $0x2FFFF;
	_ =	strace $0x9FFFFFFF  }
0xc3: {  	(tm) =	ssettm $0x7FFFFFFF  }
tec
execute0_lowered:
.L_overlay_start_1:
0x0: {  	(tag) =	ssettag $0x1  }
0x1: {  	s1 =	rddreg [dreg:$0x0]  }
0x2: {  	s5 =	rddreg [dreg:$0x1]  }
0x3: {  	s2 =	rddreg [dreg:$0x2];
	s4 =	simm.s32 $0x0;
	s6 =	srdreg.scid  }
0x4: {  	s0 =	stileid.u32;
	s24 =	simm.s32 $0x1;
	s25 =	simm.s32 $0x2  }
0x5: {  	s26 =	simm.s32 $0x180;
	s28 =	simm.s32 $0x0;
	s29 =	smul.u32 $0x50000, s0  }
0x6: {  	[smem:$0x7FF] =	sst s4;
	s19 =	sand.u32 $0x1, s6;
	s11 =	smul.u32 $0x14000, s0  }
0x7: {  	s12 =	sadd.s32 $0x2200, s5;
	s17 =	sadd.s32 $0x15E00, s5;
	s10 =	smul.u32 $0x360, s0  }
0x8: {  	s14 =	smul.u32 $0x1060, s0;
	_ =	strace $0x80000047;
	s7 =	ssub.s32 $0x2, s19  }
0x9: {  	s21 =	smul.u32 $0x140000, s19;
	p0 =	sne.s32 s19, $0x0;
	s19 =	simm.s32 $0x200  }
0xa: {  	s30 =	sshrl.u32 s7, $0x1;
	s6 =	sshrl.u32 s29, $0x2;
	s13 =	sadd.s32 $0x4000, s11  }
0xb: {  	s15 =	sadd.s32 $0x8000, s11;
	s16 =	sadd.s32 $0xC000, s11;
	s20 =	sadd.s32 $0x10000, s11  }
0xc: {  	s10 =	sadd.s32 s12, s10;
	s12 =	sadd.s32 s12, s14;
	s18 =	ssub.s32 s7, s30  }
0xd: {  	s5 =	sadd.s32 s6, s2;
	s6 =	sadd.s32 s13, s2;
	s7 =	sadd.s32 s15, s2  }
0xe: {  	s8 =	sadd.s32 s16, s2;
	s9 =	sadd.s32 s20, s2;
	s22 =	sadd.s32 s11, s21  }
0xf: {  	s11 =	sadd.s32 $0x10600, s10;
	s23 =	sadd.s32 s21, s13;
	s15 =	sadd.s32 s21, s15  }
0x10: {  	s16 =	sadd.s32 s21, s16;
	s20 =	sadd.s32 s21, s20;
	s21 =	simm.s32 $0x80  }
.Ltmp0:
0x11: {  	s22 =	sshrl.u32 s22, $0x3;
	s31 =	sshrl.u32 s23, $0x3;
	(pc) =	sbr.rel .LBB2_1-.Ltmp0, $4  }
0x12: {  	s15 =	sshrl.u32 s15, $0x3;
	s16 =	sshrl.u32 s16, $0x3;
	s20 =	sshrl.u32 s20, $0x3  }
0x13: {  	s18 =	smax.u32 s18, $0x1;
	s23 =	simm.s32 $0x4200;
	s13 =	sadd.s32 s17, s22  }
0x14: {  	s14 =	sadd.s32 s17, s31;
	s15 =	sadd.s32 s17, s15;
	s16 =	sadd.s32 s17, s16  }
0x15: {  	v0 =	vimm.f32 $0.0e+00;
	s17 =	sadd.s32 s17, s20;
	s20 =	simm.s32 $0x3;
	s22 =	simm.s32 $0x100  }
.LBB2_9:
0x16: {  	s0 =	sadd.s32 $0x10960, s29;
	[sflag:s20] =	ssyncadd.s32 $0xFFFFC000  }
0x17: {  	[tilespmem:s22], [sflag:$0x3] =	stream.linear.gather [hbm4b:s0+s4], $0x100, $0x38;
	[tilespmem:$0x1C200] =	vst v63  }
0x18: {  	_ =	swait.ge [sflag:s20], $0x100  }
0x19: {  	[sflag:s20] =	ssyncset.done $0x0  }
0x1a: {  	[sflag:s20] =	ssyncadd.s32 $0xFFFFFF00  }
0x1b: {  	[tilespmem:s23], [sflag:$0x2] =	stream.indirect.gather [hbm4b:s1+s21], $0x80, s22, s21, $0xb8;
	[tilespmem:$0x1C200] =	vst v63  }
0x1c: {  	_ =	swait.ge [sflag:s24], $0x4000  }
0x1d: {  	[sflag:s24] =	ssyncset.done $0x0  }
0x1e: {  	[sflag:s24] =	ssyncadd.s32 $0xFFFFC000  }
0x1f: {  	[spmem:s2] =	stream.indirect.scatter.add.f32 [tilespmem:s19], [sflag:$0x3], $0x80, s21, s21, $0xb8;
	[tilespmem:$0x1C200] =	vst v63  }
0x20: {  	_ =	swait.ge [sflag:s20], $0x4000  }
0x21: {  	[sflag:s20] =	ssyncset.done $0x0  }
0x22: {  	s31 =	sadd.s32 $0x10980, s29;
	[sflag:s20] =	ssyncadd.s32 $0xFFFFC000  }
0x23: {  	[tilespmem:s4], [sflag:$0x3] =	stream.linear.gather [hbm4b:s31+s4], $0x100, $0x38;
	[tilespmem:$0x1C200] =	vst v63  }
0x24: {  	_ =	swait.ge [sflag:s20], $0x100  }
0x25: {  	[sflag:s20] =	ssyncset.done $0x0  }
0x26: {  	[sflag:s20] =	ssyncadd.s32 $0xFFFFFF00  }
0x27: {  	[tilespmem:s19], [sflag:$0x1] =	stream.indirect.gather [hbm4b:s1+s21], $0x80, s4, s21, $0xb8;
	[tilespmem:$0x1C200] =	vst v63  }
0x28: {  	_ =	swait.ge [sflag:s25], $0x4000  }
0x29: {  	[sflag:s25] =	ssyncset.done $0x0  }
0x2a: {  	[sflag:s25] =	ssyncadd.s32 $0xFFFFC000  }
0x2b: {  	[spmem:s2] =	stream.indirect.scatter.add.f32 [tilespmem:s23], [sflag:$0x3], $0x80, s26, s21, $0xb8;
	[tilespmem:$0x1C200] =	vst v63  }
0x2c: {  	_ =	swait.ge [sflag:s20], $0x4000  }
0x2d: {  	[sflag:s20] =	ssyncset.done $0x0  }
0x2e: {  	[sflag:s20] =	ssyncadd.s32 $0xFFFFC000  }
.LBB2_10:
0x2f: {  	_ =	swait.ge [sflag:s24], $0x4000  }
0x30: {  	[sflag:s24] =	ssyncset.done $0x0  }
0x31: {  	[sflag:s24] =	ssyncadd.s32 $0xFFFFC000  }
0x32: {  	[spmem:s2] =	stream.indirect.scatter.add.f32 [tilespmem:s19], [sflag:$0x3], $0x80, s21, s21, $0xb8;
	[tilespmem:$0x1C200] =	vst v63  }
0x33: {  	_ =	swait.ge [sflag:s20], $0x4000  }
0x34: {  	[sflag:s20] =	ssyncset.done $0x0  }
0x35: {  	[sflag:s20] =	ssyncadd.s32 $0xFFFFC000  }
0x36: {  	[bflag:$0x0] =	sbarrier.arrive $0xFFFF  }
0x37: {  	[tilespmem:s19], [sflag:$0x3] =	stream.linear.gather [spmem:s5], $0x4000, $0x38;
	[tilespmem:$0x1C200] =	vst v63  }
0x38: {  	_ =	swait.ge [sflag:s20], $0x4000  }
0x39: {  	[sflag:s20] =	ssyncset.done $0x0  }
0x3a: {  	[sflag:s20] =	ssyncadd.s32 $0xFFFFC000  }
0x3b: {  	[hbm4b:s13+s4] =	stream.linear.scatter [tilespmem:s19], [sflag:$0x3], $0x4000, $0x38;
	[tilespmem:$0x1C200] =	vst v63  }
0x3c: {  	_ =	swait.ge [sflag:s20], $0x4000  }
0x3d: {  	[sflag:s20] =	ssyncset.done $0x0  }
0x3e: {  	[sflag:s20] =	ssyncadd.s32 $0xFFFFC000  }
0x3f: {  	[tilespmem:s19], [sflag:$0x3] =	stream.linear.gather [spmem:s6], $0x4000, $0x38;
	[tilespmem:$0x1C200] =	vst v63  }
0x40: {  	_ =	swait.ge [sflag:s20], $0x4000  }
0x41: {  	[sflag:s20] =	ssyncset.done $0x0  }
0x42: {  	[sflag:s20] =	ssyncadd.s32 $0xFFFFC000  }
0x43: {  	[hbm4b:s14+s4] =	stream.linear.scatter [tilespmem:s19], [sflag:$0x3], $0x4000, $0x38;
	[tilespmem:$0x1C200] =	vst v63  }
0x44: {  	_ =	swait.ge [sflag:s20], $0x4000  }
0x45: {  	[sflag:s20] =	ssyncset.done $0x0  }
0x46: {  	[sflag:s20] =	ssyncadd.s32 $0xFFFFC000  }
0x47: {  	[tilespmem:s19], [sflag:$0x3] =	stream.linear.gather [spmem:s7], $0x4000, $0x38;
	[tilespmem:$0x1C200] =	vst v63  }
0x48: {  	_ =	swait.ge [sflag:s20], $0x4000  }
0x49: {  	[sflag:s20] =	ssyncset.done $0x0  }
0x4a: {  	[sflag:s20] =	ssyncadd.s32 $0xFFFFC000  }
0x4b: {  	[hbm4b:s15+s4] =	stream.linear.scatter [tilespmem:s19], [sflag:$0x3], $0x4000, $0x38;
	[tilespmem:$0x1C200] =	vst v63  }
0x4c: {  	_ =	swait.ge [sflag:s20], $0x4000  }
0x4d: {  	[sflag:s20] =	ssyncset.done $0x0  }
0x4e: {  	[sflag:s20] =	ssyncadd.s32 $0xFFFFC000  }
0x4f: {  	[tilespmem:s19], [sflag:$0x3] =	stream.linear.gather [spmem:s8], $0x4000, $0x38;
	[tilespmem:$0x1C200] =	vst v63  }
0x50: {  	_ =	swait.ge [sflag:s20], $0x4000  }
0x51: {  	[sflag:s20] =	ssyncset.done $0x0  }
0x52: {  	[sflag:s20] =	ssyncadd.s32 $0xFFFFC000  }
0x53: {  	[hbm4b:s16+s4] =	stream.linear.scatter [tilespmem:s19], [sflag:$0x3], $0x4000, $0x38;
	[tilespmem:$0x1C200] =	vst v63  }
0x54: {  	_ =	swait.ge [sflag:s20], $0x4000  }
0x55: {  	[sflag:s20] =	ssyncset.done $0x0  }
0x56: {  	[sflag:s20] =	ssyncadd.s32 $0xFFFFC000  }
0x57: {  	[tilespmem:s19], [sflag:$0x3] =	stream.linear.gather [spmem:s9], $0x4000, $0x38;
	[tilespmem:$0x1C200] =	vst v63  }
0x58: {  	s28 =	sadd.s32 $0x1, s28;
	_ =	swait.ge [sflag:s20], $0x4000  }
0x59: {  	p1 =	sne.s32 s28, s18;
	[sflag:s20] =	ssyncset.done $0x0  }
.Ltmp1:
0x5a: {  	[sflag:s20] =	ssyncadd.s32 $0xFFFFC000;
	(pc) =	sbr.rel @!p1 .LBB2_11-.Ltmp1, $4  }
0x5b: {  	[hbm4b:s17+s4] =	stream.linear.scatter [tilespmem:s19], [sflag:$0x3], $0x4000, $0x38;
	[tilespmem:$0x1C200] =	vst v63  }
0x5c: {  	_ =	swait.ge [sflag:s20], $0x4000  }
0x5d: {  	[sflag:s20] =	ssyncset.done $0x0  }
0x5e: {  	[sflag:s20] =	ssyncadd.s32 $0xFFFFC000  }
.LBB2_1:
0x5f: {  	s29 =	simm.s32 $0x0;
	s30 =	simm.s32 $0x200  }
.LBB2_2:
0x60: {  	p1 =	sne.s32 s30, $0xFE00;
	[tilespmem:s29+$0x270] =	vst v0  }
0x61: {  	[tilespmem:s29+$0x200] =	vst v0  }
0x62: {  	[tilespmem:s29+$0x210] =	vst v0  }
.Ltmp2:
0x63: {  	[tilespmem:s29+$0x220] =	vst v0;
	(pc) =	sbr.rel @p1 .LBB2_2-.Ltmp2, $4  }
0x64: {  	[tilespmem:s29+$0x230] =	vst v0  }
0x65: {  	[tilespmem:s29+$0x240] =	vst v0  }
0x66: {  	[tilespmem:s29+$0x250] =	vst v0  }
0x67: {  	[tilespmem:s29+$0x260] =	vst v0;
	s29 =	sshra.s32 s30, $0x2;
	s30 =	sadd.s32 $0x200, s30  }
0x68: {  	[tilespmem:s29+$0x270] =	vst v0  }
0x69: {  	[tilespmem:s29+$0x200] =	vst v0  }
0x6a: {  	[tilespmem:s29+$0x210] =	vst v0  }
0x6b: {  	[tilespmem:s29+$0x220] =	vst v0  }
0x6c: {  	[tilespmem:s29+$0x230] =	vst v0  }
0x6d: {  	[tilespmem:s29+$0x240] =	vst v0  }
0x6e: {  	[tilespmem:s29+$0x250] =	vst v0  }
0x6f: {  	[tilespmem:s29+$0x260] =	vst v0  }
0x70: {  	[spmem:s5] =	stream.linear.scatter [tilespmem:s19], [sflag:$0x3], $0x4000, $0x38;
	[tilespmem:$0x1C200] =	vst v63  }
0x71: {  	_ =	swait.ge [sflag:s20], $0x4000  }
0x72: {  	[sflag:s20] =	ssyncset.done $0x0  }
0x73: {  	[sflag:s20] =	ssyncadd.s32 $0xFFFFC000  }
0x74: {  	[spmem:s6] =	stream.linear.scatter [tilespmem:s19], [sflag:$0x3], $0x4000, $0x38;
	[tilespmem:$0x1C200] =	vst v63  }
0x75: {  	_ =	swait.ge [sflag:s20], $0x4000  }
0x76: {  	[sflag:s20] =	ssyncset.done $0x0  }
0x77: {  	[sflag:s20] =	ssyncadd.s32 $0xFFFFC000  }
0x78: {  	[spmem:s7] =	stream.linear.scatter [tilespmem:s19], [sflag:$0x3], $0x4000, $0x38;
	[tilespmem:$0x1C200] =	vst v63  }
0x79: {  	_ =	swait.ge [sflag:s20], $0x4000  }
0x7a: {  	[sflag:s20] =	ssyncset.done $0x0  }
0x7b: {  	[sflag:s20] =	ssyncadd.s32 $0xFFFFC000  }
0x7c: {  	[spmem:s8] =	stream.linear.scatter [tilespmem:s19], [sflag:$0x3], $0x4000, $0x38;
	[tilespmem:$0x1C200] =	vst v63  }
0x7d: {  	_ =	swait.ge [sflag:s20], $0x4000  }
0x7e: {  	[sflag:s20] =	ssyncset.done $0x0  }
0x7f: {  	[sflag:s20] =	ssyncadd.s32 $0xFFFFC000  }
0x80: {  	[spmem:s9] =	stream.linear.scatter [tilespmem:s19], [sflag:$0x3], $0x4000, $0x38;
	[tilespmem:$0x1C200] =	vst v63  }
.Ltmp3:
0x81: {  	_ =	swait.ge [sflag:s20], $0x4000;
	(pc) =	sbr.rel @p0 .LBB2_7-.Ltmp3, $3  }
0x82: {  	[sflag:s20] =	ssyncset.done $0x0  }
0x83: {  	[sflag:s20] =	ssyncadd.s32 $0xFFFFC000  }
0x84: {  	[bflag:$0x0] =	sbarrier.arrive $0xFFFF;
	_ =	sdelay $0x1  }
0x85: {  	[tilespmem:s4], [sflag:$0x3] =	stream.linear.gather [hbm4b:s12+s4], $0x100, $0x38;
	[tilespmem:$0x1C200] =	vst v63  }
0x86: {  	_ =	swait.ge [sflag:s20], $0x100  }
0x87: {  	[sflag:s20] =	ssyncset.done $0x0  }
0x88: {  	s29 =	sadd.s32 $0xFFFFEFC0, s12;
	[sflag:s20] =	ssyncadd.s32 $0xFFFFFF00  }
0x89: {  	[tilespmem:s19], [sflag:$0x1] =	stream.indirect.gather [hbm4b:s1+s21], $0x80, s4, s21, $0xb8;
	[tilespmem:$0x1C200] =	vst v63  }
0x8a: {  	s30 =	sadd.s32 $0x1060, s29  }
0x8b: {  	[tilespmem:s22], [sflag:$0x3] =	stream.linear.gather [hbm4b:s30+s4], $0x100, $0x38;
	[tilespmem:$0x1C200] =	vst v63  }
0x8c: {  	_ =	swait.ge [sflag:s20], $0x100  }
0x8d: {  	[sflag:s20] =	ssyncset.done $0x0  }
0x8e: {  	[sflag:s20] =	ssyncadd.s32 $0xFFFFFF00  }
0x8f: {  	[tilespmem:s23], [sflag:$0x2] =	stream.indirect.gather [hbm4b:s1+s21], $0x80, s22, s21, $0xb8;
	[tilespmem:$0x1C200] =	vst v63  }
0x90: {  	_ =	swait.ge [sflag:s24], $0x4000  }
0x91: {  	[sflag:s24] =	ssyncset.done $0x0  }
0x92: {  	[sflag:s24] =	ssyncadd.s32 $0xFFFFC000  }
0x93: {  	[spmem:s2] =	stream.indirect.scatter.add.f32 [tilespmem:s19], [sflag:$0x3], $0x80, s21, s21, $0xb8;
	[tilespmem:$0x1C200] =	vst v63  }
0x94: {  	_ =	swait.ge [sflag:s20], $0x4000  }
0x95: {  	[sflag:s20] =	ssyncset.done $0x0  }
0x96: {  	s29 =	sadd.s32 $0x1080, s29;
	[sflag:s20] =	ssyncadd.s32 $0xFFFFC000  }
0x97: {  	[tilespmem:s4], [sflag:$0x3] =	stream.linear.gather [hbm4b:s29+s4], $0x100, $0x38;
	[tilespmem:$0x1C200] =	vst v63  }
0x98: {  	_ =	swait.ge [sflag:s20], $0x100  }
0x99: {  	[sflag:s20] =	ssyncset.done $0x0  }
0x9a: {  	[sflag:s20] =	ssyncadd.s32 $0xFFFFFF00  }
0x9b: {  	[tilespmem:s19], [sflag:$0x1] =	stream.indirect.gather [hbm4b:s1+s21], $0x80, s4, s21, $0xb8;
	[tilespmem:$0x1C200] =	vst v63  }
0x9c: {  	_ =	swait.ge [sflag:s25], $0x4000  }
0x9d: {  	[sflag:s25] =	ssyncset.done $0x0  }
0x9e: {  	[sflag:s25] =	ssyncadd.s32 $0xFFFFC000  }
0x9f: {  	[spmem:s2] =	stream.indirect.scatter.add.f32 [tilespmem:s23], [sflag:$0x3], $0x80, s26, s21, $0xb8;
	[tilespmem:$0x1C200] =	vst v63  }
0xa0: {  	_ =	swait.ge [sflag:s20], $0x4000  }
0xa1: {  	s30 =	simm.s32 $0xFFFFF040;
	s29 =	sadd.s32 $0xFFFFF000, s12;
	[sflag:s20] =	ssyncset.done $0x0  }
.LBB2_5:
0xa2: {  	s31 =	sadd.s32 $0x1060, s29  }
0xa3: {  	[sflag:s20] =	ssyncadd.s32 $0xFFFFC000;
	s0 =	smov.u32 s30;
	s3 =	sadd.s32 $0x40, s30  }
0xa4: {  	[tilespmem:s22], [sflag:$0x3] =	stream.linear.gather [hbm4b:s31+s4], $0x100, $0x38;
	[tilespmem:$0x1C200] =	vst v63  }
0xa5: {  	p1 =	seq.s32 s30, $0xFFFFFFC0;
	_ =	swait.ge [sflag:s20], $0x100  }
0xa6: {  	[sflag:s20] =	ssyncset.done $0x0  }
0xa7: {  	[sflag:s20] =	ssyncadd.s32 $0xFFFFFF00  }
0xa8: {  	[tilespmem:s23], [sflag:$0x2] =	stream.indirect.gather [hbm4b:s1+s21], $0x80, s22, s21, $0xb8;
	[tilespmem:$0x1C200] =	vst v63  }
0xa9: {  	_ =	swait.ge [sflag:s24], $0x4000  }
0xaa: {  	[sflag:s24] =	ssyncset.done $0x0  }
0xab: {  	[sflag:s24] =	ssyncadd.s32 $0xFFFFC000  }
0xac: {  	[spmem:s2] =	stream.indirect.scatter.add.f32 [tilespmem:s19], [sflag:$0x3], $0x80, s21, s21, $0xb8;
	[tilespmem:$0x1C200] =	vst v63  }
0xad: {  	_ =	swait.ge [sflag:s20], $0x4000  }
0xae: {  	[sflag:s20] =	ssyncset.done $0x0  }
0xaf: {  	s29 =	sadd.s32 $0x1080, s29;
	[sflag:s20] =	ssyncadd.s32 $0xFFFFC000  }
0xb0: {  	[tilespmem:s4], [sflag:$0x3] =	stream.linear.gather [hbm4b:s29+s4], $0x100, $0x38;
	[tilespmem:$0x1C200] =	vst v63  }
0xb1: {  	_ =	swait.ge [sflag:s20], $0x100  }
0xb2: {  	[sflag:s20] =	ssyncset.done $0x0  }
0xb3: {  	[sflag:s20] =	ssyncadd.s32 $0xFFFFFF00  }
0xb4: {  	[tilespmem:s19], [sflag:$0x1] =	stream.indirect.gather [hbm4b:s1+s21], $0x80, s4, s21, $0xb8;
	[tilespmem:$0x1C200] =	vst v63  }
0xb5: {  	_ =	swait.ge [sflag:s25], $0x4000  }
.Ltmp4:
0xb6: {  	[sflag:s25] =	ssyncset.done $0x0;
	(pc) =	sbr.rel @!p1 .LBB2_5-.Ltmp4, $4  }
0xb7: {  	[sflag:s25] =	ssyncadd.s32 $0xFFFFC000  }
0xb8: {  	[spmem:s2] =	stream.indirect.scatter.add.f32 [tilespmem:s23], [sflag:$0x3], $0x80, s26, s21, $0xb8;
	[tilespmem:$0x1C200] =	vst v63  }
0xb9: {  	_ =	swait.ge [sflag:s20], $0x4000  }
0xba: {  	s30 =	smov.u32 s3;
	s29 =	sadd.s32 s0, s12;
	[sflag:s20] =	ssyncset.done $0x0  }
0xbb: {  	s0 =	sadd.s32 $0x1060, s29;
	[sflag:s20] =	ssyncadd.s32 $0xFFFFC000  }
0xbc: {  	[tilespmem:s22], [sflag:$0x3] =	stream.linear.gather [hbm4b:s0+s4], $0x100, $0x38;
	[tilespmem:$0x1C200] =	vst v63  }
0xbd: {  	_ =	swait.ge [sflag:s20], $0x100  }
0xbe: {  	[sflag:s20] =	ssyncset.done $0x0  }
0xbf: {  	[sflag:s20] =	ssyncadd.s32 $0xFFFFFF00  }
0xc0: {  	[tilespmem:s23], [sflag:$0x2] =	stream.indirect.gather [hbm4b:s1+s21], $0x80, s22, s21, $0xb8;
	[tilespmem:$0x1C200] =	vst v63  }
0xc1: {  	_ =	swait.ge [sflag:s24], $0x4000  }
0xc2: {  	[sflag:s24] =	ssyncset.done $0x0  }
0xc3: {  	[sflag:s24] =	ssyncadd.s32 $0xFFFFC000  }
0xc4: {  	[spmem:s2] =	stream.indirect.scatter.add.f32 [tilespmem:s19], [sflag:$0x3], $0x80, s21, s21, $0xb8;
	[tilespmem:$0x1C200] =	vst v63  }
0xc5: {  	_ =	swait.ge [sflag:s20], $0x4000  }
0xc6: {  	[sflag:s20] =	ssyncset.done $0x0  }
0xc7: {  	s31 =	sadd.s32 $0x1080, s29;
	[sflag:s20] =	ssyncadd.s32 $0xFFFFC000  }
0xc8: {  	[tilespmem:s4], [sflag:$0x3] =	stream.linear.gather [hbm4b:s31+s4], $0x100, $0x38;
	[tilespmem:$0x1C200] =	vst v63  }
0xc9: {  	_ =	swait.ge [sflag:s20], $0x100  }
0xca: {  	[sflag:s20] =	ssyncset.done $0x0  }
0xcb: {  	[sflag:s20] =	ssyncadd.s32 $0xFFFFFF00  }
0xcc: {  	[tilespmem:s19], [sflag:$0x1] =	stream.indirect.gather [hbm4b:s1+s21], $0x80, s4, s21, $0xb8;
	[tilespmem:$0x1C200] =	vst v63  }
0xcd: {  	_ =	swait.ge [sflag:s25], $0x4000  }
0xce: {  	[sflag:s25] =	ssyncset.done $0x0  }
.Ltmp5:
0xcf: {  	[sflag:s25] =	ssyncadd.s32 $0xFFFFC000;
	(pc) =	sbr.rel .LBB2_10-.Ltmp5, $4  }
0xd0: {  	[spmem:s2] =	stream.indirect.scatter.add.f32 [tilespmem:s23], [sflag:$0x3], $0x80, s26, s21, $0xb8;
	[tilespmem:$0x1C200] =	vst v63  }
0xd1: {  	_ =	swait.ge [sflag:s20], $0x4000  }
0xd2: {  	[sflag:s20] =	ssyncset.done $0x0  }
0xd3: {  	[sflag:s20] =	ssyncadd.s32 $0xFFFFC000  }
.LBB2_7:
0xd4: {  	[tilespmem:s4], [sflag:$0x3] =	stream.linear.gather [hbm4b:s11+s4], $0x100, $0x38;
	[tilespmem:$0x1C200] =	vst v63  }
0xd5: {  	_ =	swait.ge [sflag:s20], $0x100  }
0xd6: {  	[sflag:s20] =	ssyncset.done $0x0  }
0xd7: {  	s0 =	sadd.s32 $0xFFFFFCC0, s10;
	[sflag:s20] =	ssyncadd.s32 $0xFFFFFF00  }
0xd8: {  	[tilespmem:s19], [sflag:$0x1] =	stream.indirect.gather [hbm4b:s1+s21], $0x80, s4, s21, $0xb8;
	[tilespmem:$0x1C200] =	vst v63  }
0xd9: {  	s3 =	sadd.s32 $0x10960, s0  }
0xda: {  	[tilespmem:s22], [sflag:$0x3] =	stream.linear.gather [hbm4b:s3+s4], $0x100, $0x38;
	[tilespmem:$0x1C200] =	vst v63  }
0xdb: {  	_ =	swait.ge [sflag:s20], $0x100  }
0xdc: {  	[sflag:s20] =	ssyncset.done $0x0  }
0xdd: {  	[sflag:s20] =	ssyncadd.s32 $0xFFFFFF00  }
0xde: {  	[tilespmem:s23], [sflag:$0x2] =	stream.indirect.gather [hbm4b:s1+s21], $0x80, s22, s21, $0xb8;
	[tilespmem:$0x1C200] =	vst v63  }
0xdf: {  	_ =	swait.ge [sflag:s24], $0x4000  }
0xe0: {  	[sflag:s24] =	ssyncset.done $0x0  }
0xe1: {  	[sflag:s24] =	ssyncadd.s32 $0xFFFFC000  }
0xe2: {  	[spmem:s2] =	stream.indirect.scatter.add.f32 [tilespmem:s19], [sflag:$0x3], $0x80, s21, s21, $0xb8;
	[tilespmem:$0x1C200] =	vst v63  }
0xe3: {  	_ =	swait.ge [sflag:s20], $0x4000  }
0xe4: {  	[sflag:s20] =	ssyncset.done $0x0  }
0xe5: {  	s0 =	sadd.s32 $0x10980, s0;
	[sflag:s20] =	ssyncadd.s32 $0xFFFFC000  }
0xe6: {  	[tilespmem:s4], [sflag:$0x3] =	stream.linear.gather [hbm4b:s0+s4], $0x100, $0x38;
	[tilespmem:$0x1C200] =	vst v63  }
0xe7: {  	_ =	swait.ge [sflag:s20], $0x100  }
0xe8: {  	[sflag:s20] =	ssyncset.done $0x0  }
0xe9: {  	[sflag:s20] =	ssyncadd.s32 $0xFFFFFF00  }
0xea: {  	[tilespmem:s19], [sflag:$0x1] =	stream.indirect.gather [hbm4b:s1+s21], $0x80, s4, s21, $0xb8;
	[tilespmem:$0x1C200] =	vst v63  }
0xeb: {  	_ =	swait.ge [sflag:s25], $0x4000  }
0xec: {  	[sflag:s25] =	ssyncset.done $0x0  }
0xed: {  	[sflag:s25] =	ssyncadd.s32 $0xFFFFC000  }
0xee: {  	[spmem:s2] =	stream.indirect.scatter.add.f32 [tilespmem:s23], [sflag:$0x3], $0x80, s26, s21, $0xb8;
	[tilespmem:$0x1C200] =	vst v63  }
0xef: {  	_ =	swait.ge [sflag:s20], $0x4000  }
0xf0: {  	s30 =	simm.s32 $0xFFFFFD40;
	s29 =	sadd.s32 $0xFFFFFD00, s10;
	[sflag:s20] =	ssyncset.done $0x0  }
.LBB2_8:
0xf1: {  	s0 =	sadd.s32 $0x10960, s29  }
0xf2: {  	[sflag:s20] =	ssyncadd.s32 $0xFFFFC000;
	s3 =	smov.u32 s30;
	s31 =	sadd.s32 $0x40, s30  }
0xf3: {  	[tilespmem:s22], [sflag:$0x3] =	stream.linear.gather [hbm4b:s0+s4], $0x100, $0x38;
	[tilespmem:$0x1C200] =	vst v63  }
0xf4: {  	p1 =	sne.s32 s30, $0xFFFFFFC0;
	_ =	swait.ge [sflag:s20], $0x100  }
0xf5: {  	[sflag:s20] =	ssyncset.done $0x0  }
0xf6: {  	[sflag:s20] =	ssyncadd.s32 $0xFFFFFF00  }
0xf7: {  	[tilespmem:s23], [sflag:$0x2] =	stream.indirect.gather [hbm4b:s1+s21], $0x80, s22, s21, $0xb8;
	[tilespmem:$0x1C200] =	vst v63  }
0xf8: {  	_ =	swait.ge [sflag:s24], $0x4000  }
0xf9: {  	[sflag:s24] =	ssyncset.done $0x0  }
0xfa: {  	[sflag:s24] =	ssyncadd.s32 $0xFFFFC000  }
0xfb: {  	[spmem:s2] =	stream.indirect.scatter.add.f32 [tilespmem:s19], [sflag:$0x3], $0x80, s21, s21, $0xb8;
	[tilespmem:$0x1C200] =	vst v63  }
0xfc: {  	_ =	swait.ge [sflag:s20], $0x4000  }
0xfd: {  	[sflag:s20] =	ssyncset.done $0x0  }
0xfe: {  	s0 =	sadd.s32 $0x10980, s29;
	[sflag:s20] =	ssyncadd.s32 $0xFFFFC000  }
0xff: {  	[tilespmem:s4], [sflag:$0x3] =	stream.linear.gather [hbm4b:s0+s4], $0x100, $0x38;
	[tilespmem:$0x1C200] =	vst v63  }
0x100: {  	_ =	swait.ge [sflag:s20], $0x100  }
0x101: {  	[sflag:s20] =	ssyncset.done $0x0  }
0x102: {  	[sflag:s20] =	ssyncadd.s32 $0xFFFFFF00  }
0x103: {  	[tilespmem:s19], [sflag:$0x1] =	stream.indirect.gather [hbm4b:s1+s21], $0x80, s4, s21, $0xb8;
	[tilespmem:$0x1C200] =	vst v63  }
0x104: {  	_ =	swait.ge [sflag:s25], $0x4000  }
.Ltmp6:
0x105: {  	[sflag:s25] =	ssyncset.done $0x0;
	(pc) =	sbr.rel @p1 .LBB2_8-.Ltmp6, $4  }
0x106: {  	[sflag:s25] =	ssyncadd.s32 $0xFFFFC000  }
0x107: {  	[spmem:s2] =	stream.indirect.scatter.add.f32 [tilespmem:s23], [sflag:$0x3], $0x80, s26, s21, $0xb8;
	[tilespmem:$0x1C200] =	vst v63  }
0x108: {  	_ =	swait.ge [sflag:s20], $0x4000  }
0x109: {  	s29 =	sadd.s32 s3, s10;
	s30 =	smov.u32 s31;
	[sflag:s20] =	ssyncset.done $0x0  }
.Ltmp7:
0x10a: {  	_ = 	snop;
	(pc) =	sbr.rel .LBB2_9-.Ltmp7, $1  }
0x10b: {  	_ =	sdelay $0x3  }
.LBB2_11:
0x10c: {  	_ =	sfence.sel $0x180000  }
0x10d: {  	[bflag:$0x0] =	sbarrier.arrive $0xFFFF  }
0x10e: {  	_ =	strace $0x90000047  }
0x10f: {  	s0 =	stileid.u32;
	[bflag:$0x2] =	sbarrier.arrive $0xFFFF  }
0x110: {  	p0 =	sne.s32 s0, $0x0;
	s0 =	rddreg [dreg:$0x3]  }
0x111: {  	s0 =	sadd.s32 @!p0 $0x100000, s0  }
0x112: {  	[sflag:s0] =	ssyncadd.tile.s32 @!p0 $0x1;
	_ =	shalt  }
.Lfunc_end2:
_tile_overlayer_lowered:
.L_overlay_start_2:
0x113: {  	(tag) =	ssettag $0x2  }
0x114: {  	s0 =	rddreg [dreg:$0x0];
	s2 =	stileid.u32  }
0x115: {  	s1 =	rddreg [dreg:$0x1];
	p0 =	sne.s32 s2, $0x0  }
0x116: {  	s3 =	rddreg [dreg:$0x2];
	[bflag:$0x3] =	sbarrier.arrive $0xFFFF;
	s2 =	simm.s32 @!p0 $0x1C03  }
0x117: {  	[timem:s3], [sflag:s2] =	dma.local @!p0 [hbm:s0], s1  }
0x118: {  	s0 =	simm.s32 @!p0 $0x3  }
0x119: {  	_ =	swait.ge @!p0 [sflag:s0], s1  }
0x11a: {  	s1 =	ssub.s32 @!p0 $0x0, s1;
	[sflag:s0] =	ssyncset.done @!p0 $0x0  }
0x11b: {  	[sflag:s0] =	ssyncadd.s32 @!p0 s1  }
0x11c: {  	[bflag:$0x3] =	sbarrier.arrive $0xFFFF  }
0x11d: {  	_ =	shalt  }

// kernel: kernel.13.cloned.1.call-start
scs
__scs_entry_jumppad:
0x0: {  	(pc) =	sbr.rel $0x88, $3  }
0x1: {  	(tag) =	ssettag $0x0;
	lr =	simm.s32 $0x1  }
0x2: {  	[smem:$0x3F99] =	sst lr;
	_ =	strace $0xD0000000  }
0x3: {  	_ = 	snop  }
0x4: {  	_ = 	snop  }
0x5: {  	_ = 	snop  }
0x6: {  	_ = 	snop  }
0x7: {  	_ = 	snop  }
__scs_overlays_trampoline_lowered:
0x8: {  	[smem:$0x3FA8] =	sst s0  }
0x9: {  	[smem:$0x3FA9] =	sst s1  }
0xa: {  	[smem:$0x3FAA] =	sst s2  }
0xb: {  	[smem:$0x3FAB] =	sst s3  }
0xc: {  	[smem:$0x3FAC] =	sst s4  }
0xd: {  	[smem:$0x3FAD] =	sst s5  }
0xe: {  	[smem:$0x3FAE] =	sst s6  }
0xf: {  	[smem:$0x3FAF] =	sst s7  }
0x10: {  	[smem:$0x3FB0] =	sst s8  }
0x11: {  	[smem:$0x3FB1] =	sst s9;
	s0 =	simm.s32 @!p0 $0x0  }
0x12: {  	s1 =	sld [smem:$0x3F97];
	s0 =	simm.s32 @p0 $0x1  }
0x13: {  	[smem:$0x3FB2] =	sst s0;
	s0 =	simm.s32 @!p1 $0x0  }
0x14: {  	s2 =	sld [smem:$0x3F96];
	s0 =	simm.s32 @p1 $0x1  }
0x15: {  	[smem:$0x3FB3] =	sst s0;
	s0 =	simm.s32 @!p2 $0x0  }
0x16: {  	s3 =	sld [smem:$0x3FDB];
	s0 =	simm.s32 @p2 $0x1  }
0x17: {  	s4 =	simm.s32 $0x1BF5;
	[smem:$0x3FB5] =	sst s0  }
0x18: {  	s0 =	sld [smem:$0x3F98];
	_ =	swait.ge [sflag:s4], $0x0  }
0x19: {  	s7 =	sld [smem:$0x3F99]  }
0x1a: {  	s8 =	sadd.s32 $0xFFFFE003, lr  }
0x1b: {  	s9 =	sadd.s32 $0xFFFFFEF7, lr;
	s5 =	simm.s32 $0xFFFFFFFF;
	p2 =	slt.u32 s8, $0xFFFFF086  }
0x1c: {  	p1 =	slt.u32 s9, $0xF7A;
	s5 =	simm.s32 @!p2 $0x0  }
0x1d: {  	s5 =	simm.s32 @p1 $0x1;
	p0 =	seq.s32 s7, s2  }
0x1e: {  	s7 =	smul.u32 @!p0 $0xF7A, s2;
	p2 =	seq.s32 @!p0 s5, $0x0  }
0x1f: {  	s9 =	smul.u32 $0xF7A, s1;
	s8 =	simm.s32 @!p0 $0x1BF5;
	p2 =	por !p2, p0  }
0x20: {  	[sflag:s8] =	ssyncset.s32 @!p0 $0xFFFFF086;
	s6 =	sadd.s32 @!p0 s3, s7;
	s7 =	simm.s32 @!p0 $0x108  }
0x21: {  	s3 =	sadd.s32 s3, s9;
	s6 =	sadd.s32 @!p0 $0x88, s6;
	s7 =	simm.s32 @p2 $0x1082  }
0x22: {  	[simem:s7], [sflag:s8] =	dma.local @!p0 [hbm:s6], $0xF7A  }
0x23: {  	s9 =	sor.u32 $0xD0000000, s2;
	s6 =	simm.s32 $0x108;
	_ =	swait.ge @!p0 [sflag:s8], $0x0  }
0x24: {  	s3 =	sadd.s32 $0x88, s3;
	s6 =	simm.s32 @!p1 $0x1082;
	[sflag:s4] =	ssyncset.s32 $0xFFFFF086  }
0x25: {  	[simem:s6], [sflag:s4] =	dma.local [hbm:s3], $0xF7A  }
0x26: {  	[smem:$0x3F99] =	sst s1;
	(tag) =	ssettag s2;
	_ =	strace s9  }
0x27: {  	s1 =	sld [smem:$0x3FA9]  }
0x28: {  	s2 =	sld [smem:$0x3FAA]  }
0x29: {  	s4 =	sld [smem:$0x3FAC]  }
0x2a: {  	p0 =	seq.s32 s5, $0x0;
	s5 =	sld [smem:$0x3FAD]  }
0x2b: {  	s6 =	sld [smem:$0x3FAE]  }
0x2c: {  	s7 =	sld [smem:$0x3FAF]  }
0x2d: {  	s3 =	simm.s32 $0x108;
	s8 =	sld [smem:$0x3FB0]  }
0x2e: {  	s3 =	simm.s32 @!p0 $0x1082;
	s9 =	sld [smem:$0x3FB1]  }
0x2f: {  	lr =	sadd.s32 s0, s3;
	s0 =	sld [smem:$0x3FA8]  }
0x30: {  	s3 =	sld [smem:$0x3FAB]  }
0x31: {  	[smem:$0x3FB4] =	sst s10  }
0x32: {  	s10 =	sld [smem:$0x3FB2];
	_ =	sdelay $0x3  }
0x33: {  	p0 =	seq.s32 s10, $0x1;
	s10 =	sld [smem:$0x3FB4];
	_ =	sdelay $0x3  }
0x34: {  	[smem:$0x3FB4] =	sst s10  }
0x35: {  	s10 =	sld [smem:$0x3FB3];
	_ =	sdelay $0x3  }
0x36: {  	p1 =	seq.s32 s10, $0x1;
	s10 =	sld [smem:$0x3FB4];
	_ =	sdelay $0x3  }
0x37: {  	[smem:$0x3FB4] =	sst s10  }
0x38: {  	s10 =	sld [smem:$0x3FB5]  }
0x39: {  	_ = 	snop;
	(pc) =	sbr.ind lr, $3  }
0x3a: {  	_ = 	snop  }
0x3b: {  	_ = 	snop  }
0x3c: {  	p2 =	seq.s32 s10, $0x1;
	s10 =	sld [smem:$0x3FB4]  }
0x3d: {  	_ =	shalt  }
0x3e: {  	_ =	shalt  }
0x3f: {  	_ =	shalt  }
0x40: {  	_ =	shalt  }
0x41: {  	_ =	shalt  }
0x42: {  	_ =	shalt  }
0x43: {  	_ =	shalt  }
0x44: {  	_ =	shalt  }
0x45: {  	_ =	shalt  }
0x46: {  	_ =	shalt  }
0x47: {  	_ =	shalt  }
0x48: {  	_ =	shalt  }
0x49: {  	_ =	shalt  }
0x4a: {  	_ =	shalt  }
0x4b: {  	_ =	shalt  }
0x4c: {  	_ =	shalt  }
0x4d: {  	_ =	shalt  }
0x4e: {  	_ =	shalt  }
0x4f: {  	_ =	shalt  }
0x50: {  	_ =	shalt  }
0x51: {  	_ =	shalt  }
0x52: {  	_ =	shalt  }
0x53: {  	_ =	shalt  }
0x54: {  	_ =	shalt  }
0x55: {  	_ =	shalt  }
0x56: {  	_ =	shalt  }
0x57: {  	_ =	shalt  }
0x58: {  	_ =	shalt  }
0x59: {  	_ =	shalt  }
0x5a: {  	_ =	shalt  }
0x5b: {  	_ =	shalt  }
0x5c: {  	_ =	shalt  }
0x5d: {  	_ =	shalt  }
0x5e: {  	_ =	shalt  }
0x5f: {  	_ =	shalt  }
0x60: {  	_ =	shalt  }
0x61: {  	_ =	shalt  }
0x62: {  	_ =	shalt  }
0x63: {  	_ =	shalt  }
0x64: {  	_ =	shalt  }
0x65: {  	_ =	shalt  }
0x66: {  	_ =	shalt  }
0x67: {  	_ =	shalt  }
0x68: {  	_ =	shalt  }
0x69: {  	_ =	shalt  }
0x6a: {  	_ =	shalt  }
0x6b: {  	_ =	shalt  }
0x6c: {  	_ =	shalt  }
0x6d: {  	_ =	shalt  }
0x6e: {  	_ =	shalt  }
0x6f: {  	_ =	shalt  }
0x70: {  	_ =	shalt  }
0x71: {  	_ =	shalt  }
0x72: {  	_ =	shalt  }
0x73: {  	_ =	shalt  }
0x74: {  	_ =	shalt  }
0x75: {  	_ =	shalt  }
0x76: {  	_ =	shalt  }
0x77: {  	_ =	shalt  }
0x78: {  	_ =	shalt  }
0x79: {  	_ =	shalt  }
0x7a: {  	_ =	shalt  }
0x7b: {  	_ =	shalt  }
0x7c: {  	_ =	shalt  }
0x7d: {  	_ =	shalt  }
0x7e: {  	_ =	shalt  }
0x7f: {  	_ =	shalt  }
0x80: {  	_ =	shalt  }
0x81: {  	_ =	shalt  }
0x82: {  	_ =	shalt  }
0x83: {  	_ =	shalt  }
0x84: {  	_ =	shalt  }
0x85: {  	_ =	shalt  }
0x86: {  	_ =	shalt  }
0x87: {  	_ =	shalt  }
.Lfunc_end0:
.L_simem_size_0:
called_computation.2_lowered:
.L_overlay_start_0:
0x88: {  	s2 =	sld [smem:$0x3FD9]  }
0x89: {  	s3 =	sld [smem:$0x3FFE];
	_ =	sdelay $0x1  }
0x8a: {  	s1 =	srdreg.scid  }
0x8b: {  	s0 =	sand.u32 $0x1, s1  }
0x8c: {  	s17 =	sshll.u32 s0, $0xA;
	s2 =	sadd.s32 s3, s2  }
0x8d: {  	s2 =	sadd.s32 s2, s17  }
0x8e: {  	[smem:$0x3FC0] =	sst s2  }
0x8f: {  	_ = 	snop  }
0x90: {  	s2 =	sld [smem:$0x3FD0];
	(tm) =	ssettm $0x1  }
0x91: {  	s18 =	sld [smem:$0x3FFB];
	_ =	sdelay $0x3  }
0x92: {  	_ =	strace s18  }
0x93: {  	s3 =	sld [smem:$0x3FFC];
	_ =	sdelay $0x3  }
0x94: {  	_ =	strace s3  }
0x95: {  	s3 =	sld [smem:$0x3FFD];
	_ =	sdelay $0x3  }
0x96: {  	_ =	strace s3  }
0x97: {  	_ =	strace $0x8FFFFFFF  }
0x98: {  	s19 =	sld [smem:$0x3FDB];
	_ =	sdelay $0x1  }
0x99: {  	s4 =	simm.s32 $_scs_section_size  }
0x9a: {  	s5 =	simm.s32 $_size__tile_overlayer_lowered;
	s6 =	simm.s32 $_tile_overlayer_lowered  }
0x9b: {  	s22 =	simm.s32 $0x1BFF;
	s21 =	sshll.u32 s6, $0x1;
	s3 =	sadd.s32 s4, s19  }
0x9c: {  	s7 =	simm.s32 $0x0;
	s20 =	sshll.u32 s5, $0x1;
	s5 =	sadd.s32 s21, s3  }
0x9d: {  	[timem:s7], [sflag:s22] =	dma.local [hbm:s5], s20  }
0x9e: {  	_ =	swait.ge [sflag:s22], s20  }
0x9f: {  	s4 =	ssub.s32 $0x0, s20;
	[sflag:s22] =	ssyncset.done $0x0  }
0xa0: {  	[sflag:s22] =	ssyncadd.s32 s4;
	_ =	sdelay $0x1  }
0xa1: {  	s23 =	simm.s32 $0x1B8B  }
0xa2: {  	_ =	swait.ge [sflag:s23], $0x1  }
0xa3: {  	[sflag:s23] =	ssyncset.done $0x0  }
0xa4: {  	s25 =	simm.s32 $0x1B8E;
	s24 =	sld [smem:$0x3FFE];
	[sflag:s23] =	ssyncadd.s32 $0xFFFFFFFF  }
0xa5: {  	s26 =	simm.s32 $execute0_lowered;
	[smem:$0x3FD2] =	sst s25  }
0xa6: {  	s5 =	sshll.u32 s26, $0x1;
	_ =	strace $0x8000004C;
	[dreg:$0x1] =	wrdreg $0xFFFFFFFF  }
0xa7: {  	s28 =	simm.s32 $_size_execute0_lowered;
	s3 =	sadd.s32 s3, s5;
	[dreg:$0x0] =	wrdreg $0x0  }
0xa8: {  	s5 =	sshll.u32 s28, $0x1;
	[dreg:$0x2] =	wrdreg s3  }
0xa9: {  	[dreg:$0x3] =	wrdreg s5  }
0xaa: {  	[dreg:$0x4] =	wrdreg $0xC0  }
0xab: {  	_ =	task [dreg:s7], $0x5FFFF  }
0xac: {  	[dreg:$0x1] =	wrdreg $0xFFFFFFFF  }
0xad: {  	[dreg:$0x0] =	wrdreg $0x60  }
0xae: {  	[dreg:$0x2] =	wrdreg s2  }
0xaf: {  	[dreg:$0x3] =	wrdreg s24  }
0xb0: {  	[dreg:$0x4] =	wrdreg $0x82000  }
0xb1: {  	[dreg:$0x5] =	wrdreg $0x9  }
0xb2: {  	_ =	task.clear_ibuf [dreg:s7], $0x6FFFF;
	_ =	strace $0x9000004C  }
0xb3: {  	s29 =	simm.s32 $0x9;
	_ =	strace $0x8000004E  }
0xb4: {  	_ =	swait.ge [sflag:s29], $0x1  }
0xb5: {  	[sflag:s29] =	ssyncadd.s32 $0xFFFFFFFF  }
0xb6: {  	_ =	strace $0x9000004E  }
0xb7: {  	_ =	sfence  }
0xb8: {  	s30 =	sld [smem:$0x0];
	_ =	sdelay $0x2  }
0xb9: {  	s31 =	sshll.u32 s1, $0xD;
	s1 =	sshrl.u32 s1, $0x2  }
0xba: {  	s3 =	sand.u32 $0x4000, s31;
	s1 =	sadd.s32 s1, s30  }
0xbb: {  	s0 =	sor.u32 s3, s0;
	s1 =	sshll.u32 s1, $0x11  }
0xbc: {  	s0 =	sor.u32 s1, s0  }
0xbd: {  	s0 =	sadd.s32 $0x8F2B, s0  }
0xbe: {  	[sflag:s0] =	ssyncadd.remote.s32 $0x1  }
0xbf: {  	_ =	sfence.sel $0xFFFF  }
0xc0: {  	[dreg:$0x0] =	wrdreg $0xFFFFFFFF;
	(pc) =	sbr.abs _section_cstart, $3  }
0xc1: {  	[dreg:$0x1] =	wrdreg $0xFFFFFFFF  }
0xc2: {  	_ =	task.clear_ibuf [dreg:s7], $0x2FFFF;
	_ =	strace $0x9FFFFFFF  }
0xc3: {  	(tm) =	ssettm $0x7FFFFFFF  }
tec
execute0_lowered:
.L_overlay_start_1:
0x0: {  	(tag) =	ssettag $0x1  }
0x1: {  	s1 =	rddreg [dreg:$0x0]  }
0x2: {  	s5 =	rddreg [dreg:$0x1]  }
0x3: {  	s2 =	rddreg [dreg:$0x2];
	s4 =	simm.s32 $0x0;
	s6 =	srdreg.scid  }
0x4: {  	s0 =	stileid.u32;
	s24 =	simm.s32 $0x1;
	s25 =	simm.s32 $0x2  }
0x5: {  	s26 =	simm.s32 $0x180;
	s28 =	simm.s32 $0x0;
	s29 =	smul.u32 $0x50000, s0  }
0x6: {  	[smem:$0x7FF] =	sst s4;
	s19 =	sand.u32 $0x1, s6;
	s11 =	smul.u32 $0x14000, s0  }
0x7: {  	s12 =	sadd.s32 $0x2200, s5;
	s17 =	sadd.s32 $0x15E00, s5;
	s10 =	smul.u32 $0x360, s0  }
0x8: {  	s14 =	smul.u32 $0x1060, s0;
	_ =	strace $0x8000004D;
	s7 =	ssub.s32 $0x2, s19  }
0x9: {  	s21 =	smul.u32 $0x140000, s19;
	p0 =	sne.s32 s19, $0x0;
	s19 =	simm.s32 $0x200  }
0xa: {  	s30 =	sshrl.u32 s7, $0x1;
	s6 =	sshrl.u32 s29, $0x2;
	s13 =	sadd.s32 $0x4000, s11  }
0xb: {  	s15 =	sadd.s32 $0x8000, s11;
	s16 =	sadd.s32 $0xC000, s11;
	s20 =	sadd.s32 $0x10000, s11  }
0xc: {  	s10 =	sadd.s32 s12, s10;
	s12 =	sadd.s32 s12, s14;
	s18 =	ssub.s32 s7, s30  }
0xd: {  	s5 =	sadd.s32 s6, s2;
	s6 =	sadd.s32 s13, s2;
	s7 =	sadd.s32 s15, s2  }
0xe: {  	s8 =	sadd.s32 s16, s2;
	s9 =	sadd.s32 s20, s2;
	s22 =	sadd.s32 s11, s21  }
0xf: {  	s11 =	sadd.s32 $0x10600, s10;
	s23 =	sadd.s32 s21, s13;
	s15 =	sadd.s32 s21, s15  }
0x10: {  	s16 =	sadd.s32 s21, s16;
	s20 =	sadd.s32 s21, s20;
	s21 =	simm.s32 $0x80  }
.Ltmp0:
0x11: {  	s22 =	sshrl.u32 s22, $0x3;
	s31 =	sshrl.u32 s23, $0x3;
	(pc) =	sbr.rel .LBB2_1-.Ltmp0, $4  }
0x12: {  	s15 =	sshrl.u32 s15, $0x3;
	s16 =	sshrl.u32 s16, $0x3;
	s20 =	sshrl.u32 s20, $0x3  }
0x13: {  	s18 =	smax.u32 s18, $0x1;
	s23 =	simm.s32 $0x4200;
	s13 =	sadd.s32 s17, s22  }
0x14: {  	s14 =	sadd.s32 s17, s31;
	s15 =	sadd.s32 s17, s15;
	s16 =	sadd.s32 s17, s16  }
0x15: {  	v0 =	vimm.f32 $0.0e+00;
	s17 =	sadd.s32 s17, s20;
	s20 =	simm.s32 $0x3;
	s22 =	simm.s32 $0x100  }
.LBB2_9:
0x16: {  	s0 =	sadd.s32 $0x10960, s29;
	[sflag:s20] =	ssyncadd.s32 $0xFFFFC000  }
0x17: {  	[tilespmem:s22], [sflag:$0x3] =	stream.linear.gather [hbm4b:s0+s4], $0x100, $0x38;
	[tilespmem:$0x1C200] =	vst v63  }
0x18: {  	_ =	swait.ge [sflag:s20], $0x100  }
0x19: {  	[sflag:s20] =	ssyncset.done $0x0  }
0x1a: {  	[sflag:s20] =	ssyncadd.s32 $0xFFFFFF00  }
0x1b: {  	[tilespmem:s23], [sflag:$0x2] =	stream.indirect.gather [hbm4b:s1+s21], $0x80, s22, s21, $0xb8;
	[tilespmem:$0x1C200] =	vst v63  }
0x1c: {  	_ =	swait.ge [sflag:s24], $0x4000  }
0x1d: {  	[sflag:s24] =	ssyncset.done $0x0  }
0x1e: {  	[sflag:s24] =	ssyncadd.s32 $0xFFFFC000  }
0x1f: {  	[spmem:s2] =	stream.indirect.scatter.add.f32 [tilespmem:s19], [sflag:$0x3], $0x80, s21, s21, $0xb8;
	[tilespmem:$0x1C200] =	vst v63  }
0x20: {  	_ =	swait.ge [sflag:s20], $0x4000  }
0x21: {  	[sflag:s20] =	ssyncset.done $0x0  }
0x22: {  	s31 =	sadd.s32 $0x10980, s29;
	[sflag:s20] =	ssyncadd.s32 $0xFFFFC000  }
0x23: {  	[tilespmem:s4], [sflag:$0x3] =	stream.linear.gather [hbm4b:s31+s4], $0x100, $0x38;
	[tilespmem:$0x1C200] =	vst v63  }
0x24: {  	_ =	swait.ge [sflag:s20], $0x100  }
0x25: {  	[sflag:s20] =	ssyncset.done $0x0  }
0x26: {  	[sflag:s20] =	ssyncadd.s32 $0xFFFFFF00  }
0x27: {  	[tilespmem:s19], [sflag:$0x1] =	stream.indirect.gather [hbm4b:s1+s21], $0x80, s4, s21, $0xb8;
	[tilespmem:$0x1C200] =	vst v63  }
0x28: {  	_ =	swait.ge [sflag:s25], $0x4000  }
0x29: {  	[sflag:s25] =	ssyncset.done $0x0  }
0x2a: {  	[sflag:s25] =	ssyncadd.s32 $0xFFFFC000  }
0x2b: {  	[spmem:s2] =	stream.indirect.scatter.add.f32 [tilespmem:s23], [sflag:$0x3], $0x80, s26, s21, $0xb8;
	[tilespmem:$0x1C200] =	vst v63  }
0x2c: {  	_ =	swait.ge [sflag:s20], $0x4000  }
0x2d: {  	[sflag:s20] =	ssyncset.done $0x0  }
0x2e: {  	[sflag:s20] =	ssyncadd.s32 $0xFFFFC000  }
.LBB2_10:
0x2f: {  	_ =	swait.ge [sflag:s24], $0x4000  }
0x30: {  	[sflag:s24] =	ssyncset.done $0x0  }
0x31: {  	[sflag:s24] =	ssyncadd.s32 $0xFFFFC000  }
0x32: {  	[spmem:s2] =	stream.indirect.scatter.add.f32 [tilespmem:s19], [sflag:$0x3], $0x80, s21, s21, $0xb8;
	[tilespmem:$0x1C200] =	vst v63  }
0x33: {  	_ =	swait.ge [sflag:s20], $0x4000  }
0x34: {  	[sflag:s20] =	ssyncset.done $0x0  }
0x35: {  	[sflag:s20] =	ssyncadd.s32 $0xFFFFC000  }
0x36: {  	[bflag:$0x0] =	sbarrier.arrive $0xFFFF  }
0x37: {  	[tilespmem:s19], [sflag:$0x3] =	stream.linear.gather [spmem:s5], $0x4000, $0x38;
	[tilespmem:$0x1C200] =	vst v63  }
0x38: {  	_ =	swait.ge [sflag:s20], $0x4000  }
0x39: {  	[sflag:s20] =	ssyncset.done $0x0  }
0x3a: {  	[sflag:s20] =	ssyncadd.s32 $0xFFFFC000  }
0x3b: {  	[hbm4b:s13+s4] =	stream.linear.scatter [tilespmem:s19], [sflag:$0x3], $0x4000, $0x38;
	[tilespmem:$0x1C200] =	vst v63  }
0x3c: {  	_ =	swait.ge [sflag:s20], $0x4000  }
0x3d: {  	[sflag:s20] =	ssyncset.done $0x0  }
0x3e: {  	[sflag:s20] =	ssyncadd.s32 $0xFFFFC000  }
0x3f: {  	[tilespmem:s19], [sflag:$0x3] =	stream.linear.gather [spmem:s6], $0x4000, $0x38;
	[tilespmem:$0x1C200] =	vst v63  }
0x40: {  	_ =	swait.ge [sflag:s20], $0x4000  }
0x41: {  	[sflag:s20] =	ssyncset.done $0x0  }
0x42: {  	[sflag:s20] =	ssyncadd.s32 $0xFFFFC000  }
0x43: {  	[hbm4b:s14+s4] =	stream.linear.scatter [tilespmem:s19], [sflag:$0x3], $0x4000, $0x38;
	[tilespmem:$0x1C200] =	vst v63  }
0x44: {  	_ =	swait.ge [sflag:s20], $0x4000  }
0x45: {  	[sflag:s20] =	ssyncset.done $0x0  }
0x46: {  	[sflag:s20] =	ssyncadd.s32 $0xFFFFC000  }
0x47: {  	[tilespmem:s19], [sflag:$0x3] =	stream.linear.gather [spmem:s7], $0x4000, $0x38;
	[tilespmem:$0x1C200] =	vst v63  }
0x48: {  	_ =	swait.ge [sflag:s20], $0x4000  }
0x49: {  	[sflag:s20] =	ssyncset.done $0x0  }
0x4a: {  	[sflag:s20] =	ssyncadd.s32 $0xFFFFC000  }
0x4b: {  	[hbm4b:s15+s4] =	stream.linear.scatter [tilespmem:s19], [sflag:$0x3], $0x4000, $0x38;
	[tilespmem:$0x1C200] =	vst v63  }
0x4c: {  	_ =	swait.ge [sflag:s20], $0x4000  }
0x4d: {  	[sflag:s20] =	ssyncset.done $0x0  }
0x4e: {  	[sflag:s20] =	ssyncadd.s32 $0xFFFFC000  }
0x4f: {  	[tilespmem:s19], [sflag:$0x3] =	stream.linear.gather [spmem:s8], $0x4000, $0x38;
	[tilespmem:$0x1C200] =	vst v63  }
0x50: {  	_ =	swait.ge [sflag:s20], $0x4000  }
0x51: {  	[sflag:s20] =	ssyncset.done $0x0  }
0x52: {  	[sflag:s20] =	ssyncadd.s32 $0xFFFFC000  }
0x53: {  	[hbm4b:s16+s4] =	stream.linear.scatter [tilespmem:s19], [sflag:$0x3], $0x4000, $0x38;
	[tilespmem:$0x1C200] =	vst v63  }
0x54: {  	_ =	swait.ge [sflag:s20], $0x4000  }
0x55: {  	[sflag:s20] =	ssyncset.done $0x0  }
0x56: {  	[sflag:s20] =	ssyncadd.s32 $0xFFFFC000  }
0x57: {  	[tilespmem:s19], [sflag:$0x3] =	stream.linear.gather [spmem:s9], $0x4000, $0x38;
	[tilespmem:$0x1C200] =	vst v63  }
0x58: {  	s28 =	sadd.s32 $0x1, s28;
	_ =	swait.ge [sflag:s20], $0x4000  }
0x59: {  	p1 =	sne.s32 s28, s18;
	[sflag:s20] =	ssyncset.done $0x0  }
.Ltmp1:
0x5a: {  	[sflag:s20] =	ssyncadd.s32 $0xFFFFC000;
	(pc) =	sbr.rel @!p1 .LBB2_11-.Ltmp1, $4  }
0x5b: {  	[hbm4b:s17+s4] =	stream.linear.scatter [tilespmem:s19], [sflag:$0x3], $0x4000, $0x38;
	[tilespmem:$0x1C200] =	vst v63  }
0x5c: {  	_ =	swait.ge [sflag:s20], $0x4000  }
0x5d: {  	[sflag:s20] =	ssyncset.done $0x0  }
0x5e: {  	[sflag:s20] =	ssyncadd.s32 $0xFFFFC000  }
.LBB2_1:
0x5f: {  	s29 =	simm.s32 $0x0;
	s30 =	simm.s32 $0x200  }
.LBB2_2:
0x60: {  	p1 =	sne.s32 s30, $0xFE00;
	[tilespmem:s29+$0x270] =	vst v0  }
0x61: {  	[tilespmem:s29+$0x200] =	vst v0  }
0x62: {  	[tilespmem:s29+$0x210] =	vst v0  }
.Ltmp2:
0x63: {  	[tilespmem:s29+$0x220] =	vst v0;
	(pc) =	sbr.rel @p1 .LBB2_2-.Ltmp2, $4  }
0x64: {  	[tilespmem:s29+$0x230] =	vst v0  }
0x65: {  	[tilespmem:s29+$0x240] =	vst v0  }
0x66: {  	[tilespmem:s29+$0x250] =	vst v0  }
0x67: {  	[tilespmem:s29+$0x260] =	vst v0;
	s29 =	sshra.s32 s30, $0x2;
	s30 =	sadd.s32 $0x200, s30  }
0x68: {  	[tilespmem:s29+$0x270] =	vst v0  }
0x69: {  	[tilespmem:s29+$0x200] =	vst v0  }
0x6a: {  	[tilespmem:s29+$0x210] =	vst v0  }
0x6b: {  	[tilespmem:s29+$0x220] =	vst v0  }
0x6c: {  	[tilespmem:s29+$0x230] =	vst v0  }
0x6d: {  	[tilespmem:s29+$0x240] =	vst v0  }
0x6e: {  	[tilespmem:s29+$0x250] =	vst v0  }
0x6f: {  	[tilespmem:s29+$0x260] =	vst v0  }
0x70: {  	[spmem:s5] =	stream.linear.scatter [tilespmem:s19], [sflag:$0x3], $0x4000, $0x38;
	[tilespmem:$0x1C200] =	vst v63  }
0x71: {  	_ =	swait.ge [sflag:s20], $0x4000  }
0x72: {  	[sflag:s20] =	ssyncset.done $0x0  }
0x73: {  	[sflag:s20] =	ssyncadd.s32 $0xFFFFC000  }
0x74: {  	[spmem:s6] =	stream.linear.scatter [tilespmem:s19], [sflag:$0x3], $0x4000, $0x38;
	[tilespmem:$0x1C200] =	vst v63  }
0x75: {  	_ =	swait.ge [sflag:s20], $0x4000  }
0x76: {  	[sflag:s20] =	ssyncset.done $0x0  }
0x77: {  	[sflag:s20] =	ssyncadd.s32 $0xFFFFC000  }
0x78: {  	[spmem:s7] =	stream.linear.scatter [tilespmem:s19], [sflag:$0x3], $0x4000, $0x38;
	[tilespmem:$0x1C200] =	vst v63  }
0x79: {  	_ =	swait.ge [sflag:s20], $0x4000  }
0x7a: {  	[sflag:s20] =	ssyncset.done $0x0  }
0x7b: {  	[sflag:s20] =	ssyncadd.s32 $0xFFFFC000  }
0x7c: {  	[spmem:s8] =	stream.linear.scatter [tilespmem:s19], [sflag:$0x3], $0x4000, $0x38;
	[tilespmem:$0x1C200] =	vst v63  }
0x7d: {  	_ =	swait.ge [sflag:s20], $0x4000  }
0x7e: {  	[sflag:s20] =	ssyncset.done $0x0  }
0x7f: {  	[sflag:s20] =	ssyncadd.s32 $0xFFFFC000  }
0x80: {  	[spmem:s9] =	stream.linear.scatter [tilespmem:s19], [sflag:$0x3], $0x4000, $0x38;
	[tilespmem:$0x1C200] =	vst v63  }
.Ltmp3:
0x81: {  	_ =	swait.ge [sflag:s20], $0x4000;
	(pc) =	sbr.rel @p0 .LBB2_7-.Ltmp3, $3  }
0x82: {  	[sflag:s20] =	ssyncset.done $0x0  }
0x83: {  	[sflag:s20] =	ssyncadd.s32 $0xFFFFC000  }
0x84: {  	[bflag:$0x0] =	sbarrier.arrive $0xFFFF;
	_ =	sdelay $0x1  }
0x85: {  	[tilespmem:s4], [sflag:$0x3] =	stream.linear.gather [hbm4b:s12+s4], $0x100, $0x38;
	[tilespmem:$0x1C200] =	vst v63  }
0x86: {  	_ =	swait.ge [sflag:s20], $0x100  }
0x87: {  	[sflag:s20] =	ssyncset.done $0x0  }
0x88: {  	s29 =	sadd.s32 $0xFFFFEFC0, s12;
	[sflag:s20] =	ssyncadd.s32 $0xFFFFFF00  }
0x89: {  	[tilespmem:s19], [sflag:$0x1] =	stream.indirect.gather [hbm4b:s1+s21], $0x80, s4, s21, $0xb8;
	[tilespmem:$0x1C200] =	vst v63  }
0x8a: {  	s30 =	sadd.s32 $0x1060, s29  }
0x8b: {  	[tilespmem:s22], [sflag:$0x3] =	stream.linear.gather [hbm4b:s30+s4], $0x100, $0x38;
	[tilespmem:$0x1C200] =	vst v63  }
0x8c: {  	_ =	swait.ge [sflag:s20], $0x100  }
0x8d: {  	[sflag:s20] =	ssyncset.done $0x0  }
0x8e: {  	[sflag:s20] =	ssyncadd.s32 $0xFFFFFF00  }
0x8f: {  	[tilespmem:s23], [sflag:$0x2] =	stream.indirect.gather [hbm4b:s1+s21], $0x80, s22, s21, $0xb8;
	[tilespmem:$0x1C200] =	vst v63  }
0x90: {  	_ =	swait.ge [sflag:s24], $0x4000  }
0x91: {  	[sflag:s24] =	ssyncset.done $0x0  }
0x92: {  	[sflag:s24] =	ssyncadd.s32 $0xFFFFC000  }
0x93: {  	[spmem:s2] =	stream.indirect.scatter.add.f32 [tilespmem:s19], [sflag:$0x3], $0x80, s21, s21, $0xb8;
	[tilespmem:$0x1C200] =	vst v63  }
0x94: {  	_ =	swait.ge [sflag:s20], $0x4000  }
0x95: {  	[sflag:s20] =	ssyncset.done $0x0  }
0x96: {  	s29 =	sadd.s32 $0x1080, s29;
	[sflag:s20] =	ssyncadd.s32 $0xFFFFC000  }
0x97: {  	[tilespmem:s4], [sflag:$0x3] =	stream.linear.gather [hbm4b:s29+s4], $0x100, $0x38;
	[tilespmem:$0x1C200] =	vst v63  }
0x98: {  	_ =	swait.ge [sflag:s20], $0x100  }
0x99: {  	[sflag:s20] =	ssyncset.done $0x0  }
0x9a: {  	[sflag:s20] =	ssyncadd.s32 $0xFFFFFF00  }
0x9b: {  	[tilespmem:s19], [sflag:$0x1] =	stream.indirect.gather [hbm4b:s1+s21], $0x80, s4, s21, $0xb8;
	[tilespmem:$0x1C200] =	vst v63  }
0x9c: {  	_ =	swait.ge [sflag:s25], $0x4000  }
0x9d: {  	[sflag:s25] =	ssyncset.done $0x0  }
0x9e: {  	[sflag:s25] =	ssyncadd.s32 $0xFFFFC000  }
0x9f: {  	[spmem:s2] =	stream.indirect.scatter.add.f32 [tilespmem:s23], [sflag:$0x3], $0x80, s26, s21, $0xb8;
	[tilespmem:$0x1C200] =	vst v63  }
0xa0: {  	_ =	swait.ge [sflag:s20], $0x4000  }
0xa1: {  	s30 =	simm.s32 $0xFFFFF040;
	s29 =	sadd.s32 $0xFFFFF000, s12;
	[sflag:s20] =	ssyncset.done $0x0  }
.LBB2_5:
0xa2: {  	s31 =	sadd.s32 $0x1060, s29  }
0xa3: {  	[sflag:s20] =	ssyncadd.s32 $0xFFFFC000;
	s0 =	smov.u32 s30;
	s3 =	sadd.s32 $0x40, s30  }
0xa4: {  	[tilespmem:s22], [sflag:$0x3] =	stream.linear.gather [hbm4b:s31+s4], $0x100, $0x38;
	[tilespmem:$0x1C200] =	vst v63  }
0xa5: {  	p1 =	seq.s32 s30, $0xFFFFFFC0;
	_ =	swait.ge [sflag:s20], $0x100  }
0xa6: {  	[sflag:s20] =	ssyncset.done $0x0  }
0xa7: {  	[sflag:s20] =	ssyncadd.s32 $0xFFFFFF00  }
0xa8: {  	[tilespmem:s23], [sflag:$0x2] =	stream.indirect.gather [hbm4b:s1+s21], $0x80, s22, s21, $0xb8;
	[tilespmem:$0x1C200] =	vst v63  }
0xa9: {  	_ =	swait.ge [sflag:s24], $0x4000  }
0xaa: {  	[sflag:s24] =	ssyncset.done $0x0  }
0xab: {  	[sflag:s24] =	ssyncadd.s32 $0xFFFFC000  }
0xac: {  	[spmem:s2] =	stream.indirect.scatter.add.f32 [tilespmem:s19], [sflag:$0x3], $0x80, s21, s21, $0xb8;
	[tilespmem:$0x1C200] =	vst v63  }
0xad: {  	_ =	swait.ge [sflag:s20], $0x4000  }
0xae: {  	[sflag:s20] =	ssyncset.done $0x0  }
0xaf: {  	s29 =	sadd.s32 $0x1080, s29;
	[sflag:s20] =	ssyncadd.s32 $0xFFFFC000  }
0xb0: {  	[tilespmem:s4], [sflag:$0x3] =	stream.linear.gather [hbm4b:s29+s4], $0x100, $0x38;
	[tilespmem:$0x1C200] =	vst v63  }
0xb1: {  	_ =	swait.ge [sflag:s20], $0x100  }
0xb2: {  	[sflag:s20] =	ssyncset.done $0x0  }
0xb3: {  	[sflag:s20] =	ssyncadd.s32 $0xFFFFFF00  }
0xb4: {  	[tilespmem:s19], [sflag:$0x1] =	stream.indirect.gather [hbm4b:s1+s21], $0x80, s4, s21, $0xb8;
	[tilespmem:$0x1C200] =	vst v63  }
0xb5: {  	_ =	swait.ge [sflag:s25], $0x4000  }
.Ltmp4:
0xb6: {  	[sflag:s25] =	ssyncset.done $0x0;
	(pc) =	sbr.rel @!p1 .LBB2_5-.Ltmp4, $4  }
0xb7: {  	[sflag:s25] =	ssyncadd.s32 $0xFFFFC000  }
0xb8: {  	[spmem:s2] =	stream.indirect.scatter.add.f32 [tilespmem:s23], [sflag:$0x3], $0x80, s26, s21, $0xb8;
	[tilespmem:$0x1C200] =	vst v63  }
0xb9: {  	_ =	swait.ge [sflag:s20], $0x4000  }
0xba: {  	s30 =	smov.u32 s3;
	s29 =	sadd.s32 s0, s12;
	[sflag:s20] =	ssyncset.done $0x0  }
0xbb: {  	s0 =	sadd.s32 $0x1060, s29;
	[sflag:s20] =	ssyncadd.s32 $0xFFFFC000  }
0xbc: {  	[tilespmem:s22], [sflag:$0x3] =	stream.linear.gather [hbm4b:s0+s4], $0x100, $0x38;
	[tilespmem:$0x1C200] =	vst v63  }
0xbd: {  	_ =	swait.ge [sflag:s20], $0x100  }
0xbe: {  	[sflag:s20] =	ssyncset.done $0x0  }
0xbf: {  	[sflag:s20] =	ssyncadd.s32 $0xFFFFFF00  }
0xc0: {  	[tilespmem:s23], [sflag:$0x2] =	stream.indirect.gather [hbm4b:s1+s21], $0x80, s22, s21, $0xb8;
	[tilespmem:$0x1C200] =	vst v63  }
0xc1: {  	_ =	swait.ge [sflag:s24], $0x4000  }
0xc2: {  	[sflag:s24] =	ssyncset.done $0x0  }
0xc3: {  	[sflag:s24] =	ssyncadd.s32 $0xFFFFC000  }
0xc4: {  	[spmem:s2] =	stream.indirect.scatter.add.f32 [tilespmem:s19], [sflag:$0x3], $0x80, s21, s21, $0xb8;
	[tilespmem:$0x1C200] =	vst v63  }
0xc5: {  	_ =	swait.ge [sflag:s20], $0x4000  }
0xc6: {  	[sflag:s20] =	ssyncset.done $0x0  }
0xc7: {  	s31 =	sadd.s32 $0x1080, s29;
	[sflag:s20] =	ssyncadd.s32 $0xFFFFC000  }
0xc8: {  	[tilespmem:s4], [sflag:$0x3] =	stream.linear.gather [hbm4b:s31+s4], $0x100, $0x38;
	[tilespmem:$0x1C200] =	vst v63  }
0xc9: {  	_ =	swait.ge [sflag:s20], $0x100  }
0xca: {  	[sflag:s20] =	ssyncset.done $0x0  }
0xcb: {  	[sflag:s20] =	ssyncadd.s32 $0xFFFFFF00  }
0xcc: {  	[tilespmem:s19], [sflag:$0x1] =	stream.indirect.gather [hbm4b:s1+s21], $0x80, s4, s21, $0xb8;
	[tilespmem:$0x1C200] =	vst v63  }
0xcd: {  	_ =	swait.ge [sflag:s25], $0x4000  }
0xce: {  	[sflag:s25] =	ssyncset.done $0x0  }
.Ltmp5:
0xcf: {  	[sflag:s25] =	ssyncadd.s32 $0xFFFFC000;
	(pc) =	sbr.rel .LBB2_10-.Ltmp5, $4  }
0xd0: {  	[spmem:s2] =	stream.indirect.scatter.add.f32 [tilespmem:s23], [sflag:$0x3], $0x80, s26, s21, $0xb8;
	[tilespmem:$0x1C200] =	vst v63  }
0xd1: {  	_ =	swait.ge [sflag:s20], $0x4000  }
0xd2: {  	[sflag:s20] =	ssyncset.done $0x0  }
0xd3: {  	[sflag:s20] =	ssyncadd.s32 $0xFFFFC000  }
.LBB2_7:
0xd4: {  	[tilespmem:s4], [sflag:$0x3] =	stream.linear.gather [hbm4b:s11+s4], $0x100, $0x38;
	[tilespmem:$0x1C200] =	vst v63  }
0xd5: {  	_ =	swait.ge [sflag:s20], $0x100  }
0xd6: {  	[sflag:s20] =	ssyncset.done $0x0  }
0xd7: {  	s0 =	sadd.s32 $0xFFFFFCC0, s10;
	[sflag:s20] =	ssyncadd.s32 $0xFFFFFF00  }
0xd8: {  	[tilespmem:s19], [sflag:$0x1] =	stream.indirect.gather [hbm4b:s1+s21], $0x80, s4, s21, $0xb8;
	[tilespmem:$0x1C200] =	vst v63  }
0xd9: {  	s3 =	sadd.s32 $0x10960, s0  }
0xda: {  	[tilespmem:s22], [sflag:$0x3] =	stream.linear.gather [hbm4b:s3+s4], $0x100, $0x38;
	[tilespmem:$0x1C200] =	vst v63  }
0xdb: {  	_ =	swait.ge [sflag:s20], $0x100  }
0xdc: {  	[sflag:s20] =	ssyncset.done $0x0  }
0xdd: {  	[sflag:s20] =	ssyncadd.s32 $0xFFFFFF00  }
0xde: {  	[tilespmem:s23], [sflag:$0x2] =	stream.indirect.gather [hbm4b:s1+s21], $0x80, s22, s21, $0xb8;
	[tilespmem:$0x1C200] =	vst v63  }
0xdf: {  	_ =	swait.ge [sflag:s24], $0x4000  }
0xe0: {  	[sflag:s24] =	ssyncset.done $0x0  }
0xe1: {  	[sflag:s24] =	ssyncadd.s32 $0xFFFFC000  }
0xe2: {  	[spmem:s2] =	stream.indirect.scatter.add.f32 [tilespmem:s19], [sflag:$0x3], $0x80, s21, s21, $0xb8;
	[tilespmem:$0x1C200] =	vst v63  }
0xe3: {  	_ =	swait.ge [sflag:s20], $0x4000  }
0xe4: {  	[sflag:s20] =	ssyncset.done $0x0  }
0xe5: {  	s0 =	sadd.s32 $0x10980, s0;
	[sflag:s20] =	ssyncadd.s32 $0xFFFFC000  }
0xe6: {  	[tilespmem:s4], [sflag:$0x3] =	stream.linear.gather [hbm4b:s0+s4], $0x100, $0x38;
	[tilespmem:$0x1C200] =	vst v63  }
0xe7: {  	_ =	swait.ge [sflag:s20], $0x100  }
0xe8: {  	[sflag:s20] =	ssyncset.done $0x0  }
0xe9: {  	[sflag:s20] =	ssyncadd.s32 $0xFFFFFF00  }
0xea: {  	[tilespmem:s19], [sflag:$0x1] =	stream.indirect.gather [hbm4b:s1+s21], $0x80, s4, s21, $0xb8;
	[tilespmem:$0x1C200] =	vst v63  }
0xeb: {  	_ =	swait.ge [sflag:s25], $0x4000  }
0xec: {  	[sflag:s25] =	ssyncset.done $0x0  }
0xed: {  	[sflag:s25] =	ssyncadd.s32 $0xFFFFC000  }
0xee: {  	[spmem:s2] =	stream.indirect.scatter.add.f32 [tilespmem:s23], [sflag:$0x3], $0x80, s26, s21, $0xb8;
	[tilespmem:$0x1C200] =	vst v63  }
0xef: {  	_ =	swait.ge [sflag:s20], $0x4000  }
0xf0: {  	s30 =	simm.s32 $0xFFFFFD40;
	s29 =	sadd.s32 $0xFFFFFD00, s10;
	[sflag:s20] =	ssyncset.done $0x0  }
.LBB2_8:
0xf1: {  	s0 =	sadd.s32 $0x10960, s29  }
0xf2: {  	[sflag:s20] =	ssyncadd.s32 $0xFFFFC000;
	s3 =	smov.u32 s30;
	s31 =	sadd.s32 $0x40, s30  }
0xf3: {  	[tilespmem:s22], [sflag:$0x3] =	stream.linear.gather [hbm4b:s0+s4], $0x100, $0x38;
	[tilespmem:$0x1C200] =	vst v63  }
0xf4: {  	p1 =	sne.s32 s30, $0xFFFFFFC0;
	_ =	swait.ge [sflag:s20], $0x100  }
0xf5: {  	[sflag:s20] =	ssyncset.done $0x0  }
0xf6: {  	[sflag:s20] =	ssyncadd.s32 $0xFFFFFF00  }
0xf7: {  	[tilespmem:s23], [sflag:$0x2] =	stream.indirect.gather [hbm4b:s1+s21], $0x80, s22, s21, $0xb8;
	[tilespmem:$0x1C200] =	vst v63  }
0xf8: {  	_ =	swait.ge [sflag:s24], $0x4000  }
0xf9: {  	[sflag:s24] =	ssyncset.done $0x0  }
0xfa: {  	[sflag:s24] =	ssyncadd.s32 $0xFFFFC000  }
0xfb: {  	[spmem:s2] =	stream.indirect.scatter.add.f32 [tilespmem:s19], [sflag:$0x3], $0x80, s21, s21, $0xb8;
	[tilespmem:$0x1C200] =	vst v63  }
0xfc: {  	_ =	swait.ge [sflag:s20], $0x4000  }
0xfd: {  	[sflag:s20] =	ssyncset.done $0x0  }
0xfe: {  	s0 =	sadd.s32 $0x10980, s29;
	[sflag:s20] =	ssyncadd.s32 $0xFFFFC000  }
0xff: {  	[tilespmem:s4], [sflag:$0x3] =	stream.linear.gather [hbm4b:s0+s4], $0x100, $0x38;
	[tilespmem:$0x1C200] =	vst v63  }
0x100: {  	_ =	swait.ge [sflag:s20], $0x100  }
0x101: {  	[sflag:s20] =	ssyncset.done $0x0  }
0x102: {  	[sflag:s20] =	ssyncadd.s32 $0xFFFFFF00  }
0x103: {  	[tilespmem:s19], [sflag:$0x1] =	stream.indirect.gather [hbm4b:s1+s21], $0x80, s4, s21, $0xb8;
	[tilespmem:$0x1C200] =	vst v63  }
0x104: {  	_ =	swait.ge [sflag:s25], $0x4000  }
.Ltmp6:
0x105: {  	[sflag:s25] =	ssyncset.done $0x0;
	(pc) =	sbr.rel @p1 .LBB2_8-.Ltmp6, $4  }
0x106: {  	[sflag:s25] =	ssyncadd.s32 $0xFFFFC000  }
0x107: {  	[spmem:s2] =	stream.indirect.scatter.add.f32 [tilespmem:s23], [sflag:$0x3], $0x80, s26, s21, $0xb8;
	[tilespmem:$0x1C200] =	vst v63  }
0x108: {  	_ =	swait.ge [sflag:s20], $0x4000  }
0x109: {  	s29 =	sadd.s32 s3, s10;
	s30 =	smov.u32 s31;
	[sflag:s20] =	ssyncset.done $0x0  }
.Ltmp7:
0x10a: {  	_ = 	snop;
	(pc) =	sbr.rel .LBB2_9-.Ltmp7, $1  }
0x10b: {  	_ =	sdelay $0x3  }
.LBB2_11:
0x10c: {  	_ =	sfence.sel $0x180000  }
0x10d: {  	[bflag:$0x0] =	sbarrier.arrive $0xFFFF  }
0x10e: {  	_ =	strace $0x9000004D  }
0x10f: {  	s0 =	stileid.u32;
	[bflag:$0x2] =	sbarrier.arrive $0xFFFF  }
0x110: {  	p0 =	sne.s32 s0, $0x0;
	s0 =	rddreg [dreg:$0x3]  }
0x111: {  	s0 =	sadd.s32 @!p0 $0x100000, s0  }
0x112: {  	[sflag:s0] =	ssyncadd.tile.s32 @!p0 $0x1;
	_ =	shalt  }
.Lfunc_end2:
_tile_overlayer_lowered:
.L_overlay_start_2:
0x113: {  	(tag) =	ssettag $0x2  }
0x114: {  	s0 =	rddreg [dreg:$0x0];
	s2 =	stileid.u32  }
0x115: {  	s1 =	rddreg [dreg:$0x1];
	p0 =	sne.s32 s2, $0x0  }
0x116: {  	s3 =	rddreg [dreg:$0x2];
	[bflag:$0x3] =	sbarrier.arrive $0xFFFF;
	s2 =	simm.s32 @!p0 $0x1C03  }
0x117: {  	[timem:s3], [sflag:s2] =	dma.local @!p0 [hbm:s0], s1  }
0x118: {  	s0 =	simm.s32 @!p0 $0x3  }
0x119: {  	_ =	swait.ge @!p0 [sflag:s0], s1  }
0x11a: {  	s1 =	ssub.s32 @!p0 $0x0, s1;
	[sflag:s0] =	ssyncset.done @!p0 $0x0  }
0x11b: {  	[sflag:s0] =	ssyncadd.s32 @!p0 s1  }
0x11c: {  	[bflag:$0x3] =	sbarrier.arrive $0xFFFF  }
0x11d: {  	_ =	shalt  }

// kernel: kernel.7.cloned.1.call-start
scs
__scs_entry_jumppad:
0x0: {  	(pc) =	sbr.rel $0x88, $3  }
0x1: {  	(tag) =	ssettag $0x0;
	lr =	simm.s32 $0x1  }
0x2: {  	[smem:$0x3F99] =	sst lr;
	_ =	strace $0xD0000000  }
0x3: {  	_ = 	snop  }
0x4: {  	_ = 	snop  }
0x5: {  	_ = 	snop  }
0x6: {  	_ = 	snop  }
0x7: {  	_ = 	snop  }
__scs_overlays_trampoline_lowered:
0x8: {  	[smem:$0x3FA8] =	sst s0  }
0x9: {  	[smem:$0x3FA9] =	sst s1  }
0xa: {  	[smem:$0x3FAA] =	sst s2  }
0xb: {  	[smem:$0x3FAB] =	sst s3  }
0xc: {  	[smem:$0x3FAC] =	sst s4  }
0xd: {  	[smem:$0x3FAD] =	sst s5  }
0xe: {  	[smem:$0x3FAE] =	sst s6  }
0xf: {  	[smem:$0x3FAF] =	sst s7  }
0x10: {  	[smem:$0x3FB0] =	sst s8  }
0x11: {  	[smem:$0x3FB1] =	sst s9;
	s0 =	simm.s32 @!p0 $0x0  }
0x12: {  	s1 =	sld [smem:$0x3F97];
	s0 =	simm.s32 @p0 $0x1  }
0x13: {  	[smem:$0x3FB2] =	sst s0;
	s0 =	simm.s32 @!p1 $0x0  }
0x14: {  	s2 =	sld [smem:$0x3F96];
	s0 =	simm.s32 @p1 $0x1  }
0x15: {  	[smem:$0x3FB3] =	sst s0;
	s0 =	simm.s32 @!p2 $0x0  }
0x16: {  	s3 =	sld [smem:$0x3FDB];
	s0 =	simm.s32 @p2 $0x1  }
0x17: {  	s4 =	simm.s32 $0x1BF5;
	[smem:$0x3FB5] =	sst s0  }
0x18: {  	s0 =	sld [smem:$0x3F98];
	_ =	swait.ge [sflag:s4], $0x0  }
0x19: {  	s7 =	sld [smem:$0x3F99]  }
0x1a: {  	s8 =	sadd.s32 $0xFFFFE003, lr  }
0x1b: {  	s9 =	sadd.s32 $0xFFFFFEF7, lr;
	s5 =	simm.s32 $0xFFFFFFFF;
	p2 =	slt.u32 s8, $0xFFFFF086  }
0x1c: {  	p1 =	slt.u32 s9, $0xF7A;
	s5 =	simm.s32 @!p2 $0x0  }
0x1d: {  	s5 =	simm.s32 @p1 $0x1;
	p0 =	seq.s32 s7, s2  }
0x1e: {  	s7 =	smul.u32 @!p0 $0xF7A, s2;
	p2 =	seq.s32 @!p0 s5, $0x0  }
0x1f: {  	s9 =	smul.u32 $0xF7A, s1;
	s8 =	simm.s32 @!p0 $0x1BF5;
	p2 =	por !p2, p0  }
0x20: {  	[sflag:s8] =	ssyncset.s32 @!p0 $0xFFFFF086;
	s6 =	sadd.s32 @!p0 s3, s7;
	s7 =	simm.s32 @!p0 $0x108  }
0x21: {  	s3 =	sadd.s32 s3, s9;
	s6 =	sadd.s32 @!p0 $0x88, s6;
	s7 =	simm.s32 @p2 $0x1082  }
0x22: {  	[simem:s7], [sflag:s8] =	dma.local @!p0 [hbm:s6], $0xF7A  }
0x23: {  	s9 =	sor.u32 $0xD0000000, s2;
	s6 =	simm.s32 $0x108;
	_ =	swait.ge @!p0 [sflag:s8], $0x0  }
0x24: {  	s3 =	sadd.s32 $0x88, s3;
	s6 =	simm.s32 @!p1 $0x1082;
	[sflag:s4] =	ssyncset.s32 $0xFFFFF086  }
0x25: {  	[simem:s6], [sflag:s4] =	dma.local [hbm:s3], $0xF7A  }
0x26: {  	[smem:$0x3F99] =	sst s1;
	(tag) =	ssettag s2;
	_ =	strace s9  }
0x27: {  	s1 =	sld [smem:$0x3FA9]  }
0x28: {  	s2 =	sld [smem:$0x3FAA]  }
0x29: {  	s4 =	sld [smem:$0x3FAC]  }
0x2a: {  	p0 =	seq.s32 s5, $0x0;
	s5 =	sld [smem:$0x3FAD]  }
0x2b: {  	s6 =	sld [smem:$0x3FAE]  }
0x2c: {  	s7 =	sld [smem:$0x3FAF]  }
0x2d: {  	s3 =	simm.s32 $0x108;
	s8 =	sld [smem:$0x3FB0]  }
0x2e: {  	s3 =	simm.s32 @!p0 $0x1082;
	s9 =	sld [smem:$0x3FB1]  }
0x2f: {  	lr =	sadd.s32 s0, s3;
	s0 =	sld [smem:$0x3FA8]  }
0x30: {  	s3 =	sld [smem:$0x3FAB]  }
0x31: {  	[smem:$0x3FB4] =	sst s10  }
0x32: {  	s10 =	sld [smem:$0x3FB2];
	_ =	sdelay $0x3  }
0x33: {  	p0 =	seq.s32 s10, $0x1;
	s10 =	sld [smem:$0x3FB4];
	_ =	sdelay $0x3  }
0x34: {  	[smem:$0x3FB4] =	sst s10  }
0x35: {  	s10 =	sld [smem:$0x3FB3];
	_ =	sdelay $0x3  }
0x36: {  	p1 =	seq.s32 s10, $0x1;
	s10 =	sld [smem:$0x3FB4];
	_ =	sdelay $0x3  }
0x37: {  	[smem:$0x3FB4] =	sst s10  }
0x38: {  	s10 =	sld [smem:$0x3FB5]  }
0x39: {  	_ = 	snop;
	(pc) =	sbr.ind lr, $3  }
0x3a: {  	_ = 	snop  }
0x3b: {  	_ = 	snop  }
0x3c: {  	p2 =	seq.s32 s10, $0x1;
	s10 =	sld [smem:$0x3FB4]  }
0x3d: {  	_ =	shalt  }
0x3e: {  	_ =	shalt  }
0x3f: {  	_ =	shalt  }
0x40: {  	_ =	shalt  }
0x41: {  	_ =	shalt  }
0x42: {  	_ =	shalt  }
0x43: {  	_ =	shalt  }
0x44: {  	_ =	shalt  }
0x45: {  	_ =	shalt  }
0x46: {  	_ =	shalt  }
0x47: {  	_ =	shalt  }
0x48: {  	_ =	shalt  }
0x49: {  	_ =	shalt  }
0x4a: {  	_ =	shalt  }
0x4b: {  	_ =	shalt  }
0x4c: {  	_ =	shalt  }
0x4d: {  	_ =	shalt  }
0x4e: {  	_ =	shalt  }
0x4f: {  	_ =	shalt  }
0x50: {  	_ =	shalt  }
0x51: {  	_ =	shalt  }
0x52: {  	_ =	shalt  }
0x53: {  	_ =	shalt  }
0x54: {  	_ =	shalt  }
0x55: {  	_ =	shalt  }
0x56: {  	_ =	shalt  }
0x57: {  	_ =	shalt  }
0x58: {  	_ =	shalt  }
0x59: {  	_ =	shalt  }
0x5a: {  	_ =	shalt  }
0x5b: {  	_ =	shalt  }
0x5c: {  	_ =	shalt  }
0x5d: {  	_ =	shalt  }
0x5e: {  	_ =	shalt  }
0x5f: {  	_ =	shalt  }
0x60: {  	_ =	shalt  }
0x61: {  	_ =	shalt  }
0x62: {  	_ =	shalt  }
0x63: {  	_ =	shalt  }
0x64: {  	_ =	shalt  }
0x65: {  	_ =	shalt  }
0x66: {  	_ =	shalt  }
0x67: {  	_ =	shalt  }
0x68: {  	_ =	shalt  }
0x69: {  	_ =	shalt  }
0x6a: {  	_ =	shalt  }
0x6b: {  	_ =	shalt  }
0x6c: {  	_ =	shalt  }
0x6d: {  	_ =	shalt  }
0x6e: {  	_ =	shalt  }
0x6f: {  	_ =	shalt  }
0x70: {  	_ =	shalt  }
0x71: {  	_ =	shalt  }
0x72: {  	_ =	shalt  }
0x73: {  	_ =	shalt  }
0x74: {  	_ =	shalt  }
0x75: {  	_ =	shalt  }
0x76: {  	_ =	shalt  }
0x77: {  	_ =	shalt  }
0x78: {  	_ =	shalt  }
0x79: {  	_ =	shalt  }
0x7a: {  	_ =	shalt  }
0x7b: {  	_ =	shalt  }
0x7c: {  	_ =	shalt  }
0x7d: {  	_ =	shalt  }
0x7e: {  	_ =	shalt  }
0x7f: {  	_ =	shalt  }
0x80: {  	_ =	shalt  }
0x81: {  	_ =	shalt  }
0x82: {  	_ =	shalt  }
0x83: {  	_ =	shalt  }
0x84: {  	_ =	shalt  }
0x85: {  	_ =	shalt  }
0x86: {  	_ =	shalt  }
0x87: {  	_ =	shalt  }
.Lfunc_end0:
.L_simem_size_0:
called_computation_lowered:
.L_overlay_start_0:
0x88: {  	s2 =	sld [smem:$0x3FD9]  }
0x89: {  	s3 =	sld [smem:$0x3FFE];
	_ =	sdelay $0x1  }
0x8a: {  	s1 =	srdreg.scid  }
0x8b: {  	s0 =	sand.u32 $0x1, s1  }
0x8c: {  	s17 =	sshll.u32 s0, $0xA;
	s2 =	sadd.s32 s3, s2  }
0x8d: {  	s2 =	sadd.s32 s2, s17  }
0x8e: {  	[smem:$0x3FC0] =	sst s2  }
0x8f: {  	_ = 	snop  }
0x90: {  	s18 =	sld [smem:$0x3FD0];
	(tm) =	ssettm $0x1  }
0x91: {  	s19 =	sld [smem:$0x3FFB];
	_ =	sdelay $0x3  }
0x92: {  	_ =	strace s19  }
0x93: {  	s2 =	sld [smem:$0x3FFC];
	_ =	sdelay $0x3  }
0x94: {  	_ =	strace s2  }
0x95: {  	s2 =	sld [smem:$0x3FFD];
	_ =	sdelay $0x3  }
0x96: {  	_ =	strace s2  }
0x97: {  	_ =	strace $0x8FFFFFFF  }
0x98: {  	s20 =	sld [smem:$0x3FDB];
	_ =	sdelay $0x1  }
0x99: {  	s4 =	simm.s32 $_scs_section_size  }
0x9a: {  	s5 =	simm.s32 $_size__tile_overlayer_lowered;
	s6 =	simm.s32 $_tile_overlayer_lowered  }
0x9b: {  	s7 =	simm.s32 $0x1BFF;
	s21 =	sshll.u32 s6, $0x1;
	s4 =	sadd.s32 s4, s20  }
0x9c: {  	s22 =	simm.s32 $0x0;
	s5 =	sshll.u32 s5, $0x1;
	s6 =	sadd.s32 s21, s4  }
0x9d: {  	[timem:s22], [sflag:s7] =	dma.local [hbm:s6], s5  }
0x9e: {  	_ =	swait.ge [sflag:s7], s5  }
0x9f: {  	s5 =	ssub.s32 $0x0, s5;
	[sflag:s7] =	ssyncset.done $0x0  }
0xa0: {  	[sflag:s7] =	ssyncadd.s32 s5;
	_ =	sdelay $0x1  }
0xa1: {  	s23 =	simm.s32 $0x1B8B  }
0xa2: {  	_ =	swait.ge [sflag:s23], $0x1  }
0xa3: {  	[sflag:s23] =	ssyncset.done $0x0  }
0xa4: {  	[sflag:s23] =	ssyncadd.s32 $0xFFFFFFFF  }
0xa5: {  	s5 =	sld [smem:$0x0]  }
0xa6: {  	s6 =	sand.u32 $0xFFFFFFFE, s1  }
0xa7: {  	p0 =	sne.s32 s1, s6  }
0xa8: {  	s6 =	sshll.u32 @p0 s6, $0xE  }
0xa9: {  	s6 =	sadd.s32 @p0 $0x11B8D, s6;
	s7 =	sshll.u32 @p0 s5, $0x11  }
0xaa: {  	s6 =	sor.u32 @p0 s7, s6  }
0xab: {  	[sflag:s6] =	ssyncadd.remote.s32 @p0 $0x1;
	_ =	sdelay $0x1  }
0xac: {  	s6 =	simm.s32 @p0 $0x1B8D  }
0xad: {  	_ =	swait.eq @p0 [sflag:s6], $0x1  }
0xae: {  	[sflag:s6] =	ssyncadd.s32 @p0 $0xFFFFFFFF  }
0xaf: {  	s7 =	sshll.u32 @!p0 s1, $0xE  }
0xb0: {  	s7 =	sor.u32 @!p0 $0x4000, s7;
	s6 =	simm.s32 @!p0 $0x1B8D  }
0xb1: {  	s5 =	sshll.u32 @!p0 s5, $0x11;
	s7 =	sadd.s32 @!p0 $0x11B8D, s7;
	_ =	swait.eq @!p0 [sflag:s6], $0x1  }
0xb2: {  	s5 =	sor.u32 @!p0 s5, s7;
	[sflag:s6] =	ssyncadd.s32 @!p0 $0xFFFFFFFF  }
0xb3: {  	s25 =	simm.s32 $0x1B8E;
	s24 =	sld [smem:$0x3FFE];
	[sflag:s5] =	ssyncadd.remote.s32 @!p0 $0x1  }
0xb4: {  	s26 =	simm.s32 $execute0_lowered;
	[smem:$0x3FD2] =	sst s25  }
0xb5: {  	s6 =	sshll.u32 s26, $0x1;
	_ =	strace $0x80000049;
	[dreg:$0x1] =	wrdreg $0xFFFFFFFF  }
0xb6: {  	s28 =	simm.s32 $_size_execute0_lowered;
	s4 =	sadd.s32 s4, s6;
	[dreg:$0x0] =	wrdreg $0x0  }
0xb7: {  	s6 =	sshll.u32 s28, $0x1;
	[dreg:$0x2] =	wrdreg s4  }
0xb8: {  	[dreg:$0x3] =	wrdreg s6  }
0xb9: {  	[dreg:$0x4] =	wrdreg $0xC0  }
0xba: {  	_ =	task [dreg:s22], $0x5FFFF  }
0xbb: {  	[dreg:$0x1] =	wrdreg $0xFFFFFFFF  }
0xbc: {  	[dreg:$0x0] =	wrdreg $0x60  }
0xbd: {  	[dreg:$0x2] =	wrdreg s18  }
0xbe: {  	[dreg:$0x3] =	wrdreg s24  }
0xbf: {  	[dreg:$0x4] =	wrdreg $0x60800  }
0xc0: {  	[dreg:$0x5] =	wrdreg $0x9  }
0xc1: {  	_ =	task.clear_ibuf [dreg:s22], $0x6FFFF;
	_ =	strace $0x90000049  }
0xc2: {  	s29 =	simm.s32 $0x9;
	_ =	strace $0x8000004B  }
0xc3: {  	_ =	swait.ge [sflag:s29], $0x1  }
0xc4: {  	[sflag:s29] =	ssyncadd.s32 $0xFFFFFFFF  }
0xc5: {  	_ =	strace $0x9000004B  }
0xc6: {  	_ =	sfence  }
0xc7: {  	s30 =	sld [smem:$0x0];
	_ =	sdelay $0x2  }
0xc8: {  	s31 =	sshll.u32 s1, $0xD;
	s1 =	sshrl.u32 s1, $0x2  }
0xc9: {  	s4 =	sand.u32 $0x4000, s31;
	s1 =	sadd.s32 s1, s30  }
0xca: {  	s0 =	sor.u32 s4, s0;
	s1 =	sshll.u32 s1, $0x11  }
0xcb: {  	s0 =	sor.u32 s1, s0  }
0xcc: {  	s0 =	sadd.s32 $0x8F2B, s0  }
0xcd: {  	[sflag:s0] =	ssyncadd.remote.s32 $0x1  }
0xce: {  	_ =	sfence.sel $0xFFFF  }
0xcf: {  	[dreg:$0x0] =	wrdreg $0xFFFFFFFF;
	(pc) =	sbr.abs _section_cstart, $3  }
0xd0: {  	[dreg:$0x1] =	wrdreg $0xFFFFFFFF  }
0xd1: {  	_ =	task.clear_ibuf [dreg:s22], $0x2FFFF;
	_ =	strace $0x9FFFFFFF  }
0xd2: {  	(tm) =	ssettm $0x7FFFFFFF  }
0xd3: {  	_ =	shalt  }
tec
execute0_lowered:
.L_overlay_start_1:
0x0: {  	(tag) =	ssettag $0x1  }
0x1: {  	s11 =	rddreg [dreg:$0x0];
	s0 =	srdreg.scid  }
0x2: {  	s2 =	rddreg [dreg:$0x1];
	s31 =	stileid.u32  }
0x3: {  	s1 =	simm.s32 $0x0;
	s29 =	simm.s32 $0x80;
	s5 =	smul.u32 $0x14000, s31  }
0x4: {  	s30 =	simm.s32 $0x0;
	s12 =	sand.u32 $0x1, s0;
	s15 =	smul.u32 $0x50000, s31  }
0x5: {  	[smem:$0x7FF] =	sst s1;
	s28 =	smul.u32 $0x4F0, s31;
	s3 =	ssub.s32 $0x2, s12  }
0x6: {  	s13 =	sadd.s32 $0x65E00, s2;
	s14 =	smul.u32 $0x140000, s12;
	s4 =	sshrl.u32 s3, $0x1  }
0x7: {  	s16 =	sor.u32 $0x2000, s5;
	s17 =	sadd.s32 $0x4000, s5;
	s18 =	sadd.s32 $0x6000, s5  }
0x8: {  	s19 =	sadd.s32 $0x8000, s5;
	s20 =	sadd.s32 $0xA000, s5;
	s21 =	sadd.s32 $0xC000, s5  }
0x9: {  	s22 =	sadd.s32 $0xE000, s5;
	s23 =	sadd.s32 $0x10000, s5;
	s24 =	sadd.s32 $0x12000, s5  }
0xa: {  	s31 =	sshrl.u32 s15, $0x2;
	s25 =	ssub.s32 s3, s4;
	s8 =	sadd.s32 s5, s14  }
0xb: {  	s9 =	sadd.s32 s14, s16;
	s10 =	sadd.s32 s14, s17;
	s26 =	sadd.s32 s14, s18  }
0xc: {  	s6 =	sadd.s32 s14, s19;
	s7 =	sadd.s32 s14, s20;
	s2 =	sshrl.u32 s8, $0x3  }
0xd: {  	s3 =	sshrl.u32 s9, $0x3;
	s4 =	sshrl.u32 s10, $0x3;
	s5 =	sshrl.u32 s26, $0x3  }
0xe: {  	s6 =	sshrl.u32 s6, $0x3;
	s7 =	sshrl.u32 s7, $0x3;
	s8 =	sadd.s32 s14, s21  }
0xf: {  	s9 =	sadd.s32 s14, s22;
	s10 =	sadd.s32 s14, s23;
	s14 =	sadd.s32 s14, s24  }
0x10: {  	s26 =	smul.u32 $0x4F00, s12;
	s12 =	rddreg [dreg:$0x2];
	s25 =	smax.u32 s25, $0x1  }
0x11: {  	s2 =	sadd.s32 s13, s2;
	s3 =	sadd.s32 s13, s3;
	s4 =	sadd.s32 s13, s4  }
0x12: {  	s5 =	sadd.s32 s13, s5;
	s6 =	sadd.s32 s13, s6;
	s7 =	sadd.s32 s13, s7  }
0x13: {  	s8 =	sshrl.u32 s8, $0x3;
	s9 =	sshrl.u32 s9, $0x3;
	s10 =	sshrl.u32 s10, $0x3  }
0x14: {  	s14 =	sshrl.u32 s14, $0x3;
	s15 =	sadd.s32 s31, s12;
	s16 =	sadd.s32 s16, s12  }
0x15: {  	s17 =	sadd.s32 s17, s12;
	s18 =	sadd.s32 s18, s12;
	s19 =	sadd.s32 s19, s12  }
0x16: {  	s20 =	sadd.s32 s20, s12;
	s21 =	sadd.s32 s21, s12;
	s22 =	sadd.s32 s22, s12  }
0x17: {  	s23 =	sadd.s32 s23, s12;
	s24 =	sadd.s32 s24, s12;
	[dreg:$0x4] =	wrdreg s2  }
0x18: {  	s8 =	sadd.s32 s13, s8;
	s9 =	sadd.s32 s13, s9;
	s10 =	sadd.s32 s13, s10  }
0x19: {  	s13 =	sadd.s32 s13, s14;
	s11 =	sadd.s32 s26, s11;
	s26 =	simm.s32 $0x4080  }
0x1a: {  	v0 =	vimm.f32 $0.0e+00;
	v1 =	vimm.f32 $1.000000000e+00;
	s14 =	sadd.s32 s28, s11;
	_ =	strace $0x8000004A;
	s28 =	simm.s32 $0x1  }
.LBB2_1:
0x1b: {  	s31 =	simm.s32 $0x0;
	s11 =	simm.s32 $0x200  }
.LBB2_2:
0x1c: {  	p0 =	sne.s32 s11, $0x7E00;
	[tilespmem:s31+$0x40F0] =	vst v0  }
0x1d: {  	[tilespmem:s31+$0x4080] =	vst v0  }
0x1e: {  	[tilespmem:s31+$0x4090] =	vst v0  }
.Ltmp0:
0x1f: {  	[tilespmem:s31+$0x40A0] =	vst v0;
	(pc) =	sbr.rel @p0 .LBB2_2-.Ltmp0, $4  }
0x20: {  	[tilespmem:s31+$0x40B0] =	vst v0  }
0x21: {  	[tilespmem:s31+$0x40C0] =	vst v0  }
0x22: {  	[tilespmem:s31+$0x40D0] =	vst v0  }
0x23: {  	[tilespmem:s31+$0x40E0] =	vst v0;
	s31 =	sshra.s32 s11, $0x2;
	s11 =	sadd.s32 $0x200, s11  }
0x24: {  	[tilespmem:s31+$0x40F0] =	vst v0  }
0x25: {  	[tilespmem:s31+$0x4080] =	vst v0  }
0x26: {  	[tilespmem:s31+$0x4090] =	vst v0  }
0x27: {  	[tilespmem:s31+$0x40A0] =	vst v0  }
0x28: {  	[tilespmem:s31+$0x40B0] =	vst v0  }
0x29: {  	[tilespmem:s31+$0x40C0] =	vst v0  }
0x2a: {  	[tilespmem:s31+$0x40D0] =	vst v0  }
0x2b: {  	[tilespmem:s31+$0x40E0] =	vst v0  }
0x2c: {  	[spmem:s15] =	stream.linear.scatter [tilespmem:s26], [sflag:$0x1], $0x2000, $0x38;
	[tilespmem:$0x1A080] =	vst v63  }
0x2d: {  	_ =	swait.ge [sflag:s28], $0x2000  }
0x2e: {  	[sflag:s28] =	ssyncset.done $0x0  }
0x2f: {  	[sflag:s28] =	ssyncadd.s32 $0xFFFFE000  }
0x30: {  	[spmem:s16] =	stream.linear.scatter [tilespmem:s26], [sflag:$0x1], $0x2000, $0x38;
	[tilespmem:$0x1A080] =	vst v63  }
0x31: {  	_ =	swait.ge [sflag:s28], $0x2000  }
0x32: {  	[sflag:s28] =	ssyncset.done $0x0  }
0x33: {  	[sflag:s28] =	ssyncadd.s32 $0xFFFFE000  }
0x34: {  	[spmem:s17] =	stream.linear.scatter [tilespmem:s26], [sflag:$0x1], $0x2000, $0x38;
	[tilespmem:$0x1A080] =	vst v63  }
0x35: {  	_ =	swait.ge [sflag:s28], $0x2000  }
0x36: {  	[sflag:s28] =	ssyncset.done $0x0  }
0x37: {  	[sflag:s28] =	ssyncadd.s32 $0xFFFFE000  }
0x38: {  	[spmem:s18] =	stream.linear.scatter [tilespmem:s26], [sflag:$0x1], $0x2000, $0x38;
	[tilespmem:$0x1A080] =	vst v63  }
0x39: {  	_ =	swait.ge [sflag:s28], $0x2000  }
0x3a: {  	[sflag:s28] =	ssyncset.done $0x0  }
0x3b: {  	[sflag:s28] =	ssyncadd.s32 $0xFFFFE000  }
0x3c: {  	[spmem:s19] =	stream.linear.scatter [tilespmem:s26], [sflag:$0x1], $0x2000, $0x38;
	[tilespmem:$0x1A080] =	vst v63  }
0x3d: {  	_ =	swait.ge [sflag:s28], $0x2000  }
0x3e: {  	[sflag:s28] =	ssyncset.done $0x0  }
0x3f: {  	[sflag:s28] =	ssyncadd.s32 $0xFFFFE000  }
0x40: {  	[spmem:s20] =	stream.linear.scatter [tilespmem:s26], [sflag:$0x1], $0x2000, $0x38;
	[tilespmem:$0x1A080] =	vst v63  }
0x41: {  	_ =	swait.ge [sflag:s28], $0x2000  }
0x42: {  	[sflag:s28] =	ssyncset.done $0x0  }
0x43: {  	[sflag:s28] =	ssyncadd.s32 $0xFFFFE000  }
0x44: {  	[spmem:s21] =	stream.linear.scatter [tilespmem:s26], [sflag:$0x1], $0x2000, $0x38;
	[tilespmem:$0x1A080] =	vst v63  }
0x45: {  	_ =	swait.ge [sflag:s28], $0x2000  }
0x46: {  	[sflag:s28] =	ssyncset.done $0x0  }
0x47: {  	[sflag:s28] =	ssyncadd.s32 $0xFFFFE000  }
0x48: {  	[spmem:s22] =	stream.linear.scatter [tilespmem:s26], [sflag:$0x1], $0x2000, $0x38;
	[tilespmem:$0x1A080] =	vst v63  }
0x49: {  	_ =	swait.ge [sflag:s28], $0x2000  }
0x4a: {  	[sflag:s28] =	ssyncset.done $0x0  }
0x4b: {  	[sflag:s28] =	ssyncadd.s32 $0xFFFFE000  }
0x4c: {  	[spmem:s23] =	stream.linear.scatter [tilespmem:s26], [sflag:$0x1], $0x2000, $0x38;
	[tilespmem:$0x1A080] =	vst v63  }
0x4d: {  	_ =	swait.ge [sflag:s28], $0x2000  }
0x4e: {  	[sflag:s28] =	ssyncset.done $0x0  }
0x4f: {  	[sflag:s28] =	ssyncadd.s32 $0xFFFFE000  }
0x50: {  	[spmem:s24] =	stream.linear.scatter [tilespmem:s26], [sflag:$0x1], $0x2000, $0x38;
	[tilespmem:$0x1A080] =	vst v63  }
0x51: {  	_ =	swait.ge [sflag:s28], $0x2000  }
0x52: {  	[sflag:s28] =	ssyncset.done $0x0  }
0x53: {  	s31 =	simm.s32 $0x0;
	s11 =	simm.s32 $0x200;
	[sflag:s28] =	ssyncadd.s32 $0xFFFFE000  }
.LBB2_4:
0x54: {  	p0 =	sne.s32 s11, $0xFE00;
	[tilespmem:s31+$0xF0] =	vst v1  }
0x55: {  	[tilespmem:s31+$0x80] =	vst v1  }
0x56: {  	[tilespmem:s31+$0x90] =	vst v1  }
.Ltmp1:
0x57: {  	[tilespmem:s31+$0xA0] =	vst v1;
	(pc) =	sbr.rel @p0 .LBB2_4-.Ltmp1, $4  }
0x58: {  	[tilespmem:s31+$0xB0] =	vst v1  }
0x59: {  	[tilespmem:s31+$0xC0] =	vst v1  }
0x5a: {  	[tilespmem:s31+$0xD0] =	vst v1  }
0x5b: {  	[tilespmem:s31+$0xE0] =	vst v1;
	s31 =	sshra.s32 s11, $0x2;
	s11 =	sadd.s32 $0x200, s11  }
0x5c: {  	[tilespmem:s31+$0xF0] =	vst v1  }
0x5d: {  	[tilespmem:s31+$0x80] =	vst v1  }
0x5e: {  	[tilespmem:s31+$0x90] =	vst v1  }
0x5f: {  	[tilespmem:s31+$0xA0] =	vst v1  }
0x60: {  	[tilespmem:s31+$0xB0] =	vst v1  }
0x61: {  	[tilespmem:s31+$0xC0] =	vst v1  }
0x62: {  	[tilespmem:s31+$0xD0] =	vst v1  }
0x63: {  	[tilespmem:s31+$0xE0] =	vst v1  }
0x64: {  	s11 =	sadd.s32 $0x0, s14;
	[bflag:$0x0] =	sbarrier.arrive $0xFFFF  }
0x65: {  	[tilespmem:s1], [sflag:$0x1] =	stream.linear.gather [hbm4b:s11+s1], $0x80, $0x38;
	[tilespmem:$0x1A080] =	vst v63  }
0x66: {  	_ =	swait.ge [sflag:s28], $0x80  }
0x67: {  	[sflag:s28] =	ssyncset.done $0x0  }
0x68: {  	[sflag:s28] =	ssyncadd.s32 $0xFFFFFF80  }
0x69: {  	[spmem:s12] =	stream.indirect.scatter.add.f32 [tilespmem:s29], [sflag:$0x1], $0x80, s1, s29, $0xb8;
	[tilespmem:$0x1A080] =	vst v63  }
0x6a: {  	_ =	swait.ge [sflag:s28], $0x4000  }
0x6b: {  	s31 =	simm.s32 $0x10;
	s11 =	simm.s32 $0x20;
	[sflag:s28] =	ssyncset.done $0x0  }
.LBB2_6:
0x6c: {  	s0 =	sadd.s32 s31, s14  }
0x6d: {  	[sflag:s28] =	ssyncadd.s32 $0xFFFFC000;
	s31 =	smov.u32 s11;
	s2 =	sadd.s32 $0x10, s11  }
0x6e: {  	[tilespmem:s1], [sflag:$0x1] =	stream.linear.gather [hbm4b:s0+s1], $0x80, $0x38;
	[tilespmem:$0x1A080] =	vst v63  }
0x6f: {  	p0 =	sne.s32 s11, $0x4E0;
	_ =	swait.ge [sflag:s28], $0x80  }
.Ltmp2:
0x70: {  	[sflag:s28] =	ssyncset.done $0x0;
	(pc) =	sbr.rel @p0 .LBB2_6-.Ltmp2, $4  }
0x71: {  	[sflag:s28] =	ssyncadd.s32 $0xFFFFFF80  }
0x72: {  	[spmem:s12] =	stream.indirect.scatter.add.f32 [tilespmem:s29], [sflag:$0x1], $0x80, s1, s29, $0xb8;
	[tilespmem:$0x1A080] =	vst v63  }
0x73: {  	_ =	swait.ge [sflag:s28], $0x4000  }
0x74: {  	s11 =	smov.u32 s2;
	[sflag:s28] =	ssyncset.done $0x0  }
0x75: {  	s0 =	sadd.s32 s31, s14;
	[sflag:s28] =	ssyncadd.s32 $0xFFFFC000  }
0x76: {  	[tilespmem:s1], [sflag:$0x1] =	stream.linear.gather [hbm4b:s0+s1], $0x80, $0x38;
	[tilespmem:$0x1A080] =	vst v63  }
0x77: {  	_ =	swait.ge [sflag:s28], $0x80  }
0x78: {  	[sflag:s28] =	ssyncset.done $0x0  }
0x79: {  	[sflag:s28] =	ssyncadd.s32 $0xFFFFFF80  }
0x7a: {  	[spmem:s12] =	stream.indirect.scatter.add.f32 [tilespmem:s29], [sflag:$0x1], $0x80, s1, s29, $0xb8;
	[tilespmem:$0x1A080] =	vst v63  }
0x7b: {  	_ =	swait.ge [sflag:s28], $0x4000  }
0x7c: {  	[sflag:s28] =	ssyncset.done $0x0  }
0x7d: {  	[sflag:s28] =	ssyncadd.s32 $0xFFFFC000  }
0x7e: {  	[bflag:$0x0] =	sbarrier.arrive $0xFFFF  }
0x7f: {  	[tilespmem:s26], [sflag:$0x1] =	stream.linear.gather [spmem:s15], $0x2000, $0x38;
	[tilespmem:$0x1A080] =	vst v63  }
0x80: {  	_ =	swait.ge [sflag:s28], $0x2000  }
0x81: {  	[sflag:s28] =	ssyncset.done $0x0  }
0x82: {  	s31 =	rddreg [dreg:$0x4];
	[sflag:s28] =	ssyncadd.s32 $0xFFFFE000  }
0x83: {  	[hbm4b:s31+s1] =	stream.linear.scatter [tilespmem:s26], [sflag:$0x1], $0x2000, $0x38;
	[tilespmem:$0x1A080] =	vst v63  }
0x84: {  	_ =	swait.ge [sflag:s28], $0x2000  }
0x85: {  	[sflag:s28] =	ssyncset.done $0x0  }
0x86: {  	[sflag:s28] =	ssyncadd.s32 $0xFFFFE000  }
0x87: {  	[tilespmem:s26], [sflag:$0x1] =	stream.linear.gather [spmem:s16], $0x2000, $0x38;
	[tilespmem:$0x1A080] =	vst v63  }
0x88: {  	_ =	swait.ge [sflag:s28], $0x2000  }
0x89: {  	[sflag:s28] =	ssyncset.done $0x0  }
0x8a: {  	[sflag:s28] =	ssyncadd.s32 $0xFFFFE000  }
0x8b: {  	[hbm4b:s3+s1] =	stream.linear.scatter [tilespmem:s26], [sflag:$0x1], $0x2000, $0x38;
	[tilespmem:$0x1A080] =	vst v63  }
0x8c: {  	_ =	swait.ge [sflag:s28], $0x2000  }
0x8d: {  	[sflag:s28] =	ssyncset.done $0x0  }
0x8e: {  	[sflag:s28] =	ssyncadd.s32 $0xFFFFE000  }
0x8f: {  	[tilespmem:s26], [sflag:$0x1] =	stream.linear.gather [spmem:s17], $0x2000, $0x38;
	[tilespmem:$0x1A080] =	vst v63  }
0x90: {  	_ =	swait.ge [sflag:s28], $0x2000  }
0x91: {  	[sflag:s28] =	ssyncset.done $0x0  }
0x92: {  	[sflag:s28] =	ssyncadd.s32 $0xFFFFE000  }
0x93: {  	[hbm4b:s4+s1] =	stream.linear.scatter [tilespmem:s26], [sflag:$0x1], $0x2000, $0x38;
	[tilespmem:$0x1A080] =	vst v63  }
0x94: {  	_ =	swait.ge [sflag:s28], $0x2000  }
0x95: {  	[sflag:s28] =	ssyncset.done $0x0  }
0x96: {  	[sflag:s28] =	ssyncadd.s32 $0xFFFFE000  }
0x97: {  	[tilespmem:s26], [sflag:$0x1] =	stream.linear.gather [spmem:s18], $0x2000, $0x38;
	[tilespmem:$0x1A080] =	vst v63  }
0x98: {  	_ =	swait.ge [sflag:s28], $0x2000  }
0x99: {  	[sflag:s28] =	ssyncset.done $0x0  }
0x9a: {  	[sflag:s28] =	ssyncadd.s32 $0xFFFFE000  }
0x9b: {  	[hbm4b:s5+s1] =	stream.linear.scatter [tilespmem:s26], [sflag:$0x1], $0x2000, $0x38;
	[tilespmem:$0x1A080] =	vst v63  }
0x9c: {  	_ =	swait.ge [sflag:s28], $0x2000  }
0x9d: {  	[sflag:s28] =	ssyncset.done $0x0  }
0x9e: {  	[sflag:s28] =	ssyncadd.s32 $0xFFFFE000  }
0x9f: {  	[tilespmem:s26], [sflag:$0x1] =	stream.linear.gather [spmem:s19], $0x2000, $0x38;
	[tilespmem:$0x1A080] =	vst v63  }
0xa0: {  	_ =	swait.ge [sflag:s28], $0x2000  }
0xa1: {  	[sflag:s28] =	ssyncset.done $0x0  }
0xa2: {  	[sflag:s28] =	ssyncadd.s32 $0xFFFFE000  }
0xa3: {  	[hbm4b:s6+s1] =	stream.linear.scatter [tilespmem:s26], [sflag:$0x1], $0x2000, $0x38;
	[tilespmem:$0x1A080] =	vst v63  }
0xa4: {  	_ =	swait.ge [sflag:s28], $0x2000  }
0xa5: {  	[sflag:s28] =	ssyncset.done $0x0  }
0xa6: {  	[sflag:s28] =	ssyncadd.s32 $0xFFFFE000  }
0xa7: {  	[tilespmem:s26], [sflag:$0x1] =	stream.linear.gather [spmem:s20], $0x2000, $0x38;
	[tilespmem:$0x1A080] =	vst v63  }
0xa8: {  	_ =	swait.ge [sflag:s28], $0x2000  }
0xa9: {  	[sflag:s28] =	ssyncset.done $0x0  }
0xaa: {  	[sflag:s28] =	ssyncadd.s32 $0xFFFFE000  }
0xab: {  	[hbm4b:s7+s1] =	stream.linear.scatter [tilespmem:s26], [sflag:$0x1], $0x2000, $0x38;
	[tilespmem:$0x1A080] =	vst v63  }
0xac: {  	_ =	swait.ge [sflag:s28], $0x2000  }
0xad: {  	[sflag:s28] =	ssyncset.done $0x0  }
0xae: {  	[sflag:s28] =	ssyncadd.s32 $0xFFFFE000  }
0xaf: {  	[tilespmem:s26], [sflag:$0x1] =	stream.linear.gather [spmem:s21], $0x2000, $0x38;
	[tilespmem:$0x1A080] =	vst v63  }
0xb0: {  	_ =	swait.ge [sflag:s28], $0x2000  }
0xb1: {  	[sflag:s28] =	ssyncset.done $0x0  }
0xb2: {  	[sflag:s28] =	ssyncadd.s32 $0xFFFFE000  }
0xb3: {  	[hbm4b:s8+s1] =	stream.linear.scatter [tilespmem:s26], [sflag:$0x1], $0x2000, $0x38;
	[tilespmem:$0x1A080] =	vst v63  }
0xb4: {  	_ =	swait.ge [sflag:s28], $0x2000  }
0xb5: {  	[sflag:s28] =	ssyncset.done $0x0  }
0xb6: {  	[sflag:s28] =	ssyncadd.s32 $0xFFFFE000  }
0xb7: {  	[tilespmem:s26], [sflag:$0x1] =	stream.linear.gather [spmem:s22], $0x2000, $0x38;
	[tilespmem:$0x1A080] =	vst v63  }
0xb8: {  	_ =	swait.ge [sflag:s28], $0x2000  }
0xb9: {  	[sflag:s28] =	ssyncset.done $0x0  }
0xba: {  	[sflag:s28] =	ssyncadd.s32 $0xFFFFE000  }
0xbb: {  	[hbm4b:s9+s1] =	stream.linear.scatter [tilespmem:s26], [sflag:$0x1], $0x2000, $0x38;
	[tilespmem:$0x1A080] =	vst v63  }
0xbc: {  	_ =	swait.ge [sflag:s28], $0x2000  }
0xbd: {  	[sflag:s28] =	ssyncset.done $0x0  }
0xbe: {  	[sflag:s28] =	ssyncadd.s32 $0xFFFFE000  }
0xbf: {  	[tilespmem:s26], [sflag:$0x1] =	stream.linear.gather [spmem:s23], $0x2000, $0x38;
	[tilespmem:$0x1A080] =	vst v63  }
0xc0: {  	_ =	swait.ge [sflag:s28], $0x2000  }
0xc1: {  	[sflag:s28] =	ssyncset.done $0x0  }
0xc2: {  	[sflag:s28] =	ssyncadd.s32 $0xFFFFE000  }
0xc3: {  	[hbm4b:s10+s1] =	stream.linear.scatter [tilespmem:s26], [sflag:$0x1], $0x2000, $0x38;
	[tilespmem:$0x1A080] =	vst v63  }
0xc4: {  	_ =	swait.ge [sflag:s28], $0x2000  }
0xc5: {  	[sflag:s28] =	ssyncset.done $0x0  }
0xc6: {  	[sflag:s28] =	ssyncadd.s32 $0xFFFFE000  }
0xc7: {  	[tilespmem:s26], [sflag:$0x1] =	stream.linear.gather [spmem:s24], $0x2000, $0x38;
	[tilespmem:$0x1A080] =	vst v63  }
0xc8: {  	s30 =	sadd.s32 $0x1, s30;
	_ =	swait.ge [sflag:s28], $0x2000  }
0xc9: {  	p0 =	sne.s32 s30, s25;
	[sflag:s28] =	ssyncset.done $0x0  }
.Ltmp3:
0xca: {  	[sflag:s28] =	ssyncadd.s32 $0xFFFFE000;
	(pc) =	sbr.rel @p0 .LBB2_1-.Ltmp3, $4  }
0xcb: {  	[hbm4b:s13+s1] =	stream.linear.scatter [tilespmem:s26], [sflag:$0x1], $0x2000, $0x38;
	[tilespmem:$0x1A080] =	vst v63  }
0xcc: {  	_ =	swait.ge [sflag:s28], $0x2000  }
0xcd: {  	[sflag:s28] =	ssyncset.done $0x0  }
0xce: {  	[sflag:s28] =	ssyncadd.s32 $0xFFFFE000  }
0xcf: {  	_ =	sfence.sel $0x180000  }
0xd0: {  	[bflag:$0x0] =	sbarrier.arrive $0xFFFF  }
0xd1: {  	_ =	strace $0x9000004A  }
0xd2: {  	s0 =	stileid.u32;
	[bflag:$0x2] =	sbarrier.arrive $0xFFFF  }
0xd3: {  	p0 =	sne.s32 s0, $0x0;
	s0 =	rddreg [dreg:$0x3]  }
0xd4: {  	s0 =	sadd.s32 @!p0 $0x100000, s0  }
0xd5: {  	[sflag:s0] =	ssyncadd.tile.s32 @!p0 $0x1;
	_ =	shalt  }
.Lfunc_end2:
_tile_overlayer_lowered:
.L_overlay_start_2:
0xd6: {  	(tag) =	ssettag $0x2  }
0xd7: {  	s0 =	rddreg [dreg:$0x0];
	s2 =	stileid.u32  }
0xd8: {  	s1 =	rddreg [dreg:$0x1];
	p0 =	sne.s32 s2, $0x0  }
0xd9: {  	s3 =	rddreg [dreg:$0x2];
	[bflag:$0x3] =	sbarrier.arrive $0xFFFF;
	s2 =	simm.s32 @!p0 $0x1C01  }
0xda: {  	[timem:s3], [sflag:s2] =	dma.local @!p0 [hbm:s0], s1  }
0xdb: {  	s0 =	simm.s32 @!p0 $0x1  }
0xdc: {  	_ =	swait.ge @!p0 [sflag:s0], s1  }
0xdd: {  	s1 =	ssub.s32 @!p0 $0x0, s1;
	[sflag:s0] =	ssyncset.done @!p0 $0x0  }
0xde: {  	[sflag:s0] =	ssyncadd.s32 @!p0 s1  }
0xdf: {  	[bflag:$0x3] =	sbarrier.arrive $0xFFFF  }
0xe0: {  	_ =	shalt  }

</sc_bundles>
